<compile_context>
chip_gen: v7x
topology: tpu7x:2x2x1
jax: 0.10.2.dev20260603
libtpu: 0.0.44.dev20260713+nightly
codegen_flags: <defaults>
</compile_context>

<pallas_src>
import functools

import jax
import jax.numpy as jnp
from jax import lax
from jax.experimental import pallas as pl
from jax.experimental.pallas import tpu as pltpu
from jax.experimental.pallas import tpu_sc as plsc

B = 16384
V = 1000000
D = 64

NC = 2
NS = 16
L = 16
NW = NC * NS
BPW = B // NW
P = 16
NPH = BPW // P

_mesh = plsc.VectorSubcoreMesh(core_axis_name="c", subcore_axis_name="s")


@functools.partial(
    pl.kernel,
    out_type=jax.ShapeDtypeStruct((B,), jnp.float32),
    mesh=_mesh,
    compiler_params=pltpu.CompilerParams(
        needs_layout_passes=False, use_tc_tiling_on_sc=True),
    scratch_types=[
        pltpu.VMEM((BPW,), jnp.int32),
        pltpu.VMEM((BPW,), jnp.int32),
        pltpu.VMEM((BPW,), jnp.int32),
        pltpu.VMEM((BPW,), jnp.int32),
        pltpu.VMEM((P, 8, D), jnp.float32),
        pltpu.VMEM((P, 8, D), jnp.float32),
        pltpu.VMEM((P, 8, D), jnp.float32),
        pltpu.VMEM((P, 8, D), jnp.float32),
        pltpu.VMEM((BPW,), jnp.float32),
        pltpu.SemaphoreType.DMA,
        pltpu.SemaphoreType.DMA,
        pltpu.SemaphoreType.DMA,
        pltpu.SemaphoreType.DMA,
    ],
)
def _sc_scores(user_ref, item_ref, ut3_ref, it3_ref, out_ref,
               uidx, iidx, ublk, iblk, uT0, uT1, iT0, iT1, outv,
               su0, su1, si0, si1):
    wid = lax.axis_index("s") * NC + lax.axis_index("c")
    base = wid * BPW

    pltpu.sync_copy(user_ref.at[pl.ds(base, BPW)], uidx)
    pltpu.sync_copy(item_ref.at[pl.ds(base, BPW)], iidx)
    for m in range(BPW // L):
        s = pl.ds(m * L, L)
        ublk[s] = lax.shift_right_logical(uidx[s], 3)
        iblk[s] = lax.shift_right_logical(iidx[s], 3)

    lane = lax.iota(jnp.int32, 16)

    def issue(ph, uT, iT, su, si):
        s = pl.ds(ph * P, P)
        rb = ublk[s]
        sb = iblk[s]
        for j in range(P):
            pltpu.async_copy(ut3_ref.at[rb[j]], uT.at[j], su)
            pltpu.async_copy(it3_ref.at[sb[j]], iT.at[j], si)

    def drain(uT, iT, su, si):
        pltpu.make_async_copy(ut3_ref.at[pl.ds(0, P)], uT, su).wait()
        pltpu.make_async_copy(it3_ref.at[pl.ds(0, P)], iT, si).wait()

    def compute(ph, uT, iT):
        s = pl.ds(ph * P, P)
        urow = jnp.bitwise_and(uidx[s], 7)
        irow = jnp.bitwise_and(iidx[s], 7)

        def col_body(t, acc):
            c = t * 8
            for dc in range(8):
                cv = jnp.full((16,), c + dc, jnp.int32)
                u = plsc.load_gather(uT, [lane, urow, cv])
                v = plsc.load_gather(iT, [lane, irow, cv])
                acc = acc + u * v
            return acc

        acc = lax.fori_loop(0, D // 8, col_body, jnp.zeros((16,), jnp.float32))
        outv[s] = 1.0 / (1.0 + jnp.exp(-acc))

    issue(0, uT0, iT0, su0, si0)

    def pair_body(q, _):
        p0 = 2 * q
        issue(p0 + 1, uT1, iT1, su1, si1)
        drain(uT0, iT0, su0, si0)
        compute(p0, uT0, iT0)

        @pl.when(q < NPH // 2 - 1)
        def _():
            issue(p0 + 2, uT0, iT0, su0, si0)

        drain(uT1, iT1, su1, si1)
        compute(p0 + 1, uT1, iT1)
        return 0

    lax.fori_loop(0, NPH // 2, pair_body, 0)
    pltpu.sync_copy(outv, out_ref.at[pl.ds(base, BPW)])


def kernel(user, item, user_table, item_table):
    ut3 = user_table.reshape(V // 8, 8, D)
    it3 = item_table.reshape(V // 8, 8, D)
    return _sc_scores(user.astype(jnp.int32), item.astype(jnp.int32), ut3, it3)

# --- scband reference (transcript-rebuilt; emitter-appended) ---
"""Pipeline reference for scband-model-41669772706322 (READ-ONLY COPY).

The authoritative reference and input builder live on the scoring server;
editing this copy changes nothing except your own understanding.
"""

import jax, jax.numpy as jnp
import numpy as np

B = 16384
V = 1000000
D = 64

def setup_inputs(seed: int = 0) -> dict:
    key = jax.random.key(seed)
    k1, k2, k3, k4 = jax.random.split(key, 4)
    user = jax.random.randint(k1, (B,), 0, V)
    item = jax.random.randint(k2, (B,), 0, V)
    # Xavier-uniform init for embedding tables, matching nn.init.xavier_uniform_
    limit = float(np.sqrt(6.0 / (V + D)))
    user_table = jax.random.uniform(k3, (V, D), minval=-limit, maxval=limit, dtype=jnp.float32)
    item_table = jax.random.uniform(k4, (V, D), minval=-limit, maxval=limit, dtype=jnp.float32)
    return {"user": user, "item": item, "user_table": user_table, "item_table": item_table}

def reference(user, item, user_table, item_table):
    # mode == 'calc_score' path of MODEL.forward
    user_emb = jnp.take(user_table, user, axis=0)   # [B, D] embedding gather
    item_emb = jnp.take(item_table, item, axis=0)   # [B, D] embedding gather
    scores = jax.nn.sigmoid(jnp.sum(user_emb * item_emb, axis=1))  # [B]
    return scores

if __name__ == "__main__":
    import jax
    _d = setup_inputs()
    print(jax.jit(kernel)(*tuple(_d.values())))

</pallas_src>

<mosaic_0001>
#map = affine_map<(d0, d1) -> (0)>
#map1 = affine_map<(d0, d1) -> (0, 0, 0)>
module attributes {stable_mosaic.version = 14 : i64} {
  func.func @_sc_scores(%arg0: i32, %arg1: i32, %arg2: memref<16384xi32, #tpu.memory_space<hbm>>, %arg3: memref<16384xi32, #tpu.memory_space<hbm>>, %arg4: memref<125000x8x64xf32, #tpu.memory_space<hbm>>, %arg5: memref<125000x8x64xf32, #tpu.memory_space<hbm>>, %arg6: memref<16384xf32, #tpu.memory_space<hbm>>, %arg7: memref<512xi32, #tpu.memory_space<vmem>>, %arg8: memref<512xi32, #tpu.memory_space<vmem>>, %arg9: memref<512xi32, #tpu.memory_space<vmem>>, %arg10: memref<512xi32, #tpu.memory_space<vmem>>, %arg11: memref<16x8x64xf32, #tpu.memory_space<vmem>>, %arg12: memref<16x8x64xf32, #tpu.memory_space<vmem>>, %arg13: memref<16x8x64xf32, #tpu.memory_space<vmem>>, %arg14: memref<16x8x64xf32, #tpu.memory_space<vmem>>, %arg15: memref<512xf32, #tpu.memory_space<vmem>>, %arg16: memref<!tpu.dma_semaphore, #tpu.memory_space<semaphore_mem>>, %arg17: memref<!tpu.dma_semaphore, #tpu.memory_space<semaphore_mem>>, %arg18: memref<!tpu.dma_semaphore, #tpu.memory_space<semaphore_mem>>, %arg19: memref<!tpu.dma_semaphore, #tpu.memory_space<semaphore_mem>>) attributes {dimension_semantics = [#tpu.dimension_semantics<core_parallel>, #tpu.dimension_semantics<subcore_parallel>], iteration_bounds = array<i64: 2, 16>, scalar_prefetch = 0 : i64, scratch_operands = 13 : i64, tpu.core_type = #tpu.core_type<sc_vector_subcore>, window_params = [{transform_indices = #map}, {transform_indices = #map}, {transform_indices = #map1}, {transform_indices = #map1}, {transform_indices = #map}]} {
    %mul3A = arith.constant 2 : i32
    %mul3A_0 = arith.muli %arg1, %mul3A : i32
    %add3A = arith.addi %mul3A_0, %arg0 : i32
    %mul3A_1 = arith.constant 512 : i32
    %mul3A_2 = arith.muli %add3A, %mul3A_1 : i32
    "tpu.region"() ({
      %run_scoped3A = tpu.sem_alloc : memref<!tpu.dma_semaphore, #tpu.memory_space<semaphore_mem>>
      %dma_start3A_1063 = tpu.memref_slice %arg2[%mul3A_2] : memref<16384xi32, #tpu.memory_space<hbm>> -> memref<512xi32, #tpu.memory_space<hbm>>
      %dma_start3A_1064 = tpu.memref_slice %arg2[%mul3A_2] : memref<16384xi32, #tpu.memory_space<hbm>> -> memref<512xi32, #tpu.memory_space<hbm>>
      tpu.enqueue_dma source(%dma_start3A_1064 : memref<512xi32, #tpu.memory_space<hbm>>) target(%arg7 : memref<512xi32, #tpu.memory_space<vmem>>) target_semaphore(%run_scoped3A : memref<!tpu.dma_semaphore, #tpu.memory_space<semaphore_mem>>)
      %dma_wait3A = tpu.memref_slice %arg2[%mul3A_2] : memref<16384xi32, #tpu.memory_space<hbm>> -> memref<512xi32, #tpu.memory_space<hbm>>
      %dma_wait3A_1065 = tpu.memref_slice %arg2[%mul3A_2] : memref<16384xi32, #tpu.memory_space<hbm>> -> memref<512xi32, #tpu.memory_space<hbm>>
      tpu.wait_dma2 semaphore(%run_scoped3A : memref<!tpu.dma_semaphore, #tpu.memory_space<semaphore_mem>>) src(%dma_wait3A_1065 : memref<512xi32, #tpu.memory_space<hbm>>) dst(%arg7 : memref<512xi32, #tpu.memory_space<vmem>>)
      tpu.yield
    }) : () -> ()
    "tpu.region"() ({
      %run_scoped3A = tpu.sem_alloc : memref<!tpu.dma_semaphore, #tpu.memory_space<semaphore_mem>>
      %dma_start3A_1063 = tpu.memref_slice %arg3[%mul3A_2] : memref<16384xi32, #tpu.memory_space<hbm>> -> memref<512xi32, #tpu.memory_space<hbm>>
      %dma_start3A_1064 = tpu.memref_slice %arg3[%mul3A_2] : memref<16384xi32, #tpu.memory_space<hbm>> -> memref<512xi32, #tpu.memory_space<hbm>>
      tpu.enqueue_dma source(%dma_start3A_1064 : memref<512xi32, #tpu.memory_space<hbm>>) target(%arg8 : memref<512xi32, #tpu.memory_space<vmem>>) target_semaphore(%run_scoped3A : memref<!tpu.dma_semaphore, #tpu.memory_space<semaphore_mem>>)
      %dma_wait3A = tpu.memref_slice %arg3[%mul3A_2] : memref<16384xi32, #tpu.memory_space<hbm>> -> memref<512xi32, #tpu.memory_space<hbm>>
      %dma_wait3A_1065 = tpu.memref_slice %arg3[%mul3A_2] : memref<16384xi32, #tpu.memory_space<hbm>> -> memref<512xi32, #tpu.memory_space<hbm>>
      tpu.wait_dma2 semaphore(%run_scoped3A : memref<!tpu.dma_semaphore, #tpu.memory_space<semaphore_mem>>) src(%dma_wait3A_1065 : memref<512xi32, #tpu.memory_space<hbm>>) dst(%arg8 : memref<512xi32, #tpu.memory_space<vmem>>)
      tpu.yield
    }) : () -> ()
    %get3A = arith.constant 0 : index
    %get3A_3 = tpu.vector_load %arg7[%get3A] {strides = array<i32>} : memref<512xi32, #tpu.memory_space<vmem>>, vector<16xi32>,
    %shift_right_logical3A = arith.constant 3 : i32
    %shift_right_logical3A_4 = vector.broadcast %shift_right_logical3A : i32 to vector<16xi32>
    %shift_right_logical3A_5 = arith.shrui %get3A_3, %shift_right_logical3A_4 : vector<16xi32>
    %swap3A = arith.constant 0 : index
    %swap3A_6 = tpu.vector_load %arg9[%swap3A] {strides = array<i32>} : memref<512xi32, #tpu.memory_space<vmem>>, vector<16xi32>,
    tpu.vector_store %arg9[%swap3A], %shift_right_logical3A_5 {strides = array<i32>} : memref<512xi32, #tpu.memory_space<vmem>>, vector<16xi32>,
    %get3A_7 = arith.constant 0 : index
    %get3A_8 = tpu.vector_load %arg8[%get3A_7] {strides = array<i32>} : memref<512xi32, #tpu.memory_space<vmem>>, vector<16xi32>,
    %shift_right_logical3A_9 = arith.constant 3 : i32
    %shift_right_logical3A_10 = vector.broadcast %shift_right_logical3A_9 : i32 to vector<16xi32>
    %shift_right_logical3A_11 = arith.shrui %get3A_8, %shift_right_logical3A_10 : vector<16xi32>
    %swap3A_12 = arith.constant 0 : index
    %swap3A_13 = tpu.vector_load %arg10[%swap3A_12] {strides = array<i32>} : memref<512xi32, #tpu.memory_space<vmem>>, vector<16xi32>,
    tpu.vector_store %arg10[%swap3A_12], %shift_right_logical3A_11 {strides = array<i32>} : memref<512xi32, #tpu.memory_space<vmem>>, vector<16xi32>,
    %get3A_14 = arith.constant 16 : index
    %get3A_15 = tpu.vector_load %arg7[%get3A_14] {strides = array<i32>} : memref<512xi32, #tpu.memory_space<vmem>>, vector<16xi32>,
    %shift_right_logical3A_16 = arith.constant 3 : i32
    %shift_right_logical3A_17 = vector.broadcast %shift_right_logical3A_16 : i32 to vector<16xi32>
    %shift_right_logical3A_18 = arith.shrui %get3A_15, %shift_right_logical3A_17 : vector<16xi32>
    %swap3A_19 = arith.constant 16 : index
    %swap3A_20 = tpu.vector_load %arg9[%swap3A_19] {strides = array<i32>} : memref<512xi32, #tpu.memory_space<vmem>>, vector<16xi32>,
    tpu.vector_store %arg9[%swap3A_19], %shift_right_logical3A_18 {strides = array<i32>} : memref<512xi32, #tpu.memory_space<vmem>>, vector<16xi32>,
    %get3A_21 = arith.constant 16 : index
    %get3A_22 = tpu.vector_load %arg8[%get3A_21] {strides = array<i32>} : memref<512xi32, #tpu.memory_space<vmem>>, vector<16xi32>,
    %shift_right_logical3A_23 = arith.constant 3 : i32
    %shift_right_logical3A_24 = vector.broadcast %shift_right_logical3A_23 : i32 to vector<16xi32>
    %shift_right_logical3A_25 = arith.shrui %get3A_22, %shift_right_logical3A_24 : vector<16xi32>
    %swap3A_26 = arith.constant 16 : index
    %swap3A_27 = tpu.vector_load %arg10[%swap3A_26] {strides = array<i32>} : memref<512xi32, #tpu.memory_space<vmem>>, vector<16xi32>,
    tpu.vector_store %arg10[%swap3A_26], %shift_right_logical3A_25 {strides = array<i32>} : memref<512xi32, #tpu.memory_space<vmem>>, vector<16xi32>,
    %get3A_28 = arith.constant 32 : index
    %get3A_29 = tpu.vector_load %arg7[%get3A_28] {strides = array<i32>} : memref<512xi32, #tpu.memory_space<vmem>>, vector<16xi32>,
    %shift_right_logical3A_30 = arith.constant 3 : i32
    %shift_right_logical3A_31 = vector.broadcast %shift_right_logical3A_30 : i32 to vector<16xi32>
    %shift_right_logical3A_32 = arith.shrui %get3A_29, %shift_right_logical3A_31 : vector<16xi32>
    %swap3A_33 = arith.constant 32 : index
    %swap3A_34 = tpu.vector_load %arg9[%swap3A_33] {strides = array<i32>} : memref<512xi32, #tpu.memory_space<vmem>>, vector<16xi32>,
    tpu.vector_store %arg9[%swap3A_33], %shift_right_logical3A_32 {strides = array<i32>} : memref<512xi32, #tpu.memory_space<vmem>>, vector<16xi32>,
    %get3A_35 = arith.constant 32 : index
    %get3A_36 = tpu.vector_load %arg8[%get3A_35] {strides = array<i32>} : memref<512xi32, #tpu.memory_space<vmem>>, vector<16xi32>,
    %shift_right_logical3A_37 = arith.constant 3 : i32
    %shift_right_logical3A_38 = vector.broadcast %shift_right_logical3A_37 : i32 to vector<16xi32>
    %shift_right_logical3A_39 = arith.shrui %get3A_36, %shift_right_logical3A_38 : vector<16xi32>
    %swap3A_40 = arith.constant 32 : index
    %swap3A_41 = tpu.vector_load %arg10[%swap3A_40] {strides = array<i32>} : memref<512xi32, #tpu.memory_space<vmem>>, vector<16xi32>,
    tpu.vector_store %arg10[%swap3A_40], %shift_right_logical3A_39 {strides = array<i32>} : memref<512xi32, #tpu.memory_space<vmem>>, vector<16xi32>,
    %get3A_42 = arith.constant 48 : index
    %get3A_43 = tpu.vector_load %arg7[%get3A_42] {strides = array<i32>} : memref<512xi32, #tpu.memory_space<vmem>>, vector<16xi32>,
    %shift_right_logical3A_44 = arith.constant 3 : i32
    %shift_right_logical3A_45 = vector.broadcast %shift_right_logical3A_44 : i32 to vector<16xi32>
    %shift_right_logical3A_46 = arith.shrui %get3A_43, %shift_right_logical3A_45 : vector<16xi32>
    %swap3A_47 = arith.constant 48 : index
    %swap3A_48 = tpu.vector_load %arg9[%swap3A_47] {strides = array<i32>} : memref<512xi32, #tpu.memory_space<vmem>>, vector<16xi32>,
    tpu.vector_store %arg9[%swap3A_47], %shift_right_logical3A_46 {strides = array<i32>} : memref<512xi32, #tpu.memory_space<vmem>>, vector<16xi32>,
    %get3A_49 = arith.constant 48 : index
    %get3A_50 = tpu.vector_load %arg8[%get3A_49] {strides = array<i32>} : memref<512xi32, #tpu.memory_space<vmem>>, vector<16xi32>,
    %shift_right_logical3A_51 = arith.constant 3 : i32
    %shift_right_logical3A_52 = vector.broadcast %shift_right_logical3A_51 : i32 to vector<16xi32>
    %shift_right_logical3A_53 = arith.shrui %get3A_50, %shift_right_logical3A_52 : vector<16xi32>
    %swap3A_54 = arith.constant 48 : index
    %swap3A_55 = tpu.vector_load %arg10[%swap3A_54] {strides = array<i32>} : memref<512xi32, #tpu.memory_space<vmem>>, vector<16xi32>,
    tpu.vector_store %arg10[%swap3A_54], %shift_right_logical3A_53 {strides = array<i32>} : memref<512xi32, #tpu.memory_space<vmem>>, vector<16xi32>,
    %get3A_56 = arith.constant 64 : index
    %get3A_57 = tpu.vector_load %arg7[%get3A_56] {strides = array<i32>} : memref<512xi32, #tpu.memory_space<vmem>>, vector<16xi32>,
    %shift_right_logical3A_58 = arith.constant 3 : i32
    %shift_right_logical3A_59 = vector.broadcast %shift_right_logical3A_58 : i32 to vector<16xi32>
    %shift_right_logical3A_60 = arith.shrui %get3A_57, %shift_right_logical3A_59 : vector<16xi32>
    %swap3A_61 = arith.constant 64 : index
    %swap3A_62 = tpu.vector_load %arg9[%swap3A_61] {strides = array<i32>} : memref<512xi32, #tpu.memory_space<vmem>>, vector<16xi32>,
    tpu.vector_store %arg9[%swap3A_61], %shift_right_logical3A_60 {strides = array<i32>} : memref<512xi32, #tpu.memory_space<vmem>>, vector<16xi32>,
    %get3A_63 = arith.constant 64 : index
    %get3A_64 = tpu.vector_load %arg8[%get3A_63] {strides = array<i32>} : memref<512xi32, #tpu.memory_space<vmem>>, vector<16xi32>,
    %shift_right_logical3A_65 = arith.constant 3 : i32
    %shift_right_logical3A_66 = vector.broadcast %shift_right_logical3A_65 : i32 to vector<16xi32>
    %shift_right_logical3A_67 = arith.shrui %get3A_64, %shift_right_logical3A_66 : vector<16xi32>
    %swap3A_68 = arith.constant 64 : index
    %swap3A_69 = tpu.vector_load %arg10[%swap3A_68] {strides = array<i32>} : memref<512xi32, #tpu.memory_space<vmem>>, vector<16xi32>,
    tpu.vector_store %arg10[%swap3A_68], %shift_right_logical3A_67 {strides = array<i32>} : memref<512xi32, #tpu.memory_space<vmem>>, vector<16xi32>,
    %get3A_70 = arith.constant 80 : index
    %get3A_71 = tpu.vector_load %arg7[%get3A_70] {strides = array<i32>} : memref<512xi32, #tpu.memory_space<vmem>>, vector<16xi32>,
    %shift_right_logical3A_72 = arith.constant 3 : i32
    %shift_right_logical3A_73 = vector.broadcast %shift_right_logical3A_72 : i32 to vector<16xi32>
    %shift_right_logical3A_74 = arith.shrui %get3A_71, %shift_right_logical3A_73 : vector<16xi32>
    %swap3A_75 = arith.constant 80 : index
    %swap3A_76 = tpu.vector_load %arg9[%swap3A_75] {strides = array<i32>} : memref<512xi32, #tpu.memory_space<vmem>>, vector<16xi32>,
    tpu.vector_store %arg9[%swap3A_75], %shift_right_logical3A_74 {strides = array<i32>} : memref<512xi32, #tpu.memory_space<vmem>>, vector<16xi32>,
    %get3A_77 = arith.constant 80 : index
    %get3A_78 = tpu.vector_load %arg8[%get3A_77] {strides = array<i32>} : memref<512xi32, #tpu.memory_space<vmem>>, vector<16xi32>,
    %shift_right_logical3A_79 = arith.constant 3 : i32
    %shift_right_logical3A_80 = vector.broadcast %shift_right_logical3A_79 : i32 to vector<16xi32>
    %shift_right_logical3A_81 = arith.shrui %get3A_78, %shift_right_logical3A_80 : vector<16xi32>
    %swap3A_82 = arith.constant 80 : index
    %swap3A_83 = tpu.vector_load %arg10[%swap3A_82] {strides = array<i32>} : memref<512xi32, #tpu.memory_space<vmem>>, vector<16xi32>,
    tpu.vector_store %arg10[%swap3A_82], %shift_right_logical3A_81 {strides = array<i32>} : memref<512xi32, #tpu.memory_space<vmem>>, vector<16xi32>,
    %get3A_84 = arith.constant 96 : index
    %get3A_85 = tpu.vector_load %arg7[%get3A_84] {strides = array<i32>} : memref<512xi32, #tpu.memory_space<vmem>>, vector<16xi32>,
    %shift_right_logical3A_86 = arith.constant 3 : i32
    %shift_right_logical3A_87 = vector.broadcast %shift_right_logical3A_86 : i32 to vector<16xi32>
    %shift_right_logical3A_88 = arith.shrui %get3A_85, %shift_right_logical3A_87 : vector<16xi32>
    %swap3A_89 = arith.constant 96 : index
    %swap3A_90 = tpu.vector_load %arg9[%swap3A_89] {strides = array<i32>} : memref<512xi32, #tpu.memory_space<vmem>>, vector<16xi32>,
    tpu.vector_store %arg9[%swap3A_89], %shift_right_logical3A_88 {strides = array<i32>} : memref<512xi32, #tpu.memory_space<vmem>>, vector<16xi32>,
    %get3A_91 = arith.constant 96 : index
    %get3A_92 = tpu.vector_load %arg8[%get3A_91] {strides = array<i32>} : memref<512xi32, #tpu.memory_space<vmem>>, vector<16xi32>,
    %shift_right_logical3A_93 = arith.constant 3 : i32
    %shift_right_logical3A_94 = vector.broadcast %shift_right_logical3A_93 : i32 to vector<16xi32>
    %shift_right_logical3A_95 = arith.shrui %get3A_92, %shift_right_logical3A_94 : vector<16xi32>
    %swap3A_96 = arith.constant 96 : index
    %swap3A_97 = tpu.vector_load %arg10[%swap3A_96] {strides = array<i32>} : memref<512xi32, #tpu.memory_space<vmem>>, vector<16xi32>,
    tpu.vector_store %arg10[%swap3A_96], %shift_right_logical3A_95 {strides = array<i32>} : memref<512xi32, #tpu.memory_space<vmem>>, vector<16xi32>,
    %get3A_98 = arith.constant 112 : index
    %get3A_99 = tpu.vector_load %arg7[%get3A_98] {strides = array<i32>} : memref<512xi32, #tpu.memory_space<vmem>>, vector<16xi32>,
    %shift_right_logical3A_100 = arith.constant 3 : i32
    %shift_right_logical3A_101 = vector.broadcast %shift_right_logical3A_100 : i32 to vector<16xi32>
    %shift_right_logical3A_102 = arith.shrui %get3A_99, %shift_right_logical3A_101 : vector<16xi32>
    %swap3A_103 = arith.constant 112 : index
    %swap3A_104 = tpu.vector_load %arg9[%swap3A_103] {strides = array<i32>} : memref<512xi32, #tpu.memory_space<vmem>>, vector<16xi32>,
    tpu.vector_store %arg9[%swap3A_103], %shift_right_logical3A_102 {strides = array<i32>} : memref<512xi32, #tpu.memory_space<vmem>>, vector<16xi32>,
    %get3A_105 = arith.constant 112 : index
    %get3A_106 = tpu.vector_load %arg8[%get3A_105] {strides = array<i32>} : memref<512xi32, #tpu.memory_space<vmem>>, vector<16xi32>,
    %shift_right_logical3A_107 = arith.constant 3 : i32
    %shift_right_logical3A_108 = vector.broadcast %shift_right_logical3A_107 : i32 to vector<16xi32>
    %shift_right_logical3A_109 = arith.shrui %get3A_106, %shift_right_logical3A_108 : vector<16xi32>
    %swap3A_110 = arith.constant 112 : index
    %swap3A_111 = tpu.vector_load %arg10[%swap3A_110] {strides = array<i32>} : memref<512xi32, #tpu.memory_space<vmem>>, vector<16xi32>,
    tpu.vector_store %arg10[%swap3A_110], %shift_right_logical3A_109 {strides = array<i32>} : memref<512xi32, #tpu.memory_space<vmem>>, vector<16xi32>,
    %get3A_112 = arith.constant 128 : index
    %get3A_113 = tpu.vector_load %arg7[%get3A_112] {strides = array<i32>} : memref<512xi32, #tpu.memory_space<vmem>>, vector<16xi32>,
    %shift_right_logical3A_114 = arith.constant 3 : i32
    %shift_right_logical3A_115 = vector.broadcast %shift_right_logical3A_114 : i32 to vector<16xi32>
    %shift_right_logical3A_116 = arith.shrui %get3A_113, %shift_right_logical3A_115 : vector<16xi32>
    %swap3A_117 = arith.constant 128 : index
    %swap3A_118 = tpu.vector_load %arg9[%swap3A_117] {strides = array<i32>} : memref<512xi32, #tpu.memory_space<vmem>>, vector<16xi32>,
    tpu.vector_store %arg9[%swap3A_117], %shift_right_logical3A_116 {strides = array<i32>} : memref<512xi32, #tpu.memory_space<vmem>>, vector<16xi32>,
    %get3A_119 = arith.constant 128 : index
    %get3A_120 = tpu.vector_load %arg8[%get3A_119] {strides = array<i32>} : memref<512xi32, #tpu.memory_space<vmem>>, vector<16xi32>,
    %shift_right_logical3A_121 = arith.constant 3 : i32
    %shift_right_logical3A_122 = vector.broadcast %shift_right_logical3A_121 : i32 to vector<16xi32>
    %shift_right_logical3A_123 = arith.shrui %get3A_120, %shift_right_logical3A_122 : vector<16xi32>
    %swap3A_124 = arith.constant 128 : index
    %swap3A_125 = tpu.vector_load %arg10[%swap3A_124] {strides = array<i32>} : memref<512xi32, #tpu.memory_space<vmem>>, vector<16xi32>,
    tpu.vector_store %arg10[%swap3A_124], %shift_right_logical3A_123 {strides = array<i32>} : memref<512xi32, #tpu.memory_space<vmem>>, vector<16xi32>,
    %get3A_126 = arith.constant 144 : index
    %get3A_127 = tpu.vector_load %arg7[%get3A_126] {strides = array<i32>} : memref<512xi32, #tpu.memory_space<vmem>>, vector<16xi32>,
    %shift_right_logical3A_128 = arith.constant 3 : i32
    %shift_right_logical3A_129 = vector.broadcast %shift_right_logical3A_128 : i32 to vector<16xi32>
    %shift_right_logical3A_130 = arith.shrui %get3A_127, %shift_right_logical3A_129 : vector<16xi32>
    %swap3A_131 = arith.constant 144 : index
    %swap3A_132 = tpu.vector_load %arg9[%swap3A_131] {strides = array<i32>} : memref<512xi32, #tpu.memory_space<vmem>>, vector<16xi32>,
    tpu.vector_store %arg9[%swap3A_131], %shift_right_logical3A_130 {strides = array<i32>} : memref<512xi32, #tpu.memory_space<vmem>>, vector<16xi32>,
    %get3A_133 = arith.constant 144 : index
    %get3A_134 = tpu.vector_load %arg8[%get3A_133] {strides = array<i32>} : memref<512xi32, #tpu.memory_space<vmem>>, vector<16xi32>,
    %shift_right_logical3A_135 = arith.constant 3 : i32
    %shift_right_logical3A_136 = vector.broadcast %shift_right_logical3A_135 : i32 to vector<16xi32>
    %shift_right_logical3A_137 = arith.shrui %get3A_134, %shift_right_logical3A_136 : vector<16xi32>
    %swap3A_138 = arith.constant 144 : index
    %swap3A_139 = tpu.vector_load %arg10[%swap3A_138] {strides = array<i32>} : memref<512xi32, #tpu.memory_space<vmem>>, vector<16xi32>,
    tpu.vector_store %arg10[%swap3A_138], %shift_right_logical3A_137 {strides = array<i32>} : memref<512xi32, #tpu.memory_space<vmem>>, vector<16xi32>,
    %get3A_140 = arith.constant 160 : index
    %get3A_141 = tpu.vector_load %arg7[%get3A_140] {strides = array<i32>} : memref<512xi32, #tpu.memory_space<vmem>>, vector<16xi32>,
    %shift_right_logical3A_142 = arith.constant 3 : i32
    %shift_right_logical3A_143 = vector.broadcast %shift_right_logical3A_142 : i32 to vector<16xi32>
    %shift_right_logical3A_144 = arith.shrui %get3A_141, %shift_right_logical3A_143 : vector<16xi32>
    %swap3A_145 = arith.constant 160 : index
    %swap3A_146 = tpu.vector_load %arg9[%swap3A_145] {strides = array<i32>} : memref<512xi32, #tpu.memory_space<vmem>>, vector<16xi32>,
    tpu.vector_store %arg9[%swap3A_145], %shift_right_logical3A_144 {strides = array<i32>} : memref<512xi32, #tpu.memory_space<vmem>>, vector<16xi32>,
    %get3A_147 = arith.constant 160 : index
    %get3A_148 = tpu.vector_load %arg8[%get3A_147] {strides = array<i32>} : memref<512xi32, #tpu.memory_space<vmem>>, vector<16xi32>,
    %shift_right_logical3A_149 = arith.constant 3 : i32
    %shift_right_logical3A_150 = vector.broadcast %shift_right_logical3A_149 : i32 to vector<16xi32>
    %shift_right_logical3A_151 = arith.shrui %get3A_148, %shift_right_logical3A_150 : vector<16xi32>
    %swap3A_152 = arith.constant 160 : index
    %swap3A_153 = tpu.vector_load %arg10[%swap3A_152] {strides = array<i32>} : memref<512xi32, #tpu.memory_space<vmem>>, vector<16xi32>,
    tpu.vector_store %arg10[%swap3A_152], %shift_right_logical3A_151 {strides = array<i32>} : memref<512xi32, #tpu.memory_space<vmem>>, vector<16xi32>,
    %get3A_154 = arith.constant 176 : index
    %get3A_155 = tpu.vector_load %arg7[%get3A_154] {strides = array<i32>} : memref<512xi32, #tpu.memory_space<vmem>>, vector<16xi32>,
    %shift_right_logical3A_156 = arith.constant 3 : i32
    %shift_right_logical3A_157 = vector.broadcast %shift_right_logical3A_156 : i32 to vector<16xi32>
    %shift_right_logical3A_158 = arith.shrui %get3A_155, %shift_right_logical3A_157 : vector<16xi32>
    %swap3A_159 = arith.constant 176 : index
    %swap3A_160 = tpu.vector_load %arg9[%swap3A_159] {strides = array<i32>} : memref<512xi32, #tpu.memory_space<vmem>>, vector<16xi32>,
    tpu.vector_store %arg9[%swap3A_159], %shift_right_logical3A_158 {strides = array<i32>} : memref<512xi32, #tpu.memory_space<vmem>>, vector<16xi32>,
    %get3A_161 = arith.constant 176 : index
    %get3A_162 = tpu.vector_load %arg8[%get3A_161] {strides = array<i32>} : memref<512xi32, #tpu.memory_space<vmem>>, vector<16xi32>,
    %shift_right_logical3A_163 = arith.constant 3 : i32
    %shift_right_logical3A_164 = vector.broadcast %shift_right_logical3A_163 : i32 to vector<16xi32>
    %shift_right_logical3A_165 = arith.shrui %get3A_162, %shift_right_logical3A_164 : vector<16xi32>
    %swap3A_166 = arith.constant 176 : index
    %swap3A_167 = tpu.vector_load %arg10[%swap3A_166] {strides = array<i32>} : memref<512xi32, #tpu.memory_space<vmem>>, vector<16xi32>,
    tpu.vector_store %arg10[%swap3A_166], %shift_right_logical3A_165 {strides = array<i32>} : memref<512xi32, #tpu.memory_space<vmem>>, vector<16xi32>,
    %get3A_168 = arith.constant 192 : index
    %get3A_169 = tpu.vector_load %arg7[%get3A_168] {strides = array<i32>} : memref<512xi32, #tpu.memory_space<vmem>>, vector<16xi32>,
    %shift_right_logical3A_170 = arith.constant 3 : i32
    %shift_right_logical3A_171 = vector.broadcast %shift_right_logical3A_170 : i32 to vector<16xi32>
    %shift_right_logical3A_172 = arith.shrui %get3A_169, %shift_right_logical3A_171 : vector<16xi32>
    %swap3A_173 = arith.constant 192 : index
    %swap3A_174 = tpu.vector_load %arg9[%swap3A_173] {strides = array<i32>} : memref<512xi32, #tpu.memory_space<vmem>>, vector<16xi32>,
    tpu.vector_store %arg9[%swap3A_173], %shift_right_logical3A_172 {strides = array<i32>} : memref<512xi32, #tpu.memory_space<vmem>>, vector<16xi32>,
    %get3A_175 = arith.constant 192 : index
    %get3A_176 = tpu.vector_load %arg8[%get3A_175] {strides = array<i32>} : memref<512xi32, #tpu.memory_space<vmem>>, vector<16xi32>,
    %shift_right_logical3A_177 = arith.constant 3 : i32
    %shift_right_logical3A_178 = vector.broadcast %shift_right_logical3A_177 : i32 to vector<16xi32>
    %shift_right_logical3A_179 = arith.shrui %get3A_176, %shift_right_logical3A_178 : vector<16xi32>
    %swap3A_180 = arith.constant 192 : index
    %swap3A_181 = tpu.vector_load %arg10[%swap3A_180] {strides = array<i32>} : memref<512xi32, #tpu.memory_space<vmem>>, vector<16xi32>,
    tpu.vector_store %arg10[%swap3A_180], %shift_right_logical3A_179 {strides = array<i32>} : memref<512xi32, #tpu.memory_space<vmem>>, vector<16xi32>,
    %get3A_182 = arith.constant 208 : index
    %get3A_183 = tpu.vector_load %arg7[%get3A_182] {strides = array<i32>} : memref<512xi32, #tpu.memory_space<vmem>>, vector<16xi32>,
    %shift_right_logical3A_184 = arith.constant 3 : i32
    %shift_right_logical3A_185 = vector.broadcast %shift_right_logical3A_184 : i32 to vector<16xi32>
    %shift_right_logical3A_186 = arith.shrui %get3A_183, %shift_right_logical3A_185 : vector<16xi32>
    %swap3A_187 = arith.constant 208 : index
    %swap3A_188 = tpu.vector_load %arg9[%swap3A_187] {strides = array<i32>} : memref<512xi32, #tpu.memory_space<vmem>>, vector<16xi32>,
    tpu.vector_store %arg9[%swap3A_187], %shift_right_logical3A_186 {strides = array<i32>} : memref<512xi32, #tpu.memory_space<vmem>>, vector<16xi32>,
    %get3A_189 = arith.constant 208 : index
    %get3A_190 = tpu.vector_load %arg8[%get3A_189] {strides = array<i32>} : memref<512xi32, #tpu.memory_space<vmem>>, vector<16xi32>,
    %shift_right_logical3A_191 = arith.constant 3 : i32
    %shift_right_logical3A_192 = vector.broadcast %shift_right_logical3A_191 : i32 to vector<16xi32>
    %shift_right_logical3A_193 = arith.shrui %get3A_190, %shift_right_logical3A_192 : vector<16xi32>
    %swap3A_194 = arith.constant 208 : index
    %swap3A_195 = tpu.vector_load %arg10[%swap3A_194] {strides = array<i32>} : memref<512xi32, #tpu.memory_space<vmem>>, vector<16xi32>,
    tpu.vector_store %arg10[%swap3A_194], %shift_right_logical3A_193 {strides = array<i32>} : memref<512xi32, #tpu.memory_space<vmem>>, vector<16xi32>,
    %get3A_196 = arith.constant 224 : index
    %get3A_197 = tpu.vector_load %arg7[%get3A_196] {strides = array<i32>} : memref<512xi32, #tpu.memory_space<vmem>>, vector<16xi32>,
    %shift_right_logical3A_198 = arith.constant 3 : i32
    %shift_right_logical3A_199 = vector.broadcast %shift_right_logical3A_198 : i32 to vector<16xi32>
    %shift_right_logical3A_200 = arith.shrui %get3A_197, %shift_right_logical3A_199 : vector<16xi32>
    %swap3A_201 = arith.constant 224 : index
    %swap3A_202 = tpu.vector_load %arg9[%swap3A_201] {strides = array<i32>} : memref<512xi32, #tpu.memory_space<vmem>>, vector<16xi32>,
    tpu.vector_store %arg9[%swap3A_201], %shift_right_logical3A_200 {strides = array<i32>} : memref<512xi32, #tpu.memory_space<vmem>>, vector<16xi32>,
    %get3A_203 = arith.constant 224 : index
    %get3A_204 = tpu.vector_load %arg8[%get3A_203] {strides = array<i32>} : memref<512xi32, #tpu.memory_space<vmem>>, vector<16xi32>,
    %shift_right_logical3A_205 = arith.constant 3 : i32
    %shift_right_logical3A_206 = vector.broadcast %shift_right_logical3A_205 : i32 to vector<16xi32>
    %shift_right_logical3A_207 = arith.shrui %get3A_204, %shift_right_logical3A_206 : vector<16xi32>
    %swap3A_208 = arith.constant 224 : index
    %swap3A_209 = tpu.vector_load %arg10[%swap3A_208] {strides = array<i32>} : memref<512xi32, #tpu.memory_space<vmem>>, vector<16xi32>,
    tpu.vector_store %arg10[%swap3A_208], %shift_right_logical3A_207 {strides = array<i32>} : memref<512xi32, #tpu.memory_space<vmem>>, vector<16xi32>,
    %get3A_210 = arith.constant 240 : index
    %get3A_211 = tpu.vector_load %arg7[%get3A_210] {strides = array<i32>} : memref<512xi32, #tpu.memory_space<vmem>>, vector<16xi32>,
    %shift_right_logical3A_212 = arith.constant 3 : i32
    %shift_right_logical3A_213 = vector.broadcast %shift_right_logical3A_212 : i32 to vector<16xi32>
    %shift_right_logical3A_214 = arith.shrui %get3A_211, %shift_right_logical3A_213 : vector<16xi32>
    %swap3A_215 = arith.constant 240 : index
    %swap3A_216 = tpu.vector_load %arg9[%swap3A_215] {strides = array<i32>} : memref<512xi32, #tpu.memory_space<vmem>>, vector<16xi32>,
    tpu.vector_store %arg9[%swap3A_215], %shift_right_logical3A_214 {strides = array<i32>} : memref<512xi32, #tpu.memory_space<vmem>>, vector<16xi32>,
    %get3A_217 = arith.constant 240 : index
    %get3A_218 = tpu.vector_load %arg8[%get3A_217] {strides = array<i32>} : memref<512xi32, #tpu.memory_space<vmem>>, vector<16xi32>,
    %shift_right_logical3A_219 = arith.constant 3 : i32
    %shift_right_logical3A_220 = vector.broadcast %shift_right_logical3A_219 : i32 to vector<16xi32>
    %shift_right_logical3A_221 = arith.shrui %get3A_218, %shift_right_logical3A_220 : vector<16xi32>
    %swap3A_222 = arith.constant 240 : index
    %swap3A_223 = tpu.vector_load %arg10[%swap3A_222] {strides = array<i32>} : memref<512xi32, #tpu.memory_space<vmem>>, vector<16xi32>,
    tpu.vector_store %arg10[%swap3A_222], %shift_right_logical3A_221 {strides = array<i32>} : memref<512xi32, #tpu.memory_space<vmem>>, vector<16xi32>,
    %get3A_224 = arith.constant 256 : index
    %get3A_225 = tpu.vector_load %arg7[%get3A_224] {strides = array<i32>} : memref<512xi32, #tpu.memory_space<vmem>>, vector<16xi32>,
    %shift_right_logical3A_226 = arith.constant 3 : i32
    %shift_right_logical3A_227 = vector.broadcast %shift_right_logical3A_226 : i32 to vector<16xi32>
    %shift_right_logical3A_228 = arith.shrui %get3A_225, %shift_right_logical3A_227 : vector<16xi32>
    %swap3A_229 = arith.constant 256 : index
    %swap3A_230 = tpu.vector_load %arg9[%swap3A_229] {strides = array<i32>} : memref<512xi32, #tpu.memory_space<vmem>>, vector<16xi32>,
    tpu.vector_store %arg9[%swap3A_229], %shift_right_logical3A_228 {strides = array<i32>} : memref<512xi32, #tpu.memory_space<vmem>>, vector<16xi32>,
    %get3A_231 = arith.constant 256 : index
    %get3A_232 = tpu.vector_load %arg8[%get3A_231] {strides = array<i32>} : memref<512xi32, #tpu.memory_space<vmem>>, vector<16xi32>,
    %shift_right_logical3A_233 = arith.constant 3 : i32
    %shift_right_logical3A_234 = vector.broadcast %shift_right_logical3A_233 : i32 to vector<16xi32>
    %shift_right_logical3A_235 = arith.shrui %get3A_232, %shift_right_logical3A_234 : vector<16xi32>
    %swap3A_236 = arith.constant 256 : index
    %swap3A_237 = tpu.vector_load %arg10[%swap3A_236] {strides = array<i32>} : memref<512xi32, #tpu.memory_space<vmem>>, vector<16xi32>,
    tpu.vector_store %arg10[%swap3A_236], %shift_right_logical3A_235 {strides = array<i32>} : memref<512xi32, #tpu.memory_space<vmem>>, vector<16xi32>,
    %get3A_238 = arith.constant 272 : index
    %get3A_239 = tpu.vector_load %arg7[%get3A_238] {strides = array<i32>} : memref<512xi32, #tpu.memory_space<vmem>>, vector<16xi32>,
    %shift_right_logical3A_240 = arith.constant 3 : i32
    %shift_right_logical3A_241 = vector.broadcast %shift_right_logical3A_240 : i32 to vector<16xi32>
    %shift_right_logical3A_242 = arith.shrui %get3A_239, %shift_right_logical3A_241 : vector<16xi32>
    %swap3A_243 = arith.constant 272 : index
    %swap3A_244 = tpu.vector_load %arg9[%swap3A_243] {strides = array<i32>} : memref<512xi32, #tpu.memory_space<vmem>>, vector<16xi32>,
    tpu.vector_store %arg9[%swap3A_243], %shift_right_logical3A_242 {strides = array<i32>} : memref<512xi32, #tpu.memory_space<vmem>>, vector<16xi32>,
    %get3A_245 = arith.constant 272 : index
    %get3A_246 = tpu.vector_load %arg8[%get3A_245] {strides = array<i32>} : memref<512xi32, #tpu.memory_space<vmem>>, vector<16xi32>,
    %shift_right_logical3A_247 = arith.constant 3 : i32
    %shift_right_logical3A_248 = vector.broadcast %shift_right_logical3A_247 : i32 to vector<16xi32>
    %shift_right_logical3A_249 = arith.shrui %get3A_246, %shift_right_logical3A_248 : vector<16xi32>
    %swap3A_250 = arith.constant 272 : index
    %swap3A_251 = tpu.vector_load %arg10[%swap3A_250] {strides = array<i32>} : memref<512xi32, #tpu.memory_space<vmem>>, vector<16xi32>,
    tpu.vector_store %arg10[%swap3A_250], %shift_right_logical3A_249 {strides = array<i32>} : memref<512xi32, #tpu.memory_space<vmem>>, vector<16xi32>,
    %get3A_252 = arith.constant 288 : index
    %get3A_253 = tpu.vector_load %arg7[%get3A_252] {strides = array<i32>} : memref<512xi32, #tpu.memory_space<vmem>>, vector<16xi32>,
    %shift_right_logical3A_254 = arith.constant 3 : i32
    %shift_right_logical3A_255 = vector.broadcast %shift_right_logical3A_254 : i32 to vector<16xi32>
    %shift_right_logical3A_256 = arith.shrui %get3A_253, %shift_right_logical3A_255 : vector<16xi32>
    %swap3A_257 = arith.constant 288 : index
    %swap3A_258 = tpu.vector_load %arg9[%swap3A_257] {strides = array<i32>} : memref<512xi32, #tpu.memory_space<vmem>>, vector<16xi32>,
    tpu.vector_store %arg9[%swap3A_257], %shift_right_logical3A_256 {strides = array<i32>} : memref<512xi32, #tpu.memory_space<vmem>>, vector<16xi32>,
    %get3A_259 = arith.constant 288 : index
    %get3A_260 = tpu.vector_load %arg8[%get3A_259] {strides = array<i32>} : memref<512xi32, #tpu.memory_space<vmem>>, vector<16xi32>,
    %shift_right_logical3A_261 = arith.constant 3 : i32
    %shift_right_logical3A_262 = vector.broadcast %shift_right_logical3A_261 : i32 to vector<16xi32>
    %shift_right_logical3A_263 = arith.shrui %get3A_260, %shift_right_logical3A_262 : vector<16xi32>
    %swap3A_264 = arith.constant 288 : index
    %swap3A_265 = tpu.vector_load %arg10[%swap3A_264] {strides = array<i32>} : memref<512xi32, #tpu.memory_space<vmem>>, vector<16xi32>,
    tpu.vector_store %arg10[%swap3A_264], %shift_right_logical3A_263 {strides = array<i32>} : memref<512xi32, #tpu.memory_space<vmem>>, vector<16xi32>,
    %get3A_266 = arith.constant 304 : index
    %get3A_267 = tpu.vector_load %arg7[%get3A_266] {strides = array<i32>} : memref<512xi32, #tpu.memory_space<vmem>>, vector<16xi32>,
    %shift_right_logical3A_268 = arith.constant 3 : i32
    %shift_right_logical3A_269 = vector.broadcast %shift_right_logical3A_268 : i32 to vector<16xi32>
    %shift_right_logical3A_270 = arith.shrui %get3A_267, %shift_right_logical3A_269 : vector<16xi32>
    %swap3A_271 = arith.constant 304 : index
    %swap3A_272 = tpu.vector_load %arg9[%swap3A_271] {strides = array<i32>} : memref<512xi32, #tpu.memory_space<vmem>>, vector<16xi32>,
    tpu.vector_store %arg9[%swap3A_271], %shift_right_logical3A_270 {strides = array<i32>} : memref<512xi32, #tpu.memory_space<vmem>>, vector<16xi32>,
    %get3A_273 = arith.constant 304 : index
    %get3A_274 = tpu.vector_load %arg8[%get3A_273] {strides = array<i32>} : memref<512xi32, #tpu.memory_space<vmem>>, vector<16xi32>,
    %shift_right_logical3A_275 = arith.constant 3 : i32
    %shift_right_logical3A_276 = vector.broadcast %shift_right_logical3A_275 : i32 to vector<16xi32>
    %shift_right_logical3A_277 = arith.shrui %get3A_274, %shift_right_logical3A_276 : vector<16xi32>
    %swap3A_278 = arith.constant 304 : index
    %swap3A_279 = tpu.vector_load %arg10[%swap3A_278] {strides = array<i32>} : memref<512xi32, #tpu.memory_space<vmem>>, vector<16xi32>,
    tpu.vector_store %arg10[%swap3A_278], %shift_right_logical3A_277 {strides = array<i32>} : memref<512xi32, #tpu.memory_space<vmem>>, vector<16xi32>,
    %get3A_280 = arith.constant 320 : index
    %get3A_281 = tpu.vector_load %arg7[%get3A_280] {strides = array<i32>} : memref<512xi32, #tpu.memory_space<vmem>>, vector<16xi32>,
    %shift_right_logical3A_282 = arith.constant 3 : i32
    %shift_right_logical3A_283 = vector.broadcast %shift_right_logical3A_282 : i32 to vector<16xi32>
    %shift_right_logical3A_284 = arith.shrui %get3A_281, %shift_right_logical3A_283 : vector<16xi32>
    %swap3A_285 = arith.constant 320 : index
    %swap3A_286 = tpu.vector_load %arg9[%swap3A_285] {strides = array<i32>} : memref<512xi32, #tpu.memory_space<vmem>>, vector<16xi32>,
    tpu.vector_store %arg9[%swap3A_285], %shift_right_logical3A_284 {strides = array<i32>} : memref<512xi32, #tpu.memory_space<vmem>>, vector<16xi32>,
    %get3A_287 = arith.constant 320 : index
    %get3A_288 = tpu.vector_load %arg8[%get3A_287] {strides = array<i32>} : memref<512xi32, #tpu.memory_space<vmem>>, vector<16xi32>,
    %shift_right_logical3A_289 = arith.constant 3 : i32
    %shift_right_logical3A_290 = vector.broadcast %shift_right_logical3A_289 : i32 to vector<16xi32>
    %shift_right_logical3A_291 = arith.shrui %get3A_288, %shift_right_logical3A_290 : vector<16xi32>
    %swap3A_292 = arith.constant 320 : index
    %swap3A_293 = tpu.vector_load %arg10[%swap3A_292] {strides = array<i32>} : memref<512xi32, #tpu.memory_space<vmem>>, vector<16xi32>,
    tpu.vector_store %arg10[%swap3A_292], %shift_right_logical3A_291 {strides = array<i32>} : memref<512xi32, #tpu.memory_space<vmem>>, vector<16xi32>,
    %get3A_294 = arith.constant 336 : index
    %get3A_295 = tpu.vector_load %arg7[%get3A_294] {strides = array<i32>} : memref<512xi32, #tpu.memory_space<vmem>>, vector<16xi32>,
    %shift_right_logical3A_296 = arith.constant 3 : i32
    %shift_right_logical3A_297 = vector.broadcast %shift_right_logical3A_296 : i32 to vector<16xi32>
    %shift_right_logical3A_298 = arith.shrui %get3A_295, %shift_right_logical3A_297 : vector<16xi32>
    %swap3A_299 = arith.constant 336 : index
    %swap3A_300 = tpu.vector_load %arg9[%swap3A_299] {strides = array<i32>} : memref<512xi32, #tpu.memory_space<vmem>>, vector<16xi32>,
    tpu.vector_store %arg9[%swap3A_299], %shift_right_logical3A_298 {strides = array<i32>} : memref<512xi32, #tpu.memory_space<vmem>>, vector<16xi32>,
    %get3A_301 = arith.constant 336 : index
    %get3A_302 = tpu.vector_load %arg8[%get3A_301] {strides = array<i32>} : memref<512xi32, #tpu.memory_space<vmem>>, vector<16xi32>,
    %shift_right_logical3A_303 = arith.constant 3 : i32
    %shift_right_logical3A_304 = vector.broadcast %shift_right_logical3A_303 : i32 to vector<16xi32>
    %shift_right_logical3A_305 = arith.shrui %get3A_302, %shift_right_logical3A_304 : vector<16xi32>
    %swap3A_306 = arith.constant 336 : index
    %swap3A_307 = tpu.vector_load %arg10[%swap3A_306] {strides = array<i32>} : memref<512xi32, #tpu.memory_space<vmem>>, vector<16xi32>,
    tpu.vector_store %arg10[%swap3A_306], %shift_right_logical3A_305 {strides = array<i32>} : memref<512xi32, #tpu.memory_space<vmem>>, vector<16xi32>,
    %get3A_308 = arith.constant 352 : index
    %get3A_309 = tpu.vector_load %arg7[%get3A_308] {strides = array<i32>} : memref<512xi32, #tpu.memory_space<vmem>>, vector<16xi32>,
    %shift_right_logical3A_310 = arith.constant 3 : i32
    %shift_right_logical3A_311 = vector.broadcast %shift_right_logical3A_310 : i32 to vector<16xi32>
    %shift_right_logical3A_312 = arith.shrui %get3A_309, %shift_right_logical3A_311 : vector<16xi32>
    %swap3A_313 = arith.constant 352 : index
    %swap3A_314 = tpu.vector_load %arg9[%swap3A_313] {strides = array<i32>} : memref<512xi32, #tpu.memory_space<vmem>>, vector<16xi32>,
    tpu.vector_store %arg9[%swap3A_313], %shift_right_logical3A_312 {strides = array<i32>} : memref<512xi32, #tpu.memory_space<vmem>>, vector<16xi32>,
    %get3A_315 = arith.constant 352 : index
    %get3A_316 = tpu.vector_load %arg8[%get3A_315] {strides = array<i32>} : memref<512xi32, #tpu.memory_space<vmem>>, vector<16xi32>,
    %shift_right_logical3A_317 = arith.constant 3 : i32
    %shift_right_logical3A_318 = vector.broadcast %shift_right_logical3A_317 : i32 to vector<16xi32>
    %shift_right_logical3A_319 = arith.shrui %get3A_316, %shift_right_logical3A_318 : vector<16xi32>
    %swap3A_320 = arith.constant 352 : index
    %swap3A_321 = tpu.vector_load %arg10[%swap3A_320] {strides = array<i32>} : memref<512xi32, #tpu.memory_space<vmem>>, vector<16xi32>,
    tpu.vector_store %arg10[%swap3A_320], %shift_right_logical3A_319 {strides = array<i32>} : memref<512xi32, #tpu.memory_space<vmem>>, vector<16xi32>,
    %get3A_322 = arith.constant 368 : index
    %get3A_323 = tpu.vector_load %arg7[%get3A_322] {strides = array<i32>} : memref<512xi32, #tpu.memory_space<vmem>>, vector<16xi32>,
    %shift_right_logical3A_324 = arith.constant 3 : i32
    %shift_right_logical3A_325 = vector.broadcast %shift_right_logical3A_324 : i32 to vector<16xi32>
    %shift_right_logical3A_326 = arith.shrui %get3A_323, %shift_right_logical3A_325 : vector<16xi32>
    %swap3A_327 = arith.constant 368 : index
    %swap3A_328 = tpu.vector_load %arg9[%swap3A_327] {strides = array<i32>} : memref<512xi32, #tpu.memory_space<vmem>>, vector<16xi32>,
    tpu.vector_store %arg9[%swap3A_327], %shift_right_logical3A_326 {strides = array<i32>} : memref<512xi32, #tpu.memory_space<vmem>>, vector<16xi32>,
    %get3A_329 = arith.constant 368 : index
    %get3A_330 = tpu.vector_load %arg8[%get3A_329] {strides = array<i32>} : memref<512xi32, #tpu.memory_space<vmem>>, vector<16xi32>,
    %shift_right_logical3A_331 = arith.constant 3 : i32
    %shift_right_logical3A_332 = vector.broadcast %shift_right_logical3A_331 : i32 to vector<16xi32>
    %shift_right_logical3A_333 = arith.shrui %get3A_330, %shift_right_logical3A_332 : vector<16xi32>
    %swap3A_334 = arith.constant 368 : index
    %swap3A_335 = tpu.vector_load %arg10[%swap3A_334] {strides = array<i32>} : memref<512xi32, #tpu.memory_space<vmem>>, vector<16xi32>,
    tpu.vector_store %arg10[%swap3A_334], %shift_right_logical3A_333 {strides = array<i32>} : memref<512xi32, #tpu.memory_space<vmem>>, vector<16xi32>,
    %get3A_336 = arith.constant 384 : index
    %get3A_337 = tpu.vector_load %arg7[%get3A_336] {strides = array<i32>} : memref<512xi32, #tpu.memory_space<vmem>>, vector<16xi32>,
    %shift_right_logical3A_338 = arith.constant 3 : i32
    %shift_right_logical3A_339 = vector.broadcast %shift_right_logical3A_338 : i32 to vector<16xi32>
    %shift_right_logical3A_340 = arith.shrui %get3A_337, %shift_right_logical3A_339 : vector<16xi32>
    %swap3A_341 = arith.constant 384 : index
    %swap3A_342 = tpu.vector_load %arg9[%swap3A_341] {strides = array<i32>} : memref<512xi32, #tpu.memory_space<vmem>>, vector<16xi32>,
    tpu.vector_store %arg9[%swap3A_341], %shift_right_logical3A_340 {strides = array<i32>} : memref<512xi32, #tpu.memory_space<vmem>>, vector<16xi32>,
    %get3A_343 = arith.constant 384 : index
    %get3A_344 = tpu.vector_load %arg8[%get3A_343] {strides = array<i32>} : memref<512xi32, #tpu.memory_space<vmem>>, vector<16xi32>,
    %shift_right_logical3A_345 = arith.constant 3 : i32
    %shift_right_logical3A_346 = vector.broadcast %shift_right_logical3A_345 : i32 to vector<16xi32>
    %shift_right_logical3A_347 = arith.shrui %get3A_344, %shift_right_logical3A_346 : vector<16xi32>
    %swap3A_348 = arith.constant 384 : index
    %swap3A_349 = tpu.vector_load %arg10[%swap3A_348] {strides = array<i32>} : memref<512xi32, #tpu.memory_space<vmem>>, vector<16xi32>,
    tpu.vector_store %arg10[%swap3A_348], %shift_right_logical3A_347 {strides = array<i32>} : memref<512xi32, #tpu.memory_space<vmem>>, vector<16xi32>,
    %get3A_350 = arith.constant 400 : index
    %get3A_351 = tpu.vector_load %arg7[%get3A_350] {strides = array<i32>} : memref<512xi32, #tpu.memory_space<vmem>>, vector<16xi32>,
    %shift_right_logical3A_352 = arith.constant 3 : i32
    %shift_right_logical3A_353 = vector.broadcast %shift_right_logical3A_352 : i32 to vector<16xi32>
    %shift_right_logical3A_354 = arith.shrui %get3A_351, %shift_right_logical3A_353 : vector<16xi32>
    %swap3A_355 = arith.constant 400 : index
    %swap3A_356 = tpu.vector_load %arg9[%swap3A_355] {strides = array<i32>} : memref<512xi32, #tpu.memory_space<vmem>>, vector<16xi32>,
    tpu.vector_store %arg9[%swap3A_355], %shift_right_logical3A_354 {strides = array<i32>} : memref<512xi32, #tpu.memory_space<vmem>>, vector<16xi32>,
    %get3A_357 = arith.constant 400 : index
    %get3A_358 = tpu.vector_load %arg8[%get3A_357] {strides = array<i32>} : memref<512xi32, #tpu.memory_space<vmem>>, vector<16xi32>,
    %shift_right_logical3A_359 = arith.constant 3 : i32
    %shift_right_logical3A_360 = vector.broadcast %shift_right_logical3A_359 : i32 to vector<16xi32>
    %shift_right_logical3A_361 = arith.shrui %get3A_358, %shift_right_logical3A_360 : vector<16xi32>
    %swap3A_362 = arith.constant 400 : index
    %swap3A_363 = tpu.vector_load %arg10[%swap3A_362] {strides = array<i32>} : memref<512xi32, #tpu.memory_space<vmem>>, vector<16xi32>,
    tpu.vector_store %arg10[%swap3A_362], %shift_right_logical3A_361 {strides = array<i32>} : memref<512xi32, #tpu.memory_space<vmem>>, vector<16xi32>,
    %get3A_364 = arith.constant 416 : index
    %get3A_365 = tpu.vector_load %arg7[%get3A_364] {strides = array<i32>} : memref<512xi32, #tpu.memory_space<vmem>>, vector<16xi32>,
    %shift_right_logical3A_366 = arith.constant 3 : i32
    %shift_right_logical3A_367 = vector.broadcast %shift_right_logical3A_366 : i32 to vector<16xi32>
    %shift_right_logical3A_368 = arith.shrui %get3A_365, %shift_right_logical3A_367 : vector<16xi32>
    %swap3A_369 = arith.constant 416 : index
    %swap3A_370 = tpu.vector_load %arg9[%swap3A_369] {strides = array<i32>} : memref<512xi32, #tpu.memory_space<vmem>>, vector<16xi32>,
    tpu.vector_store %arg9[%swap3A_369], %shift_right_logical3A_368 {strides = array<i32>} : memref<512xi32, #tpu.memory_space<vmem>>, vector<16xi32>,
    %get3A_371 = arith.constant 416 : index
    %get3A_372 = tpu.vector_load %arg8[%get3A_371] {strides = array<i32>} : memref<512xi32, #tpu.memory_space<vmem>>, vector<16xi32>,
    %shift_right_logical3A_373 = arith.constant 3 : i32
    %shift_right_logical3A_374 = vector.broadcast %shift_right_logical3A_373 : i32 to vector<16xi32>
    %shift_right_logical3A_375 = arith.shrui %get3A_372, %shift_right_logical3A_374 : vector<16xi32>
    %swap3A_376 = arith.constant 416 : index
    %swap3A_377 = tpu.vector_load %arg10[%swap3A_376] {strides = array<i32>} : memref<512xi32, #tpu.memory_space<vmem>>, vector<16xi32>,
    tpu.vector_store %arg10[%swap3A_376], %shift_right_logical3A_375 {strides = array<i32>} : memref<512xi32, #tpu.memory_space<vmem>>, vector<16xi32>,
    %get3A_378 = arith.constant 432 : index
    %get3A_379 = tpu.vector_load %arg7[%get3A_378] {strides = array<i32>} : memref<512xi32, #tpu.memory_space<vmem>>, vector<16xi32>,
    %shift_right_logical3A_380 = arith.constant 3 : i32
    %shift_right_logical3A_381 = vector.broadcast %shift_right_logical3A_380 : i32 to vector<16xi32>
    %shift_right_logical3A_382 = arith.shrui %get3A_379, %shift_right_logical3A_381 : vector<16xi32>
    %swap3A_383 = arith.constant 432 : index
    %swap3A_384 = tpu.vector_load %arg9[%swap3A_383] {strides = array<i32>} : memref<512xi32, #tpu.memory_space<vmem>>, vector<16xi32>,
    tpu.vector_store %arg9[%swap3A_383], %shift_right_logical3A_382 {strides = array<i32>} : memref<512xi32, #tpu.memory_space<vmem>>, vector<16xi32>,
    %get3A_385 = arith.constant 432 : index
    %get3A_386 = tpu.vector_load %arg8[%get3A_385] {strides = array<i32>} : memref<512xi32, #tpu.memory_space<vmem>>, vector<16xi32>,
    %shift_right_logical3A_387 = arith.constant 3 : i32
    %shift_right_logical3A_388 = vector.broadcast %shift_right_logical3A_387 : i32 to vector<16xi32>
    %shift_right_logical3A_389 = arith.shrui %get3A_386, %shift_right_logical3A_388 : vector<16xi32>
    %swap3A_390 = arith.constant 432 : index
    %swap3A_391 = tpu.vector_load %arg10[%swap3A_390] {strides = array<i32>} : memref<512xi32, #tpu.memory_space<vmem>>, vector<16xi32>,
    tpu.vector_store %arg10[%swap3A_390], %shift_right_logical3A_389 {strides = array<i32>} : memref<512xi32, #tpu.memory_space<vmem>>, vector<16xi32>,
    %get3A_392 = arith.constant 448 : index
    %get3A_393 = tpu.vector_load %arg7[%get3A_392] {strides = array<i32>} : memref<512xi32, #tpu.memory_space<vmem>>, vector<16xi32>,
    %shift_right_logical3A_394 = arith.constant 3 : i32
    %shift_right_logical3A_395 = vector.broadcast %shift_right_logical3A_394 : i32 to vector<16xi32>
    %shift_right_logical3A_396 = arith.shrui %get3A_393, %shift_right_logical3A_395 : vector<16xi32>
    %swap3A_397 = arith.constant 448 : index
    %swap3A_398 = tpu.vector_load %arg9[%swap3A_397] {strides = array<i32>} : memref<512xi32, #tpu.memory_space<vmem>>, vector<16xi32>,
    tpu.vector_store %arg9[%swap3A_397], %shift_right_logical3A_396 {strides = array<i32>} : memref<512xi32, #tpu.memory_space<vmem>>, vector<16xi32>,
    %get3A_399 = arith.constant 448 : index
    %get3A_400 = tpu.vector_load %arg8[%get3A_399] {strides = array<i32>} : memref<512xi32, #tpu.memory_space<vmem>>, vector<16xi32>,
    %shift_right_logical3A_401 = arith.constant 3 : i32
    %shift_right_logical3A_402 = vector.broadcast %shift_right_logical3A_401 : i32 to vector<16xi32>
    %shift_right_logical3A_403 = arith.shrui %get3A_400, %shift_right_logical3A_402 : vector<16xi32>
    %swap3A_404 = arith.constant 448 : index
    %swap3A_405 = tpu.vector_load %arg10[%swap3A_404] {strides = array<i32>} : memref<512xi32, #tpu.memory_space<vmem>>, vector<16xi32>,
    tpu.vector_store %arg10[%swap3A_404], %shift_right_logical3A_403 {strides = array<i32>} : memref<512xi32, #tpu.memory_space<vmem>>, vector<16xi32>,
    %get3A_406 = arith.constant 464 : index
    %get3A_407 = tpu.vector_load %arg7[%get3A_406] {strides = array<i32>} : memref<512xi32, #tpu.memory_space<vmem>>, vector<16xi32>,
    %shift_right_logical3A_408 = arith.constant 3 : i32
    %shift_right_logical3A_409 = vector.broadcast %shift_right_logical3A_408 : i32 to vector<16xi32>
    %shift_right_logical3A_410 = arith.shrui %get3A_407, %shift_right_logical3A_409 : vector<16xi32>
    %swap3A_411 = arith.constant 464 : index
    %swap3A_412 = tpu.vector_load %arg9[%swap3A_411] {strides = array<i32>} : memref<512xi32, #tpu.memory_space<vmem>>, vector<16xi32>,
    tpu.vector_store %arg9[%swap3A_411], %shift_right_logical3A_410 {strides = array<i32>} : memref<512xi32, #tpu.memory_space<vmem>>, vector<16xi32>,
    %get3A_413 = arith.constant 464 : index
    %get3A_414 = tpu.vector_load %arg8[%get3A_413] {strides = array<i32>} : memref<512xi32, #tpu.memory_space<vmem>>, vector<16xi32>,
    %shift_right_logical3A_415 = arith.constant 3 : i32
    %shift_right_logical3A_416 = vector.broadcast %shift_right_logical3A_415 : i32 to vector<16xi32>
    %shift_right_logical3A_417 = arith.shrui %get3A_414, %shift_right_logical3A_416 : vector<16xi32>
    %swap3A_418 = arith.constant 464 : index
    %swap3A_419 = tpu.vector_load %arg10[%swap3A_418] {strides = array<i32>} : memref<512xi32, #tpu.memory_space<vmem>>, vector<16xi32>,
    tpu.vector_store %arg10[%swap3A_418], %shift_right_logical3A_417 {strides = array<i32>} : memref<512xi32, #tpu.memory_space<vmem>>, vector<16xi32>,
    %get3A_420 = arith.constant 480 : index
    %get3A_421 = tpu.vector_load %arg7[%get3A_420] {strides = array<i32>} : memref<512xi32, #tpu.memory_space<vmem>>, vector<16xi32>,
    %shift_right_logical3A_422 = arith.constant 3 : i32
    %shift_right_logical3A_423 = vector.broadcast %shift_right_logical3A_422 : i32 to vector<16xi32>
    %shift_right_logical3A_424 = arith.shrui %get3A_421, %shift_right_logical3A_423 : vector<16xi32>
    %swap3A_425 = arith.constant 480 : index
    %swap3A_426 = tpu.vector_load %arg9[%swap3A_425] {strides = array<i32>} : memref<512xi32, #tpu.memory_space<vmem>>, vector<16xi32>,
    tpu.vector_store %arg9[%swap3A_425], %shift_right_logical3A_424 {strides = array<i32>} : memref<512xi32, #tpu.memory_space<vmem>>, vector<16xi32>,
    %get3A_427 = arith.constant 480 : index
    %get3A_428 = tpu.vector_load %arg8[%get3A_427] {strides = array<i32>} : memref<512xi32, #tpu.memory_space<vmem>>, vector<16xi32>,
    %shift_right_logical3A_429 = arith.constant 3 : i32
    %shift_right_logical3A_430 = vector.broadcast %shift_right_logical3A_429 : i32 to vector<16xi32>
    %shift_right_logical3A_431 = arith.shrui %get3A_428, %shift_right_logical3A_430 : vector<16xi32>
    %swap3A_432 = arith.constant 480 : index
    %swap3A_433 = tpu.vector_load %arg10[%swap3A_432] {strides = array<i32>} : memref<512xi32, #tpu.memory_space<vmem>>, vector<16xi32>,
    tpu.vector_store %arg10[%swap3A_432], %shift_right_logical3A_431 {strides = array<i32>} : memref<512xi32, #tpu.memory_space<vmem>>, vector<16xi32>,
    %get3A_434 = arith.constant 496 : index
    %get3A_435 = tpu.vector_load %arg7[%get3A_434] {strides = array<i32>} : memref<512xi32, #tpu.memory_space<vmem>>, vector<16xi32>,
    %shift_right_logical3A_436 = arith.constant 3 : i32
    %shift_right_logical3A_437 = vector.broadcast %shift_right_logical3A_436 : i32 to vector<16xi32>
    %shift_right_logical3A_438 = arith.shrui %get3A_435, %shift_right_logical3A_437 : vector<16xi32>
    %swap3A_439 = arith.constant 496 : index
    %swap3A_440 = tpu.vector_load %arg9[%swap3A_439] {strides = array<i32>} : memref<512xi32, #tpu.memory_space<vmem>>, vector<16xi32>,
    tpu.vector_store %arg9[%swap3A_439], %shift_right_logical3A_438 {strides = array<i32>} : memref<512xi32, #tpu.memory_space<vmem>>, vector<16xi32>,
    %get3A_441 = arith.constant 496 : index
    %get3A_442 = tpu.vector_load %arg8[%get3A_441] {strides = array<i32>} : memref<512xi32, #tpu.memory_space<vmem>>, vector<16xi32>,
    %shift_right_logical3A_443 = arith.constant 3 : i32
    %shift_right_logical3A_444 = vector.broadcast %shift_right_logical3A_443 : i32 to vector<16xi32>
    %shift_right_logical3A_445 = arith.shrui %get3A_442, %shift_right_logical3A_444 : vector<16xi32>
    %swap3A_446 = arith.constant 496 : index
    %swap3A_447 = tpu.vector_load %arg10[%swap3A_446] {strides = array<i32>} : memref<512xi32, #tpu.memory_space<vmem>>, vector<16xi32>,
    tpu.vector_store %arg10[%swap3A_446], %shift_right_logical3A_445 {strides = array<i32>} : memref<512xi32, #tpu.memory_space<vmem>>, vector<16xi32>,
    %iota3A = tpu.iota {dimensions = array<i32: 0>} : vector<16xi32>
    %get3A_448 = arith.constant 0 : index
    %get3A_449 = tpu.vector_load %arg9[%get3A_448] {strides = array<i32>} : memref<512xi32, #tpu.memory_space<vmem>>, vector<16xi32>,
    %get3A_450 = arith.constant 0 : index
    %get3A_451 = tpu.vector_load %arg10[%get3A_450] {strides = array<i32>} : memref<512xi32, #tpu.memory_space<vmem>>, vector<16xi32>,
    %slice3A = vector.extract_strided_slice %get3A_449 {offsets = [0], sizes = [1], strides = [1]} : vector<16xi32> to vector<1xi32>
    %squeeze3A = vector.extract %slice3A[0] : i32 from vector<1xi32>
    %dma_start3A = arith.constant 0 : i32
    %dma_start3A_452 = arith.constant 0 : i32
    %dma_start3A_453 = arith.constant 0 : i32
    %dma_start3A_454 = tpu.memref_slice %arg11[%dma_start3A, %dma_start3A_452, %dma_start3A_453] : memref<16x8x64xf32, #tpu.memory_space<vmem>> -> memref<1x8x64xf32, #tpu.memory_space<vmem>>
    %dma_start3A_455 = tpu.memref_squeeze %dma_start3A_454 : memref<1x8x64xf32, #tpu.memory_space<vmem>> -> memref<8x64xf32, #tpu.memory_space<vmem>>
    %dma_start3A_456 = arith.constant 0 : i32
    %dma_start3A_457 = arith.constant 0 : i32
    %dma_start3A_458 = tpu.memref_slice %arg4[%squeeze3A, %dma_start3A_456, %dma_start3A_457] : memref<125000x8x64xf32, #tpu.memory_space<hbm>> -> memref<1x8x64xf32, #tpu.memory_space<hbm>>
    %dma_start3A_459 = tpu.memref_squeeze %dma_start3A_458 : memref<1x8x64xf32, #tpu.memory_space<hbm>> -> memref<8x64xf32, #tpu.memory_space<hbm>>
    %dma_start3A_460 = arith.constant 0 : i32
    %dma_start3A_461 = arith.constant 0 : i32
    %dma_start3A_462 = tpu.memref_slice %arg11[%dma_start3A, %dma_start3A_460, %dma_start3A_461] : memref<16x8x64xf32, #tpu.memory_space<vmem>> -> memref<1x8x64xf32, #tpu.memory_space<vmem>>
    %dma_start3A_463 = tpu.memref_squeeze %dma_start3A_462 : memref<1x8x64xf32, #tpu.memory_space<vmem>> -> memref<8x64xf32, #tpu.memory_space<vmem>>
    %dma_start3A_464 = arith.constant 0 : i32
    %dma_start3A_465 = arith.constant 0 : i32
    %dma_start3A_466 = tpu.memref_slice %arg4[%squeeze3A, %dma_start3A_464, %dma_start3A_465] : memref<125000x8x64xf32, #tpu.memory_space<hbm>> -> memref<1x8x64xf32, #tpu.memory_space<hbm>>
    %dma_start3A_467 = tpu.memref_squeeze %dma_start3A_466 : memref<1x8x64xf32, #tpu.memory_space<hbm>> -> memref<8x64xf32, #tpu.memory_space<hbm>>
    tpu.enqueue_dma source(%dma_start3A_467 : memref<8x64xf32, #tpu.memory_space<hbm>>) target(%dma_start3A_463 : memref<8x64xf32, #tpu.memory_space<vmem>>) target_semaphore(%arg16 : memref<!tpu.dma_semaphore, #tpu.memory_space<semaphore_mem>>)
    %slice3A_468 = vector.extract_strided_slice %get3A_451 {offsets = [0], sizes = [1], strides = [1]} : vector<16xi32> to vector<1xi32>
    %squeeze3A_469 = vector.extract %slice3A_468[0] : i32 from vector<1xi32>
    %dma_start3A_470 = arith.constant 0 : i32
    %dma_start3A_471 = arith.constant 0 : i32
    %dma_start3A_472 = arith.constant 0 : i32
    %dma_start3A_473 = tpu.memref_slice %arg13[%dma_start3A_470, %dma_start3A_471, %dma_start3A_472] : memref<16x8x64xf32, #tpu.memory_space<vmem>> -> memref<1x8x64xf32, #tpu.memory_space<vmem>>
    %dma_start3A_474 = tpu.memref_squeeze %dma_start3A_473 : memref<1x8x64xf32, #tpu.memory_space<vmem>> -> memref<8x64xf32, #tpu.memory_space<vmem>>
    %dma_start3A_475 = arith.constant 0 : i32
    %dma_start3A_476 = arith.constant 0 : i32
    %dma_start3A_477 = tpu.memref_slice %arg5[%squeeze3A_469, %dma_start3A_475, %dma_start3A_476] : memref<125000x8x64xf32, #tpu.memory_space<hbm>> -> memref<1x8x64xf32, #tpu.memory_space<hbm>>
    %dma_start3A_478 = tpu.memref_squeeze %dma_start3A_477 : memref<1x8x64xf32, #tpu.memory_space<hbm>> -> memref<8x64xf32, #tpu.memory_space<hbm>>
    %dma_start3A_479 = arith.constant 0 : i32
    %dma_start3A_480 = arith.constant 0 : i32
    %dma_start3A_481 = tpu.memref_slice %arg13[%dma_start3A_470, %dma_start3A_479, %dma_start3A_480] : memref<16x8x64xf32, #tpu.memory_space<vmem>> -> memref<1x8x64xf32, #tpu.memory_space<vmem>>
    %dma_start3A_482 = tpu.memref_squeeze %dma_start3A_481 : memref<1x8x64xf32, #tpu.memory_space<vmem>> -> memref<8x64xf32, #tpu.memory_space<vmem>>
    %dma_start3A_483 = arith.constant 0 : i32
    %dma_start3A_484 = arith.constant 0 : i32
    %dma_start3A_485 = tpu.memref_slice %arg5[%squeeze3A_469, %dma_start3A_483, %dma_start3A_484] : memref<125000x8x64xf32, #tpu.memory_space<hbm>> -> memref<1x8x64xf32, #tpu.memory_space<hbm>>
    %dma_start3A_486 = tpu.memref_squeeze %dma_start3A_485 : memref<1x8x64xf32, #tpu.memory_space<hbm>> -> memref<8x64xf32, #tpu.memory_space<hbm>>
    tpu.enqueue_dma source(%dma_start3A_486 : memref<8x64xf32, #tpu.memory_space<hbm>>) target(%dma_start3A_482 : memref<8x64xf32, #tpu.memory_space<vmem>>) target_semaphore(%arg18 : memref<!tpu.dma_semaphore, #tpu.memory_space<semaphore_mem>>)
    %slice3A_487 = vector.extract_strided_slice %get3A_449 {offsets = [1], sizes = [1], strides = [1]} : vector<16xi32> to vector<1xi32>
    %squeeze3A_488 = vector.extract %slice3A_487[0] : i32 from vector<1xi32>
    %dma_start3A_489 = arith.constant 1 : i32
    %dma_start3A_490 = arith.constant 0 : i32
    %dma_start3A_491 = arith.constant 0 : i32
    %dma_start3A_492 = tpu.memref_slice %arg11[%dma_start3A_489, %dma_start3A_490, %dma_start3A_491] : memref<16x8x64xf32, #tpu.memory_space<vmem>> -> memref<1x8x64xf32, #tpu.memory_space<vmem>>
    %dma_start3A_493 = tpu.memref_squeeze %dma_start3A_492 : memref<1x8x64xf32, #tpu.memory_space<vmem>> -> memref<8x64xf32, #tpu.memory_space<vmem>>
    %dma_start3A_494 = arith.constant 0 : i32
    %dma_start3A_495 = arith.constant 0 : i32
    %dma_start3A_496 = tpu.memref_slice %arg4[%squeeze3A_488, %dma_start3A_494, %dma_start3A_495] : memref<125000x8x64xf32, #tpu.memory_space<hbm>> -> memref<1x8x64xf32, #tpu.memory_space<hbm>>
    %dma_start3A_497 = tpu.memref_squeeze %dma_start3A_496 : memref<1x8x64xf32, #tpu.memory_space<hbm>> -> memref<8x64xf32, #tpu.memory_space<hbm>>
    %dma_start3A_498 = arith.constant 0 : i32
    %dma_start3A_499 = arith.constant 0 : i32
    %dma_start3A_500 = tpu.memref_slice %arg11[%dma_start3A_489, %dma_start3A_498, %dma_start3A_499] : memref<16x8x64xf32, #tpu.memory_space<vmem>> -> memref<1x8x64xf32, #tpu.memory_space<vmem>>
    %dma_start3A_501 = tpu.memref_squeeze %dma_start3A_500 : memref<1x8x64xf32, #tpu.memory_space<vmem>> -> memref<8x64xf32, #tpu.memory_space<vmem>>
    %dma_start3A_502 = arith.constant 0 : i32
    %dma_start3A_503 = arith.constant 0 : i32
    %dma_start3A_504 = tpu.memref_slice %arg4[%squeeze3A_488, %dma_start3A_502, %dma_start3A_503] : memref<125000x8x64xf32, #tpu.memory_space<hbm>> -> memref<1x8x64xf32, #tpu.memory_space<hbm>>
    %dma_start3A_505 = tpu.memref_squeeze %dma_start3A_504 : memref<1x8x64xf32, #tpu.memory_space<hbm>> -> memref<8x64xf32, #tpu.memory_space<hbm>>
    tpu.enqueue_dma source(%dma_start3A_505 : memref<8x64xf32, #tpu.memory_space<hbm>>) target(%dma_start3A_501 : memref<8x64xf32, #tpu.memory_space<vmem>>) target_semaphore(%arg16 : memref<!tpu.dma_semaphore, #tpu.memory_space<semaphore_mem>>)
    %slice3A_506 = vector.extract_strided_slice %get3A_451 {offsets = [1], sizes = [1], strides = [1]} : vector<16xi32> to vector<1xi32>
    %squeeze3A_507 = vector.extract %slice3A_506[0] : i32 from vector<1xi32>
    %dma_start3A_508 = arith.constant 1 : i32
    %dma_start3A_509 = arith.constant 0 : i32
    %dma_start3A_510 = arith.constant 0 : i32
    %dma_start3A_511 = tpu.memref_slice %arg13[%dma_start3A_508, %dma_start3A_509, %dma_start3A_510] : memref<16x8x64xf32, #tpu.memory_space<vmem>> -> memref<1x8x64xf32, #tpu.memory_space<vmem>>
    %dma_start3A_512 = tpu.memref_squeeze %dma_start3A_511 : memref<1x8x64xf32, #tpu.memory_space<vmem>> -> memref<8x64xf32, #tpu.memory_space<vmem>>
    %dma_start3A_513 = arith.constant 0 : i32
    %dma_start3A_514 = arith.constant 0 : i32
    %dma_start3A_515 = tpu.memref_slice %arg5[%squeeze3A_507, %dma_start3A_513, %dma_start3A_514] : memref<125000x8x64xf32, #tpu.memory_space<hbm>> -> memref<1x8x64xf32, #tpu.memory_space<hbm>>
    %dma_start3A_516 = tpu.memref_squeeze %dma_start3A_515 : memref<1x8x64xf32, #tpu.memory_space<hbm>> -> memref<8x64xf32, #tpu.memory_space<hbm>>
    %dma_start3A_517 = arith.constant 0 : i32
    %dma_start3A_518 = arith.constant 0 : i32
    %dma_start3A_519 = tpu.memref_slice %arg13[%dma_start3A_508, %dma_start3A_517, %dma_start3A_518] : memref<16x8x64xf32, #tpu.memory_space<vmem>> -> memref<1x8x64xf32, #tpu.memory_space<vmem>>
    %dma_start3A_520 = tpu.memref_squeeze %dma_start3A_519 : memref<1x8x64xf32, #tpu.memory_space<vmem>> -> memref<8x64xf32, #tpu.memory_space<vmem>>
    %dma_start3A_521 = arith.constant 0 : i32
    %dma_start3A_522 = arith.constant 0 : i32
    %dma_start3A_523 = tpu.memref_slice %arg5[%squeeze3A_507, %dma_start3A_521, %dma_start3A_522] : memref<125000x8x64xf32, #tpu.memory_space<hbm>> -> memref<1x8x64xf32, #tpu.memory_space<hbm>>
    %dma_start3A_524 = tpu.memref_squeeze %dma_start3A_523 : memref<1x8x64xf32, #tpu.memory_space<hbm>> -> memref<8x64xf32, #tpu.memory_space<hbm>>
    tpu.enqueue_dma source(%dma_start3A_524 : memref<8x64xf32, #tpu.memory_space<hbm>>) target(%dma_start3A_520 : memref<8x64xf32, #tpu.memory_space<vmem>>) target_semaphore(%arg18 : memref<!tpu.dma_semaphore, #tpu.memory_space<semaphore_mem>>)
    %slice3A_525 = vector.extract_strided_slice %get3A_449 {offsets = [2], sizes = [1], strides = [1]} : vector<16xi32> to vector<1xi32>
    %squeeze3A_526 = vector.extract %slice3A_525[0] : i32 from vector<1xi32>
    %dma_start3A_527 = arith.constant 2 : i32
    %dma_start3A_528 = arith.constant 0 : i32
    %dma_start3A_529 = arith.constant 0 : i32
    %dma_start3A_530 = tpu.memref_slice %arg11[%dma_start3A_527, %dma_start3A_528, %dma_start3A_529] : memref<16x8x64xf32, #tpu.memory_space<vmem>> -> memref<1x8x64xf32, #tpu.memory_space<vmem>>
    %dma_start3A_531 = tpu.memref_squeeze %dma_start3A_530 : memref<1x8x64xf32, #tpu.memory_space<vmem>> -> memref<8x64xf32, #tpu.memory_space<vmem>>
    %dma_start3A_532 = arith.constant 0 : i32
    %dma_start3A_533 = arith.constant 0 : i32
    %dma_start3A_534 = tpu.memref_slice %arg4[%squeeze3A_526, %dma_start3A_532, %dma_start3A_533] : memref<125000x8x64xf32, #tpu.memory_space<hbm>> -> memref<1x8x64xf32, #tpu.memory_space<hbm>>
    %dma_start3A_535 = tpu.memref_squeeze %dma_start3A_534 : memref<1x8x64xf32, #tpu.memory_space<hbm>> -> memref<8x64xf32, #tpu.memory_space<hbm>>
    %dma_start3A_536 = arith.constant 0 : i32
    %dma_start3A_537 = arith.constant 0 : i32
    %dma_start3A_538 = tpu.memref_slice %arg11[%dma_start3A_527, %dma_start3A_536, %dma_start3A_537] : memref<16x8x64xf32, #tpu.memory_space<vmem>> -> memref<1x8x64xf32, #tpu.memory_space<vmem>>
    %dma_start3A_539 = tpu.memref_squeeze %dma_start3A_538 : memref<1x8x64xf32, #tpu.memory_space<vmem>> -> memref<8x64xf32, #tpu.memory_space<vmem>>
    %dma_start3A_540 = arith.constant 0 : i32
    %dma_start3A_541 = arith.constant 0 : i32
    %dma_start3A_542 = tpu.memref_slice %arg4[%squeeze3A_526, %dma_start3A_540, %dma_start3A_541] : memref<125000x8x64xf32, #tpu.memory_space<hbm>> -> memref<1x8x64xf32, #tpu.memory_space<hbm>>
    %dma_start3A_543 = tpu.memref_squeeze %dma_start3A_542 : memref<1x8x64xf32, #tpu.memory_space<hbm>> -> memref<8x64xf32, #tpu.memory_space<hbm>>
    tpu.enqueue_dma source(%dma_start3A_543 : memref<8x64xf32, #tpu.memory_space<hbm>>) target(%dma_start3A_539 : memref<8x64xf32, #tpu.memory_space<vmem>>) target_semaphore(%arg16 : memref<!tpu.dma_semaphore, #tpu.memory_space<semaphore_mem>>)
    %slice3A_544 = vector.extract_strided_slice %get3A_451 {offsets = [2], sizes = [1], strides = [1]} : vector<16xi32> to vector<1xi32>
    %squeeze3A_545 = vector.extract %slice3A_544[0] : i32 from vector<1xi32>
    %dma_start3A_546 = arith.constant 2 : i32
    %dma_start3A_547 = arith.constant 0 : i32
    %dma_start3A_548 = arith.constant 0 : i32
    %dma_start3A_549 = tpu.memref_slice %arg13[%dma_start3A_546, %dma_start3A_547, %dma_start3A_548] : memref<16x8x64xf32, #tpu.memory_space<vmem>> -> memref<1x8x64xf32, #tpu.memory_space<vmem>>
    %dma_start3A_550 = tpu.memref_squeeze %dma_start3A_549 : memref<1x8x64xf32, #tpu.memory_space<vmem>> -> memref<8x64xf32, #tpu.memory_space<vmem>>
    %dma_start3A_551 = arith.constant 0 : i32
    %dma_start3A_552 = arith.constant 0 : i32
    %dma_start3A_553 = tpu.memref_slice %arg5[%squeeze3A_545, %dma_start3A_551, %dma_start3A_552] : memref<125000x8x64xf32, #tpu.memory_space<hbm>> -> memref<1x8x64xf32, #tpu.memory_space<hbm>>
    %dma_start3A_554 = tpu.memref_squeeze %dma_start3A_553 : memref<1x8x64xf32, #tpu.memory_space<hbm>> -> memref<8x64xf32, #tpu.memory_space<hbm>>
    %dma_start3A_555 = arith.constant 0 : i32
    %dma_start3A_556 = arith.constant 0 : i32
    %dma_start3A_557 = tpu.memref_slice %arg13[%dma_start3A_546, %dma_start3A_555, %dma_start3A_556] : memref<16x8x64xf32, #tpu.memory_space<vmem>> -> memref<1x8x64xf32, #tpu.memory_space<vmem>>
    %dma_start3A_558 = tpu.memref_squeeze %dma_start3A_557 : memref<1x8x64xf32, #tpu.memory_space<vmem>> -> memref<8x64xf32, #tpu.memory_space<vmem>>
    %dma_start3A_559 = arith.constant 0 : i32
    %dma_start3A_560 = arith.constant 0 : i32
    %dma_start3A_561 = tpu.memref_slice %arg5[%squeeze3A_545, %dma_start3A_559, %dma_start3A_560] : memref<125000x8x64xf32, #tpu.memory_space<hbm>> -> memref<1x8x64xf32, #tpu.memory_space<hbm>>
    %dma_start3A_562 = tpu.memref_squeeze %dma_start3A_561 : memref<1x8x64xf32, #tpu.memory_space<hbm>> -> memref<8x64xf32, #tpu.memory_space<hbm>>
    tpu.enqueue_dma source(%dma_start3A_562 : memref<8x64xf32, #tpu.memory_space<hbm>>) target(%dma_start3A_558 : memref<8x64xf32, #tpu.memory_space<vmem>>) target_semaphore(%arg18 : memref<!tpu.dma_semaphore, #tpu.memory_space<semaphore_mem>>)
    %slice3A_563 = vector.extract_strided_slice %get3A_449 {offsets = [3], sizes = [1], strides = [1]} : vector<16xi32> to vector<1xi32>
    %squeeze3A_564 = vector.extract %slice3A_563[0] : i32 from vector<1xi32>
    %dma_start3A_565 = arith.constant 3 : i32
    %dma_start3A_566 = arith.constant 0 : i32
    %dma_start3A_567 = arith.constant 0 : i32
    %dma_start3A_568 = tpu.memref_slice %arg11[%dma_start3A_565, %dma_start3A_566, %dma_start3A_567] : memref<16x8x64xf32, #tpu.memory_space<vmem>> -> memref<1x8x64xf32, #tpu.memory_space<vmem>>
    %dma_start3A_569 = tpu.memref_squeeze %dma_start3A_568 : memref<1x8x64xf32, #tpu.memory_space<vmem>> -> memref<8x64xf32, #tpu.memory_space<vmem>>
    %dma_start3A_570 = arith.constant 0 : i32
    %dma_start3A_571 = arith.constant 0 : i32
    %dma_start3A_572 = tpu.memref_slice %arg4[%squeeze3A_564, %dma_start3A_570, %dma_start3A_571] : memref<125000x8x64xf32, #tpu.memory_space<hbm>> -> memref<1x8x64xf32, #tpu.memory_space<hbm>>
    %dma_start3A_573 = tpu.memref_squeeze %dma_start3A_572 : memref<1x8x64xf32, #tpu.memory_space<hbm>> -> memref<8x64xf32, #tpu.memory_space<hbm>>
    %dma_start3A_574 = arith.constant 0 : i32
    %dma_start3A_575 = arith.constant 0 : i32
    %dma_start3A_576 = tpu.memref_slice %arg11[%dma_start3A_565, %dma_start3A_574, %dma_start3A_575] : memref<16x8x64xf32, #tpu.memory_space<vmem>> -> memref<1x8x64xf32, #tpu.memory_space<vmem>>
    %dma_start3A_577 = tpu.memref_squeeze %dma_start3A_576 : memref<1x8x64xf32, #tpu.memory_space<vmem>> -> memref<8x64xf32, #tpu.memory_space<vmem>>
    %dma_start3A_578 = arith.constant 0 : i32
    %dma_start3A_579 = arith.constant 0 : i32
    %dma_start3A_580 = tpu.memref_slice %arg4[%squeeze3A_564, %dma_start3A_578, %dma_start3A_579] : memref<125000x8x64xf32, #tpu.memory_space<hbm>> -> memref<1x8x64xf32, #tpu.memory_space<hbm>>
    %dma_start3A_581 = tpu.memref_squeeze %dma_start3A_580 : memref<1x8x64xf32, #tpu.memory_space<hbm>> -> memref<8x64xf32, #tpu.memory_space<hbm>>
    tpu.enqueue_dma source(%dma_start3A_581 : memref<8x64xf32, #tpu.memory_space<hbm>>) target(%dma_start3A_577 : memref<8x64xf32, #tpu.memory_space<vmem>>) target_semaphore(%arg16 : memref<!tpu.dma_semaphore, #tpu.memory_space<semaphore_mem>>)
    %slice3A_582 = vector.extract_strided_slice %get3A_451 {offsets = [3], sizes = [1], strides = [1]} : vector<16xi32> to vector<1xi32>
    %squeeze3A_583 = vector.extract %slice3A_582[0] : i32 from vector<1xi32>
    %dma_start3A_584 = arith.constant 3 : i32
    %dma_start3A_585 = arith.constant 0 : i32
    %dma_start3A_586 = arith.constant 0 : i32
    %dma_start3A_587 = tpu.memref_slice %arg13[%dma_start3A_584, %dma_start3A_585, %dma_start3A_586] : memref<16x8x64xf32, #tpu.memory_space<vmem>> -> memref<1x8x64xf32, #tpu.memory_space<vmem>>
    %dma_start3A_588 = tpu.memref_squeeze %dma_start3A_587 : memref<1x8x64xf32, #tpu.memory_space<vmem>> -> memref<8x64xf32, #tpu.memory_space<vmem>>
    %dma_start3A_589 = arith.constant 0 : i32
    %dma_start3A_590 = arith.constant 0 : i32
    %dma_start3A_591 = tpu.memref_slice %arg5[%squeeze3A_583, %dma_start3A_589, %dma_start3A_590] : memref<125000x8x64xf32, #tpu.memory_space<hbm>> -> memref<1x8x64xf32, #tpu.memory_space<hbm>>
    %dma_start3A_592 = tpu.memref_squeeze %dma_start3A_591 : memref<1x8x64xf32, #tpu.memory_space<hbm>> -> memref<8x64xf32, #tpu.memory_space<hbm>>
    %dma_start3A_593 = arith.constant 0 : i32
    %dma_start3A_594 = arith.constant 0 : i32
    %dma_start3A_595 = tpu.memref_slice %arg13[%dma_start3A_584, %dma_start3A_593, %dma_start3A_594] : memref<16x8x64xf32, #tpu.memory_space<vmem>> -> memref<1x8x64xf32, #tpu.memory_space<vmem>>
    %dma_start3A_596 = tpu.memref_squeeze %dma_start3A_595 : memref<1x8x64xf32, #tpu.memory_space<vmem>> -> memref<8x64xf32, #tpu.memory_space<vmem>>
    %dma_start3A_597 = arith.constant 0 : i32
    %dma_start3A_598 = arith.constant 0 : i32
    %dma_start3A_599 = tpu.memref_slice %arg5[%squeeze3A_583, %dma_start3A_597, %dma_start3A_598] : memref<125000x8x64xf32, #tpu.memory_space<hbm>> -> memref<1x8x64xf32, #tpu.memory_space<hbm>>
    %dma_start3A_600 = tpu.memref_squeeze %dma_start3A_599 : memref<1x8x64xf32, #tpu.memory_space<hbm>> -> memref<8x64xf32, #tpu.memory_space<hbm>>
    tpu.enqueue_dma source(%dma_start3A_600 : memref<8x64xf32, #tpu.memory_space<hbm>>) target(%dma_start3A_596 : memref<8x64xf32, #tpu.memory_space<vmem>>) target_semaphore(%arg18 : memref<!tpu.dma_semaphore, #tpu.memory_space<semaphore_mem>>)
    %slice3A_601 = vector.extract_strided_slice %get3A_449 {offsets = [4], sizes = [1], strides = [1]} : vector<16xi32> to vector<1xi32>
    %squeeze3A_602 = vector.extract %slice3A_601[0] : i32 from vector<1xi32>
    %dma_start3A_603 = arith.constant 4 : i32
    %dma_start3A_604 = arith.constant 0 : i32
    %dma_start3A_605 = arith.constant 0 : i32
    %dma_start3A_606 = tpu.memref_slice %arg11[%dma_start3A_603, %dma_start3A_604, %dma_start3A_605] : memref<16x8x64xf32, #tpu.memory_space<vmem>> -> memref<1x8x64xf32, #tpu.memory_space<vmem>>
    %dma_start3A_607 = tpu.memref_squeeze %dma_start3A_606 : memref<1x8x64xf32, #tpu.memory_space<vmem>> -> memref<8x64xf32, #tpu.memory_space<vmem>>
    %dma_start3A_608 = arith.constant 0 : i32
    %dma_start3A_609 = arith.constant 0 : i32
    %dma_start3A_610 = tpu.memref_slice %arg4[%squeeze3A_602, %dma_start3A_608, %dma_start3A_609] : memref<125000x8x64xf32, #tpu.memory_space<hbm>> -> memref<1x8x64xf32, #tpu.memory_space<hbm>>
    %dma_start3A_611 = tpu.memref_squeeze %dma_start3A_610 : memref<1x8x64xf32, #tpu.memory_space<hbm>> -> memref<8x64xf32, #tpu.memory_space<hbm>>
    %dma_start3A_612 = arith.constant 0 : i32
    %dma_start3A_613 = arith.constant 0 : i32
    %dma_start3A_614 = tpu.memref_slice %arg11[%dma_start3A_603, %dma_start3A_612, %dma_start3A_613] : memref<16x8x64xf32, #tpu.memory_space<vmem>> -> memref<1x8x64xf32, #tpu.memory_space<vmem>>
    %dma_start3A_615 = tpu.memref_squeeze %dma_start3A_614 : memref<1x8x64xf32, #tpu.memory_space<vmem>> -> memref<8x64xf32, #tpu.memory_space<vmem>>
    %dma_start3A_616 = arith.constant 0 : i32
    %dma_start3A_617 = arith.constant 0 : i32
    %dma_start3A_618 = tpu.memref_slice %arg4[%squeeze3A_602, %dma_start3A_616, %dma_start3A_617] : memref<125000x8x64xf32, #tpu.memory_space<hbm>> -> memref<1x8x64xf32, #tpu.memory_space<hbm>>
    %dma_start3A_619 = tpu.memref_squeeze %dma_start3A_618 : memref<1x8x64xf32, #tpu.memory_space<hbm>> -> memref<8x64xf32, #tpu.memory_space<hbm>>
    tpu.enqueue_dma source(%dma_start3A_619 : memref<8x64xf32, #tpu.memory_space<hbm>>) target(%dma_start3A_615 : memref<8x64xf32, #tpu.memory_space<vmem>>) target_semaphore(%arg16 : memref<!tpu.dma_semaphore, #tpu.memory_space<semaphore_mem>>)
    %slice3A_620 = vector.extract_strided_slice %get3A_451 {offsets = [4], sizes = [1], strides = [1]} : vector<16xi32> to vector<1xi32>
    %squeeze3A_621 = vector.extract %slice3A_620[0] : i32 from vector<1xi32>
    %dma_start3A_622 = arith.constant 4 : i32
    %dma_start3A_623 = arith.constant 0 : i32
    %dma_start3A_624 = arith.constant 0 : i32
    %dma_start3A_625 = tpu.memref_slice %arg13[%dma_start3A_622, %dma_start3A_623, %dma_start3A_624] : memref<16x8x64xf32, #tpu.memory_space<vmem>> -> memref<1x8x64xf32, #tpu.memory_space<vmem>>
    %dma_start3A_626 = tpu.memref_squeeze %dma_start3A_625 : memref<1x8x64xf32, #tpu.memory_space<vmem>> -> memref<8x64xf32, #tpu.memory_space<vmem>>
    %dma_start3A_627 = arith.constant 0 : i32
    %dma_start3A_628 = arith.constant 0 : i32
    %dma_start3A_629 = tpu.memref_slice %arg5[%squeeze3A_621, %dma_start3A_627, %dma_start3A_628] : memref<125000x8x64xf32, #tpu.memory_space<hbm>> -> memref<1x8x64xf32, #tpu.memory_space<hbm>>
    %dma_start3A_630 = tpu.memref_squeeze %dma_start3A_629 : memref<1x8x64xf32, #tpu.memory_space<hbm>> -> memref<8x64xf32, #tpu.memory_space<hbm>>
    %dma_start3A_631 = arith.constant 0 : i32
    %dma_start3A_632 = arith.constant 0 : i32
    %dma_start3A_633 = tpu.memref_slice %arg13[%dma_start3A_622, %dma_start3A_631, %dma_start3A_632] : memref<16x8x64xf32, #tpu.memory_space<vmem>> -> memref<1x8x64xf32, #tpu.memory_space<vmem>>
    %dma_start3A_634 = tpu.memref_squeeze %dma_start3A_633 : memref<1x8x64xf32, #tpu.memory_space<vmem>> -> memref<8x64xf32, #tpu.memory_space<vmem>>
    %dma_start3A_635 = arith.constant 0 : i32
    %dma_start3A_636 = arith.constant 0 : i32
    %dma_start3A_637 = tpu.memref_slice %arg5[%squeeze3A_621, %dma_start3A_635, %dma_start3A_636] : memref<125000x8x64xf32, #tpu.memory_space<hbm>> -> memref<1x8x64xf32, #tpu.memory_space<hbm>>
    %dma_start3A_638 = tpu.memref_squeeze %dma_start3A_637 : memref<1x8x64xf32, #tpu.memory_space<hbm>> -> memref<8x64xf32, #tpu.memory_space<hbm>>
    tpu.enqueue_dma source(%dma_start3A_638 : memref<8x64xf32, #tpu.memory_space<hbm>>) target(%dma_start3A_634 : memref<8x64xf32, #tpu.memory_space<vmem>>) target_semaphore(%arg18 : memref<!tpu.dma_semaphore, #tpu.memory_space<semaphore_mem>>)
    %slice3A_639 = vector.extract_strided_slice %get3A_449 {offsets = [5], sizes = [1], strides = [1]} : vector<16xi32> to vector<1xi32>
    %squeeze3A_640 = vector.extract %slice3A_639[0] : i32 from vector<1xi32>
    %dma_start3A_641 = arith.constant 5 : i32
    %dma_start3A_642 = arith.constant 0 : i32
    %dma_start3A_643 = arith.constant 0 : i32
    %dma_start3A_644 = tpu.memref_slice %arg11[%dma_start3A_641, %dma_start3A_642, %dma_start3A_643] : memref<16x8x64xf32, #tpu.memory_space<vmem>> -> memref<1x8x64xf32, #tpu.memory_space<vmem>>
    %dma_start3A_645 = tpu.memref_squeeze %dma_start3A_644 : memref<1x8x64xf32, #tpu.memory_space<vmem>> -> memref<8x64xf32, #tpu.memory_space<vmem>>
    %dma_start3A_646 = arith.constant 0 : i32
    %dma_start3A_647 = arith.constant 0 : i32
    %dma_start3A_648 = tpu.memref_slice %arg4[%squeeze3A_640, %dma_start3A_646, %dma_start3A_647] : memref<125000x8x64xf32, #tpu.memory_space<hbm>> -> memref<1x8x64xf32, #tpu.memory_space<hbm>>
    %dma_start3A_649 = tpu.memref_squeeze %dma_start3A_648 : memref<1x8x64xf32, #tpu.memory_space<hbm>> -> memref<8x64xf32, #tpu.memory_space<hbm>>
    %dma_start3A_650 = arith.constant 0 : i32
    %dma_start3A_651 = arith.constant 0 : i32
    %dma_start3A_652 = tpu.memref_slice %arg11[%dma_start3A_641, %dma_start3A_650, %dma_start3A_651] : memref<16x8x64xf32, #tpu.memory_space<vmem>> -> memref<1x8x64xf32, #tpu.memory_space<vmem>>
    %dma_start3A_653 = tpu.memref_squeeze %dma_start3A_652 : memref<1x8x64xf32, #tpu.memory_space<vmem>> -> memref<8x64xf32, #tpu.memory_space<vmem>>
    %dma_start3A_654 = arith.constant 0 : i32
    %dma_start3A_655 = arith.constant 0 : i32
    %dma_start3A_656 = tpu.memref_slice %arg4[%squeeze3A_640, %dma_start3A_654, %dma_start3A_655] : memref<125000x8x64xf32, #tpu.memory_space<hbm>> -> memref<1x8x64xf32, #tpu.memory_space<hbm>>
    %dma_start3A_657 = tpu.memref_squeeze %dma_start3A_656 : memref<1x8x64xf32, #tpu.memory_space<hbm>> -> memref<8x64xf32, #tpu.memory_space<hbm>>
    tpu.enqueue_dma source(%dma_start3A_657 : memref<8x64xf32, #tpu.memory_space<hbm>>) target(%dma_start3A_653 : memref<8x64xf32, #tpu.memory_space<vmem>>) target_semaphore(%arg16 : memref<!tpu.dma_semaphore, #tpu.memory_space<semaphore_mem>>)
    %slice3A_658 = vector.extract_strided_slice %get3A_451 {offsets = [5], sizes = [1], strides = [1]} : vector<16xi32> to vector<1xi32>
    %squeeze3A_659 = vector.extract %slice3A_658[0] : i32 from vector<1xi32>
    %dma_start3A_660 = arith.constant 5 : i32
    %dma_start3A_661 = arith.constant 0 : i32
    %dma_start3A_662 = arith.constant 0 : i32
    %dma_start3A_663 = tpu.memref_slice %arg13[%dma_start3A_660, %dma_start3A_661, %dma_start3A_662] : memref<16x8x64xf32, #tpu.memory_space<vmem>> -> memref<1x8x64xf32, #tpu.memory_space<vmem>>
    %dma_start3A_664 = tpu.memref_squeeze %dma_start3A_663 : memref<1x8x64xf32, #tpu.memory_space<vmem>> -> memref<8x64xf32, #tpu.memory_space<vmem>>
    %dma_start3A_665 = arith.constant 0 : i32
    %dma_start3A_666 = arith.constant 0 : i32
    %dma_start3A_667 = tpu.memref_slice %arg5[%squeeze3A_659, %dma_start3A_665, %dma_start3A_666] : memref<125000x8x64xf32, #tpu.memory_space<hbm>> -> memref<1x8x64xf32, #tpu.memory_space<hbm>>
    %dma_start3A_668 = tpu.memref_squeeze %dma_start3A_667 : memref<1x8x64xf32, #tpu.memory_space<hbm>> -> memref<8x64xf32, #tpu.memory_space<hbm>>
    %dma_start3A_669 = arith.constant 0 : i32
    %dma_start3A_670 = arith.constant 0 : i32
    %dma_start3A_671 = tpu.memref_slice %arg13[%dma_start3A_660, %dma_start3A_669, %dma_start3A_670] : memref<16x8x64xf32, #tpu.memory_space<vmem>> -> memref<1x8x64xf32, #tpu.memory_space<vmem>>
    %dma_start3A_672 = tpu.memref_squeeze %dma_start3A_671 : memref<1x8x64xf32, #tpu.memory_space<vmem>> -> memref<8x64xf32, #tpu.memory_space<vmem>>
    %dma_start3A_673 = arith.constant 0 : i32
    %dma_start3A_674 = arith.constant 0 : i32
    %dma_start3A_675 = tpu.memref_slice %arg5[%squeeze3A_659, %dma_start3A_673, %dma_start3A_674] : memref<125000x8x64xf32, #tpu.memory_space<hbm>> -> memref<1x8x64xf32, #tpu.memory_space<hbm>>
    %dma_start3A_676 = tpu.memref_squeeze %dma_start3A_675 : memref<1x8x64xf32, #tpu.memory_space<hbm>> -> memref<8x64xf32, #tpu.memory_space<hbm>>
    tpu.enqueue_dma source(%dma_start3A_676 : memref<8x64xf32, #tpu.memory_space<hbm>>) target(%dma_start3A_672 : memref<8x64xf32, #tpu.memory_space<vmem>>) target_semaphore(%arg18 : memref<!tpu.dma_semaphore, #tpu.memory_space<semaphore_mem>>)
    %slice3A_677 = vector.extract_strided_slice %get3A_449 {offsets = [6], sizes = [1], strides = [1]} : vector<16xi32> to vector<1xi32>
    %squeeze3A_678 = vector.extract %slice3A_677[0] : i32 from vector<1xi32>
    %dma_start3A_679 = arith.constant 6 : i32
    %dma_start3A_680 = arith.constant 0 : i32
    %dma_start3A_681 = arith.constant 0 : i32
    %dma_start3A_682 = tpu.memref_slice %arg11[%dma_start3A_679, %dma_start3A_680, %dma_start3A_681] : memref<16x8x64xf32, #tpu.memory_space<vmem>> -> memref<1x8x64xf32, #tpu.memory_space<vmem>>
    %dma_start3A_683 = tpu.memref_squeeze %dma_start3A_682 : memref<1x8x64xf32, #tpu.memory_space<vmem>> -> memref<8x64xf32, #tpu.memory_space<vmem>>
    %dma_start3A_684 = arith.constant 0 : i32
    %dma_start3A_685 = arith.constant 0 : i32
    %dma_start3A_686 = tpu.memref_slice %arg4[%squeeze3A_678, %dma_start3A_684, %dma_start3A_685] : memref<125000x8x64xf32, #tpu.memory_space<hbm>> -> memref<1x8x64xf32, #tpu.memory_space<hbm>>
    %dma_start3A_687 = tpu.memref_squeeze %dma_start3A_686 : memref<1x8x64xf32, #tpu.memory_space<hbm>> -> memref<8x64xf32, #tpu.memory_space<hbm>>
    %dma_start3A_688 = arith.constant 0 : i32
    %dma_start3A_689 = arith.constant 0 : i32
    %dma_start3A_690 = tpu.memref_slice %arg11[%dma_start3A_679, %dma_start3A_688, %dma_start3A_689] : memref<16x8x64xf32, #tpu.memory_space<vmem>> -> memref<1x8x64xf32, #tpu.memory_space<vmem>>
    %dma_start3A_691 = tpu.memref_squeeze %dma_start3A_690 : memref<1x8x64xf32, #tpu.memory_space<vmem>> -> memref<8x64xf32, #tpu.memory_space<vmem>>
    %dma_start3A_692 = arith.constant 0 : i32
    %dma_start3A_693 = arith.constant 0 : i32
    %dma_start3A_694 = tpu.memref_slice %arg4[%squeeze3A_678, %dma_start3A_692, %dma_start3A_693] : memref<125000x8x64xf32, #tpu.memory_space<hbm>> -> memref<1x8x64xf32, #tpu.memory_space<hbm>>
    %dma_start3A_695 = tpu.memref_squeeze %dma_start3A_694 : memref<1x8x64xf32, #tpu.memory_space<hbm>> -> memref<8x64xf32, #tpu.memory_space<hbm>>
    tpu.enqueue_dma source(%dma_start3A_695 : memref<8x64xf32, #tpu.memory_space<hbm>>) target(%dma_start3A_691 : memref<8x64xf32, #tpu.memory_space<vmem>>) target_semaphore(%arg16 : memref<!tpu.dma_semaphore, #tpu.memory_space<semaphore_mem>>)
    %slice3A_696 = vector.extract_strided_slice %get3A_451 {offsets = [6], sizes = [1], strides = [1]} : vector<16xi32> to vector<1xi32>
    %squeeze3A_697 = vector.extract %slice3A_696[0] : i32 from vector<1xi32>
    %dma_start3A_698 = arith.constant 6 : i32
    %dma_start3A_699 = arith.constant 0 : i32
    %dma_start3A_700 = arith.constant 0 : i32
    %dma_start3A_701 = tpu.memref_slice %arg13[%dma_start3A_698, %dma_start3A_699, %dma_start3A_700] : memref<16x8x64xf32, #tpu.memory_space<vmem>> -> memref<1x8x64xf32, #tpu.memory_space<vmem>>
    %dma_start3A_702 = tpu.memref_squeeze %dma_start3A_701 : memref<1x8x64xf32, #tpu.memory_space<vmem>> -> memref<8x64xf32, #tpu.memory_space<vmem>>
    %dma_start3A_703 = arith.constant 0 : i32
    %dma_start3A_704 = arith.constant 0 : i32
    %dma_start3A_705 = tpu.memref_slice %arg5[%squeeze3A_697, %dma_start3A_703, %dma_start3A_704] : memref<125000x8x64xf32, #tpu.memory_space<hbm>> -> memref<1x8x64xf32, #tpu.memory_space<hbm>>
    %dma_start3A_706 = tpu.memref_squeeze %dma_start3A_705 : memref<1x8x64xf32, #tpu.memory_space<hbm>> -> memref<8x64xf32, #tpu.memory_space<hbm>>
    %dma_start3A_707 = arith.constant 0 : i32
    %dma_start3A_708 = arith.constant 0 : i32
    %dma_start3A_709 = tpu.memref_slice %arg13[%dma_start3A_698, %dma_start3A_707, %dma_start3A_708] : memref<16x8x64xf32, #tpu.memory_space<vmem>> -> memref<1x8x64xf32, #tpu.memory_space<vmem>>
    %dma_start3A_710 = tpu.memref_squeeze %dma_start3A_709 : memref<1x8x64xf32, #tpu.memory_space<vmem>> -> memref<8x64xf32, #tpu.memory_space<vmem>>
    %dma_start3A_711 = arith.constant 0 : i32
    %dma_start3A_712 = arith.constant 0 : i32
    %dma_start3A_713 = tpu.memref_slice %arg5[%squeeze3A_697, %dma_start3A_711, %dma_start3A_712] : memref<125000x8x64xf32, #tpu.memory_space<hbm>> -> memref<1x8x64xf32, #tpu.memory_space<hbm>>
    %dma_start3A_714 = tpu.memref_squeeze %dma_start3A_713 : memref<1x8x64xf32, #tpu.memory_space<hbm>> -> memref<8x64xf32, #tpu.memory_space<hbm>>
    tpu.enqueue_dma source(%dma_start3A_714 : memref<8x64xf32, #tpu.memory_space<hbm>>) target(%dma_start3A_710 : memref<8x64xf32, #tpu.memory_space<vmem>>) target_semaphore(%arg18 : memref<!tpu.dma_semaphore, #tpu.memory_space<semaphore_mem>>)
    %slice3A_715 = vector.extract_strided_slice %get3A_449 {offsets = [7], sizes = [1], strides = [1]} : vector<16xi32> to vector<1xi32>
    %squeeze3A_716 = vector.extract %slice3A_715[0] : i32 from vector<1xi32>
    %dma_start3A_717 = arith.constant 7 : i32
    %dma_start3A_718 = arith.constant 0 : i32
    %dma_start3A_719 = arith.constant 0 : i32
    %dma_start3A_720 = tpu.memref_slice %arg11[%dma_start3A_717, %dma_start3A_718, %dma_start3A_719] : memref<16x8x64xf32, #tpu.memory_space<vmem>> -> memref<1x8x64xf32, #tpu.memory_space<vmem>>
    %dma_start3A_721 = tpu.memref_squeeze %dma_start3A_720 : memref<1x8x64xf32, #tpu.memory_space<vmem>> -> memref<8x64xf32, #tpu.memory_space<vmem>>
    %dma_start3A_722 = arith.constant 0 : i32
    %dma_start3A_723 = arith.constant 0 : i32
    %dma_start3A_724 = tpu.memref_slice %arg4[%squeeze3A_716, %dma_start3A_722, %dma_start3A_723] : memref<125000x8x64xf32, #tpu.memory_space<hbm>> -> memref<1x8x64xf32, #tpu.memory_space<hbm>>
    %dma_start3A_725 = tpu.memref_squeeze %dma_start3A_724 : memref<1x8x64xf32, #tpu.memory_space<hbm>> -> memref<8x64xf32, #tpu.memory_space<hbm>>
    %dma_start3A_726 = arith.constant 0 : i32
    %dma_start3A_727 = arith.constant 0 : i32
    %dma_start3A_728 = tpu.memref_slice %arg11[%dma_start3A_717, %dma_start3A_726, %dma_start3A_727] : memref<16x8x64xf32, #tpu.memory_space<vmem>> -> memref<1x8x64xf32, #tpu.memory_space<vmem>>
    %dma_start3A_729 = tpu.memref_squeeze %dma_start3A_728 : memref<1x8x64xf32, #tpu.memory_space<vmem>> -> memref<8x64xf32, #tpu.memory_space<vmem>>
    %dma_start3A_730 = arith.constant 0 : i32
    %dma_start3A_731 = arith.constant 0 : i32
    %dma_start3A_732 = tpu.memref_slice %arg4[%squeeze3A_716, %dma_start3A_730, %dma_start3A_731] : memref<125000x8x64xf32, #tpu.memory_space<hbm>> -> memref<1x8x64xf32, #tpu.memory_space<hbm>>
    %dma_start3A_733 = tpu.memref_squeeze %dma_start3A_732 : memref<1x8x64xf32, #tpu.memory_space<hbm>> -> memref<8x64xf32, #tpu.memory_space<hbm>>
    tpu.enqueue_dma source(%dma_start3A_733 : memref<8x64xf32, #tpu.memory_space<hbm>>) target(%dma_start3A_729 : memref<8x64xf32, #tpu.memory_space<vmem>>) target_semaphore(%arg16 : memref<!tpu.dma_semaphore, #tpu.memory_space<semaphore_mem>>)
    %slice3A_734 = vector.extract_strided_slice %get3A_451 {offsets = [7], sizes = [1], strides = [1]} : vector<16xi32> to vector<1xi32>
    %squeeze3A_735 = vector.extract %slice3A_734[0] : i32 from vector<1xi32>
    %dma_start3A_736 = arith.constant 7 : i32
    %dma_start3A_737 = arith.constant 0 : i32
    %dma_start3A_738 = arith.constant 0 : i32
    %dma_start3A_739 = tpu.memref_slice %arg13[%dma_start3A_736, %dma_start3A_737, %dma_start3A_738] : memref<16x8x64xf32, #tpu.memory_space<vmem>> -> memref<1x8x64xf32, #tpu.memory_space<vmem>>
    %dma_start3A_740 = tpu.memref_squeeze %dma_start3A_739 : memref<1x8x64xf32, #tpu.memory_space<vmem>> -> memref<8x64xf32, #tpu.memory_space<vmem>>
    %dma_start3A_741 = arith.constant 0 : i32
    %dma_start3A_742 = arith.constant 0 : i32
    %dma_start3A_743 = tpu.memref_slice %arg5[%squeeze3A_735, %dma_start3A_741, %dma_start3A_742] : memref<125000x8x64xf32, #tpu.memory_space<hbm>> -> memref<1x8x64xf32, #tpu.memory_space<hbm>>
    %dma_start3A_744 = tpu.memref_squeeze %dma_start3A_743 : memref<1x8x64xf32, #tpu.memory_space<hbm>> -> memref<8x64xf32, #tpu.memory_space<hbm>>
    %dma_start3A_745 = arith.constant 0 : i32
    %dma_start3A_746 = arith.constant 0 : i32
    %dma_start3A_747 = tpu.memref_slice %arg13[%dma_start3A_736, %dma_start3A_745, %dma_start3A_746] : memref<16x8x64xf32, #tpu.memory_space<vmem>> -> memref<1x8x64xf32, #tpu.memory_space<vmem>>
    %dma_start3A_748 = tpu.memref_squeeze %dma_start3A_747 : memref<1x8x64xf32, #tpu.memory_space<vmem>> -> memref<8x64xf32, #tpu.memory_space<vmem>>
    %dma_start3A_749 = arith.constant 0 : i32
    %dma_start3A_750 = arith.constant 0 : i32
    %dma_start3A_751 = tpu.memref_slice %arg5[%squeeze3A_735, %dma_start3A_749, %dma_start3A_750] : memref<125000x8x64xf32, #tpu.memory_space<hbm>> -> memref<1x8x64xf32, #tpu.memory_space<hbm>>
    %dma_start3A_752 = tpu.memref_squeeze %dma_start3A_751 : memref<1x8x64xf32, #tpu.memory_space<hbm>> -> memref<8x64xf32, #tpu.memory_space<hbm>>
    tpu.enqueue_dma source(%dma_start3A_752 : memref<8x64xf32, #tpu.memory_space<hbm>>) target(%dma_start3A_748 : memref<8x64xf32, #tpu.memory_space<vmem>>) target_semaphore(%arg18 : memref<!tpu.dma_semaphore, #tpu.memory_space<semaphore_mem>>)
    %slice3A_753 = vector.extract_strided_slice %get3A_449 {offsets = [8], sizes = [1], strides = [1]} : vector<16xi32> to vector<1xi32>
    %squeeze3A_754 = vector.extract %slice3A_753[0] : i32 from vector<1xi32>
    %dma_start3A_755 = arith.constant 8 : i32
    %dma_start3A_756 = arith.constant 0 : i32
    %dma_start3A_757 = arith.constant 0 : i32
    %dma_start3A_758 = tpu.memref_slice %arg11[%dma_start3A_755, %dma_start3A_756, %dma_start3A_757] : memref<16x8x64xf32, #tpu.memory_space<vmem>> -> memref<1x8x64xf32, #tpu.memory_space<vmem>>
    %dma_start3A_759 = tpu.memref_squeeze %dma_start3A_758 : memref<1x8x64xf32, #tpu.memory_space<vmem>> -> memref<8x64xf32, #tpu.memory_space<vmem>>
    %dma_start3A_760 = arith.constant 0 : i32
    %dma_start3A_761 = arith.constant 0 : i32
    %dma_start3A_762 = tpu.memref_slice %arg4[%squeeze3A_754, %dma_start3A_760, %dma_start3A_761] : memref<125000x8x64xf32, #tpu.memory_space<hbm>> -> memref<1x8x64xf32, #tpu.memory_space<hbm>>
    %dma_start3A_763 = tpu.memref_squeeze %dma_start3A_762 : memref<1x8x64xf32, #tpu.memory_space<hbm>> -> memref<8x64xf32, #tpu.memory_space<hbm>>
    %dma_start3A_764 = arith.constant 0 : i32
    %dma_start3A_765 = arith.constant 0 : i32
    %dma_start3A_766 = tpu.memref_slice %arg11[%dma_start3A_755, %dma_start3A_764, %dma_start3A_765] : memref<16x8x64xf32, #tpu.memory_space<vmem>> -> memref<1x8x64xf32, #tpu.memory_space<vmem>>
    %dma_start3A_767 = tpu.memref_squeeze %dma_start3A_766 : memref<1x8x64xf32, #tpu.memory_space<vmem>> -> memref<8x64xf32, #tpu.memory_space<vmem>>
    %dma_start3A_768 = arith.constant 0 : i32
    %dma_start3A_769 = arith.constant 0 : i32
    %dma_start3A_770 = tpu.memref_slice %arg4[%squeeze3A_754, %dma_start3A_768, %dma_start3A_769] : memref<125000x8x64xf32, #tpu.memory_space<hbm>> -> memref<1x8x64xf32, #tpu.memory_space<hbm>>
    %dma_start3A_771 = tpu.memref_squeeze %dma_start3A_770 : memref<1x8x64xf32, #tpu.memory_space<hbm>> -> memref<8x64xf32, #tpu.memory_space<hbm>>
    tpu.enqueue_dma source(%dma_start3A_771 : memref<8x64xf32, #tpu.memory_space<hbm>>) target(%dma_start3A_767 : memref<8x64xf32, #tpu.memory_space<vmem>>) target_semaphore(%arg16 : memref<!tpu.dma_semaphore, #tpu.memory_space<semaphore_mem>>)
    %slice3A_772 = vector.extract_strided_slice %get3A_451 {offsets = [8], sizes = [1], strides = [1]} : vector<16xi32> to vector<1xi32>
    %squeeze3A_773 = vector.extract %slice3A_772[0] : i32 from vector<1xi32>
    %dma_start3A_774 = arith.constant 8 : i32
    %dma_start3A_775 = arith.constant 0 : i32
    %dma_start3A_776 = arith.constant 0 : i32
    %dma_start3A_777 = tpu.memref_slice %arg13[%dma_start3A_774, %dma_start3A_775, %dma_start3A_776] : memref<16x8x64xf32, #tpu.memory_space<vmem>> -> memref<1x8x64xf32, #tpu.memory_space<vmem>>
    %dma_start3A_778 = tpu.memref_squeeze %dma_start3A_777 : memref<1x8x64xf32, #tpu.memory_space<vmem>> -> memref<8x64xf32, #tpu.memory_space<vmem>>
    %dma_start3A_779 = arith.constant 0 : i32
    %dma_start3A_780 = arith.constant 0 : i32
    %dma_start3A_781 = tpu.memref_slice %arg5[%squeeze3A_773, %dma_start3A_779, %dma_start3A_780] : memref<125000x8x64xf32, #tpu.memory_space<hbm>> -> memref<1x8x64xf32, #tpu.memory_space<hbm>>
    %dma_start3A_782 = tpu.memref_squeeze %dma_start3A_781 : memref<1x8x64xf32, #tpu.memory_space<hbm>> -> memref<8x64xf32, #tpu.memory_space<hbm>>
    %dma_start3A_783 = arith.constant 0 : i32
    %dma_start3A_784 = arith.constant 0 : i32
    %dma_start3A_785 = tpu.memref_slice %arg13[%dma_start3A_774, %dma_start3A_783, %dma_start3A_784] : memref<16x8x64xf32, #tpu.memory_space<vmem>> -> memref<1x8x64xf32, #tpu.memory_space<vmem>>
    %dma_start3A_786 = tpu.memref_squeeze %dma_start3A_785 : memref<1x8x64xf32, #tpu.memory_space<vmem>> -> memref<8x64xf32, #tpu.memory_space<vmem>>
    %dma_start3A_787 = arith.constant 0 : i32
    %dma_start3A_788 = arith.constant 0 : i32
    %dma_start3A_789 = tpu.memref_slice %arg5[%squeeze3A_773, %dma_start3A_787, %dma_start3A_788] : memref<125000x8x64xf32, #tpu.memory_space<hbm>> -> memref<1x8x64xf32, #tpu.memory_space<hbm>>
    %dma_start3A_790 = tpu.memref_squeeze %dma_start3A_789 : memref<1x8x64xf32, #tpu.memory_space<hbm>> -> memref<8x64xf32, #tpu.memory_space<hbm>>
    tpu.enqueue_dma source(%dma_start3A_790 : memref<8x64xf32, #tpu.memory_space<hbm>>) target(%dma_start3A_786 : memref<8x64xf32, #tpu.memory_space<vmem>>) target_semaphore(%arg18 : memref<!tpu.dma_semaphore, #tpu.memory_space<semaphore_mem>>)
    %slice3A_791 = vector.extract_strided_slice %get3A_449 {offsets = [9], sizes = [1], strides = [1]} : vector<16xi32> to vector<1xi32>
    %squeeze3A_792 = vector.extract %slice3A_791[0] : i32 from vector<1xi32>
    %dma_start3A_793 = arith.constant 9 : i32
    %dma_start3A_794 = arith.constant 0 : i32
    %dma_start3A_795 = arith.constant 0 : i32
    %dma_start3A_796 = tpu.memref_slice %arg11[%dma_start3A_793, %dma_start3A_794, %dma_start3A_795] : memref<16x8x64xf32, #tpu.memory_space<vmem>> -> memref<1x8x64xf32, #tpu.memory_space<vmem>>
    %dma_start3A_797 = tpu.memref_squeeze %dma_start3A_796 : memref<1x8x64xf32, #tpu.memory_space<vmem>> -> memref<8x64xf32, #tpu.memory_space<vmem>>
    %dma_start3A_798 = arith.constant 0 : i32
    %dma_start3A_799 = arith.constant 0 : i32
    %dma_start3A_800 = tpu.memref_slice %arg4[%squeeze3A_792, %dma_start3A_798, %dma_start3A_799] : memref<125000x8x64xf32, #tpu.memory_space<hbm>> -> memref<1x8x64xf32, #tpu.memory_space<hbm>>
    %dma_start3A_801 = tpu.memref_squeeze %dma_start3A_800 : memref<1x8x64xf32, #tpu.memory_space<hbm>> -> memref<8x64xf32, #tpu.memory_space<hbm>>
    %dma_start3A_802 = arith.constant 0 : i32
    %dma_start3A_803 = arith.constant 0 : i32
    %dma_start3A_804 = tpu.memref_slice %arg11[%dma_start3A_793, %dma_start3A_802, %dma_start3A_803] : memref<16x8x64xf32, #tpu.memory_space<vmem>> -> memref<1x8x64xf32, #tpu.memory_space<vmem>>
    %dma_start3A_805 = tpu.memref_squeeze %dma_start3A_804 : memref<1x8x64xf32, #tpu.memory_space<vmem>> -> memref<8x64xf32, #tpu.memory_space<vmem>>
    %dma_start3A_806 = arith.constant 0 : i32
    %dma_start3A_807 = arith.constant 0 : i32
    %dma_start3A_808 = tpu.memref_slice %arg4[%squeeze3A_792, %dma_start3A_806, %dma_start3A_807] : memref<125000x8x64xf32, #tpu.memory_space<hbm>> -> memref<1x8x64xf32, #tpu.memory_space<hbm>>
    %dma_start3A_809 = tpu.memref_squeeze %dma_start3A_808 : memref<1x8x64xf32, #tpu.memory_space<hbm>> -> memref<8x64xf32, #tpu.memory_space<hbm>>
    tpu.enqueue_dma source(%dma_start3A_809 : memref<8x64xf32, #tpu.memory_space<hbm>>) target(%dma_start3A_805 : memref<8x64xf32, #tpu.memory_space<vmem>>) target_semaphore(%arg16 : memref<!tpu.dma_semaphore, #tpu.memory_space<semaphore_mem>>)
    %slice3A_810 = vector.extract_strided_slice %get3A_451 {offsets = [9], sizes = [1], strides = [1]} : vector<16xi32> to vector<1xi32>
    %squeeze3A_811 = vector.extract %slice3A_810[0] : i32 from vector<1xi32>
    %dma_start3A_812 = arith.constant 9 : i32
    %dma_start3A_813 = arith.constant 0 : i32
    %dma_start3A_814 = arith.constant 0 : i32
    %dma_start3A_815 = tpu.memref_slice %arg13[%dma_start3A_812, %dma_start3A_813, %dma_start3A_814] : memref<16x8x64xf32, #tpu.memory_space<vmem>> -> memref<1x8x64xf32, #tpu.memory_space<vmem>>
    %dma_start3A_816 = tpu.memref_squeeze %dma_start3A_815 : memref<1x8x64xf32, #tpu.memory_space<vmem>> -> memref<8x64xf32, #tpu.memory_space<vmem>>
    %dma_start3A_817 = arith.constant 0 : i32
    %dma_start3A_818 = arith.constant 0 : i32
    %dma_start3A_819 = tpu.memref_slice %arg5[%squeeze3A_811, %dma_start3A_817, %dma_start3A_818] : memref<125000x8x64xf32, #tpu.memory_space<hbm>> -> memref<1x8x64xf32, #tpu.memory_space<hbm>>
    %dma_start3A_820 = tpu.memref_squeeze %dma_start3A_819 : memref<1x8x64xf32, #tpu.memory_space<hbm>> -> memref<8x64xf32, #tpu.memory_space<hbm>>
    %dma_start3A_821 = arith.constant 0 : i32
    %dma_start3A_822 = arith.constant 0 : i32
    %dma_start3A_823 = tpu.memref_slice %arg13[%dma_start3A_812, %dma_start3A_821, %dma_start3A_822] : memref<16x8x64xf32, #tpu.memory_space<vmem>> -> memref<1x8x64xf32, #tpu.memory_space<vmem>>
    %dma_start3A_824 = tpu.memref_squeeze %dma_start3A_823 : memref<1x8x64xf32, #tpu.memory_space<vmem>> -> memref<8x64xf32, #tpu.memory_space<vmem>>
    %dma_start3A_825 = arith.constant 0 : i32
    %dma_start3A_826 = arith.constant 0 : i32
    %dma_start3A_827 = tpu.memref_slice %arg5[%squeeze3A_811, %dma_start3A_825, %dma_start3A_826] : memref<125000x8x64xf32, #tpu.memory_space<hbm>> -> memref<1x8x64xf32, #tpu.memory_space<hbm>>
    %dma_start3A_828 = tpu.memref_squeeze %dma_start3A_827 : memref<1x8x64xf32, #tpu.memory_space<hbm>> -> memref<8x64xf32, #tpu.memory_space<hbm>>
    tpu.enqueue_dma source(%dma_start3A_828 : memref<8x64xf32, #tpu.memory_space<hbm>>) target(%dma_start3A_824 : memref<8x64xf32, #tpu.memory_space<vmem>>) target_semaphore(%arg18 : memref<!tpu.dma_semaphore, #tpu.memory_space<semaphore_mem>>)
    %slice3A_829 = vector.extract_strided_slice %get3A_449 {offsets = [10], sizes = [1], strides = [1]} : vector<16xi32> to vector<1xi32>
    %squeeze3A_830 = vector.extract %slice3A_829[0] : i32 from vector<1xi32>
    %dma_start3A_831 = arith.constant 10 : i32
    %dma_start3A_832 = arith.constant 0 : i32
    %dma_start3A_833 = arith.constant 0 : i32
    %dma_start3A_834 = tpu.memref_slice %arg11[%dma_start3A_831, %dma_start3A_832, %dma_start3A_833] : memref<16x8x64xf32, #tpu.memory_space<vmem>> -> memref<1x8x64xf32, #tpu.memory_space<vmem>>
    %dma_start3A_835 = tpu.memref_squeeze %dma_start3A_834 : memref<1x8x64xf32, #tpu.memory_space<vmem>> -> memref<8x64xf32, #tpu.memory_space<vmem>>
    %dma_start3A_836 = arith.constant 0 : i32
    %dma_start3A_837 = arith.constant 0 : i32
    %dma_start3A_838 = tpu.memref_slice %arg4[%squeeze3A_830, %dma_start3A_836, %dma_start3A_837] : memref<125000x8x64xf32, #tpu.memory_space<hbm>> -> memref<1x8x64xf32, #tpu.memory_space<hbm>>
    %dma_start3A_839 = tpu.memref_squeeze %dma_start3A_838 : memref<1x8x64xf32, #tpu.memory_space<hbm>> -> memref<8x64xf32, #tpu.memory_space<hbm>>
    %dma_start3A_840 = arith.constant 0 : i32
    %dma_start3A_841 = arith.constant 0 : i32
    %dma_start3A_842 = tpu.memref_slice %arg11[%dma_start3A_831, %dma_start3A_840, %dma_start3A_841] : memref<16x8x64xf32, #tpu.memory_space<vmem>> -> memref<1x8x64xf32, #tpu.memory_space<vmem>>
    %dma_start3A_843 = tpu.memref_squeeze %dma_start3A_842 : memref<1x8x64xf32, #tpu.memory_space<vmem>> -> memref<8x64xf32, #tpu.memory_space<vmem>>
    %dma_start3A_844 = arith.constant 0 : i32
    %dma_start3A_845 = arith.constant 0 : i32
    %dma_start3A_846 = tpu.memref_slice %arg4[%squeeze3A_830, %dma_start3A_844, %dma_start3A_845] : memref<125000x8x64xf32, #tpu.memory_space<hbm>> -> memref<1x8x64xf32, #tpu.memory_space<hbm>>
    %dma_start3A_847 = tpu.memref_squeeze %dma_start3A_846 : memref<1x8x64xf32, #tpu.memory_space<hbm>> -> memref<8x64xf32, #tpu.memory_space<hbm>>
    tpu.enqueue_dma source(%dma_start3A_847 : memref<8x64xf32, #tpu.memory_space<hbm>>) target(%dma_start3A_843 : memref<8x64xf32, #tpu.memory_space<vmem>>) target_semaphore(%arg16 : memref<!tpu.dma_semaphore, #tpu.memory_space<semaphore_mem>>)
    %slice3A_848 = vector.extract_strided_slice %get3A_451 {offsets = [10], sizes = [1], strides = [1]} : vector<16xi32> to vector<1xi32>
    %squeeze3A_849 = vector.extract %slice3A_848[0] : i32 from vector<1xi32>
    %dma_start3A_850 = arith.constant 10 : i32
    %dma_start3A_851 = arith.constant 0 : i32
    %dma_start3A_852 = arith.constant 0 : i32
    %dma_start3A_853 = tpu.memref_slice %arg13[%dma_start3A_850, %dma_start3A_851, %dma_start3A_852] : memref<16x8x64xf32, #tpu.memory_space<vmem>> -> memref<1x8x64xf32, #tpu.memory_space<vmem>>
    %dma_start3A_854 = tpu.memref_squeeze %dma_start3A_853 : memref<1x8x64xf32, #tpu.memory_space<vmem>> -> memref<8x64xf32, #tpu.memory_space<vmem>>
    %dma_start3A_855 = arith.constant 0 : i32
    %dma_start3A_856 = arith.constant 0 : i32
    %dma_start3A_857 = tpu.memref_slice %arg5[%squeeze3A_849, %dma_start3A_855, %dma_start3A_856] : memref<125000x8x64xf32, #tpu.memory_space<hbm>> -> memref<1x8x64xf32, #tpu.memory_space<hbm>>
    %dma_start3A_858 = tpu.memref_squeeze %dma_start3A_857 : memref<1x8x64xf32, #tpu.memory_space<hbm>> -> memref<8x64xf32, #tpu.memory_space<hbm>>
    %dma_start3A_859 = arith.constant 0 : i32
    %dma_start3A_860 = arith.constant 0 : i32
    %dma_start3A_861 = tpu.memref_slice %arg13[%dma_start3A_850, %dma_start3A_859, %dma_start3A_860] : memref<16x8x64xf32, #tpu.memory_space<vmem>> -> memref<1x8x64xf32, #tpu.memory_space<vmem>>
    %dma_start3A_862 = tpu.memref_squeeze %dma_start3A_861 : memref<1x8x64xf32, #tpu.memory_space<vmem>> -> memref<8x64xf32, #tpu.memory_space<vmem>>
    %dma_start3A_863 = arith.constant 0 : i32
    %dma_start3A_864 = arith.constant 0 : i32
    %dma_start3A_865 = tpu.memref_slice %arg5[%squeeze3A_849, %dma_start3A_863, %dma_start3A_864] : memref<125000x8x64xf32, #tpu.memory_space<hbm>> -> memref<1x8x64xf32, #tpu.memory_space<hbm>>
    %dma_start3A_866 = tpu.memref_squeeze %dma_start3A_865 : memref<1x8x64xf32, #tpu.memory_space<hbm>> -> memref<8x64xf32, #tpu.memory_space<hbm>>
    tpu.enqueue_dma source(%dma_start3A_866 : memref<8x64xf32, #tpu.memory_space<hbm>>) target(%dma_start3A_862 : memref<8x64xf32, #tpu.memory_space<vmem>>) target_semaphore(%arg18 : memref<!tpu.dma_semaphore, #tpu.memory_space<semaphore_mem>>)
    %slice3A_867 = vector.extract_strided_slice %get3A_449 {offsets = [11], sizes = [1], strides = [1]} : vector<16xi32> to vector<1xi32>
    %squeeze3A_868 = vector.extract %slice3A_867[0] : i32 from vector<1xi32>
    %dma_start3A_869 = arith.constant 11 : i32
    %dma_start3A_870 = arith.constant 0 : i32
    %dma_start3A_871 = arith.constant 0 : i32
    %dma_start3A_872 = tpu.memref_slice %arg11[%dma_start3A_869, %dma_start3A_870, %dma_start3A_871] : memref<16x8x64xf32, #tpu.memory_space<vmem>> -> memref<1x8x64xf32, #tpu.memory_space<vmem>>
    %dma_start3A_873 = tpu.memref_squeeze %dma_start3A_872 : memref<1x8x64xf32, #tpu.memory_space<vmem>> -> memref<8x64xf32, #tpu.memory_space<vmem>>
    %dma_start3A_874 = arith.constant 0 : i32
    %dma_start3A_875 = arith.constant 0 : i32
    %dma_start3A_876 = tpu.memref_slice %arg4[%squeeze3A_868, %dma_start3A_874, %dma_start3A_875] : memref<125000x8x64xf32, #tpu.memory_space<hbm>> -> memref<1x8x64xf32, #tpu.memory_space<hbm>>
    %dma_start3A_877 = tpu.memref_squeeze %dma_start3A_876 : memref<1x8x64xf32, #tpu.memory_space<hbm>> -> memref<8x64xf32, #tpu.memory_space<hbm>>
    %dma_start3A_878 = arith.constant 0 : i32
    %dma_start3A_879 = arith.constant 0 : i32
    %dma_start3A_880 = tpu.memref_slice %arg11[%dma_start3A_869, %dma_start3A_878, %dma_start3A_879] : memref<16x8x64xf32, #tpu.memory_space<vmem>> -> memref<1x8x64xf32, #tpu.memory_space<vmem>>
    %dma_start3A_881 = tpu.memref_squeeze %dma_start3A_880 : memref<1x8x64xf32, #tpu.memory_space<vmem>> -> memref<8x64xf32, #tpu.memory_space<vmem>>
    %dma_start3A_882 = arith.constant 0 : i32
    %dma_start3A_883 = arith.constant 0 : i32
    %dma_start3A_884 = tpu.memref_slice %arg4[%squeeze3A_868, %dma_start3A_882, %dma_start3A_883] : memref<125000x8x64xf32, #tpu.memory_space<hbm>> -> memref<1x8x64xf32, #tpu.memory_space<hbm>>
    %dma_start3A_885 = tpu.memref_squeeze %dma_start3A_884 : memref<1x8x64xf32, #tpu.memory_space<hbm>> -> memref<8x64xf32, #tpu.memory_space<hbm>>
    tpu.enqueue_dma source(%dma_start3A_885 : memref<8x64xf32, #tpu.memory_space<hbm>>) target(%dma_start3A_881 : memref<8x64xf32, #tpu.memory_space<vmem>>) target_semaphore(%arg16 : memref<!tpu.dma_semaphore, #tpu.memory_space<semaphore_mem>>)
    %slice3A_886 = vector.extract_strided_slice %get3A_451 {offsets = [11], sizes = [1], strides = [1]} : vector<16xi32> to vector<1xi32>
    %squeeze3A_887 = vector.extract %slice3A_886[0] : i32 from vector<1xi32>
    %dma_start3A_888 = arith.constant 11 : i32
    %dma_start3A_889 = arith.constant 0 : i32
    %dma_start3A_890 = arith.constant 0 : i32
    %dma_start3A_891 = tpu.memref_slice %arg13[%dma_start3A_888, %dma_start3A_889, %dma_start3A_890] : memref<16x8x64xf32, #tpu.memory_space<vmem>> -> memref<1x8x64xf32, #tpu.memory_space<vmem>>
    %dma_start3A_892 = tpu.memref_squeeze %dma_start3A_891 : memref<1x8x64xf32, #tpu.memory_space<vmem>> -> memref<8x64xf32, #tpu.memory_space<vmem>>
    %dma_start3A_893 = arith.constant 0 : i32
    %dma_start3A_894 = arith.constant 0 : i32
    %dma_start3A_895 = tpu.memref_slice %arg5[%squeeze3A_887, %dma_start3A_893, %dma_start3A_894] : memref<125000x8x64xf32, #tpu.memory_space<hbm>> -> memref<1x8x64xf32, #tpu.memory_space<hbm>>
    %dma_start3A_896 = tpu.memref_squeeze %dma_start3A_895 : memref<1x8x64xf32, #tpu.memory_space<hbm>> -> memref<8x64xf32, #tpu.memory_space<hbm>>
    %dma_start3A_897 = arith.constant 0 : i32
    %dma_start3A_898 = arith.constant 0 : i32
    %dma_start3A_899 = tpu.memref_slice %arg13[%dma_start3A_888, %dma_start3A_897, %dma_start3A_898] : memref<16x8x64xf32, #tpu.memory_space<vmem>> -> memref<1x8x64xf32, #tpu.memory_space<vmem>>
    %dma_start3A_900 = tpu.memref_squeeze %dma_start3A_899 : memref<1x8x64xf32, #tpu.memory_space<vmem>> -> memref<8x64xf32, #tpu.memory_space<vmem>>
    %dma_start3A_901 = arith.constant 0 : i32
    %dma_start3A_902 = arith.constant 0 : i32
    %dma_start3A_903 = tpu.memref_slice %arg5[%squeeze3A_887, %dma_start3A_901, %dma_start3A_902] : memref<125000x8x64xf32, #tpu.memory_space<hbm>> -> memref<1x8x64xf32, #tpu.memory_space<hbm>>
    %dma_start3A_904 = tpu.memref_squeeze %dma_start3A_903 : memref<1x8x64xf32, #tpu.memory_space<hbm>> -> memref<8x64xf32, #tpu.memory_space<hbm>>
    tpu.enqueue_dma source(%dma_start3A_904 : memref<8x64xf32, #tpu.memory_space<hbm>>) target(%dma_start3A_900 : memref<8x64xf32, #tpu.memory_space<vmem>>) target_semaphore(%arg18 : memref<!tpu.dma_semaphore, #tpu.memory_space<semaphore_mem>>)
    %slice3A_905 = vector.extract_strided_slice %get3A_449 {offsets = [12], sizes = [1], strides = [1]} : vector<16xi32> to vector<1xi32>
    %squeeze3A_906 = vector.extract %slice3A_905[0] : i32 from vector<1xi32>
    %dma_start3A_907 = arith.constant 12 : i32
    %dma_start3A_908 = arith.constant 0 : i32
    %dma_start3A_909 = arith.constant 0 : i32
    %dma_start3A_910 = tpu.memref_slice %arg11[%dma_start3A_907, %dma_start3A_908, %dma_start3A_909] : memref<16x8x64xf32, #tpu.memory_space<vmem>> -> memref<1x8x64xf32, #tpu.memory_space<vmem>>
    %dma_start3A_911 = tpu.memref_squeeze %dma_start3A_910 : memref<1x8x64xf32, #tpu.memory_space<vmem>> -> memref<8x64xf32, #tpu.memory_space<vmem>>
    %dma_start3A_912 = arith.constant 0 : i32
    %dma_start3A_913 = arith.constant 0 : i32
    %dma_start3A_914 = tpu.memref_slice %arg4[%squeeze3A_906, %dma_start3A_912, %dma_start3A_913] : memref<125000x8x64xf32, #tpu.memory_space<hbm>> -> memref<1x8x64xf32, #tpu.memory_space<hbm>>
    %dma_start3A_915 = tpu.memref_squeeze %dma_start3A_914 : memref<1x8x64xf32, #tpu.memory_space<hbm>> -> memref<8x64xf32, #tpu.memory_space<hbm>>
    %dma_start3A_916 = arith.constant 0 : i32
    %dma_start3A_917 = arith.constant 0 : i32
    %dma_start3A_918 = tpu.memref_slice %arg11[%dma_start3A_907, %dma_start3A_916, %dma_start3A_917] : memref<16x8x64xf32, #tpu.memory_space<vmem>> -> memref<1x8x64xf32, #tpu.memory_space<vmem>>
    %dma_start3A_919 = tpu.memref_squeeze %dma_start3A_918 : memref<1x8x64xf32, #tpu.memory_space<vmem>> -> memref<8x64xf32, #tpu.memory_space<vmem>>
    %dma_start3A_920 = arith.constant 0 : i32
    %dma_start3A_921 = arith.constant 0 : i32
    %dma_start3A_922 = tpu.memref_slice %arg4[%squeeze3A_906, %dma_start3A_920, %dma_start3A_921] : memref<125000x8x64xf32, #tpu.memory_space<hbm>> -> memref<1x8x64xf32, #tpu.memory_space<hbm>>
    %dma_start3A_923 = tpu.memref_squeeze %dma_start3A_922 : memref<1x8x64xf32, #tpu.memory_space<hbm>> -> memref<8x64xf32, #tpu.memory_space<hbm>>
    tpu.enqueue_dma source(%dma_start3A_923 : memref<8x64xf32, #tpu.memory_space<hbm>>) target(%dma_start3A_919 : memref<8x64xf32, #tpu.memory_space<vmem>>) target_semaphore(%arg16 : memref<!tpu.dma_semaphore, #tpu.memory_space<semaphore_mem>>)
    %slice3A_924 = vector.extract_strided_slice %get3A_451 {offsets = [12], sizes = [1], strides = [1]} : vector<16xi32> to vector<1xi32>
    %squeeze3A_925 = vector.extract %slice3A_924[0] : i32 from vector<1xi32>
    %dma_start3A_926 = arith.constant 12 : i32
    %dma_start3A_927 = arith.constant 0 : i32
    %dma_start3A_928 = arith.constant 0 : i32
    %dma_start3A_929 = tpu.memref_slice %arg13[%dma_start3A_926, %dma_start3A_927, %dma_start3A_928] : memref<16x8x64xf32, #tpu.memory_space<vmem>> -> memref<1x8x64xf32, #tpu.memory_space<vmem>>
    %dma_start3A_930 = tpu.memref_squeeze %dma_start3A_929 : memref<1x8x64xf32, #tpu.memory_space<vmem>> -> memref<8x64xf32, #tpu.memory_space<vmem>>
    %dma_start3A_931 = arith.constant 0 : i32
    %dma_start3A_932 = arith.constant 0 : i32
    %dma_start3A_933 = tpu.memref_slice %arg5[%squeeze3A_925, %dma_start3A_931, %dma_start3A_932] : memref<125000x8x64xf32, #tpu.memory_space<hbm>> -> memref<1x8x64xf32, #tpu.memory_space<hbm>>
    %dma_start3A_934 = tpu.memref_squeeze %dma_start3A_933 : memref<1x8x64xf32, #tpu.memory_space<hbm>> -> memref<8x64xf32, #tpu.memory_space<hbm>>
    %dma_start3A_935 = arith.constant 0 : i32
    %dma_start3A_936 = arith.constant 0 : i32
    %dma_start3A_937 = tpu.memref_slice %arg13[%dma_start3A_926, %dma_start3A_935, %dma_start3A_936] : memref<16x8x64xf32, #tpu.memory_space<vmem>> -> memref<1x8x64xf32, #tpu.memory_space<vmem>>
    %dma_start3A_938 = tpu.memref_squeeze %dma_start3A_937 : memref<1x8x64xf32, #tpu.memory_space<vmem>> -> memref<8x64xf32, #tpu.memory_space<vmem>>
    %dma_start3A_939 = arith.constant 0 : i32
    %dma_start3A_940 = arith.constant 0 : i32
    %dma_start3A_941 = tpu.memref_slice %arg5[%squeeze3A_925, %dma_start3A_939, %dma_start3A_940] : memref<125000x8x64xf32, #tpu.memory_space<hbm>> -> memref<1x8x64xf32, #tpu.memory_space<hbm>>
    %dma_start3A_942 = tpu.memref_squeeze %dma_start3A_941 : memref<1x8x64xf32, #tpu.memory_space<hbm>> -> memref<8x64xf32, #tpu.memory_space<hbm>>
    tpu.enqueue_dma source(%dma_start3A_942 : memref<8x64xf32, #tpu.memory_space<hbm>>) target(%dma_start3A_938 : memref<8x64xf32, #tpu.memory_space<vmem>>) target_semaphore(%arg18 : memref<!tpu.dma_semaphore, #tpu.memory_space<semaphore_mem>>)
    %slice3A_943 = vector.extract_strided_slice %get3A_449 {offsets = [13], sizes = [1], strides = [1]} : vector<16xi32> to vector<1xi32>
    %squeeze3A_944 = vector.extract %slice3A_943[0] : i32 from vector<1xi32>
    %dma_start3A_945 = arith.constant 13 : i32
    %dma_start3A_946 = arith.constant 0 : i32
    %dma_start3A_947 = arith.constant 0 : i32
    %dma_start3A_948 = tpu.memref_slice %arg11[%dma_start3A_945, %dma_start3A_946, %dma_start3A_947] : memref<16x8x64xf32, #tpu.memory_space<vmem>> -> memref<1x8x64xf32, #tpu.memory_space<vmem>>
    %dma_start3A_949 = tpu.memref_squeeze %dma_start3A_948 : memref<1x8x64xf32, #tpu.memory_space<vmem>> -> memref<8x64xf32, #tpu.memory_space<vmem>>
    %dma_start3A_950 = arith.constant 0 : i32
    %dma_start3A_951 = arith.constant 0 : i32
    %dma_start3A_952 = tpu.memref_slice %arg4[%squeeze3A_944, %dma_start3A_950, %dma_start3A_951] : memref<125000x8x64xf32, #tpu.memory_space<hbm>> -> memref<1x8x64xf32, #tpu.memory_space<hbm>>
    %dma_start3A_953 = tpu.memref_squeeze %dma_start3A_952 : memref<1x8x64xf32, #tpu.memory_space<hbm>> -> memref<8x64xf32, #tpu.memory_space<hbm>>
    %dma_start3A_954 = arith.constant 0 : i32
    %dma_start3A_955 = arith.constant 0 : i32
    %dma_start3A_956 = tpu.memref_slice %arg11[%dma_start3A_945, %dma_start3A_954, %dma_start3A_955] : memref<16x8x64xf32, #tpu.memory_space<vmem>> -> memref<1x8x64xf32, #tpu.memory_space<vmem>>
    %dma_start3A_957 = tpu.memref_squeeze %dma_start3A_956 : memref<1x8x64xf32, #tpu.memory_space<vmem>> -> memref<8x64xf32, #tpu.memory_space<vmem>>
    %dma_start3A_958 = arith.constant 0 : i32
    %dma_start3A_959 = arith.constant 0 : i32
    %dma_start3A_960 = tpu.memref_slice %arg4[%squeeze3A_944, %dma_start3A_958, %dma_start3A_959] : memref<125000x8x64xf32, #tpu.memory_space<hbm>> -> memref<1x8x64xf32, #tpu.memory_space<hbm>>
    %dma_start3A_961 = tpu.memref_squeeze %dma_start3A_960 : memref<1x8x64xf32, #tpu.memory_space<hbm>> -> memref<8x64xf32, #tpu.memory_space<hbm>>
    tpu.enqueue_dma source(%dma_start3A_961 : memref<8x64xf32, #tpu.memory_space<hbm>>) target(%dma_start3A_957 : memref<8x64xf32, #tpu.memory_space<vmem>>) target_semaphore(%arg16 : memref<!tpu.dma_semaphore, #tpu.memory_space<semaphore_mem>>)
    %slice3A_962 = vector.extract_strided_slice %get3A_451 {offsets = [13], sizes = [1], strides = [1]} : vector<16xi32> to vector<1xi32>
    %squeeze3A_963 = vector.extract %slice3A_962[0] : i32 from vector<1xi32>
    %dma_start3A_964 = arith.constant 13 : i32
    %dma_start3A_965 = arith.constant 0 : i32
    %dma_start3A_966 = arith.constant 0 : i32
    %dma_start3A_967 = tpu.memref_slice %arg13[%dma_start3A_964, %dma_start3A_965, %dma_start3A_966] : memref<16x8x64xf32, #tpu.memory_space<vmem>> -> memref<1x8x64xf32, #tpu.memory_space<vmem>>
    %dma_start3A_968 = tpu.memref_squeeze %dma_start3A_967 : memref<1x8x64xf32, #tpu.memory_space<vmem>> -> memref<8x64xf32, #tpu.memory_space<vmem>>
    %dma_start3A_969 = arith.constant 0 : i32
    %dma_start3A_970 = arith.constant 0 : i32
    %dma_start3A_971 = tpu.memref_slice %arg5[%squeeze3A_963, %dma_start3A_969, %dma_start3A_970] : memref<125000x8x64xf32, #tpu.memory_space<hbm>> -> memref<1x8x64xf32, #tpu.memory_space<hbm>>
    %dma_start3A_972 = tpu.memref_squeeze %dma_start3A_971 : memref<1x8x64xf32, #tpu.memory_space<hbm>> -> memref<8x64xf32, #tpu.memory_space<hbm>>
    %dma_start3A_973 = arith.constant 0 : i32
    %dma_start3A_974 = arith.constant 0 : i32
    %dma_start3A_975 = tpu.memref_slice %arg13[%dma_start3A_964, %dma_start3A_973, %dma_start3A_974] : memref<16x8x64xf32, #tpu.memory_space<vmem>> -> memref<1x8x64xf32, #tpu.memory_space<vmem>>
    %dma_start3A_976 = tpu.memref_squeeze %dma_start3A_975 : memref<1x8x64xf32, #tpu.memory_space<vmem>> -> memref<8x64xf32, #tpu.memory_space<vmem>>
    %dma_start3A_977 = arith.constant 0 : i32
    %dma_start3A_978 = arith.constant 0 : i32
    %dma_start3A_979 = tpu.memref_slice %arg5[%squeeze3A_963, %dma_start3A_977, %dma_start3A_978] : memref<125000x8x64xf32, #tpu.memory_space<hbm>> -> memref<1x8x64xf32, #tpu.memory_space<hbm>>
    %dma_start3A_980 = tpu.memref_squeeze %dma_start3A_979 : memref<1x8x64xf32, #tpu.memory_space<hbm>> -> memref<8x64xf32, #tpu.memory_space<hbm>>
    tpu.enqueue_dma source(%dma_start3A_980 : memref<8x64xf32, #tpu.memory_space<hbm>>) target(%dma_start3A_976 : memref<8x64xf32, #tpu.memory_space<vmem>>) target_semaphore(%arg18 : memref<!tpu.dma_semaphore, #tpu.memory_space<semaphore_mem>>)
    %slice3A_981 = vector.extract_strided_slice %get3A_449 {offsets = [14], sizes = [1], strides = [1]} : vector<16xi32> to vector<1xi32>
    %squeeze3A_982 = vector.extract %slice3A_981[0] : i32 from vector<1xi32>
    %dma_start3A_983 = arith.constant 14 : i32
    %dma_start3A_984 = arith.constant 0 : i32
    %dma_start3A_985 = arith.constant 0 : i32
    %dma_start3A_986 = tpu.memref_slice %arg11[%dma_start3A_983, %dma_start3A_984, %dma_start3A_985] : memref<16x8x64xf32, #tpu.memory_space<vmem>> -> memref<1x8x64xf32, #tpu.memory_space<vmem>>
    %dma_start3A_987 = tpu.memref_squeeze %dma_start3A_986 : memref<1x8x64xf32, #tpu.memory_space<vmem>> -> memref<8x64xf32, #tpu.memory_space<vmem>>
    %dma_start3A_988 = arith.constant 0 : i32
    %dma_start3A_989 = arith.constant 0 : i32
    %dma_start3A_990 = tpu.memref_slice %arg4[%squeeze3A_982, %dma_start3A_988, %dma_start3A_989] : memref<125000x8x64xf32, #tpu.memory_space<hbm>> -> memref<1x8x64xf32, #tpu.memory_space<hbm>>
    %dma_start3A_991 = tpu.memref_squeeze %dma_start3A_990 : memref<1x8x64xf32, #tpu.memory_space<hbm>> -> memref<8x64xf32, #tpu.memory_space<hbm>>
    %dma_start3A_992 = arith.constant 0 : i32
    %dma_start3A_993 = arith.constant 0 : i32
    %dma_start3A_994 = tpu.memref_slice %arg11[%dma_start3A_983, %dma_start3A_992, %dma_start3A_993] : memref<16x8x64xf32, #tpu.memory_space<vmem>> -> memref<1x8x64xf32, #tpu.memory_space<vmem>>
    %dma_start3A_995 = tpu.memref_squeeze %dma_start3A_994 : memref<1x8x64xf32, #tpu.memory_space<vmem>> -> memref<8x64xf32, #tpu.memory_space<vmem>>
    %dma_start3A_996 = arith.constant 0 : i32
    %dma_start3A_997 = arith.constant 0 : i32
    %dma_start3A_998 = tpu.memref_slice %arg4[%squeeze3A_982, %dma_start3A_996, %dma_start3A_997] : memref<125000x8x64xf32, #tpu.memory_space<hbm>> -> memref<1x8x64xf32, #tpu.memory_space<hbm>>
    %dma_start3A_999 = tpu.memref_squeeze %dma_start3A_998 : memref<1x8x64xf32, #tpu.memory_space<hbm>> -> memref<8x64xf32, #tpu.memory_space<hbm>>
    tpu.enqueue_dma source(%dma_start3A_999 : memref<8x64xf32, #tpu.memory_space<hbm>>) target(%dma_start3A_995 : memref<8x64xf32, #tpu.memory_space<vmem>>) target_semaphore(%arg16 : memref<!tpu.dma_semaphore, #tpu.memory_space<semaphore_mem>>)
    %slice3A_1000 = vector.extract_strided_slice %get3A_451 {offsets = [14], sizes = [1], strides = [1]} : vector<16xi32> to vector<1xi32>
    %squeeze3A_1001 = vector.extract %slice3A_1000[0] : i32 from vector<1xi32>
    %dma_start3A_1002 = arith.constant 14 : i32
    %dma_start3A_1003 = arith.constant 0 : i32
    %dma_start3A_1004 = arith.constant 0 : i32
    %dma_start3A_1005 = tpu.memref_slice %arg13[%dma_start3A_1002, %dma_start3A_1003, %dma_start3A_1004] : memref<16x8x64xf32, #tpu.memory_space<vmem>> -> memref<1x8x64xf32, #tpu.memory_space<vmem>>
    %dma_start3A_1006 = tpu.memref_squeeze %dma_start3A_1005 : memref<1x8x64xf32, #tpu.memory_space<vmem>> -> memref<8x64xf32, #tpu.memory_space<vmem>>
    %dma_start3A_1007 = arith.constant 0 : i32
    %dma_start3A_1008 = arith.constant 0 : i32
    %dma_start3A_1009 = tpu.memref_slice %arg5[%squeeze3A_1001, %dma_start3A_1007, %dma_start3A_1008] : memref<125000x8x64xf32, #tpu.memory_space<hbm>> -> memref<1x8x64xf32, #tpu.memory_space<hbm>>
    %dma_start3A_1010 = tpu.memref_squeeze %dma_start3A_1009 : memref<1x8x64xf32, #tpu.memory_space<hbm>> -> memref<8x64xf32, #tpu.memory_space<hbm>>
    %dma_start3A_1011 = arith.constant 0 : i32
    %dma_start3A_1012 = arith.constant 0 : i32
    %dma_start3A_1013 = tpu.memref_slice %arg13[%dma_start3A_1002, %dma_start3A_1011, %dma_start3A_1012] : memref<16x8x64xf32, #tpu.memory_space<vmem>> -> memref<1x8x64xf32, #tpu.memory_space<vmem>>
    %dma_start3A_1014 = tpu.memref_squeeze %dma_start3A_1013 : memref<1x8x64xf32, #tpu.memory_space<vmem>> -> memref<8x64xf32, #tpu.memory_space<vmem>>
    %dma_start3A_1015 = arith.constant 0 : i32
    %dma_start3A_1016 = arith.constant 0 : i32
    %dma_start3A_1017 = tpu.memref_slice %arg5[%squeeze3A_1001, %dma_start3A_1015, %dma_start3A_1016] : memref<125000x8x64xf32, #tpu.memory_space<hbm>> -> memref<1x8x64xf32, #tpu.memory_space<hbm>>
    %dma_start3A_1018 = tpu.memref_squeeze %dma_start3A_1017 : memref<1x8x64xf32, #tpu.memory_space<hbm>> -> memref<8x64xf32, #tpu.memory_space<hbm>>
    tpu.enqueue_dma source(%dma_start3A_1018 : memref<8x64xf32, #tpu.memory_space<hbm>>) target(%dma_start3A_1014 : memref<8x64xf32, #tpu.memory_space<vmem>>) target_semaphore(%arg18 : memref<!tpu.dma_semaphore, #tpu.memory_space<semaphore_mem>>)
    %slice3A_1019 = vector.extract_strided_slice %get3A_449 {offsets = [15], sizes = [1], strides = [1]} : vector<16xi32> to vector<1xi32>
    %squeeze3A_1020 = vector.extract %slice3A_1019[0] : i32 from vector<1xi32>
    %dma_start3A_1021 = arith.constant 15 : i32
    %dma_start3A_1022 = arith.constant 0 : i32
    %dma_start3A_1023 = arith.constant 0 : i32
    %dma_start3A_1024 = tpu.memref_slice %arg11[%dma_start3A_1021, %dma_start3A_1022, %dma_start3A_1023] : memref<16x8x64xf32, #tpu.memory_space<vmem>> -> memref<1x8x64xf32, #tpu.memory_space<vmem>>
    %dma_start3A_1025 = tpu.memref_squeeze %dma_start3A_1024 : memref<1x8x64xf32, #tpu.memory_space<vmem>> -> memref<8x64xf32, #tpu.memory_space<vmem>>
    %dma_start3A_1026 = arith.constant 0 : i32
    %dma_start3A_1027 = arith.constant 0 : i32
    %dma_start3A_1028 = tpu.memref_slice %arg4[%squeeze3A_1020, %dma_start3A_1026, %dma_start3A_1027] : memref<125000x8x64xf32, #tpu.memory_space<hbm>> -> memref<1x8x64xf32, #tpu.memory_space<hbm>>
    %dma_start3A_1029 = tpu.memref_squeeze %dma_start3A_1028 : memref<1x8x64xf32, #tpu.memory_space<hbm>> -> memref<8x64xf32, #tpu.memory_space<hbm>>
    %dma_start3A_1030 = arith.constant 0 : i32
    %dma_start3A_1031 = arith.constant 0 : i32
    %dma_start3A_1032 = tpu.memref_slice %arg11[%dma_start3A_1021, %dma_start3A_1030, %dma_start3A_1031] : memref<16x8x64xf32, #tpu.memory_space<vmem>> -> memref<1x8x64xf32, #tpu.memory_space<vmem>>
    %dma_start3A_1033 = tpu.memref_squeeze %dma_start3A_1032 : memref<1x8x64xf32, #tpu.memory_space<vmem>> -> memref<8x64xf32, #tpu.memory_space<vmem>>
    %dma_start3A_1034 = arith.constant 0 : i32
    %dma_start3A_1035 = arith.constant 0 : i32
    %dma_start3A_1036 = tpu.memref_slice %arg4[%squeeze3A_1020, %dma_start3A_1034, %dma_start3A_1035] : memref<125000x8x64xf32, #tpu.memory_space<hbm>> -> memref<1x8x64xf32, #tpu.memory_space<hbm>>
    %dma_start3A_1037 = tpu.memref_squeeze %dma_start3A_1036 : memref<1x8x64xf32, #tpu.memory_space<hbm>> -> memref<8x64xf32, #tpu.memory_space<hbm>>
    tpu.enqueue_dma source(%dma_start3A_1037 : memref<8x64xf32, #tpu.memory_space<hbm>>) target(%dma_start3A_1033 : memref<8x64xf32, #tpu.memory_space<vmem>>) target_semaphore(%arg16 : memref<!tpu.dma_semaphore, #tpu.memory_space<semaphore_mem>>)
    %slice3A_1038 = vector.extract_strided_slice %get3A_451 {offsets = [15], sizes = [1], strides = [1]} : vector<16xi32> to vector<1xi32>
    %squeeze3A_1039 = vector.extract %slice3A_1038[0] : i32 from vector<1xi32>
    %dma_start3A_1040 = arith.constant 15 : i32
    %dma_start3A_1041 = arith.constant 0 : i32
    %dma_start3A_1042 = arith.constant 0 : i32
    %dma_start3A_1043 = tpu.memref_slice %arg13[%dma_start3A_1040, %dma_start3A_1041, %dma_start3A_1042] : memref<16x8x64xf32, #tpu.memory_space<vmem>> -> memref<1x8x64xf32, #tpu.memory_space<vmem>>
    %dma_start3A_1044 = tpu.memref_squeeze %dma_start3A_1043 : memref<1x8x64xf32, #tpu.memory_space<vmem>> -> memref<8x64xf32, #tpu.memory_space<vmem>>
    %dma_start3A_1045 = arith.constant 0 : i32
    %dma_start3A_1046 = arith.constant 0 : i32
    %dma_start3A_1047 = tpu.memref_slice %arg5[%squeeze3A_1039, %dma_start3A_1045, %dma_start3A_1046] : memref<125000x8x64xf32, #tpu.memory_space<hbm>> -> memref<1x8x64xf32, #tpu.memory_space<hbm>>
    %dma_start3A_1048 = tpu.memref_squeeze %dma_start3A_1047 : memref<1x8x64xf32, #tpu.memory_space<hbm>> -> memref<8x64xf32, #tpu.memory_space<hbm>>
    %dma_start3A_1049 = arith.constant 0 : i32
    %dma_start3A_1050 = arith.constant 0 : i32
    %dma_start3A_1051 = tpu.memref_slice %arg13[%dma_start3A_1040, %dma_start3A_1049, %dma_start3A_1050] : memref<16x8x64xf32, #tpu.memory_space<vmem>> -> memref<1x8x64xf32, #tpu.memory_space<vmem>>
    %dma_start3A_1052 = tpu.memref_squeeze %dma_start3A_1051 : memref<1x8x64xf32, #tpu.memory_space<vmem>> -> memref<8x64xf32, #tpu.memory_space<vmem>>
    %dma_start3A_1053 = arith.constant 0 : i32
    %dma_start3A_1054 = arith.constant 0 : i32
    %dma_start3A_1055 = tpu.memref_slice %arg5[%squeeze3A_1039, %dma_start3A_1053, %dma_start3A_1054] : memref<125000x8x64xf32, #tpu.memory_space<hbm>> -> memref<1x8x64xf32, #tpu.memory_space<hbm>>
    %dma_start3A_1056 = tpu.memref_squeeze %dma_start3A_1055 : memref<1x8x64xf32, #tpu.memory_space<hbm>> -> memref<8x64xf32, #tpu.memory_space<hbm>>
    tpu.enqueue_dma source(%dma_start3A_1056 : memref<8x64xf32, #tpu.memory_space<hbm>>) target(%dma_start3A_1052 : memref<8x64xf32, #tpu.memory_space<vmem>>) target_semaphore(%arg18 : memref<!tpu.dma_semaphore, #tpu.memory_space<semaphore_mem>>)
    %scan3A = arith.constant 0 : i32
    %scan3A_1057 = arith.constant 0 : i32
    %scan3A_1058 = arith.constant 16 : i32
    %scan3A_1059 = arith.addi %scan3A_1057, %scan3A_1058 : i32
    %scan3A_1060 = arith.constant 1 : i32
    %scan3A_1061 = scf.for %scan3A_1063 = %scan3A_1057 to %scan3A_1059 step %scan3A_1060 iter_args(%scan3A_1064 = %scan3A) -> (i32)  : i32 {
      %mul3A_1065 = arith.constant 2 : i32
      %mul3A_1066 = arith.muli %mul3A_1065, %scan3A_1063 : i32
      %add3A_1067 = arith.constant 1 : i32
      %add3A_1068 = arith.addi %mul3A_1066, %add3A_1067 : i32
      %mul3A_1069 = arith.constant 16 : i32
      %mul3A_1070 = arith.muli %add3A_1068, %mul3A_1069 : i32
      %get3A_1071 = arith.index_cast %mul3A_1070 : i32 to index
      %get3A_1072 = tpu.vector_load %arg9[%get3A_1071] {strides = array<i32>} : memref<512xi32, #tpu.memory_space<vmem>>, vector<16xi32>,
      %get3A_1073 = arith.index_cast %mul3A_1070 : i32 to index
      %get3A_1074 = tpu.vector_load %arg10[%get3A_1073] {strides = array<i32>} : memref<512xi32, #tpu.memory_space<vmem>>, vector<16xi32>,
      %slice3A_1075 = vector.extract_strided_slice %get3A_1072 {offsets = [0], sizes = [1], strides = [1]} : vector<16xi32> to vector<1xi32>
      %squeeze3A_1076 = vector.extract %slice3A_1075[0] : i32 from vector<1xi32>
      %dma_start3A_1077 = arith.constant 0 : i32
      %dma_start3A_1078 = arith.constant 0 : i32
      %dma_start3A_1079 = arith.constant 0 : i32
      %dma_start3A_1080 = tpu.memref_slice %arg12[%dma_start3A_1077, %dma_start3A_1078, %dma_start3A_1079] : memref<16x8x64xf32, #tpu.memory_space<vmem>> -> memref<1x8x64xf32, #tpu.memory_space<vmem>>
      %dma_start3A_1081 = tpu.memref_squeeze %dma_start3A_1080 : memref<1x8x64xf32, #tpu.memory_space<vmem>> -> memref<8x64xf32, #tpu.memory_space<vmem>>
      %dma_start3A_1082 = arith.constant 0 : i32
      %dma_start3A_1083 = arith.constant 0 : i32
      %dma_start3A_1084 = tpu.memref_slice %arg4[%squeeze3A_1076, %dma_start3A_1082, %dma_start3A_1083] : memref<125000x8x64xf32, #tpu.memory_space<hbm>> -> memref<1x8x64xf32, #tpu.memory_space<hbm>>
      %dma_start3A_1085 = tpu.memref_squeeze %dma_start3A_1084 : memref<1x8x64xf32, #tpu.memory_space<hbm>> -> memref<8x64xf32, #tpu.memory_space<hbm>>
      %dma_start3A_1086 = arith.constant 0 : i32
      %dma_start3A_1087 = arith.constant 0 : i32
      %dma_start3A_1088 = tpu.memref_slice %arg12[%dma_start3A_1077, %dma_start3A_1086, %dma_start3A_1087] : memref<16x8x64xf32, #tpu.memory_space<vmem>> -> memref<1x8x64xf32, #tpu.memory_space<vmem>>
      %dma_start3A_1089 = tpu.memref_squeeze %dma_start3A_1088 : memref<1x8x64xf32, #tpu.memory_space<vmem>> -> memref<8x64xf32, #tpu.memory_space<vmem>>
      %dma_start3A_1090 = arith.constant 0 : i32
      %dma_start3A_1091 = arith.constant 0 : i32
      %dma_start3A_1092 = tpu.memref_slice %arg4[%squeeze3A_1076, %dma_start3A_1090, %dma_start3A_1091] : memref<125000x8x64xf32, #tpu.memory_space<hbm>> -> memref<1x8x64xf32, #tpu.memory_space<hbm>>
      %dma_start3A_1093 = tpu.memref_squeeze %dma_start3A_1092 : memref<1x8x64xf32, #tpu.memory_space<hbm>> -> memref<8x64xf32, #tpu.memory_space<hbm>>
      tpu.enqueue_dma source(%dma_start3A_1093 : memref<8x64xf32, #tpu.memory_space<hbm>>) target(%dma_start3A_1089 : memref<8x64xf32, #tpu.memory_space<vmem>>) target_semaphore(%arg17 : memref<!tpu.dma_semaphore, #tpu.memory_space<semaphore_mem>>)
      %slice3A_1094 = vector.extract_strided_slice %get3A_1074 {offsets = [0], sizes = [1], strides = [1]} : vector<16xi32> to vector<1xi32>
      %squeeze3A_1095 = vector.extract %slice3A_1094[0] : i32 from vector<1xi32>
      %dma_start3A_1096 = arith.constant 0 : i32
      %dma_start3A_1097 = arith.constant 0 : i32
      %dma_start3A_1098 = arith.constant 0 : i32
      %dma_start3A_1099 = tpu.memref_slice %arg14[%dma_start3A_1096, %dma_start3A_1097, %dma_start3A_1098] : memref<16x8x64xf32, #tpu.memory_space<vmem>> -> memref<1x8x64xf32, #tpu.memory_space<vmem>>
      %dma_start3A_1100 = tpu.memref_squeeze %dma_start3A_1099 : memref<1x8x64xf32, #tpu.memory_space<vmem>> -> memref<8x64xf32, #tpu.memory_space<vmem>>
      %dma_start3A_1101 = arith.constant 0 : i32
      %dma_start3A_1102 = arith.constant 0 : i32
      %dma_start3A_1103 = tpu.memref_slice %arg5[%squeeze3A_1095, %dma_start3A_1101, %dma_start3A_1102] : memref<125000x8x64xf32, #tpu.memory_space<hbm>> -> memref<1x8x64xf32, #tpu.memory_space<hbm>>
      %dma_start3A_1104 = tpu.memref_squeeze %dma_start3A_1103 : memref<1x8x64xf32, #tpu.memory_space<hbm>> -> memref<8x64xf32, #tpu.memory_space<hbm>>
      %dma_start3A_1105 = arith.constant 0 : i32
      %dma_start3A_1106 = arith.constant 0 : i32
      %dma_start3A_1107 = tpu.memref_slice %arg14[%dma_start3A_1096, %dma_start3A_1105, %dma_start3A_1106] : memref<16x8x64xf32, #tpu.memory_space<vmem>> -> memref<1x8x64xf32, #tpu.memory_space<vmem>>
      %dma_start3A_1108 = tpu.memref_squeeze %dma_start3A_1107 : memref<1x8x64xf32, #tpu.memory_space<vmem>> -> memref<8x64xf32, #tpu.memory_space<vmem>>
      %dma_start3A_1109 = arith.constant 0 : i32
      %dma_start3A_1110 = arith.constant 0 : i32
      %dma_start3A_1111 = tpu.memref_slice %arg5[%squeeze3A_1095, %dma_start3A_1109, %dma_start3A_1110] : memref<125000x8x64xf32, #tpu.memory_space<hbm>> -> memref<1x8x64xf32, #tpu.memory_space<hbm>>
      %dma_start3A_1112 = tpu.memref_squeeze %dma_start3A_1111 : memref<1x8x64xf32, #tpu.memory_space<hbm>> -> memref<8x64xf32, #tpu.memory_space<hbm>>
      tpu.enqueue_dma source(%dma_start3A_1112 : memref<8x64xf32, #tpu.memory_space<hbm>>) target(%dma_start3A_1108 : memref<8x64xf32, #tpu.memory_space<vmem>>) target_semaphore(%arg19 : memref<!tpu.dma_semaphore, #tpu.memory_space<semaphore_mem>>)
      %slice3A_1113 = vector.extract_strided_slice %get3A_1072 {offsets = [1], sizes = [1], strides = [1]} : vector<16xi32> to vector<1xi32>
      %squeeze3A_1114 = vector.extract %slice3A_1113[0] : i32 from vector<1xi32>
      %dma_start3A_1115 = arith.constant 1 : i32
      %dma_start3A_1116 = arith.constant 0 : i32
      %dma_start3A_1117 = arith.constant 0 : i32
      %dma_start3A_1118 = tpu.memref_slice %arg12[%dma_start3A_1115, %dma_start3A_1116, %dma_start3A_1117] : memref<16x8x64xf32, #tpu.memory_space<vmem>> -> memref<1x8x64xf32, #tpu.memory_space<vmem>>
      %dma_start3A_1119 = tpu.memref_squeeze %dma_start3A_1118 : memref<1x8x64xf32, #tpu.memory_space<vmem>> -> memref<8x64xf32, #tpu.memory_space<vmem>>
      %dma_start3A_1120 = arith.constant 0 : i32
      %dma_start3A_1121 = arith.constant 0 : i32
      %dma_start3A_1122 = tpu.memref_slice %arg4[%squeeze3A_1114, %dma_start3A_1120, %dma_start3A_1121] : memref<125000x8x64xf32, #tpu.memory_space<hbm>> -> memref<1x8x64xf32, #tpu.memory_space<hbm>>
      %dma_start3A_1123 = tpu.memref_squeeze %dma_start3A_1122 : memref<1x8x64xf32, #tpu.memory_space<hbm>> -> memref<8x64xf32, #tpu.memory_space<hbm>>
      %dma_start3A_1124 = arith.constant 0 : i32
      %dma_start3A_1125 = arith.constant 0 : i32
      %dma_start3A_1126 = tpu.memref_slice %arg12[%dma_start3A_1115, %dma_start3A_1124, %dma_start3A_1125] : memref<16x8x64xf32, #tpu.memory_space<vmem>> -> memref<1x8x64xf32, #tpu.memory_space<vmem>>
      %dma_start3A_1127 = tpu.memref_squeeze %dma_start3A_1126 : memref<1x8x64xf32, #tpu.memory_space<vmem>> -> memref<8x64xf32, #tpu.memory_space<vmem>>
      %dma_start3A_1128 = arith.constant 0 : i32
      %dma_start3A_1129 = arith.constant 0 : i32
      %dma_start3A_1130 = tpu.memref_slice %arg4[%squeeze3A_1114, %dma_start3A_1128, %dma_start3A_1129] : memref<125000x8x64xf32, #tpu.memory_space<hbm>> -> memref<1x8x64xf32, #tpu.memory_space<hbm>>
      %dma_start3A_1131 = tpu.memref_squeeze %dma_start3A_1130 : memref<1x8x64xf32, #tpu.memory_space<hbm>> -> memref<8x64xf32, #tpu.memory_space<hbm>>
      tpu.enqueue_dma source(%dma_start3A_1131 : memref<8x64xf32, #tpu.memory_space<hbm>>) target(%dma_start3A_1127 : memref<8x64xf32, #tpu.memory_space<vmem>>) target_semaphore(%arg17 : memref<!tpu.dma_semaphore, #tpu.memory_space<semaphore_mem>>)
      %slice3A_1132 = vector.extract_strided_slice %get3A_1074 {offsets = [1], sizes = [1], strides = [1]} : vector<16xi32> to vector<1xi32>
      %squeeze3A_1133 = vector.extract %slice3A_1132[0] : i32 from vector<1xi32>
      %dma_start3A_1134 = arith.constant 1 : i32
      %dma_start3A_1135 = arith.constant 0 : i32
      %dma_start3A_1136 = arith.constant 0 : i32
      %dma_start3A_1137 = tpu.memref_slice %arg14[%dma_start3A_1134, %dma_start3A_1135, %dma_start3A_1136] : memref<16x8x64xf32, #tpu.memory_space<vmem>> -> memref<1x8x64xf32, #tpu.memory_space<vmem>>
      %dma_start3A_1138 = tpu.memref_squeeze %dma_start3A_1137 : memref<1x8x64xf32, #tpu.memory_space<vmem>> -> memref<8x64xf32, #tpu.memory_space<vmem>>
      %dma_start3A_1139 = arith.constant 0 : i32
      %dma_start3A_1140 = arith.constant 0 : i32
      %dma_start3A_1141 = tpu.memref_slice %arg5[%squeeze3A_1133, %dma_start3A_1139, %dma_start3A_1140] : memref<125000x8x64xf32, #tpu.memory_space<hbm>> -> memref<1x8x64xf32, #tpu.memory_space<hbm>>
      %dma_start3A_1142 = tpu.memref_squeeze %dma_start3A_1141 : memref<1x8x64xf32, #tpu.memory_space<hbm>> -> memref<8x64xf32, #tpu.memory_space<hbm>>
      %dma_start3A_1143 = arith.constant 0 : i32
      %dma_start3A_1144 = arith.constant 0 : i32
      %dma_start3A_1145 = tpu.memref_slice %arg14[%dma_start3A_1134, %dma_start3A_1143, %dma_start3A_1144] : memref<16x8x64xf32, #tpu.memory_space<vmem>> -> memref<1x8x64xf32, #tpu.memory_space<vmem>>
      %dma_start3A_1146 = tpu.memref_squeeze %dma_start3A_1145 : memref<1x8x64xf32, #tpu.memory_space<vmem>> -> memref<8x64xf32, #tpu.memory_space<vmem>>
      %dma_start3A_1147 = arith.constant 0 : i32
      %dma_start3A_1148 = arith.constant 0 : i32
      %dma_start3A_1149 = tpu.memref_slice %arg5[%squeeze3A_1133, %dma_start3A_1147, %dma_start3A_1148] : memref<125000x8x64xf32, #tpu.memory_space<hbm>> -> memref<1x8x64xf32, #tpu.memory_space<hbm>>
      %dma_start3A_1150 = tpu.memref_squeeze %dma_start3A_1149 : memref<1x8x64xf32, #tpu.memory_space<hbm>> -> memref<8x64xf32, #tpu.memory_space<hbm>>
      tpu.enqueue_dma source(%dma_start3A_1150 : memref<8x64xf32, #tpu.memory_space<hbm>>) target(%dma_start3A_1146 : memref<8x64xf32, #tpu.memory_space<vmem>>) target_semaphore(%arg19 : memref<!tpu.dma_semaphore, #tpu.memory_space<semaphore_mem>>)
      %slice3A_1151 = vector.extract_strided_slice %get3A_1072 {offsets = [2], sizes = [1], strides = [1]} : vector<16xi32> to vector<1xi32>
      %squeeze3A_1152 = vector.extract %slice3A_1151[0] : i32 from vector<1xi32>
      %dma_start3A_1153 = arith.constant 2 : i32
      %dma_start3A_1154 = arith.constant 0 : i32
      %dma_start3A_1155 = arith.constant 0 : i32
      %dma_start3A_1156 = tpu.memref_slice %arg12[%dma_start3A_1153, %dma_start3A_1154, %dma_start3A_1155] : memref<16x8x64xf32, #tpu.memory_space<vmem>> -> memref<1x8x64xf32, #tpu.memory_space<vmem>>
      %dma_start3A_1157 = tpu.memref_squeeze %dma_start3A_1156 : memref<1x8x64xf32, #tpu.memory_space<vmem>> -> memref<8x64xf32, #tpu.memory_space<vmem>>
      %dma_start3A_1158 = arith.constant 0 : i32
      %dma_start3A_1159 = arith.constant 0 : i32
      %dma_start3A_1160 = tpu.memref_slice %arg4[%squeeze3A_1152, %dma_start3A_1158, %dma_start3A_1159] : memref<125000x8x64xf32, #tpu.memory_space<hbm>> -> memref<1x8x64xf32, #tpu.memory_space<hbm>>
      %dma_start3A_1161 = tpu.memref_squeeze %dma_start3A_1160 : memref<1x8x64xf32, #tpu.memory_space<hbm>> -> memref<8x64xf32, #tpu.memory_space<hbm>>
      %dma_start3A_1162 = arith.constant 0 : i32
      %dma_start3A_1163 = arith.constant 0 : i32
      %dma_start3A_1164 = tpu.memref_slice %arg12[%dma_start3A_1153, %dma_start3A_1162, %dma_start3A_1163] : memref<16x8x64xf32, #tpu.memory_space<vmem>> -> memref<1x8x64xf32, #tpu.memory_space<vmem>>
      %dma_start3A_1165 = tpu.memref_squeeze %dma_start3A_1164 : memref<1x8x64xf32, #tpu.memory_space<vmem>> -> memref<8x64xf32, #tpu.memory_space<vmem>>
      %dma_start3A_1166 = arith.constant 0 : i32
      %dma_start3A_1167 = arith.constant 0 : i32
      %dma_start3A_1168 = tpu.memref_slice %arg4[%squeeze3A_1152, %dma_start3A_1166, %dma_start3A_1167] : memref<125000x8x64xf32, #tpu.memory_space<hbm>> -> memref<1x8x64xf32, #tpu.memory_space<hbm>>
      %dma_start3A_1169 = tpu.memref_squeeze %dma_start3A_1168 : memref<1x8x64xf32, #tpu.memory_space<hbm>> -> memref<8x64xf32, #tpu.memory_space<hbm>>
      tpu.enqueue_dma source(%dma_start3A_1169 : memref<8x64xf32, #tpu.memory_space<hbm>>) target(%dma_start3A_1165 : memref<8x64xf32, #tpu.memory_space<vmem>>) target_semaphore(%arg17 : memref<!tpu.dma_semaphore, #tpu.memory_space<semaphore_mem>>)
      %slice3A_1170 = vector.extract_strided_slice %get3A_1074 {offsets = [2], sizes = [1], strides = [1]} : vector<16xi32> to vector<1xi32>
      %squeeze3A_1171 = vector.extract %slice3A_1170[0] : i32 from vector<1xi32>
      %dma_start3A_1172 = arith.constant 2 : i32
      %dma_start3A_1173 = arith.constant 0 : i32
      %dma_start3A_1174 = arith.constant 0 : i32
      %dma_start3A_1175 = tpu.memref_slice %arg14[%dma_start3A_1172, %dma_start3A_1173, %dma_start3A_1174] : memref<16x8x64xf32, #tpu.memory_space<vmem>> -> memref<1x8x64xf32, #tpu.memory_space<vmem>>
      %dma_start3A_1176 = tpu.memref_squeeze %dma_start3A_1175 : memref<1x8x64xf32, #tpu.memory_space<vmem>> -> memref<8x64xf32, #tpu.memory_space<vmem>>
      %dma_start3A_1177 = arith.constant 0 : i32
      %dma_start3A_1178 = arith.constant 0 : i32
      %dma_start3A_1179 = tpu.memref_slice %arg5[%squeeze3A_1171, %dma_start3A_1177, %dma_start3A_1178] : memref<125000x8x64xf32, #tpu.memory_space<hbm>> -> memref<1x8x64xf32, #tpu.memory_space<hbm>>
      %dma_start3A_1180 = tpu.memref_squeeze %dma_start3A_1179 : memref<1x8x64xf32, #tpu.memory_space<hbm>> -> memref<8x64xf32, #tpu.memory_space<hbm>>
      %dma_start3A_1181 = arith.constant 0 : i32
      %dma_start3A_1182 = arith.constant 0 : i32
      %dma_start3A_1183 = tpu.memref_slice %arg14[%dma_start3A_1172, %dma_start3A_1181, %dma_start3A_1182] : memref<16x8x64xf32, #tpu.memory_space<vmem>> -> memref<1x8x64xf32, #tpu.memory_space<vmem>>
      %dma_start3A_1184 = tpu.memref_squeeze %dma_start3A_1183 : memref<1x8x64xf32, #tpu.memory_space<vmem>> -> memref<8x64xf32, #tpu.memory_space<vmem>>
      %dma_start3A_1185 = arith.constant 0 : i32
      %dma_start3A_1186 = arith.constant 0 : i32
      %dma_start3A_1187 = tpu.memref_slice %arg5[%squeeze3A_1171, %dma_start3A_1185, %dma_start3A_1186] : memref<125000x8x64xf32, #tpu.memory_space<hbm>> -> memref<1x8x64xf32, #tpu.memory_space<hbm>>
      %dma_start3A_1188 = tpu.memref_squeeze %dma_start3A_1187 : memref<1x8x64xf32, #tpu.memory_space<hbm>> -> memref<8x64xf32, #tpu.memory_space<hbm>>
      tpu.enqueue_dma source(%dma_start3A_1188 : memref<8x64xf32, #tpu.memory_space<hbm>>) target(%dma_start3A_1184 : memref<8x64xf32, #tpu.memory_space<vmem>>) target_semaphore(%arg19 : memref<!tpu.dma_semaphore, #tpu.memory_space<semaphore_mem>>)
      %slice3A_1189 = vector.extract_strided_slice %get3A_1072 {offsets = [3], sizes = [1], strides = [1]} : vector<16xi32> to vector<1xi32>
      %squeeze3A_1190 = vector.extract %slice3A_1189[0] : i32 from vector<1xi32>
      %dma_start3A_1191 = arith.constant 3 : i32
      %dma_start3A_1192 = arith.constant 0 : i32
      %dma_start3A_1193 = arith.constant 0 : i32
      %dma_start3A_1194 = tpu.memref_slice %arg12[%dma_start3A_1191, %dma_start3A_1192, %dma_start3A_1193] : memref<16x8x64xf32, #tpu.memory_space<vmem>> -> memref<1x8x64xf32, #tpu.memory_space<vmem>>
      %dma_start3A_1195 = tpu.memref_squeeze %dma_start3A_1194 : memref<1x8x64xf32, #tpu.memory_space<vmem>> -> memref<8x64xf32, #tpu.memory_space<vmem>>
      %dma_start3A_1196 = arith.constant 0 : i32
      %dma_start3A_1197 = arith.constant 0 : i32
      %dma_start3A_1198 = tpu.memref_slice %arg4[%squeeze3A_1190, %dma_start3A_1196, %dma_start3A_1197] : memref<125000x8x64xf32, #tpu.memory_space<hbm>> -> memref<1x8x64xf32, #tpu.memory_space<hbm>>
      %dma_start3A_1199 = tpu.memref_squeeze %dma_start3A_1198 : memref<1x8x64xf32, #tpu.memory_space<hbm>> -> memref<8x64xf32, #tpu.memory_space<hbm>>
      %dma_start3A_1200 = arith.constant 0 : i32
      %dma_start3A_1201 = arith.constant 0 : i32
      %dma_start3A_1202 = tpu.memref_slice %arg12[%dma_start3A_1191, %dma_start3A_1200, %dma_start3A_1201] : memref<16x8x64xf32, #tpu.memory_space<vmem>> -> memref<1x8x64xf32, #tpu.memory_space<vmem>>
      %dma_start3A_1203 = tpu.memref_squeeze %dma_start3A_1202 : memref<1x8x64xf32, #tpu.memory_space<vmem>> -> memref<8x64xf32, #tpu.memory_space<vmem>>
      %dma_start3A_1204 = arith.constant 0 : i32
      %dma_start3A_1205 = arith.constant 0 : i32
      %dma_start3A_1206 = tpu.memref_slice %arg4[%squeeze3A_1190, %dma_start3A_1204, %dma_start3A_1205] : memref<125000x8x64xf32, #tpu.memory_space<hbm>> -> memref<1x8x64xf32, #tpu.memory_space<hbm>>
      %dma_start3A_1207 = tpu.memref_squeeze %dma_start3A_1206 : memref<1x8x64xf32, #tpu.memory_space<hbm>> -> memref<8x64xf32, #tpu.memory_space<hbm>>
      tpu.enqueue_dma source(%dma_start3A_1207 : memref<8x64xf32, #tpu.memory_space<hbm>>) target(%dma_start3A_1203 : memref<8x64xf32, #tpu.memory_space<vmem>>) target_semaphore(%arg17 : memref<!tpu.dma_semaphore, #tpu.memory_space<semaphore_mem>>)
      %slice3A_1208 = vector.extract_strided_slice %get3A_1074 {offsets = [3], sizes = [1], strides = [1]} : vector<16xi32> to vector<1xi32>
      %squeeze3A_1209 = vector.extract %slice3A_1208[0] : i32 from vector<1xi32>
      %dma_start3A_1210 = arith.constant 3 : i32
      %dma_start3A_1211 = arith.constant 0 : i32
      %dma_start3A_1212 = arith.constant 0 : i32
      %dma_start3A_1213 = tpu.memref_slice %arg14[%dma_start3A_1210, %dma_start3A_1211, %dma_start3A_1212] : memref<16x8x64xf32, #tpu.memory_space<vmem>> -> memref<1x8x64xf32, #tpu.memory_space<vmem>>
      %dma_start3A_1214 = tpu.memref_squeeze %dma_start3A_1213 : memref<1x8x64xf32, #tpu.memory_space<vmem>> -> memref<8x64xf32, #tpu.memory_space<vmem>>
      %dma_start3A_1215 = arith.constant 0 : i32
      %dma_start3A_1216 = arith.constant 0 : i32
      %dma_start3A_1217 = tpu.memref_slice %arg5[%squeeze3A_1209, %dma_start3A_1215, %dma_start3A_1216] : memref<125000x8x64xf32, #tpu.memory_space<hbm>> -> memref<1x8x64xf32, #tpu.memory_space<hbm>>
      %dma_start3A_1218 = tpu.memref_squeeze %dma_start3A_1217 : memref<1x8x64xf32, #tpu.memory_space<hbm>> -> memref<8x64xf32, #tpu.memory_space<hbm>>
      %dma_start3A_1219 = arith.constant 0 : i32
      %dma_start3A_1220 = arith.constant 0 : i32
      %dma_start3A_1221 = tpu.memref_slice %arg14[%dma_start3A_1210, %dma_start3A_1219, %dma_start3A_1220] : memref<16x8x64xf32, #tpu.memory_space<vmem>> -> memref<1x8x64xf32, #tpu.memory_space<vmem>>
      %dma_start3A_1222 = tpu.memref_squeeze %dma_start3A_1221 : memref<1x8x64xf32, #tpu.memory_space<vmem>> -> memref<8x64xf32, #tpu.memory_space<vmem>>
      %dma_start3A_1223 = arith.constant 0 : i32
      %dma_start3A_1224 = arith.constant 0 : i32
      %dma_start3A_1225 = tpu.memref_slice %arg5[%squeeze3A_1209, %dma_start3A_1223, %dma_start3A_1224] : memref<125000x8x64xf32, #tpu.memory_space<hbm>> -> memref<1x8x64xf32, #tpu.memory_space<hbm>>
      %dma_start3A_1226 = tpu.memref_squeeze %dma_start3A_1225 : memref<1x8x64xf32, #tpu.memory_space<hbm>> -> memref<8x64xf32, #tpu.memory_space<hbm>>
      tpu.enqueue_dma source(%dma_start3A_1226 : memref<8x64xf32, #tpu.memory_space<hbm>>) target(%dma_start3A_1222 : memref<8x64xf32, #tpu.memory_space<vmem>>) target_semaphore(%arg19 : memref<!tpu.dma_semaphore, #tpu.memory_space<semaphore_mem>>)
      %slice3A_1227 = vector.extract_strided_slice %get3A_1072 {offsets = [4], sizes = [1], strides = [1]} : vector<16xi32> to vector<1xi32>
      %squeeze3A_1228 = vector.extract %slice3A_1227[0] : i32 from vector<1xi32>
      %dma_start3A_1229 = arith.constant 4 : i32
      %dma_start3A_1230 = arith.constant 0 : i32
      %dma_start3A_1231 = arith.constant 0 : i32
      %dma_start3A_1232 = tpu.memref_slice %arg12[%dma_start3A_1229, %dma_start3A_1230, %dma_start3A_1231] : memref<16x8x64xf32, #tpu.memory_space<vmem>> -> memref<1x8x64xf32, #tpu.memory_space<vmem>>
      %dma_start3A_1233 = tpu.memref_squeeze %dma_start3A_1232 : memref<1x8x64xf32, #tpu.memory_space<vmem>> -> memref<8x64xf32, #tpu.memory_space<vmem>>
      %dma_start3A_1234 = arith.constant 0 : i32
      %dma_start3A_1235 = arith.constant 0 : i32
      %dma_start3A_1236 = tpu.memref_slice %arg4[%squeeze3A_1228, %dma_start3A_1234, %dma_start3A_1235] : memref<125000x8x64xf32, #tpu.memory_space<hbm>> -> memref<1x8x64xf32, #tpu.memory_space<hbm>>
      %dma_start3A_1237 = tpu.memref_squeeze %dma_start3A_1236 : memref<1x8x64xf32, #tpu.memory_space<hbm>> -> memref<8x64xf32, #tpu.memory_space<hbm>>
      %dma_start3A_1238 = arith.constant 0 : i32
      %dma_start3A_1239 = arith.constant 0 : i32
      %dma_start3A_1240 = tpu.memref_slice %arg12[%dma_start3A_1229, %dma_start3A_1238, %dma_start3A_1239] : memref<16x8x64xf32, #tpu.memory_space<vmem>> -> memref<1x8x64xf32, #tpu.memory_space<vmem>>
      %dma_start3A_1241 = tpu.memref_squeeze %dma_start3A_1240 : memref<1x8x64xf32, #tpu.memory_space<vmem>> -> memref<8x64xf32, #tpu.memory_space<vmem>>
      %dma_start3A_1242 = arith.constant 0 : i32
      %dma_start3A_1243 = arith.constant 0 : i32
      %dma_start3A_1244 = tpu.memref_slice %arg4[%squeeze3A_1228, %dma_start3A_1242, %dma_start3A_1243] : memref<125000x8x64xf32, #tpu.memory_space<hbm>> -> memref<1x8x64xf32, #tpu.memory_space<hbm>>
      %dma_start3A_1245 = tpu.memref_squeeze %dma_start3A_1244 : memref<1x8x64xf32, #tpu.memory_space<hbm>> -> memref<8x64xf32, #tpu.memory_space<hbm>>
      tpu.enqueue_dma source(%dma_start3A_1245 : memref<8x64xf32, #tpu.memory_space<hbm>>) target(%dma_start3A_1241 : memref<8x64xf32, #tpu.memory_space<vmem>>) target_semaphore(%arg17 : memref<!tpu.dma_semaphore, #tpu.memory_space<semaphore_mem>>)
      %slice3A_1246 = vector.extract_strided_slice %get3A_1074 {offsets = [4], sizes = [1], strides = [1]} : vector<16xi32> to vector<1xi32>
      %squeeze3A_1247 = vector.extract %slice3A_1246[0] : i32 from vector<1xi32>
      %dma_start3A_1248 = arith.constant 4 : i32
      %dma_start3A_1249 = arith.constant 0 : i32
      %dma_start3A_1250 = arith.constant 0 : i32
      %dma_start3A_1251 = tpu.memref_slice %arg14[%dma_start3A_1248, %dma_start3A_1249, %dma_start3A_1250] : memref<16x8x64xf32, #tpu.memory_space<vmem>> -> memref<1x8x64xf32, #tpu.memory_space<vmem>>
      %dma_start3A_1252 = tpu.memref_squeeze %dma_start3A_1251 : memref<1x8x64xf32, #tpu.memory_space<vmem>> -> memref<8x64xf32, #tpu.memory_space<vmem>>
      %dma_start3A_1253 = arith.constant 0 : i32
      %dma_start3A_1254 = arith.constant 0 : i32
      %dma_start3A_1255 = tpu.memref_slice %arg5[%squeeze3A_1247, %dma_start3A_1253, %dma_start3A_1254] : memref<125000x8x64xf32, #tpu.memory_space<hbm>> -> memref<1x8x64xf32, #tpu.memory_space<hbm>>
      %dma_start3A_1256 = tpu.memref_squeeze %dma_start3A_1255 : memref<1x8x64xf32, #tpu.memory_space<hbm>> -> memref<8x64xf32, #tpu.memory_space<hbm>>
      %dma_start3A_1257 = arith.constant 0 : i32
      %dma_start3A_1258 = arith.constant 0 : i32
      %dma_start3A_1259 = tpu.memref_slice %arg14[%dma_start3A_1248, %dma_start3A_1257, %dma_start3A_1258] : memref<16x8x64xf32, #tpu.memory_space<vmem>> -> memref<1x8x64xf32, #tpu.memory_space<vmem>>
      %dma_start3A_1260 = tpu.memref_squeeze %dma_start3A_1259 : memref<1x8x64xf32, #tpu.memory_space<vmem>> -> memref<8x64xf32, #tpu.memory_space<vmem>>
      %dma_start3A_1261 = arith.constant 0 : i32
      %dma_start3A_1262 = arith.constant 0 : i32
      %dma_start3A_1263 = tpu.memref_slice %arg5[%squeeze3A_1247, %dma_start3A_1261, %dma_start3A_1262] : memref<125000x8x64xf32, #tpu.memory_space<hbm>> -> memref<1x8x64xf32, #tpu.memory_space<hbm>>
      %dma_start3A_1264 = tpu.memref_squeeze %dma_start3A_1263 : memref<1x8x64xf32, #tpu.memory_space<hbm>> -> memref<8x64xf32, #tpu.memory_space<hbm>>
      tpu.enqueue_dma source(%dma_start3A_1264 : memref<8x64xf32, #tpu.memory_space<hbm>>) target(%dma_start3A_1260 : memref<8x64xf32, #tpu.memory_space<vmem>>) target_semaphore(%arg19 : memref<!tpu.dma_semaphore, #tpu.memory_space<semaphore_mem>>)
      %slice3A_1265 = vector.extract_strided_slice %get3A_1072 {offsets = [5], sizes = [1], strides = [1]} : vector<16xi32> to vector<1xi32>
      %squeeze3A_1266 = vector.extract %slice3A_1265[0] : i32 from vector<1xi32>
      %dma_start3A_1267 = arith.constant 5 : i32
      %dma_start3A_1268 = arith.constant 0 : i32
      %dma_start3A_1269 = arith.constant 0 : i32
      %dma_start3A_1270 = tpu.memref_slice %arg12[%dma_start3A_1267, %dma_start3A_1268, %dma_start3A_1269] : memref<16x8x64xf32, #tpu.memory_space<vmem>> -> memref<1x8x64xf32, #tpu.memory_space<vmem>>
      %dma_start3A_1271 = tpu.memref_squeeze %dma_start3A_1270 : memref<1x8x64xf32, #tpu.memory_space<vmem>> -> memref<8x64xf32, #tpu.memory_space<vmem>>
      %dma_start3A_1272 = arith.constant 0 : i32
      %dma_start3A_1273 = arith.constant 0 : i32
      %dma_start3A_1274 = tpu.memref_slice %arg4[%squeeze3A_1266, %dma_start3A_1272, %dma_start3A_1273] : memref<125000x8x64xf32, #tpu.memory_space<hbm>> -> memref<1x8x64xf32, #tpu.memory_space<hbm>>
      %dma_start3A_1275 = tpu.memref_squeeze %dma_start3A_1274 : memref<1x8x64xf32, #tpu.memory_space<hbm>> -> memref<8x64xf32, #tpu.memory_space<hbm>>
      %dma_start3A_1276 = arith.constant 0 : i32
      %dma_start3A_1277 = arith.constant 0 : i32
      %dma_start3A_1278 = tpu.memref_slice %arg12[%dma_start3A_1267, %dma_start3A_1276, %dma_start3A_1277] : memref<16x8x64xf32, #tpu.memory_space<vmem>> -> memref<1x8x64xf32, #tpu.memory_space<vmem>>
      %dma_start3A_1279 = tpu.memref_squeeze %dma_start3A_1278 : memref<1x8x64xf32, #tpu.memory_space<vmem>> -> memref<8x64xf32, #tpu.memory_space<vmem>>
      %dma_start3A_1280 = arith.constant 0 : i32
      %dma_start3A_1281 = arith.constant 0 : i32
      %dma_start3A_1282 = tpu.memref_slice %arg4[%squeeze3A_1266, %dma_start3A_1280, %dma_start3A_1281] : memref<125000x8x64xf32, #tpu.memory_space<hbm>> -> memref<1x8x64xf32, #tpu.memory_space<hbm>>
      %dma_start3A_1283 = tpu.memref_squeeze %dma_start3A_1282 : memref<1x8x64xf32, #tpu.memory_space<hbm>> -> memref<8x64xf32, #tpu.memory_space<hbm>>
      tpu.enqueue_dma source(%dma_start3A_1283 : memref<8x64xf32, #tpu.memory_space<hbm>>) target(%dma_start3A_1279 : memref<8x64xf32, #tpu.memory_space<vmem>>) target_semaphore(%arg17 : memref<!tpu.dma_semaphore, #tpu.memory_space<semaphore_mem>>)
      %slice3A_1284 = vector.extract_strided_slice %get3A_1074 {offsets = [5], sizes = [1], strides = [1]} : vector<16xi32> to vector<1xi32>
      %squeeze3A_1285 = vector.extract %slice3A_1284[0] : i32 from vector<1xi32>
      %dma_start3A_1286 = arith.constant 5 : i32
      %dma_start3A_1287 = arith.constant 0 : i32
      %dma_start3A_1288 = arith.constant 0 : i32
      %dma_start3A_1289 = tpu.memref_slice %arg14[%dma_start3A_1286, %dma_start3A_1287, %dma_start3A_1288] : memref<16x8x64xf32, #tpu.memory_space<vmem>> -> memref<1x8x64xf32, #tpu.memory_space<vmem>>
      %dma_start3A_1290 = tpu.memref_squeeze %dma_start3A_1289 : memref<1x8x64xf32, #tpu.memory_space<vmem>> -> memref<8x64xf32, #tpu.memory_space<vmem>>
      %dma_start3A_1291 = arith.constant 0 : i32
      %dma_start3A_1292 = arith.constant 0 : i32
      %dma_start3A_1293 = tpu.memref_slice %arg5[%squeeze3A_1285, %dma_start3A_1291, %dma_start3A_1292] : memref<125000x8x64xf32, #tpu.memory_space<hbm>> -> memref<1x8x64xf32, #tpu.memory_space<hbm>>
      %dma_start3A_1294 = tpu.memref_squeeze %dma_start3A_1293 : memref<1x8x64xf32, #tpu.memory_space<hbm>> -> memref<8x64xf32, #tpu.memory_space<hbm>>
      %dma_start3A_1295 = arith.constant 0 : i32
      %dma_start3A_1296 = arith.constant 0 : i32
      %dma_start3A_1297 = tpu.memref_slice %arg14[%dma_start3A_1286, %dma_start3A_1295, %dma_start3A_1296] : memref<16x8x64xf32, #tpu.memory_space<vmem>> -> memref<1x8x64xf32, #tpu.memory_space<vmem>>
      %dma_start3A_1298 = tpu.memref_squeeze %dma_start3A_1297 : memref<1x8x64xf32, #tpu.memory_space<vmem>> -> memref<8x64xf32, #tpu.memory_space<vmem>>
      %dma_start3A_1299 = arith.constant 0 : i32
      %dma_start3A_1300 = arith.constant 0 : i32
      %dma_start3A_1301 = tpu.memref_slice %arg5[%squeeze3A_1285, %dma_start3A_1299, %dma_start3A_1300] : memref<125000x8x64xf32, #tpu.memory_space<hbm>> -> memref<1x8x64xf32, #tpu.memory_space<hbm>>
      %dma_start3A_1302 = tpu.memref_squeeze %dma_start3A_1301 : memref<1x8x64xf32, #tpu.memory_space<hbm>> -> memref<8x64xf32, #tpu.memory_space<hbm>>
      tpu.enqueue_dma source(%dma_start3A_1302 : memref<8x64xf32, #tpu.memory_space<hbm>>) target(%dma_start3A_1298 : memref<8x64xf32, #tpu.memory_space<vmem>>) target_semaphore(%arg19 : memref<!tpu.dma_semaphore, #tpu.memory_space<semaphore_mem>>)
      %slice3A_1303 = vector.extract_strided_slice %get3A_1072 {offsets = [6], sizes = [1], strides = [1]} : vector<16xi32> to vector<1xi32>
      %squeeze3A_1304 = vector.extract %slice3A_1303[0] : i32 from vector<1xi32>
      %dma_start3A_1305 = arith.constant 6 : i32
      %dma_start3A_1306 = arith.constant 0 : i32
      %dma_start3A_1307 = arith.constant 0 : i32
      %dma_start3A_1308 = tpu.memref_slice %arg12[%dma_start3A_1305, %dma_start3A_1306, %dma_start3A_1307] : memref<16x8x64xf32, #tpu.memory_space<vmem>> -> memref<1x8x64xf32, #tpu.memory_space<vmem>>
      %dma_start3A_1309 = tpu.memref_squeeze %dma_start3A_1308 : memref<1x8x64xf32, #tpu.memory_space<vmem>> -> memref<8x64xf32, #tpu.memory_space<vmem>>
      %dma_start3A_1310 = arith.constant 0 : i32
      %dma_start3A_1311 = arith.constant 0 : i32
      %dma_start3A_1312 = tpu.memref_slice %arg4[%squeeze3A_1304, %dma_start3A_1310, %dma_start3A_1311] : memref<125000x8x64xf32, #tpu.memory_space<hbm>> -> memref<1x8x64xf32, #tpu.memory_space<hbm>>
      %dma_start3A_1313 = tpu.memref_squeeze %dma_start3A_1312 : memref<1x8x64xf32, #tpu.memory_space<hbm>> -> memref<8x64xf32, #tpu.memory_space<hbm>>
      %dma_start3A_1314 = arith.constant 0 : i32
      %dma_start3A_1315 = arith.constant 0 : i32
      %dma_start3A_1316 = tpu.memref_slice %arg12[%dma_start3A_1305, %dma_start3A_1314, %dma_start3A_1315] : memref<16x8x64xf32, #tpu.memory_space<vmem>> -> memref<1x8x64xf32, #tpu.memory_space<vmem>>
      %dma_start3A_1317 = tpu.memref_squeeze %dma_start3A_1316 : memref<1x8x64xf32, #tpu.memory_space<vmem>> -> memref<8x64xf32, #tpu.memory_space<vmem>>
      %dma_start3A_1318 = arith.constant 0 : i32
      %dma_start3A_1319 = arith.constant 0 : i32
      %dma_start3A_1320 = tpu.memref_slice %arg4[%squeeze3A_1304, %dma_start3A_1318, %dma_start3A_1319] : memref<125000x8x64xf32, #tpu.memory_space<hbm>> -> memref<1x8x64xf32, #tpu.memory_space<hbm>>
      %dma_start3A_1321 = tpu.memref_squeeze %dma_start3A_1320 : memref<1x8x64xf32, #tpu.memory_space<hbm>> -> memref<8x64xf32, #tpu.memory_space<hbm>>
      tpu.enqueue_dma source(%dma_start3A_1321 : memref<8x64xf32, #tpu.memory_space<hbm>>) target(%dma_start3A_1317 : memref<8x64xf32, #tpu.memory_space<vmem>>) target_semaphore(%arg17 : memref<!tpu.dma_semaphore, #tpu.memory_space<semaphore_mem>>)
      %slice3A_1322 = vector.extract_strided_slice %get3A_1074 {offsets = [6], sizes = [1], strides = [1]} : vector<16xi32> to vector<1xi32>
      %squeeze3A_1323 = vector.extract %slice3A_1322[0] : i32 from vector<1xi32>
      %dma_start3A_1324 = arith.constant 6 : i32
      %dma_start3A_1325 = arith.constant 0 : i32
      %dma_start3A_1326 = arith.constant 0 : i32
      %dma_start3A_1327 = tpu.memref_slice %arg14[%dma_start3A_1324, %dma_start3A_1325, %dma_start3A_1326] : memref<16x8x64xf32, #tpu.memory_space<vmem>> -> memref<1x8x64xf32, #tpu.memory_space<vmem>>
      %dma_start3A_1328 = tpu.memref_squeeze %dma_start3A_1327 : memref<1x8x64xf32, #tpu.memory_space<vmem>> -> memref<8x64xf32, #tpu.memory_space<vmem>>
      %dma_start3A_1329 = arith.constant 0 : i32
      %dma_start3A_1330 = arith.constant 0 : i32
      %dma_start3A_1331 = tpu.memref_slice %arg5[%squeeze3A_1323, %dma_start3A_1329, %dma_start3A_1330] : memref<125000x8x64xf32, #tpu.memory_space<hbm>> -> memref<1x8x64xf32, #tpu.memory_space<hbm>>
      %dma_start3A_1332 = tpu.memref_squeeze %dma_start3A_1331 : memref<1x8x64xf32, #tpu.memory_space<hbm>> -> memref<8x64xf32, #tpu.memory_space<hbm>>
      %dma_start3A_1333 = arith.constant 0 : i32
      %dma_start3A_1334 = arith.constant 0 : i32
      %dma_start3A_1335 = tpu.memref_slice %arg14[%dma_start3A_1324, %dma_start3A_1333, %dma_start3A_1334] : memref<16x8x64xf32, #tpu.memory_space<vmem>> -> memref<1x8x64xf32, #tpu.memory_space<vmem>>
      %dma_start3A_1336 = tpu.memref_squeeze %dma_start3A_1335 : memref<1x8x64xf32, #tpu.memory_space<vmem>> -> memref<8x64xf32, #tpu.memory_space<vmem>>
      %dma_start3A_1337 = arith.constant 0 : i32
      %dma_start3A_1338 = arith.constant 0 : i32
      %dma_start3A_1339 = tpu.memref_slice %arg5[%squeeze3A_1323, %dma_start3A_1337, %dma_start3A_1338] : memref<125000x8x64xf32, #tpu.memory_space<hbm>> -> memref<1x8x64xf32, #tpu.memory_space<hbm>>
      %dma_start3A_1340 = tpu.memref_squeeze %dma_start3A_1339 : memref<1x8x64xf32, #tpu.memory_space<hbm>> -> memref<8x64xf32, #tpu.memory_space<hbm>>
      tpu.enqueue_dma source(%dma_start3A_1340 : memref<8x64xf32, #tpu.memory_space<hbm>>) target(%dma_start3A_1336 : memref<8x64xf32, #tpu.memory_space<vmem>>) target_semaphore(%arg19 : memref<!tpu.dma_semaphore, #tpu.memory_space<semaphore_mem>>)
      %slice3A_1341 = vector.extract_strided_slice %get3A_1072 {offsets = [7], sizes = [1], strides = [1]} : vector<16xi32> to vector<1xi32>
      %squeeze3A_1342 = vector.extract %slice3A_1341[0] : i32 from vector<1xi32>
      %dma_start3A_1343 = arith.constant 7 : i32
      %dma_start3A_1344 = arith.constant 0 : i32
      %dma_start3A_1345 = arith.constant 0 : i32
      %dma_start3A_1346 = tpu.memref_slice %arg12[%dma_start3A_1343, %dma_start3A_1344, %dma_start3A_1345] : memref<16x8x64xf32, #tpu.memory_space<vmem>> -> memref<1x8x64xf32, #tpu.memory_space<vmem>>
      %dma_start3A_1347 = tpu.memref_squeeze %dma_start3A_1346 : memref<1x8x64xf32, #tpu.memory_space<vmem>> -> memref<8x64xf32, #tpu.memory_space<vmem>>
      %dma_start3A_1348 = arith.constant 0 : i32
      %dma_start3A_1349 = arith.constant 0 : i32
      %dma_start3A_1350 = tpu.memref_slice %arg4[%squeeze3A_1342, %dma_start3A_1348, %dma_start3A_1349] : memref<125000x8x64xf32, #tpu.memory_space<hbm>> -> memref<1x8x64xf32, #tpu.memory_space<hbm>>
      %dma_start3A_1351 = tpu.memref_squeeze %dma_start3A_1350 : memref<1x8x64xf32, #tpu.memory_space<hbm>> -> memref<8x64xf32, #tpu.memory_space<hbm>>
      %dma_start3A_1352 = arith.constant 0 : i32
      %dma_start3A_1353 = arith.constant 0 : i32
      %dma_start3A_1354 = tpu.memref_slice %arg12[%dma_start3A_1343, %dma_start3A_1352, %dma_start3A_1353] : memref<16x8x64xf32, #tpu.memory_space<vmem>> -> memref<1x8x64xf32, #tpu.memory_space<vmem>>
      %dma_start3A_1355 = tpu.memref_squeeze %dma_start3A_1354 : memref<1x8x64xf32, #tpu.memory_space<vmem>> -> memref<8x64xf32, #tpu.memory_space<vmem>>
      %dma_start3A_1356 = arith.constant 0 : i32
      %dma_start3A_1357 = arith.constant 0 : i32
      %dma_start3A_1358 = tpu.memref_slice %arg4[%squeeze3A_1342, %dma_start3A_1356, %dma_start3A_1357] : memref<125000x8x64xf32, #tpu.memory_space<hbm>> -> memref<1x8x64xf32, #tpu.memory_space<hbm>>
      %dma_start3A_1359 = tpu.memref_squeeze %dma_start3A_1358 : memref<1x8x64xf32, #tpu.memory_space<hbm>> -> memref<8x64xf32, #tpu.memory_space<hbm>>
      tpu.enqueue_dma source(%dma_start3A_1359 : memref<8x64xf32, #tpu.memory_space<hbm>>) target(%dma_start3A_1355 : memref<8x64xf32, #tpu.memory_space<vmem>>) target_semaphore(%arg17 : memref<!tpu.dma_semaphore, #tpu.memory_space<semaphore_mem>>)
      %slice3A_1360 = vector.extract_strided_slice %get3A_1074 {offsets = [7], sizes = [1], strides = [1]} : vector<16xi32> to vector<1xi32>
      %squeeze3A_1361 = vector.extract %slice3A_1360[0] : i32 from vector<1xi32>
      %dma_start3A_1362 = arith.constant 7 : i32
      %dma_start3A_1363 = arith.constant 0 : i32
      %dma_start3A_1364 = arith.constant 0 : i32
      %dma_start3A_1365 = tpu.memref_slice %arg14[%dma_start3A_1362, %dma_start3A_1363, %dma_start3A_1364] : memref<16x8x64xf32, #tpu.memory_space<vmem>> -> memref<1x8x64xf32, #tpu.memory_space<vmem>>
      %dma_start3A_1366 = tpu.memref_squeeze %dma_start3A_1365 : memref<1x8x64xf32, #tpu.memory_space<vmem>> -> memref<8x64xf32, #tpu.memory_space<vmem>>
      %dma_start3A_1367 = arith.constant 0 : i32
      %dma_start3A_1368 = arith.constant 0 : i32
      %dma_start3A_1369 = tpu.memref_slice %arg5[%squeeze3A_1361, %dma_start3A_1367, %dma_start3A_1368] : memref<125000x8x64xf32, #tpu.memory_space<hbm>> -> memref<1x8x64xf32, #tpu.memory_space<hbm>>
      %dma_start3A_1370 = tpu.memref_squeeze %dma_start3A_1369 : memref<1x8x64xf32, #tpu.memory_space<hbm>> -> memref<8x64xf32, #tpu.memory_space<hbm>>
      %dma_start3A_1371 = arith.constant 0 : i32
      %dma_start3A_1372 = arith.constant 0 : i32
      %dma_start3A_1373 = tpu.memref_slice %arg14[%dma_start3A_1362, %dma_start3A_1371, %dma_start3A_1372] : memref<16x8x64xf32, #tpu.memory_space<vmem>> -> memref<1x8x64xf32, #tpu.memory_space<vmem>>
      %dma_start3A_1374 = tpu.memref_squeeze %dma_start3A_1373 : memref<1x8x64xf32, #tpu.memory_space<vmem>> -> memref<8x64xf32, #tpu.memory_space<vmem>>
      %dma_start3A_1375 = arith.constant 0 : i32
      %dma_start3A_1376 = arith.constant 0 : i32
      %dma_start3A_1377 = tpu.memref_slice %arg5[%squeeze3A_1361, %dma_start3A_1375, %dma_start3A_1376] : memref<125000x8x64xf32, #tpu.memory_space<hbm>> -> memref<1x8x64xf32, #tpu.memory_space<hbm>>
      %dma_start3A_1378 = tpu.memref_squeeze %dma_start3A_1377 : memref<1x8x64xf32, #tpu.memory_space<hbm>> -> memref<8x64xf32, #tpu.memory_space<hbm>>
      tpu.enqueue_dma source(%dma_start3A_1378 : memref<8x64xf32, #tpu.memory_space<hbm>>) target(%dma_start3A_1374 : memref<8x64xf32, #tpu.memory_space<vmem>>) target_semaphore(%arg19 : memref<!tpu.dma_semaphore, #tpu.memory_space<semaphore_mem>>)
      %slice3A_1379 = vector.extract_strided_slice %get3A_1072 {offsets = [8], sizes = [1], strides = [1]} : vector<16xi32> to vector<1xi32>
      %squeeze3A_1380 = vector.extract %slice3A_1379[0] : i32 from vector<1xi32>
      %dma_start3A_1381 = arith.constant 8 : i32
      %dma_start3A_1382 = arith.constant 0 : i32
      %dma_start3A_1383 = arith.constant 0 : i32
      %dma_start3A_1384 = tpu.memref_slice %arg12[%dma_start3A_1381, %dma_start3A_1382, %dma_start3A_1383] : memref<16x8x64xf32, #tpu.memory_space<vmem>> -> memref<1x8x64xf32, #tpu.memory_space<vmem>>
      %dma_start3A_1385 = tpu.memref_squeeze %dma_start3A_1384 : memref<1x8x64xf32, #tpu.memory_space<vmem>> -> memref<8x64xf32, #tpu.memory_space<vmem>>
      %dma_start3A_1386 = arith.constant 0 : i32
      %dma_start3A_1387 = arith.constant 0 : i32
      %dma_start3A_1388 = tpu.memref_slice %arg4[%squeeze3A_1380, %dma_start3A_1386, %dma_start3A_1387] : memref<125000x8x64xf32, #tpu.memory_space<hbm>> -> memref<1x8x64xf32, #tpu.memory_space<hbm>>
      %dma_start3A_1389 = tpu.memref_squeeze %dma_start3A_1388 : memref<1x8x64xf32, #tpu.memory_space<hbm>> -> memref<8x64xf32, #tpu.memory_space<hbm>>
      %dma_start3A_1390 = arith.constant 0 : i32
      %dma_start3A_1391 = arith.constant 0 : i32
      %dma_start3A_1392 = tpu.memref_slice %arg12[%dma_start3A_1381, %dma_start3A_1390, %dma_start3A_1391] : memref<16x8x64xf32, #tpu.memory_space<vmem>> -> memref<1x8x64xf32, #tpu.memory_space<vmem>>
      %dma_start3A_1393 = tpu.memref_squeeze %dma_start3A_1392 : memref<1x8x64xf32, #tpu.memory_space<vmem>> -> memref<8x64xf32, #tpu.memory_space<vmem>>
      %dma_start3A_1394 = arith.constant 0 : i32
      %dma_start3A_1395 = arith.constant 0 : i32
      %dma_start3A_1396 = tpu.memref_slice %arg4[%squeeze3A_1380, %dma_start3A_1394, %dma_start3A_1395] : memref<125000x8x64xf32, #tpu.memory_space<hbm>> -> memref<1x8x64xf32, #tpu.memory_space<hbm>>
      %dma_start3A_1397 = tpu.memref_squeeze %dma_start3A_1396 : memref<1x8x64xf32, #tpu.memory_space<hbm>> -> memref<8x64xf32, #tpu.memory_space<hbm>>
      tpu.enqueue_dma source(%dma_start3A_1397 : memref<8x64xf32, #tpu.memory_space<hbm>>) target(%dma_start3A_1393 : memref<8x64xf32, #tpu.memory_space<vmem>>) target_semaphore(%arg17 : memref<!tpu.dma_semaphore, #tpu.memory_space<semaphore_mem>>)
      %slice3A_1398 = vector.extract_strided_slice %get3A_1074 {offsets = [8], sizes = [1], strides = [1]} : vector<16xi32> to vector<1xi32>
      %squeeze3A_1399 = vector.extract %slice3A_1398[0] : i32 from vector<1xi32>
      %dma_start3A_1400 = arith.constant 8 : i32
      %dma_start3A_1401 = arith.constant 0 : i32
      %dma_start3A_1402 = arith.constant 0 : i32
      %dma_start3A_1403 = tpu.memref_slice %arg14[%dma_start3A_1400, %dma_start3A_1401, %dma_start3A_1402] : memref<16x8x64xf32, #tpu.memory_space<vmem>> -> memref<1x8x64xf32, #tpu.memory_space<vmem>>
      %dma_start3A_1404 = tpu.memref_squeeze %dma_start3A_1403 : memref<1x8x64xf32, #tpu.memory_space<vmem>> -> memref<8x64xf32, #tpu.memory_space<vmem>>
      %dma_start3A_1405 = arith.constant 0 : i32
      %dma_start3A_1406 = arith.constant 0 : i32
      %dma_start3A_1407 = tpu.memref_slice %arg5[%squeeze3A_1399, %dma_start3A_1405, %dma_start3A_1406] : memref<125000x8x64xf32, #tpu.memory_space<hbm>> -> memref<1x8x64xf32, #tpu.memory_space<hbm>>
      %dma_start3A_1408 = tpu.memref_squeeze %dma_start3A_1407 : memref<1x8x64xf32, #tpu.memory_space<hbm>> -> memref<8x64xf32, #tpu.memory_space<hbm>>
      %dma_start3A_1409 = arith.constant 0 : i32
      %dma_start3A_1410 = arith.constant 0 : i32
      %dma_start3A_1411 = tpu.memref_slice %arg14[%dma_start3A_1400, %dma_start3A_1409, %dma_start3A_1410] : memref<16x8x64xf32, #tpu.memory_space<vmem>> -> memref<1x8x64xf32, #tpu.memory_space<vmem>>
      %dma_start3A_1412 = tpu.memref_squeeze %dma_start3A_1411 : memref<1x8x64xf32, #tpu.memory_space<vmem>> -> memref<8x64xf32, #tpu.memory_space<vmem>>
      %dma_start3A_1413 = arith.constant 0 : i32
      %dma_start3A_1414 = arith.constant 0 : i32
      %dma_start3A_1415 = tpu.memref_slice %arg5[%squeeze3A_1399, %dma_start3A_1413, %dma_start3A_1414] : memref<125000x8x64xf32, #tpu.memory_space<hbm>> -> memref<1x8x64xf32, #tpu.memory_space<hbm>>
      %dma_start3A_1416 = tpu.memref_squeeze %dma_start3A_1415 : memref<1x8x64xf32, #tpu.memory_space<hbm>> -> memref<8x64xf32, #tpu.memory_space<hbm>>
      tpu.enqueue_dma source(%dma_start3A_1416 : memref<8x64xf32, #tpu.memory_space<hbm>>) target(%dma_start3A_1412 : memref<8x64xf32, #tpu.memory_space<vmem>>) target_semaphore(%arg19 : memref<!tpu.dma_semaphore, #tpu.memory_space<semaphore_mem>>)
      %slice3A_1417 = vector.extract_strided_slice %get3A_1072 {offsets = [9], sizes = [1], strides = [1]} : vector<16xi32> to vector<1xi32>
      %squeeze3A_1418 = vector.extract %slice3A_1417[0] : i32 from vector<1xi32>
      %dma_start3A_1419 = arith.constant 9 : i32
      %dma_start3A_1420 = arith.constant 0 : i32
      %dma_start3A_1421 = arith.constant 0 : i32
      %dma_start3A_1422 = tpu.memref_slice %arg12[%dma_start3A_1419, %dma_start3A_1420, %dma_start3A_1421] : memref<16x8x64xf32, #tpu.memory_space<vmem>> -> memref<1x8x64xf32, #tpu.memory_space<vmem>>
      %dma_start3A_1423 = tpu.memref_squeeze %dma_start3A_1422 : memref<1x8x64xf32, #tpu.memory_space<vmem>> -> memref<8x64xf32, #tpu.memory_space<vmem>>
      %dma_start3A_1424 = arith.constant 0 : i32
      %dma_start3A_1425 = arith.constant 0 : i32
      %dma_start3A_1426 = tpu.memref_slice %arg4[%squeeze3A_1418, %dma_start3A_1424, %dma_start3A_1425] : memref<125000x8x64xf32, #tpu.memory_space<hbm>> -> memref<1x8x64xf32, #tpu.memory_space<hbm>>
      %dma_start3A_1427 = tpu.memref_squeeze %dma_start3A_1426 : memref<1x8x64xf32, #tpu.memory_space<hbm>> -> memref<8x64xf32, #tpu.memory_space<hbm>>
      %dma_start3A_1428 = arith.constant 0 : i32
      %dma_start3A_1429 = arith.constant 0 : i32
      %dma_start3A_1430 = tpu.memref_slice %arg12[%dma_start3A_1419, %dma_start3A_1428, %dma_start3A_1429] : memref<16x8x64xf32, #tpu.memory_space<vmem>> -> memref<1x8x64xf32, #tpu.memory_space<vmem>>
      %dma_start3A_1431 = tpu.memref_squeeze %dma_start3A_1430 : memref<1x8x64xf32, #tpu.memory_space<vmem>> -> memref<8x64xf32, #tpu.memory_space<vmem>>
      %dma_start3A_1432 = arith.constant 0 : i32
      %dma_start3A_1433 = arith.constant 0 : i32
      %dma_start3A_1434 = tpu.memref_slice %arg4[%squeeze3A_1418, %dma_start3A_1432, %dma_start3A_1433] : memref<125000x8x64xf32, #tpu.memory_space<hbm>> -> memref<1x8x64xf32, #tpu.memory_space<hbm>>
      %dma_start3A_1435 = tpu.memref_squeeze %dma_start3A_1434 : memref<1x8x64xf32, #tpu.memory_space<hbm>> -> memref<8x64xf32, #tpu.memory_space<hbm>>
      tpu.enqueue_dma source(%dma_start3A_1435 : memref<8x64xf32, #tpu.memory_space<hbm>>) target(%dma_start3A_1431 : memref<8x64xf32, #tpu.memory_space<vmem>>) target_semaphore(%arg17 : memref<!tpu.dma_semaphore, #tpu.memory_space<semaphore_mem>>)
      %slice3A_1436 = vector.extract_strided_slice %get3A_1074 {offsets = [9], sizes = [1], strides = [1]} : vector<16xi32> to vector<1xi32>
      %squeeze3A_1437 = vector.extract %slice3A_1436[0] : i32 from vector<1xi32>
      %dma_start3A_1438 = arith.constant 9 : i32
      %dma_start3A_1439 = arith.constant 0 : i32
      %dma_start3A_1440 = arith.constant 0 : i32
      %dma_start3A_1441 = tpu.memref_slice %arg14[%dma_start3A_1438, %dma_start3A_1439, %dma_start3A_1440] : memref<16x8x64xf32, #tpu.memory_space<vmem>> -> memref<1x8x64xf32, #tpu.memory_space<vmem>>
      %dma_start3A_1442 = tpu.memref_squeeze %dma_start3A_1441 : memref<1x8x64xf32, #tpu.memory_space<vmem>> -> memref<8x64xf32, #tpu.memory_space<vmem>>
      %dma_start3A_1443 = arith.constant 0 : i32
      %dma_start3A_1444 = arith.constant 0 : i32
      %dma_start3A_1445 = tpu.memref_slice %arg5[%squeeze3A_1437, %dma_start3A_1443, %dma_start3A_1444] : memref<125000x8x64xf32, #tpu.memory_space<hbm>> -> memref<1x8x64xf32, #tpu.memory_space<hbm>>
      %dma_start3A_1446 = tpu.memref_squeeze %dma_start3A_1445 : memref<1x8x64xf32, #tpu.memory_space<hbm>> -> memref<8x64xf32, #tpu.memory_space<hbm>>
      %dma_start3A_1447 = arith.constant 0 : i32
      %dma_start3A_1448 = arith.constant 0 : i32
      %dma_start3A_1449 = tpu.memref_slice %arg14[%dma_start3A_1438, %dma_start3A_1447, %dma_start3A_1448] : memref<16x8x64xf32, #tpu.memory_space<vmem>> -> memref<1x8x64xf32, #tpu.memory_space<vmem>>
      %dma_start3A_1450 = tpu.memref_squeeze %dma_start3A_1449 : memref<1x8x64xf32, #tpu.memory_space<vmem>> -> memref<8x64xf32, #tpu.memory_space<vmem>>
      %dma_start3A_1451 = arith.constant 0 : i32
      %dma_start3A_1452 = arith.constant 0 : i32
      %dma_start3A_1453 = tpu.memref_slice %arg5[%squeeze3A_1437, %dma_start3A_1451, %dma_start3A_1452] : memref<125000x8x64xf32, #tpu.memory_space<hbm>> -> memref<1x8x64xf32, #tpu.memory_space<hbm>>
      %dma_start3A_1454 = tpu.memref_squeeze %dma_start3A_1453 : memref<1x8x64xf32, #tpu.memory_space<hbm>> -> memref<8x64xf32, #tpu.memory_space<hbm>>
      tpu.enqueue_dma source(%dma_start3A_1454 : memref<8x64xf32, #tpu.memory_space<hbm>>) target(%dma_start3A_1450 : memref<8x64xf32, #tpu.memory_space<vmem>>) target_semaphore(%arg19 : memref<!tpu.dma_semaphore, #tpu.memory_space<semaphore_mem>>)
      %slice3A_1455 = vector.extract_strided_slice %get3A_1072 {offsets = [10], sizes = [1], strides = [1]} : vector<16xi32> to vector<1xi32>
      %squeeze3A_1456 = vector.extract %slice3A_1455[0] : i32 from vector<1xi32>
      %dma_start3A_1457 = arith.constant 10 : i32
      %dma_start3A_1458 = arith.constant 0 : i32
      %dma_start3A_1459 = arith.constant 0 : i32
      %dma_start3A_1460 = tpu.memref_slice %arg12[%dma_start3A_1457, %dma_start3A_1458, %dma_start3A_1459] : memref<16x8x64xf32, #tpu.memory_space<vmem>> -> memref<1x8x64xf32, #tpu.memory_space<vmem>>
      %dma_start3A_1461 = tpu.memref_squeeze %dma_start3A_1460 : memref<1x8x64xf32, #tpu.memory_space<vmem>> -> memref<8x64xf32, #tpu.memory_space<vmem>>
      %dma_start3A_1462 = arith.constant 0 : i32
      %dma_start3A_1463 = arith.constant 0 : i32
      %dma_start3A_1464 = tpu.memref_slice %arg4[%squeeze3A_1456, %dma_start3A_1462, %dma_start3A_1463] : memref<125000x8x64xf32, #tpu.memory_space<hbm>> -> memref<1x8x64xf32, #tpu.memory_space<hbm>>
      %dma_start3A_1465 = tpu.memref_squeeze %dma_start3A_1464 : memref<1x8x64xf32, #tpu.memory_space<hbm>> -> memref<8x64xf32, #tpu.memory_space<hbm>>
      %dma_start3A_1466 = arith.constant 0 : i32
      %dma_start3A_1467 = arith.constant 0 : i32
      %dma_start3A_1468 = tpu.memref_slice %arg12[%dma_start3A_1457, %dma_start3A_1466, %dma_start3A_1467] : memref<16x8x64xf32, #tpu.memory_space<vmem>> -> memref<1x8x64xf32, #tpu.memory_space<vmem>>
      %dma_start3A_1469 = tpu.memref_squeeze %dma_start3A_1468 : memref<1x8x64xf32, #tpu.memory_space<vmem>> -> memref<8x64xf32, #tpu.memory_space<vmem>>
      %dma_start3A_1470 = arith.constant 0 : i32
      %dma_start3A_1471 = arith.constant 0 : i32
      %dma_start3A_1472 = tpu.memref_slice %arg4[%squeeze3A_1456, %dma_start3A_1470, %dma_start3A_1471] : memref<125000x8x64xf32, #tpu.memory_space<hbm>> -> memref<1x8x64xf32, #tpu.memory_space<hbm>>
      %dma_start3A_1473 = tpu.memref_squeeze %dma_start3A_1472 : memref<1x8x64xf32, #tpu.memory_space<hbm>> -> memref<8x64xf32, #tpu.memory_space<hbm>>
      tpu.enqueue_dma source(%dma_start3A_1473 : memref<8x64xf32, #tpu.memory_space<hbm>>) target(%dma_start3A_1469 : memref<8x64xf32, #tpu.memory_space<vmem>>) target_semaphore(%arg17 : memref<!tpu.dma_semaphore, #tpu.memory_space<semaphore_mem>>)
      %slice3A_1474 = vector.extract_strided_slice %get3A_1074 {offsets = [10], sizes = [1], strides = [1]} : vector<16xi32> to vector<1xi32>
      %squeeze3A_1475 = vector.extract %slice3A_1474[0] : i32 from vector<1xi32>
      %dma_start3A_1476 = arith.constant 10 : i32
      %dma_start3A_1477 = arith.constant 0 : i32
      %dma_start3A_1478 = arith.constant 0 : i32
      %dma_start3A_1479 = tpu.memref_slice %arg14[%dma_start3A_1476, %dma_start3A_1477, %dma_start3A_1478] : memref<16x8x64xf32, #tpu.memory_space<vmem>> -> memref<1x8x64xf32, #tpu.memory_space<vmem>>
      %dma_start3A_1480 = tpu.memref_squeeze %dma_start3A_1479 : memref<1x8x64xf32, #tpu.memory_space<vmem>> -> memref<8x64xf32, #tpu.memory_space<vmem>>
      %dma_start3A_1481 = arith.constant 0 : i32
      %dma_start3A_1482 = arith.constant 0 : i32
      %dma_start3A_1483 = tpu.memref_slice %arg5[%squeeze3A_1475, %dma_start3A_1481, %dma_start3A_1482] : memref<125000x8x64xf32, #tpu.memory_space<hbm>> -> memref<1x8x64xf32, #tpu.memory_space<hbm>>
      %dma_start3A_1484 = tpu.memref_squeeze %dma_start3A_1483 : memref<1x8x64xf32, #tpu.memory_space<hbm>> -> memref<8x64xf32, #tpu.memory_space<hbm>>
      %dma_start3A_1485 = arith.constant 0 : i32
      %dma_start3A_1486 = arith.constant 0 : i32
      %dma_start3A_1487 = tpu.memref_slice %arg14[%dma_start3A_1476, %dma_start3A_1485, %dma_start3A_1486] : memref<16x8x64xf32, #tpu.memory_space<vmem>> -> memref<1x8x64xf32, #tpu.memory_space<vmem>>
      %dma_start3A_1488 = tpu.memref_squeeze %dma_start3A_1487 : memref<1x8x64xf32, #tpu.memory_space<vmem>> -> memref<8x64xf32, #tpu.memory_space<vmem>>
      %dma_start3A_1489 = arith.constant 0 : i32
      %dma_start3A_1490 = arith.constant 0 : i32
      %dma_start3A_1491 = tpu.memref_slice %arg5[%squeeze3A_1475, %dma_start3A_1489, %dma_start3A_1490] : memref<125000x8x64xf32, #tpu.memory_space<hbm>> -> memref<1x8x64xf32, #tpu.memory_space<hbm>>
      %dma_start3A_1492 = tpu.memref_squeeze %dma_start3A_1491 : memref<1x8x64xf32, #tpu.memory_space<hbm>> -> memref<8x64xf32, #tpu.memory_space<hbm>>
      tpu.enqueue_dma source(%dma_start3A_1492 : memref<8x64xf32, #tpu.memory_space<hbm>>) target(%dma_start3A_1488 : memref<8x64xf32, #tpu.memory_space<vmem>>) target_semaphore(%arg19 : memref<!tpu.dma_semaphore, #tpu.memory_space<semaphore_mem>>)
      %slice3A_1493 = vector.extract_strided_slice %get3A_1072 {offsets = [11], sizes = [1], strides = [1]} : vector<16xi32> to vector<1xi32>
      %squeeze3A_1494 = vector.extract %slice3A_1493[0] : i32 from vector<1xi32>
      %dma_start3A_1495 = arith.constant 11 : i32
      %dma_start3A_1496 = arith.constant 0 : i32
      %dma_start3A_1497 = arith.constant 0 : i32
      %dma_start3A_1498 = tpu.memref_slice %arg12[%dma_start3A_1495, %dma_start3A_1496, %dma_start3A_1497] : memref<16x8x64xf32, #tpu.memory_space<vmem>> -> memref<1x8x64xf32, #tpu.memory_space<vmem>>
      %dma_start3A_1499 = tpu.memref_squeeze %dma_start3A_1498 : memref<1x8x64xf32, #tpu.memory_space<vmem>> -> memref<8x64xf32, #tpu.memory_space<vmem>>
      %dma_start3A_1500 = arith.constant 0 : i32
      %dma_start3A_1501 = arith.constant 0 : i32
      %dma_start3A_1502 = tpu.memref_slice %arg4[%squeeze3A_1494, %dma_start3A_1500, %dma_start3A_1501] : memref<125000x8x64xf32, #tpu.memory_space<hbm>> -> memref<1x8x64xf32, #tpu.memory_space<hbm>>
      %dma_start3A_1503 = tpu.memref_squeeze %dma_start3A_1502 : memref<1x8x64xf32, #tpu.memory_space<hbm>> -> memref<8x64xf32, #tpu.memory_space<hbm>>
      %dma_start3A_1504 = arith.constant 0 : i32
      %dma_start3A_1505 = arith.constant 0 : i32
      %dma_start3A_1506 = tpu.memref_slice %arg12[%dma_start3A_1495, %dma_start3A_1504, %dma_start3A_1505] : memref<16x8x64xf32, #tpu.memory_space<vmem>> -> memref<1x8x64xf32, #tpu.memory_space<vmem>>
      %dma_start3A_1507 = tpu.memref_squeeze %dma_start3A_1506 : memref<1x8x64xf32, #tpu.memory_space<vmem>> -> memref<8x64xf32, #tpu.memory_space<vmem>>
      %dma_start3A_1508 = arith.constant 0 : i32
      %dma_start3A_1509 = arith.constant 0 : i32
      %dma_start3A_1510 = tpu.memref_slice %arg4[%squeeze3A_1494, %dma_start3A_1508, %dma_start3A_1509] : memref<125000x8x64xf32, #tpu.memory_space<hbm>> -> memref<1x8x64xf32, #tpu.memory_space<hbm>>
      %dma_start3A_1511 = tpu.memref_squeeze %dma_start3A_1510 : memref<1x8x64xf32, #tpu.memory_space<hbm>> -> memref<8x64xf32, #tpu.memory_space<hbm>>
      tpu.enqueue_dma source(%dma_start3A_1511 : memref<8x64xf32, #tpu.memory_space<hbm>>) target(%dma_start3A_1507 : memref<8x64xf32, #tpu.memory_space<vmem>>) target_semaphore(%arg17 : memref<!tpu.dma_semaphore, #tpu.memory_space<semaphore_mem>>)
      %slice3A_1512 = vector.extract_strided_slice %get3A_1074 {offsets = [11], sizes = [1], strides = [1]} : vector<16xi32> to vector<1xi32>
      %squeeze3A_1513 = vector.extract %slice3A_1512[0] : i32 from vector<1xi32>
      %dma_start3A_1514 = arith.constant 11 : i32
      %dma_start3A_1515 = arith.constant 0 : i32
      %dma_start3A_1516 = arith.constant 0 : i32
      %dma_start3A_1517 = tpu.memref_slice %arg14[%dma_start3A_1514, %dma_start3A_1515, %dma_start3A_1516] : memref<16x8x64xf32, #tpu.memory_space<vmem>> -> memref<1x8x64xf32, #tpu.memory_space<vmem>>
      %dma_start3A_1518 = tpu.memref_squeeze %dma_start3A_1517 : memref<1x8x64xf32, #tpu.memory_space<vmem>> -> memref<8x64xf32, #tpu.memory_space<vmem>>
      %dma_start3A_1519 = arith.constant 0 : i32
      %dma_start3A_1520 = arith.constant 0 : i32
      %dma_start3A_1521 = tpu.memref_slice %arg5[%squeeze3A_1513, %dma_start3A_1519, %dma_start3A_1520] : memref<125000x8x64xf32, #tpu.memory_space<hbm>> -> memref<1x8x64xf32, #tpu.memory_space<hbm>>
      %dma_start3A_1522 = tpu.memref_squeeze %dma_start3A_1521 : memref<1x8x64xf32, #tpu.memory_space<hbm>> -> memref<8x64xf32, #tpu.memory_space<hbm>>
      %dma_start3A_1523 = arith.constant 0 : i32
      %dma_start3A_1524 = arith.constant 0 : i32
      %dma_start3A_1525 = tpu.memref_slice %arg14[%dma_start3A_1514, %dma_start3A_1523, %dma_start3A_1524] : memref<16x8x64xf32, #tpu.memory_space<vmem>> -> memref<1x8x64xf32, #tpu.memory_space<vmem>>
      %dma_start3A_1526 = tpu.memref_squeeze %dma_start3A_1525 : memref<1x8x64xf32, #tpu.memory_space<vmem>> -> memref<8x64xf32, #tpu.memory_space<vmem>>
      %dma_start3A_1527 = arith.constant 0 : i32
      %dma_start3A_1528 = arith.constant 0 : i32
      %dma_start3A_1529 = tpu.memref_slice %arg5[%squeeze3A_1513, %dma_start3A_1527, %dma_start3A_1528] : memref<125000x8x64xf32, #tpu.memory_space<hbm>> -> memref<1x8x64xf32, #tpu.memory_space<hbm>>
      %dma_start3A_1530 = tpu.memref_squeeze %dma_start3A_1529 : memref<1x8x64xf32, #tpu.memory_space<hbm>> -> memref<8x64xf32, #tpu.memory_space<hbm>>
      tpu.enqueue_dma source(%dma_start3A_1530 : memref<8x64xf32, #tpu.memory_space<hbm>>) target(%dma_start3A_1526 : memref<8x64xf32, #tpu.memory_space<vmem>>) target_semaphore(%arg19 : memref<!tpu.dma_semaphore, #tpu.memory_space<semaphore_mem>>)
      %slice3A_1531 = vector.extract_strided_slice %get3A_1072 {offsets = [12], sizes = [1], strides = [1]} : vector<16xi32> to vector<1xi32>
      %squeeze3A_1532 = vector.extract %slice3A_1531[0] : i32 from vector<1xi32>
      %dma_start3A_1533 = arith.constant 12 : i32
      %dma_start3A_1534 = arith.constant 0 : i32
      %dma_start3A_1535 = arith.constant 0 : i32
      %dma_start3A_1536 = tpu.memref_slice %arg12[%dma_start3A_1533, %dma_start3A_1534, %dma_start3A_1535] : memref<16x8x64xf32, #tpu.memory_space<vmem>> -> memref<1x8x64xf32, #tpu.memory_space<vmem>>
      %dma_start3A_1537 = tpu.memref_squeeze %dma_start3A_1536 : memref<1x8x64xf32, #tpu.memory_space<vmem>> -> memref<8x64xf32, #tpu.memory_space<vmem>>
      %dma_start3A_1538 = arith.constant 0 : i32
      %dma_start3A_1539 = arith.constant 0 : i32
      %dma_start3A_1540 = tpu.memref_slice %arg4[%squeeze3A_1532, %dma_start3A_1538, %dma_start3A_1539] : memref<125000x8x64xf32, #tpu.memory_space<hbm>> -> memref<1x8x64xf32, #tpu.memory_space<hbm>>
      %dma_start3A_1541 = tpu.memref_squeeze %dma_start3A_1540 : memref<1x8x64xf32, #tpu.memory_space<hbm>> -> memref<8x64xf32, #tpu.memory_space<hbm>>
      %dma_start3A_1542 = arith.constant 0 : i32
      %dma_start3A_1543 = arith.constant 0 : i32
      %dma_start3A_1544 = tpu.memref_slice %arg12[%dma_start3A_1533, %dma_start3A_1542, %dma_start3A_1543] : memref<16x8x64xf32, #tpu.memory_space<vmem>> -> memref<1x8x64xf32, #tpu.memory_space<vmem>>
      %dma_start3A_1545 = tpu.memref_squeeze %dma_start3A_1544 : memref<1x8x64xf32, #tpu.memory_space<vmem>> -> memref<8x64xf32, #tpu.memory_space<vmem>>
      %dma_start3A_1546 = arith.constant 0 : i32
      %dma_start3A_1547 = arith.constant 0 : i32
      %dma_start3A_1548 = tpu.memref_slice %arg4[%squeeze3A_1532, %dma_start3A_1546, %dma_start3A_1547] : memref<125000x8x64xf32, #tpu.memory_space<hbm>> -> memref<1x8x64xf32, #tpu.memory_space<hbm>>
      %dma_start3A_1549 = tpu.memref_squeeze %dma_start3A_1548 : memref<1x8x64xf32, #tpu.memory_space<hbm>> -> memref<8x64xf32, #tpu.memory_space<hbm>>
      tpu.enqueue_dma source(%dma_start3A_1549 : memref<8x64xf32, #tpu.memory_space<hbm>>) target(%dma_start3A_1545 : memref<8x64xf32, #tpu.memory_space<vmem>>) target_semaphore(%arg17 : memref<!tpu.dma_semaphore, #tpu.memory_space<semaphore_mem>>)
      %slice3A_1550 = vector.extract_strided_slice %get3A_1074 {offsets = [12], sizes = [1], strides = [1]} : vector<16xi32> to vector<1xi32>
      %squeeze3A_1551 = vector.extract %slice3A_1550[0] : i32 from vector<1xi32>
      %dma_start3A_1552 = arith.constant 12 : i32
      %dma_start3A_1553 = arith.constant 0 : i32
      %dma_start3A_1554 = arith.constant 0 : i32
      %dma_start3A_1555 = tpu.memref_slice %arg14[%dma_start3A_1552, %dma_start3A_1553, %dma_start3A_1554] : memref<16x8x64xf32, #tpu.memory_space<vmem>> -> memref<1x8x64xf32, #tpu.memory_space<vmem>>
      %dma_start3A_1556 = tpu.memref_squeeze %dma_start3A_1555 : memref<1x8x64xf32, #tpu.memory_space<vmem>> -> memref<8x64xf32, #tpu.memory_space<vmem>>
      %dma_start3A_1557 = arith.constant 0 : i32
      %dma_start3A_1558 = arith.constant 0 : i32
      %dma_start3A_1559 = tpu.memref_slice %arg5[%squeeze3A_1551, %dma_start3A_1557, %dma_start3A_1558] : memref<125000x8x64xf32, #tpu.memory_space<hbm>> -> memref<1x8x64xf32, #tpu.memory_space<hbm>>
      %dma_start3A_1560 = tpu.memref_squeeze %dma_start3A_1559 : memref<1x8x64xf32, #tpu.memory_space<hbm>> -> memref<8x64xf32, #tpu.memory_space<hbm>>
      %dma_start3A_1561 = arith.constant 0 : i32
      %dma_start3A_1562 = arith.constant 0 : i32
      %dma_start3A_1563 = tpu.memref_slice %arg14[%dma_start3A_1552, %dma_start3A_1561, %dma_start3A_1562] : memref<16x8x64xf32, #tpu.memory_space<vmem>> -> memref<1x8x64xf32, #tpu.memory_space<vmem>>
      %dma_start3A_1564 = tpu.memref_squeeze %dma_start3A_1563 : memref<1x8x64xf32, #tpu.memory_space<vmem>> -> memref<8x64xf32, #tpu.memory_space<vmem>>
      %dma_start3A_1565 = arith.constant 0 : i32
      %dma_start3A_1566 = arith.constant 0 : i32
      %dma_start3A_1567 = tpu.memref_slice %arg5[%squeeze3A_1551, %dma_start3A_1565, %dma_start3A_1566] : memref<125000x8x64xf32, #tpu.memory_space<hbm>> -> memref<1x8x64xf32, #tpu.memory_space<hbm>>
      %dma_start3A_1568 = tpu.memref_squeeze %dma_start3A_1567 : memref<1x8x64xf32, #tpu.memory_space<hbm>> -> memref<8x64xf32, #tpu.memory_space<hbm>>
      tpu.enqueue_dma source(%dma_start3A_1568 : memref<8x64xf32, #tpu.memory_space<hbm>>) target(%dma_start3A_1564 : memref<8x64xf32, #tpu.memory_space<vmem>>) target_semaphore(%arg19 : memref<!tpu.dma_semaphore, #tpu.memory_space<semaphore_mem>>)
      %slice3A_1569 = vector.extract_strided_slice %get3A_1072 {offsets = [13], sizes = [1], strides = [1]} : vector<16xi32> to vector<1xi32>
      %squeeze3A_1570 = vector.extract %slice3A_1569[0] : i32 from vector<1xi32>
      %dma_start3A_1571 = arith.constant 13 : i32
      %dma_start3A_1572 = arith.constant 0 : i32
      %dma_start3A_1573 = arith.constant 0 : i32
      %dma_start3A_1574 = tpu.memref_slice %arg12[%dma_start3A_1571, %dma_start3A_1572, %dma_start3A_1573] : memref<16x8x64xf32, #tpu.memory_space<vmem>> -> memref<1x8x64xf32, #tpu.memory_space<vmem>>
      %dma_start3A_1575 = tpu.memref_squeeze %dma_start3A_1574 : memref<1x8x64xf32, #tpu.memory_space<vmem>> -> memref<8x64xf32, #tpu.memory_space<vmem>>
      %dma_start3A_1576 = arith.constant 0 : i32
      %dma_start3A_1577 = arith.constant 0 : i32
      %dma_start3A_1578 = tpu.memref_slice %arg4[%squeeze3A_1570, %dma_start3A_1576, %dma_start3A_1577] : memref<125000x8x64xf32, #tpu.memory_space<hbm>> -> memref<1x8x64xf32, #tpu.memory_space<hbm>>
      %dma_start3A_1579 = tpu.memref_squeeze %dma_start3A_1578 : memref<1x8x64xf32, #tpu.memory_space<hbm>> -> memref<8x64xf32, #tpu.memory_space<hbm>>
      %dma_start3A_1580 = arith.constant 0 : i32
      %dma_start3A_1581 = arith.constant 0 : i32
      %dma_start3A_1582 = tpu.memref_slice %arg12[%dma_start3A_1571, %dma_start3A_1580, %dma_start3A_1581] : memref<16x8x64xf32, #tpu.memory_space<vmem>> -> memref<1x8x64xf32, #tpu.memory_space<vmem>>
      %dma_start3A_1583 = tpu.memref_squeeze %dma_start3A_1582 : memref<1x8x64xf32, #tpu.memory_space<vmem>> -> memref<8x64xf32, #tpu.memory_space<vmem>>
      %dma_start3A_1584 = arith.constant 0 : i32
      %dma_start3A_1585 = arith.constant 0 : i32
      %dma_start3A_1586 = tpu.memref_slice %arg4[%squeeze3A_1570, %dma_start3A_1584, %dma_start3A_1585] : memref<125000x8x64xf32, #tpu.memory_space<hbm>> -> memref<1x8x64xf32, #tpu.memory_space<hbm>>
      %dma_start3A_1587 = tpu.memref_squeeze %dma_start3A_1586 : memref<1x8x64xf32, #tpu.memory_space<hbm>> -> memref<8x64xf32, #tpu.memory_space<hbm>>
      tpu.enqueue_dma source(%dma_start3A_1587 : memref<8x64xf32, #tpu.memory_space<hbm>>) target(%dma_start3A_1583 : memref<8x64xf32, #tpu.memory_space<vmem>>) target_semaphore(%arg17 : memref<!tpu.dma_semaphore, #tpu.memory_space<semaphore_mem>>)
      %slice3A_1588 = vector.extract_strided_slice %get3A_1074 {offsets = [13], sizes = [1], strides = [1]} : vector<16xi32> to vector<1xi32>
      %squeeze3A_1589 = vector.extract %slice3A_1588[0] : i32 from vector<1xi32>
      %dma_start3A_1590 = arith.constant 13 : i32
      %dma_start3A_1591 = arith.constant 0 : i32
      %dma_start3A_1592 = arith.constant 0 : i32
      %dma_start3A_1593 = tpu.memref_slice %arg14[%dma_start3A_1590, %dma_start3A_1591, %dma_start3A_1592] : memref<16x8x64xf32, #tpu.memory_space<vmem>> -> memref<1x8x64xf32, #tpu.memory_space<vmem>>
      %dma_start3A_1594 = tpu.memref_squeeze %dma_start3A_1593 : memref<1x8x64xf32, #tpu.memory_space<vmem>> -> memref<8x64xf32, #tpu.memory_space<vmem>>
      %dma_start3A_1595 = arith.constant 0 : i32
      %dma_start3A_1596 = arith.constant 0 : i32
      %dma_start3A_1597 = tpu.memref_slice %arg5[%squeeze3A_1589, %dma_start3A_1595, %dma_start3A_1596] : memref<125000x8x64xf32, #tpu.memory_space<hbm>> -> memref<1x8x64xf32, #tpu.memory_space<hbm>>
      %dma_start3A_1598 = tpu.memref_squeeze %dma_start3A_1597 : memref<1x8x64xf32, #tpu.memory_space<hbm>> -> memref<8x64xf32, #tpu.memory_space<hbm>>
      %dma_start3A_1599 = arith.constant 0 : i32
      %dma_start3A_1600 = arith.constant 0 : i32
      %dma_start3A_1601 = tpu.memref_slice %arg14[%dma_start3A_1590, %dma_start3A_1599, %dma_start3A_1600] : memref<16x8x64xf32, #tpu.memory_space<vmem>> -> memref<1x8x64xf32, #tpu.memory_space<vmem>>
      %dma_start3A_1602 = tpu.memref_squeeze %dma_start3A_1601 : memref<1x8x64xf32, #tpu.memory_space<vmem>> -> memref<8x64xf32, #tpu.memory_space<vmem>>
      %dma_start3A_1603 = arith.constant 0 : i32
      %dma_start3A_1604 = arith.constant 0 : i32
      %dma_start3A_1605 = tpu.memref_slice %arg5[%squeeze3A_1589, %dma_start3A_1603, %dma_start3A_1604] : memref<125000x8x64xf32, #tpu.memory_space<hbm>> -> memref<1x8x64xf32, #tpu.memory_space<hbm>>
      %dma_start3A_1606 = tpu.memref_squeeze %dma_start3A_1605 : memref<1x8x64xf32, #tpu.memory_space<hbm>> -> memref<8x64xf32, #tpu.memory_space<hbm>>
      tpu.enqueue_dma source(%dma_start3A_1606 : memref<8x64xf32, #tpu.memory_space<hbm>>) target(%dma_start3A_1602 : memref<8x64xf32, #tpu.memory_space<vmem>>) target_semaphore(%arg19 : memref<!tpu.dma_semaphore, #tpu.memory_space<semaphore_mem>>)
      %slice3A_1607 = vector.extract_strided_slice %get3A_1072 {offsets = [14], sizes = [1], strides = [1]} : vector<16xi32> to vector<1xi32>
      %squeeze3A_1608 = vector.extract %slice3A_1607[0] : i32 from vector<1xi32>
      %dma_start3A_1609 = arith.constant 14 : i32
      %dma_start3A_1610 = arith.constant 0 : i32
      %dma_start3A_1611 = arith.constant 0 : i32
      %dma_start3A_1612 = tpu.memref_slice %arg12[%dma_start3A_1609, %dma_start3A_1610, %dma_start3A_1611] : memref<16x8x64xf32, #tpu.memory_space<vmem>> -> memref<1x8x64xf32, #tpu.memory_space<vmem>>
      %dma_start3A_1613 = tpu.memref_squeeze %dma_start3A_1612 : memref<1x8x64xf32, #tpu.memory_space<vmem>> -> memref<8x64xf32, #tpu.memory_space<vmem>>
      %dma_start3A_1614 = arith.constant 0 : i32
      %dma_start3A_1615 = arith.constant 0 : i32
      %dma_start3A_1616 = tpu.memref_slice %arg4[%squeeze3A_1608, %dma_start3A_1614, %dma_start3A_1615] : memref<125000x8x64xf32, #tpu.memory_space<hbm>> -> memref<1x8x64xf32, #tpu.memory_space<hbm>>
      %dma_start3A_1617 = tpu.memref_squeeze %dma_start3A_1616 : memref<1x8x64xf32, #tpu.memory_space<hbm>> -> memref<8x64xf32, #tpu.memory_space<hbm>>
      %dma_start3A_1618 = arith.constant 0 : i32
      %dma_start3A_1619 = arith.constant 0 : i32
      %dma_start3A_1620 = tpu.memref_slice %arg12[%dma_start3A_1609, %dma_start3A_1618, %dma_start3A_1619] : memref<16x8x64xf32, #tpu.memory_space<vmem>> -> memref<1x8x64xf32, #tpu.memory_space<vmem>>
      %dma_start3A_1621 = tpu.memref_squeeze %dma_start3A_1620 : memref<1x8x64xf32, #tpu.memory_space<vmem>> -> memref<8x64xf32, #tpu.memory_space<vmem>>
      %dma_start3A_1622 = arith.constant 0 : i32
      %dma_start3A_1623 = arith.constant 0 : i32
      %dma_start3A_1624 = tpu.memref_slice %arg4[%squeeze3A_1608, %dma_start3A_1622, %dma_start3A_1623] : memref<125000x8x64xf32, #tpu.memory_space<hbm>> -> memref<1x8x64xf32, #tpu.memory_space<hbm>>
      %dma_start3A_1625 = tpu.memref_squeeze %dma_start3A_1624 : memref<1x8x64xf32, #tpu.memory_space<hbm>> -> memref<8x64xf32, #tpu.memory_space<hbm>>
      tpu.enqueue_dma source(%dma_start3A_1625 : memref<8x64xf32, #tpu.memory_space<hbm>>) target(%dma_start3A_1621 : memref<8x64xf32, #tpu.memory_space<vmem>>) target_semaphore(%arg17 : memref<!tpu.dma_semaphore, #tpu.memory_space<semaphore_mem>>)
      %slice3A_1626 = vector.extract_strided_slice %get3A_1074 {offsets = [14], sizes = [1], strides = [1]} : vector<16xi32> to vector<1xi32>
      %squeeze3A_1627 = vector.extract %slice3A_1626[0] : i32 from vector<1xi32>
      %dma_start3A_1628 = arith.constant 14 : i32
      %dma_start3A_1629 = arith.constant 0 : i32
      %dma_start3A_1630 = arith.constant 0 : i32
      %dma_start3A_1631 = tpu.memref_slice %arg14[%dma_start3A_1628, %dma_start3A_1629, %dma_start3A_1630] : memref<16x8x64xf32, #tpu.memory_space<vmem>> -> memref<1x8x64xf32, #tpu.memory_space<vmem>>
      %dma_start3A_1632 = tpu.memref_squeeze %dma_start3A_1631 : memref<1x8x64xf32, #tpu.memory_space<vmem>> -> memref<8x64xf32, #tpu.memory_space<vmem>>
      %dma_start3A_1633 = arith.constant 0 : i32
      %dma_start3A_1634 = arith.constant 0 : i32
      %dma_start3A_1635 = tpu.memref_slice %arg5[%squeeze3A_1627, %dma_start3A_1633, %dma_start3A_1634] : memref<125000x8x64xf32, #tpu.memory_space<hbm>> -> memref<1x8x64xf32, #tpu.memory_space<hbm>>
      %dma_start3A_1636 = tpu.memref_squeeze %dma_start3A_1635 : memref<1x8x64xf32, #tpu.memory_space<hbm>> -> memref<8x64xf32, #tpu.memory_space<hbm>>
      %dma_start3A_1637 = arith.constant 0 : i32
      %dma_start3A_1638 = arith.constant 0 : i32
      %dma_start3A_1639 = tpu.memref_slice %arg14[%dma_start3A_1628, %dma_start3A_1637, %dma_start3A_1638] : memref<16x8x64xf32, #tpu.memory_space<vmem>> -> memref<1x8x64xf32, #tpu.memory_space<vmem>>
      %dma_start3A_1640 = tpu.memref_squeeze %dma_start3A_1639 : memref<1x8x64xf32, #tpu.memory_space<vmem>> -> memref<8x64xf32, #tpu.memory_space<vmem>>
      %dma_start3A_1641 = arith.constant 0 : i32
      %dma_start3A_1642 = arith.constant 0 : i32
      %dma_start3A_1643 = tpu.memref_slice %arg5[%squeeze3A_1627, %dma_start3A_1641, %dma_start3A_1642] : memref<125000x8x64xf32, #tpu.memory_space<hbm>> -> memref<1x8x64xf32, #tpu.memory_space<hbm>>
      %dma_start3A_1644 = tpu.memref_squeeze %dma_start3A_1643 : memref<1x8x64xf32, #tpu.memory_space<hbm>> -> memref<8x64xf32, #tpu.memory_space<hbm>>
      tpu.enqueue_dma source(%dma_start3A_1644 : memref<8x64xf32, #tpu.memory_space<hbm>>) target(%dma_start3A_1640 : memref<8x64xf32, #tpu.memory_space<vmem>>) target_semaphore(%arg19 : memref<!tpu.dma_semaphore, #tpu.memory_space<semaphore_mem>>)
      %slice3A_1645 = vector.extract_strided_slice %get3A_1072 {offsets = [15], sizes = [1], strides = [1]} : vector<16xi32> to vector<1xi32>
      %squeeze3A_1646 = vector.extract %slice3A_1645[0] : i32 from vector<1xi32>
      %dma_start3A_1647 = arith.constant 15 : i32
      %dma_start3A_1648 = arith.constant 0 : i32
      %dma_start3A_1649 = arith.constant 0 : i32
      %dma_start3A_1650 = tpu.memref_slice %arg12[%dma_start3A_1647, %dma_start3A_1648, %dma_start3A_1649] : memref<16x8x64xf32, #tpu.memory_space<vmem>> -> memref<1x8x64xf32, #tpu.memory_space<vmem>>
      %dma_start3A_1651 = tpu.memref_squeeze %dma_start3A_1650 : memref<1x8x64xf32, #tpu.memory_space<vmem>> -> memref<8x64xf32, #tpu.memory_space<vmem>>
      %dma_start3A_1652 = arith.constant 0 : i32
      %dma_start3A_1653 = arith.constant 0 : i32
      %dma_start3A_1654 = tpu.memref_slice %arg4[%squeeze3A_1646, %dma_start3A_1652, %dma_start3A_1653] : memref<125000x8x64xf32, #tpu.memory_space<hbm>> -> memref<1x8x64xf32, #tpu.memory_space<hbm>>
      %dma_start3A_1655 = tpu.memref_squeeze %dma_start3A_1654 : memref<1x8x64xf32, #tpu.memory_space<hbm>> -> memref<8x64xf32, #tpu.memory_space<hbm>>
      %dma_start3A_1656 = arith.constant 0 : i32
      %dma_start3A_1657 = arith.constant 0 : i32
      %dma_start3A_1658 = tpu.memref_slice %arg12[%dma_start3A_1647, %dma_start3A_1656, %dma_start3A_1657] : memref<16x8x64xf32, #tpu.memory_space<vmem>> -> memref<1x8x64xf32, #tpu.memory_space<vmem>>
      %dma_start3A_1659 = tpu.memref_squeeze %dma_start3A_1658 : memref<1x8x64xf32, #tpu.memory_space<vmem>> -> memref<8x64xf32, #tpu.memory_space<vmem>>
      %dma_start3A_1660 = arith.constant 0 : i32
      %dma_start3A_1661 = arith.constant 0 : i32
      %dma_start3A_1662 = tpu.memref_slice %arg4[%squeeze3A_1646, %dma_start3A_1660, %dma_start3A_1661] : memref<125000x8x64xf32, #tpu.memory_space<hbm>> -> memref<1x8x64xf32, #tpu.memory_space<hbm>>
      %dma_start3A_1663 = tpu.memref_squeeze %dma_start3A_1662 : memref<1x8x64xf32, #tpu.memory_space<hbm>> -> memref<8x64xf32, #tpu.memory_space<hbm>>
      tpu.enqueue_dma source(%dma_start3A_1663 : memref<8x64xf32, #tpu.memory_space<hbm>>) target(%dma_start3A_1659 : memref<8x64xf32, #tpu.memory_space<vmem>>) target_semaphore(%arg17 : memref<!tpu.dma_semaphore, #tpu.memory_space<semaphore_mem>>)
      %slice3A_1664 = vector.extract_strided_slice %get3A_1074 {offsets = [15], sizes = [1], strides = [1]} : vector<16xi32> to vector<1xi32>
      %squeeze3A_1665 = vector.extract %slice3A_1664[0] : i32 from vector<1xi32>
      %dma_start3A_1666 = arith.constant 15 : i32
      %dma_start3A_1667 = arith.constant 0 : i32
      %dma_start3A_1668 = arith.constant 0 : i32
      %dma_start3A_1669 = tpu.memref_slice %arg14[%dma_start3A_1666, %dma_start3A_1667, %dma_start3A_1668] : memref<16x8x64xf32, #tpu.memory_space<vmem>> -> memref<1x8x64xf32, #tpu.memory_space<vmem>>
      %dma_start3A_1670 = tpu.memref_squeeze %dma_start3A_1669 : memref<1x8x64xf32, #tpu.memory_space<vmem>> -> memref<8x64xf32, #tpu.memory_space<vmem>>
      %dma_start3A_1671 = arith.constant 0 : i32
      %dma_start3A_1672 = arith.constant 0 : i32
      %dma_start3A_1673 = tpu.memref_slice %arg5[%squeeze3A_1665, %dma_start3A_1671, %dma_start3A_1672] : memref<125000x8x64xf32, #tpu.memory_space<hbm>> -> memref<1x8x64xf32, #tpu.memory_space<hbm>>
      %dma_start3A_1674 = tpu.memref_squeeze %dma_start3A_1673 : memref<1x8x64xf32, #tpu.memory_space<hbm>> -> memref<8x64xf32, #tpu.memory_space<hbm>>
      %dma_start3A_1675 = arith.constant 0 : i32
      %dma_start3A_1676 = arith.constant 0 : i32
      %dma_start3A_1677 = tpu.memref_slice %arg14[%dma_start3A_1666, %dma_start3A_1675, %dma_start3A_1676] : memref<16x8x64xf32, #tpu.memory_space<vmem>> -> memref<1x8x64xf32, #tpu.memory_space<vmem>>
      %dma_start3A_1678 = tpu.memref_squeeze %dma_start3A_1677 : memref<1x8x64xf32, #tpu.memory_space<vmem>> -> memref<8x64xf32, #tpu.memory_space<vmem>>
      %dma_start3A_1679 = arith.constant 0 : i32
      %dma_start3A_1680 = arith.constant 0 : i32
      %dma_start3A_1681 = tpu.memref_slice %arg5[%squeeze3A_1665, %dma_start3A_1679, %dma_start3A_1680] : memref<125000x8x64xf32, #tpu.memory_space<hbm>> -> memref<1x8x64xf32, #tpu.memory_space<hbm>>
      %dma_start3A_1682 = tpu.memref_squeeze %dma_start3A_1681 : memref<1x8x64xf32, #tpu.memory_space<hbm>> -> memref<8x64xf32, #tpu.memory_space<hbm>>
      tpu.enqueue_dma source(%dma_start3A_1682 : memref<8x64xf32, #tpu.memory_space<hbm>>) target(%dma_start3A_1678 : memref<8x64xf32, #tpu.memory_space<vmem>>) target_semaphore(%arg19 : memref<!tpu.dma_semaphore, #tpu.memory_space<semaphore_mem>>)
      %dma_wait3A = arith.constant 0 : i32
      %dma_wait3A_1683 = arith.constant 0 : i32
      %dma_wait3A_1684 = arith.constant 0 : i32
      %dma_wait3A_1685 = tpu.memref_slice %arg4[%dma_wait3A, %dma_wait3A_1683, %dma_wait3A_1684] : memref<125000x8x64xf32, #tpu.memory_space<hbm>> -> memref<16x8x64xf32, #tpu.memory_space<hbm>>
      %dma_wait3A_1686 = arith.constant 0 : i32
      %dma_wait3A_1687 = arith.constant 0 : i32
      %dma_wait3A_1688 = arith.constant 0 : i32
      %dma_wait3A_1689 = tpu.memref_slice %arg4[%dma_wait3A_1686, %dma_wait3A_1687, %dma_wait3A_1688] : memref<125000x8x64xf32, #tpu.memory_space<hbm>> -> memref<16x8x64xf32, #tpu.memory_space<hbm>>
      tpu.wait_dma2 semaphore(%arg16 : memref<!tpu.dma_semaphore, #tpu.memory_space<semaphore_mem>>) src(%dma_wait3A_1689 : memref<16x8x64xf32, #tpu.memory_space<hbm>>) dst(%arg11 : memref<16x8x64xf32, #tpu.memory_space<vmem>>)
      %dma_wait3A_1690 = arith.constant 0 : i32
      %dma_wait3A_1691 = arith.constant 0 : i32
      %dma_wait3A_1692 = arith.constant 0 : i32
      %dma_wait3A_1693 = tpu.memref_slice %arg5[%dma_wait3A_1690, %dma_wait3A_1691, %dma_wait3A_1692] : memref<125000x8x64xf32, #tpu.memory_space<hbm>> -> memref<16x8x64xf32, #tpu.memory_space<hbm>>
      %dma_wait3A_1694 = arith.constant 0 : i32
      %dma_wait3A_1695 = arith.constant 0 : i32
      %dma_wait3A_1696 = arith.constant 0 : i32
      %dma_wait3A_1697 = tpu.memref_slice %arg5[%dma_wait3A_1694, %dma_wait3A_1695, %dma_wait3A_1696] : memref<125000x8x64xf32, #tpu.memory_space<hbm>> -> memref<16x8x64xf32, #tpu.memory_space<hbm>>
      tpu.wait_dma2 semaphore(%arg18 : memref<!tpu.dma_semaphore, #tpu.memory_space<semaphore_mem>>) src(%dma_wait3A_1697 : memref<16x8x64xf32, #tpu.memory_space<hbm>>) dst(%arg13 : memref<16x8x64xf32, #tpu.memory_space<vmem>>)
      %mul3A_1698 = arith.constant 16 : i32
      %mul3A_1699 = arith.muli %mul3A_1066, %mul3A_1698 : i32
      %get3A_1700 = arith.index_cast %mul3A_1699 : i32 to index
      %get3A_1701 = tpu.vector_load %arg7[%get3A_1700] {strides = array<i32>} : memref<512xi32, #tpu.memory_space<vmem>>, vector<16xi32>,
      %and3A = arith.constant 7 : i32
      %and3A_1702 = vector.broadcast %and3A : i32 to vector<16xi32>
      %and3A_1703 = arith.andi %get3A_1701, %and3A_1702 : vector<16xi32>
      %get3A_1704 = arith.index_cast %mul3A_1699 : i32 to index
      %get3A_1705 = tpu.vector_load %arg8[%get3A_1704] {strides = array<i32>} : memref<512xi32, #tpu.memory_space<vmem>>, vector<16xi32>,
      %and3A_1706 = arith.constant 7 : i32
      %and3A_1707 = vector.broadcast %and3A_1706 : i32 to vector<16xi32>
      %and3A_1708 = arith.andi %get3A_1705, %and3A_1707 : vector<16xi32>
      %broadcast_in_dim3A = arith.constant 0.000000e+00 : f32
      %broadcast_in_dim3A_1709 = vector.broadcast %broadcast_in_dim3A : f32 to vector<16xf32>
      %scan3A_1710 = arith.constant 0 : i32
      %scan3A_1711 = arith.constant 8 : i32
      %scan3A_1712 = arith.addi %scan3A_1710, %scan3A_1711 : i32
      %scan3A_1713 = arith.constant 1 : i32
      %scan3A_1714 = scf.for %scan3A_1778 = %scan3A_1710 to %scan3A_1712 step %scan3A_1713 iter_args(%scan3A_1779 = %broadcast_in_dim3A_1709) -> (vector<16xf32>)  : i32 {
        %mul3A_1780 = arith.constant 8 : i32
        %mul3A_1781 = arith.muli %scan3A_1778, %mul3A_1780 : i32
        %add3A_1782 = arith.constant 0 : i32
        %add3A_1783 = arith.addi %mul3A_1781, %add3A_1782 : i32
        %broadcast_in_dim3A_1784 = vector.broadcast %add3A_1783 : i32 to vector<16xi32>
        %gather3A = tpu.vector_load_idx %arg11[%iota3A, %and3A_1703, %broadcast_in_dim3A_1784] : memref<16x8x64xf32, #tpu.memory_space<vmem>>[vector<16xi32>, vector<16xi32>, vector<16xi32>], vector<16xf32>,
        %gather3A_1785 = tpu.vector_load_idx %arg13[%iota3A, %and3A_1708, %broadcast_in_dim3A_1784] : memref<16x8x64xf32, #tpu.memory_space<vmem>>[vector<16xi32>, vector<16xi32>, vector<16xi32>], vector<16xf32>,
        %mul3A_1786 = arith.mulf %gather3A, %gather3A_1785 : vector<16xf32>
        %add3A_1787 = arith.addf %scan3A_1779, %mul3A_1786 : vector<16xf32>
        %add3A_1788 = arith.constant 1 : i32
        %add3A_1789 = arith.addi %mul3A_1781, %add3A_1788 : i32
        %broadcast_in_dim3A_1790 = vector.broadcast %add3A_1789 : i32 to vector<16xi32>
        %gather3A_1791 = tpu.vector_load_idx %arg11[%iota3A, %and3A_1703, %broadcast_in_dim3A_1790] : memref<16x8x64xf32, #tpu.memory_space<vmem>>[vector<16xi32>, vector<16xi32>, vector<16xi32>], vector<16xf32>,
        %gather3A_1792 = tpu.vector_load_idx %arg13[%iota3A, %and3A_1708, %broadcast_in_dim3A_1790] : memref<16x8x64xf32, #tpu.memory_space<vmem>>[vector<16xi32>, vector<16xi32>, vector<16xi32>], vector<16xf32>,
        %mul3A_1793 = arith.mulf %gather3A_1791, %gather3A_1792 : vector<16xf32>
        %add3A_1794 = arith.addf %add3A_1787, %mul3A_1793 : vector<16xf32>
        %add3A_1795 = arith.constant 2 : i32
        %add3A_1796 = arith.addi %mul3A_1781, %add3A_1795 : i32
        %broadcast_in_dim3A_1797 = vector.broadcast %add3A_1796 : i32 to vector<16xi32>
        %gather3A_1798 = tpu.vector_load_idx %arg11[%iota3A, %and3A_1703, %broadcast_in_dim3A_1797] : memref<16x8x64xf32, #tpu.memory_space<vmem>>[vector<16xi32>, vector<16xi32>, vector<16xi32>], vector<16xf32>,
        %gather3A_1799 = tpu.vector_load_idx %arg13[%iota3A, %and3A_1708, %broadcast_in_dim3A_1797] : memref<16x8x64xf32, #tpu.memory_space<vmem>>[vector<16xi32>, vector<16xi32>, vector<16xi32>], vector<16xf32>,
        %mul3A_1800 = arith.mulf %gather3A_1798, %gather3A_1799 : vector<16xf32>
        %add3A_1801 = arith.addf %add3A_1794, %mul3A_1800 : vector<16xf32>
        %add3A_1802 = arith.constant 3 : i32
        %add3A_1803 = arith.addi %mul3A_1781, %add3A_1802 : i32
        %broadcast_in_dim3A_1804 = vector.broadcast %add3A_1803 : i32 to vector<16xi32>
        %gather3A_1805 = tpu.vector_load_idx %arg11[%iota3A, %and3A_1703, %broadcast_in_dim3A_1804] : memref<16x8x64xf32, #tpu.memory_space<vmem>>[vector<16xi32>, vector<16xi32>, vector<16xi32>], vector<16xf32>,
        %gather3A_1806 = tpu.vector_load_idx %arg13[%iota3A, %and3A_1708, %broadcast_in_dim3A_1804] : memref<16x8x64xf32, #tpu.memory_space<vmem>>[vector<16xi32>, vector<16xi32>, vector<16xi32>], vector<16xf32>,
        %mul3A_1807 = arith.mulf %gather3A_1805, %gather3A_1806 : vector<16xf32>
        %add3A_1808 = arith.addf %add3A_1801, %mul3A_1807 : vector<16xf32>
        %add3A_1809 = arith.constant 4 : i32
        %add3A_1810 = arith.addi %mul3A_1781, %add3A_1809 : i32
        %broadcast_in_dim3A_1811 = vector.broadcast %add3A_1810 : i32 to vector<16xi32>
        %gather3A_1812 = tpu.vector_load_idx %arg11[%iota3A, %and3A_1703, %broadcast_in_dim3A_1811] : memref<16x8x64xf32, #tpu.memory_space<vmem>>[vector<16xi32>, vector<16xi32>, vector<16xi32>], vector<16xf32>,
        %gather3A_1813 = tpu.vector_load_idx %arg13[%iota3A, %and3A_1708, %broadcast_in_dim3A_1811] : memref<16x8x64xf32, #tpu.memory_space<vmem>>[vector<16xi32>, vector<16xi32>, vector<16xi32>], vector<16xf32>,
        %mul3A_1814 = arith.mulf %gather3A_1812, %gather3A_1813 : vector<16xf32>
        %add3A_1815 = arith.addf %add3A_1808, %mul3A_1814 : vector<16xf32>
        %add3A_1816 = arith.constant 5 : i32
        %add3A_1817 = arith.addi %mul3A_1781, %add3A_1816 : i32
        %broadcast_in_dim3A_1818 = vector.broadcast %add3A_1817 : i32 to vector<16xi32>
        %gather3A_1819 = tpu.vector_load_idx %arg11[%iota3A, %and3A_1703, %broadcast_in_dim3A_1818] : memref<16x8x64xf32, #tpu.memory_space<vmem>>[vector<16xi32>, vector<16xi32>, vector<16xi32>], vector<16xf32>,
        %gather3A_1820 = tpu.vector_load_idx %arg13[%iota3A, %and3A_1708, %broadcast_in_dim3A_1818] : memref<16x8x64xf32, #tpu.memory_space<vmem>>[vector<16xi32>, vector<16xi32>, vector<16xi32>], vector<16xf32>,
        %mul3A_1821 = arith.mulf %gather3A_1819, %gather3A_1820 : vector<16xf32>
        %add3A_1822 = arith.addf %add3A_1815, %mul3A_1821 : vector<16xf32>
        %add3A_1823 = arith.constant 6 : i32
        %add3A_1824 = arith.addi %mul3A_1781, %add3A_1823 : i32
        %broadcast_in_dim3A_1825 = vector.broadcast %add3A_1824 : i32 to vector<16xi32>
        %gather3A_1826 = tpu.vector_load_idx %arg11[%iota3A, %and3A_1703, %broadcast_in_dim3A_1825] : memref<16x8x64xf32, #tpu.memory_space<vmem>>[vector<16xi32>, vector<16xi32>, vector<16xi32>], vector<16xf32>,
        %gather3A_1827 = tpu.vector_load_idx %arg13[%iota3A, %and3A_1708, %broadcast_in_dim3A_1825] : memref<16x8x64xf32, #tpu.memory_space<vmem>>[vector<16xi32>, vector<16xi32>, vector<16xi32>], vector<16xf32>,
        %mul3A_1828 = arith.mulf %gather3A_1826, %gather3A_1827 : vector<16xf32>
        %add3A_1829 = arith.addf %add3A_1822, %mul3A_1828 : vector<16xf32>
        %add3A_1830 = arith.constant 7 : i32
        %add3A_1831 = arith.addi %mul3A_1781, %add3A_1830 : i32
        %broadcast_in_dim3A_1832 = vector.broadcast %add3A_1831 : i32 to vector<16xi32>
        %gather3A_1833 = tpu.vector_load_idx %arg11[%iota3A, %and3A_1703, %broadcast_in_dim3A_1832] : memref<16x8x64xf32, #tpu.memory_space<vmem>>[vector<16xi32>, vector<16xi32>, vector<16xi32>], vector<16xf32>,
        %gather3A_1834 = tpu.vector_load_idx %arg13[%iota3A, %and3A_1708, %broadcast_in_dim3A_1832] : memref<16x8x64xf32, #tpu.memory_space<vmem>>[vector<16xi32>, vector<16xi32>, vector<16xi32>], vector<16xf32>,
        %mul3A_1835 = arith.mulf %gather3A_1833, %gather3A_1834 : vector<16xf32>
        %add3A_1836 = arith.addf %add3A_1829, %mul3A_1835 : vector<16xf32>
        scf.yield %add3A_1836 : vector<16xf32>
      }
      %scan3A_1715 = arith.constant 8 : i32
      %neg3A = arith.constant 0.000000e+00 : f32
      %neg3A_1716 = vector.broadcast %neg3A : f32 to vector<16xf32>
      %neg3A_1717 = arith.subf %neg3A_1716, %scan3A_1714 : vector<16xf32>
      %exp3A = math.exp %neg3A_1717 : vector<16xf32>
      %add3A_1718 = arith.constant 1.000000e+00 : f32
      %add3A_1719 = vector.broadcast %add3A_1718 : f32 to vector<16xf32>
      %add3A_1720 = arith.addf %add3A_1719, %exp3A : vector<16xf32>
      %div3A = arith.constant 1.000000e+00 : f32
      %div3A_1721 = vector.broadcast %div3A : f32 to vector<16xf32>
      %div3A_1722 = arith.divf %div3A_1721, %add3A_1720 : vector<16xf32>
      %swap3A_1723 = arith.index_cast %mul3A_1699 : i32 to index
      %swap3A_1724 = tpu.vector_load %arg15[%swap3A_1723] {strides = array<i32>} : memref<512xf32, #tpu.memory_space<vmem>>, vector<16xf32>,
      tpu.vector_store %arg15[%swap3A_1723], %div3A_1722 {strides = array<i32>} : memref<512xf32, #tpu.memory_space<vmem>>, vector<16xf32>,
      %lt3A = arith.constant 15 : i32
      %lt3A_1725 = arith.cmpi slt, %scan3A_1063, %lt3A : i32
      %convert_element_type3A = arith.extui %lt3A_1725 : i1 to i32
      %cond3A = arith.constant 0 : i32
      %cond3A_1726 = arith.cmpi ne, %convert_element_type3A, %cond3A : i32
      scf.if %cond3A_1726 {
        %add3A_1778 = arith.constant 2 : i32
        %add3A_1779 = arith.addi %mul3A_1066, %add3A_1778 : i32
        %mul3A_1780 = arith.constant 16 : i32
        %mul3A_1781 = arith.muli %add3A_1779, %mul3A_1780 : i32
        %get3A_1782 = arith.index_cast %mul3A_1781 : i32 to index
        %get3A_1783 = tpu.vector_load %arg9[%get3A_1782] {strides = array<i32>} : memref<512xi32, #tpu.memory_space<vmem>>, vector<16xi32>,
        %get3A_1784 = arith.index_cast %mul3A_1781 : i32 to index
        %get3A_1785 = tpu.vector_load %arg10[%get3A_1784] {strides = array<i32>} : memref<512xi32, #tpu.memory_space<vmem>>, vector<16xi32>,
        %slice3A_1786 = vector.extract_strided_slice %get3A_1783 {offsets = [0], sizes = [1], strides = [1]} : vector<16xi32> to vector<1xi32>
        %squeeze3A_1787 = vector.extract %slice3A_1786[0] : i32 from vector<1xi32>
        %dma_start3A_1788 = arith.constant 0 : i32
        %dma_start3A_1789 = arith.constant 0 : i32
        %dma_start3A_1790 = arith.constant 0 : i32
        %dma_start3A_1791 = tpu.memref_slice %arg11[%dma_start3A_1788, %dma_start3A_1789, %dma_start3A_1790] : memref<16x8x64xf32, #tpu.memory_space<vmem>> -> memref<1x8x64xf32, #tpu.memory_space<vmem>>
        %dma_start3A_1792 = tpu.memref_squeeze %dma_start3A_1791 : memref<1x8x64xf32, #tpu.memory_space<vmem>> -> memref<8x64xf32, #tpu.memory_space<vmem>>
        %dma_start3A_1793 = arith.constant 0 : i32
        %dma_start3A_1794 = arith.constant 0 : i32
        %dma_start3A_1795 = tpu.memref_slice %arg4[%squeeze3A_1787, %dma_start3A_1793, %dma_start3A_1794] : memref<125000x8x64xf32, #tpu.memory_space<hbm>> -> memref<1x8x64xf32, #tpu.memory_space<hbm>>
        %dma_start3A_1796 = tpu.memref_squeeze %dma_start3A_1795 : memref<1x8x64xf32, #tpu.memory_space<hbm>> -> memref<8x64xf32, #tpu.memory_space<hbm>>
        %dma_start3A_1797 = arith.constant 0 : i32
        %dma_start3A_1798 = arith.constant 0 : i32
        %dma_start3A_1799 = tpu.memref_slice %arg11[%dma_start3A_1788, %dma_start3A_1797, %dma_start3A_1798] : memref<16x8x64xf32, #tpu.memory_space<vmem>> -> memref<1x8x64xf32, #tpu.memory_space<vmem>>
        %dma_start3A_1800 = tpu.memref_squeeze %dma_start3A_1799 : memref<1x8x64xf32, #tpu.memory_space<vmem>> -> memref<8x64xf32, #tpu.memory_space<vmem>>
        %dma_start3A_1801 = arith.constant 0 : i32
        %dma_start3A_1802 = arith.constant 0 : i32
        %dma_start3A_1803 = tpu.memref_slice %arg4[%squeeze3A_1787, %dma_start3A_1801, %dma_start3A_1802] : memref<125000x8x64xf32, #tpu.memory_space<hbm>> -> memref<1x8x64xf32, #tpu.memory_space<hbm>>
        %dma_start3A_1804 = tpu.memref_squeeze %dma_start3A_1803 : memref<1x8x64xf32, #tpu.memory_space<hbm>> -> memref<8x64xf32, #tpu.memory_space<hbm>>
        tpu.enqueue_dma source(%dma_start3A_1804 : memref<8x64xf32, #tpu.memory_space<hbm>>) target(%dma_start3A_1800 : memref<8x64xf32, #tpu.memory_space<vmem>>) target_semaphore(%arg16 : memref<!tpu.dma_semaphore, #tpu.memory_space<semaphore_mem>>)
        %slice3A_1805 = vector.extract_strided_slice %get3A_1785 {offsets = [0], sizes = [1], strides = [1]} : vector<16xi32> to vector<1xi32>
        %squeeze3A_1806 = vector.extract %slice3A_1805[0] : i32 from vector<1xi32>
        %dma_start3A_1807 = arith.constant 0 : i32
        %dma_start3A_1808 = arith.constant 0 : i32
        %dma_start3A_1809 = arith.constant 0 : i32
        %dma_start3A_1810 = tpu.memref_slice %arg13[%dma_start3A_1807, %dma_start3A_1808, %dma_start3A_1809] : memref<16x8x64xf32, #tpu.memory_space<vmem>> -> memref<1x8x64xf32, #tpu.memory_space<vmem>>
        %dma_start3A_1811 = tpu.memref_squeeze %dma_start3A_1810 : memref<1x8x64xf32, #tpu.memory_space<vmem>> -> memref<8x64xf32, #tpu.memory_space<vmem>>
        %dma_start3A_1812 = arith.constant 0 : i32
        %dma_start3A_1813 = arith.constant 0 : i32
        %dma_start3A_1814 = tpu.memref_slice %arg5[%squeeze3A_1806, %dma_start3A_1812, %dma_start3A_1813] : memref<125000x8x64xf32, #tpu.memory_space<hbm>> -> memref<1x8x64xf32, #tpu.memory_space<hbm>>
        %dma_start3A_1815 = tpu.memref_squeeze %dma_start3A_1814 : memref<1x8x64xf32, #tpu.memory_space<hbm>> -> memref<8x64xf32, #tpu.memory_space<hbm>>
        %dma_start3A_1816 = arith.constant 0 : i32
        %dma_start3A_1817 = arith.constant 0 : i32
        %dma_start3A_1818 = tpu.memref_slice %arg13[%dma_start3A_1807, %dma_start3A_1816, %dma_start3A_1817] : memref<16x8x64xf32, #tpu.memory_space<vmem>> -> memref<1x8x64xf32, #tpu.memory_space<vmem>>
        %dma_start3A_1819 = tpu.memref_squeeze %dma_start3A_1818 : memref<1x8x64xf32, #tpu.memory_space<vmem>> -> memref<8x64xf32, #tpu.memory_space<vmem>>
        %dma_start3A_1820 = arith.constant 0 : i32
        %dma_start3A_1821 = arith.constant 0 : i32
        %dma_start3A_1822 = tpu.memref_slice %arg5[%squeeze3A_1806, %dma_start3A_1820, %dma_start3A_1821] : memref<125000x8x64xf32, #tpu.memory_space<hbm>> -> memref<1x8x64xf32, #tpu.memory_space<hbm>>
        %dma_start3A_1823 = tpu.memref_squeeze %dma_start3A_1822 : memref<1x8x64xf32, #tpu.memory_space<hbm>> -> memref<8x64xf32, #tpu.memory_space<hbm>>
        tpu.enqueue_dma source(%dma_start3A_1823 : memref<8x64xf32, #tpu.memory_space<hbm>>) target(%dma_start3A_1819 : memref<8x64xf32, #tpu.memory_space<vmem>>) target_semaphore(%arg18 : memref<!tpu.dma_semaphore, #tpu.memory_space<semaphore_mem>>)
        %slice3A_1824 = vector.extract_strided_slice %get3A_1783 {offsets = [1], sizes = [1], strides = [1]} : vector<16xi32> to vector<1xi32>
        %squeeze3A_1825 = vector.extract %slice3A_1824[0] : i32 from vector<1xi32>
        %dma_start3A_1826 = arith.constant 1 : i32
        %dma_start3A_1827 = arith.constant 0 : i32
        %dma_start3A_1828 = arith.constant 0 : i32
        %dma_start3A_1829 = tpu.memref_slice %arg11[%dma_start3A_1826, %dma_start3A_1827, %dma_start3A_1828] : memref<16x8x64xf32, #tpu.memory_space<vmem>> -> memref<1x8x64xf32, #tpu.memory_space<vmem>>
        %dma_start3A_1830 = tpu.memref_squeeze %dma_start3A_1829 : memref<1x8x64xf32, #tpu.memory_space<vmem>> -> memref<8x64xf32, #tpu.memory_space<vmem>>
        %dma_start3A_1831 = arith.constant 0 : i32
        %dma_start3A_1832 = arith.constant 0 : i32
        %dma_start3A_1833 = tpu.memref_slice %arg4[%squeeze3A_1825, %dma_start3A_1831, %dma_start3A_1832] : memref<125000x8x64xf32, #tpu.memory_space<hbm>> -> memref<1x8x64xf32, #tpu.memory_space<hbm>>
        %dma_start3A_1834 = tpu.memref_squeeze %dma_start3A_1833 : memref<1x8x64xf32, #tpu.memory_space<hbm>> -> memref<8x64xf32, #tpu.memory_space<hbm>>
        %dma_start3A_1835 = arith.constant 0 : i32
        %dma_start3A_1836 = arith.constant 0 : i32
        %dma_start3A_1837 = tpu.memref_slice %arg11[%dma_start3A_1826, %dma_start3A_1835, %dma_start3A_1836] : memref<16x8x64xf32, #tpu.memory_space<vmem>> -> memref<1x8x64xf32, #tpu.memory_space<vmem>>
        %dma_start3A_1838 = tpu.memref_squeeze %dma_start3A_1837 : memref<1x8x64xf32, #tpu.memory_space<vmem>> -> memref<8x64xf32, #tpu.memory_space<vmem>>
        %dma_start3A_1839 = arith.constant 0 : i32
        %dma_start3A_1840 = arith.constant 0 : i32
        %dma_start3A_1841 = tpu.memref_slice %arg4[%squeeze3A_1825, %dma_start3A_1839, %dma_start3A_1840] : memref<125000x8x64xf32, #tpu.memory_space<hbm>> -> memref<1x8x64xf32, #tpu.memory_space<hbm>>
        %dma_start3A_1842 = tpu.memref_squeeze %dma_start3A_1841 : memref<1x8x64xf32, #tpu.memory_space<hbm>> -> memref<8x64xf32, #tpu.memory_space<hbm>>
        tpu.enqueue_dma source(%dma_start3A_1842 : memref<8x64xf32, #tpu.memory_space<hbm>>) target(%dma_start3A_1838 : memref<8x64xf32, #tpu.memory_space<vmem>>) target_semaphore(%arg16 : memref<!tpu.dma_semaphore, #tpu.memory_space<semaphore_mem>>)
        %slice3A_1843 = vector.extract_strided_slice %get3A_1785 {offsets = [1], sizes = [1], strides = [1]} : vector<16xi32> to vector<1xi32>
        %squeeze3A_1844 = vector.extract %slice3A_1843[0] : i32 from vector<1xi32>
        %dma_start3A_1845 = arith.constant 1 : i32
        %dma_start3A_1846 = arith.constant 0 : i32
        %dma_start3A_1847 = arith.constant 0 : i32
        %dma_start3A_1848 = tpu.memref_slice %arg13[%dma_start3A_1845, %dma_start3A_1846, %dma_start3A_1847] : memref<16x8x64xf32, #tpu.memory_space<vmem>> -> memref<1x8x64xf32, #tpu.memory_space<vmem>>
        %dma_start3A_1849 = tpu.memref_squeeze %dma_start3A_1848 : memref<1x8x64xf32, #tpu.memory_space<vmem>> -> memref<8x64xf32, #tpu.memory_space<vmem>>
        %dma_start3A_1850 = arith.constant 0 : i32
        %dma_start3A_1851 = arith.constant 0 : i32
        %dma_start3A_1852 = tpu.memref_slice %arg5[%squeeze3A_1844, %dma_start3A_1850, %dma_start3A_1851] : memref<125000x8x64xf32, #tpu.memory_space<hbm>> -> memref<1x8x64xf32, #tpu.memory_space<hbm>>
        %dma_start3A_1853 = tpu.memref_squeeze %dma_start3A_1852 : memref<1x8x64xf32, #tpu.memory_space<hbm>> -> memref<8x64xf32, #tpu.memory_space<hbm>>
        %dma_start3A_1854 = arith.constant 0 : i32
        %dma_start3A_1855 = arith.constant 0 : i32
        %dma_start3A_1856 = tpu.memref_slice %arg13[%dma_start3A_1845, %dma_start3A_1854, %dma_start3A_1855] : memref<16x8x64xf32, #tpu.memory_space<vmem>> -> memref<1x8x64xf32, #tpu.memory_space<vmem>>
        %dma_start3A_1857 = tpu.memref_squeeze %dma_start3A_1856 : memref<1x8x64xf32, #tpu.memory_space<vmem>> -> memref<8x64xf32, #tpu.memory_space<vmem>>
        %dma_start3A_1858 = arith.constant 0 : i32
        %dma_start3A_1859 = arith.constant 0 : i32
        %dma_start3A_1860 = tpu.memref_slice %arg5[%squeeze3A_1844, %dma_start3A_1858, %dma_start3A_1859] : memref<125000x8x64xf32, #tpu.memory_space<hbm>> -> memref<1x8x64xf32, #tpu.memory_space<hbm>>
        %dma_start3A_1861 = tpu.memref_squeeze %dma_start3A_1860 : memref<1x8x64xf32, #tpu.memory_space<hbm>> -> memref<8x64xf32, #tpu.memory_space<hbm>>
        tpu.enqueue_dma source(%dma_start3A_1861 : memref<8x64xf32, #tpu.memory_space<hbm>>) target(%dma_start3A_1857 : memref<8x64xf32, #tpu.memory_space<vmem>>) target_semaphore(%arg18 : memref<!tpu.dma_semaphore, #tpu.memory_space<semaphore_mem>>)
        %slice3A_1862 = vector.extract_strided_slice %get3A_1783 {offsets = [2], sizes = [1], strides = [1]} : vector<16xi32> to vector<1xi32>
        %squeeze3A_1863 = vector.extract %slice3A_1862[0] : i32 from vector<1xi32>
        %dma_start3A_1864 = arith.constant 2 : i32
        %dma_start3A_1865 = arith.constant 0 : i32
        %dma_start3A_1866 = arith.constant 0 : i32
        %dma_start3A_1867 = tpu.memref_slice %arg11[%dma_start3A_1864, %dma_start3A_1865, %dma_start3A_1866] : memref<16x8x64xf32, #tpu.memory_space<vmem>> -> memref<1x8x64xf32, #tpu.memory_space<vmem>>
        %dma_start3A_1868 = tpu.memref_squeeze %dma_start3A_1867 : memref<1x8x64xf32, #tpu.memory_space<vmem>> -> memref<8x64xf32, #tpu.memory_space<vmem>>
        %dma_start3A_1869 = arith.constant 0 : i32
        %dma_start3A_1870 = arith.constant 0 : i32
        %dma_start3A_1871 = tpu.memref_slice %arg4[%squeeze3A_1863, %dma_start3A_1869, %dma_start3A_1870] : memref<125000x8x64xf32, #tpu.memory_space<hbm>> -> memref<1x8x64xf32, #tpu.memory_space<hbm>>
        %dma_start3A_1872 = tpu.memref_squeeze %dma_start3A_1871 : memref<1x8x64xf32, #tpu.memory_space<hbm>> -> memref<8x64xf32, #tpu.memory_space<hbm>>
        %dma_start3A_1873 = arith.constant 0 : i32
        %dma_start3A_1874 = arith.constant 0 : i32
        %dma_start3A_1875 = tpu.memref_slice %arg11[%dma_start3A_1864, %dma_start3A_1873, %dma_start3A_1874] : memref<16x8x64xf32, #tpu.memory_space<vmem>> -> memref<1x8x64xf32, #tpu.memory_space<vmem>>
        %dma_start3A_1876 = tpu.memref_squeeze %dma_start3A_1875 : memref<1x8x64xf32, #tpu.memory_space<vmem>> -> memref<8x64xf32, #tpu.memory_space<vmem>>
        %dma_start3A_1877 = arith.constant 0 : i32
        %dma_start3A_1878 = arith.constant 0 : i32
        %dma_start3A_1879 = tpu.memref_slice %arg4[%squeeze3A_1863, %dma_start3A_1877, %dma_start3A_1878] : memref<125000x8x64xf32, #tpu.memory_space<hbm>> -> memref<1x8x64xf32, #tpu.memory_space<hbm>>
        %dma_start3A_1880 = tpu.memref_squeeze %dma_start3A_1879 : memref<1x8x64xf32, #tpu.memory_space<hbm>> -> memref<8x64xf32, #tpu.memory_space<hbm>>
        tpu.enqueue_dma source(%dma_start3A_1880 : memref<8x64xf32, #tpu.memory_space<hbm>>) target(%dma_start3A_1876 : memref<8x64xf32, #tpu.memory_space<vmem>>) target_semaphore(%arg16 : memref<!tpu.dma_semaphore, #tpu.memory_space<semaphore_mem>>)
        %slice3A_1881 = vector.extract_strided_slice %get3A_1785 {offsets = [2], sizes = [1], strides = [1]} : vector<16xi32> to vector<1xi32>
        %squeeze3A_1882 = vector.extract %slice3A_1881[0] : i32 from vector<1xi32>
        %dma_start3A_1883 = arith.constant 2 : i32
        %dma_start3A_1884 = arith.constant 0 : i32
        %dma_start3A_1885 = arith.constant 0 : i32
        %dma_start3A_1886 = tpu.memref_slice %arg13[%dma_start3A_1883, %dma_start3A_1884, %dma_start3A_1885] : memref<16x8x64xf32, #tpu.memory_space<vmem>> -> memref<1x8x64xf32, #tpu.memory_space<vmem>>
        %dma_start3A_1887 = tpu.memref_squeeze %dma_start3A_1886 : memref<1x8x64xf32, #tpu.memory_space<vmem>> -> memref<8x64xf32, #tpu.memory_space<vmem>>
        %dma_start3A_1888 = arith.constant 0 : i32
        %dma_start3A_1889 = arith.constant 0 : i32
        %dma_start3A_1890 = tpu.memref_slice %arg5[%squeeze3A_1882, %dma_start3A_1888, %dma_start3A_1889] : memref<125000x8x64xf32, #tpu.memory_space<hbm>> -> memref<1x8x64xf32, #tpu.memory_space<hbm>>
        %dma_start3A_1891 = tpu.memref_squeeze %dma_start3A_1890 : memref<1x8x64xf32, #tpu.memory_space<hbm>> -> memref<8x64xf32, #tpu.memory_space<hbm>>
        %dma_start3A_1892 = arith.constant 0 : i32
        %dma_start3A_1893 = arith.constant 0 : i32
        %dma_start3A_1894 = tpu.memref_slice %arg13[%dma_start3A_1883, %dma_start3A_1892, %dma_start3A_1893] : memref<16x8x64xf32, #tpu.memory_space<vmem>> -> memref<1x8x64xf32, #tpu.memory_space<vmem>>
        %dma_start3A_1895 = tpu.memref_squeeze %dma_start3A_1894 : memref<1x8x64xf32, #tpu.memory_space<vmem>> -> memref<8x64xf32, #tpu.memory_space<vmem>>
        %dma_start3A_1896 = arith.constant 0 : i32
        %dma_start3A_1897 = arith.constant 0 : i32
        %dma_start3A_1898 = tpu.memref_slice %arg5[%squeeze3A_1882, %dma_start3A_1896, %dma_start3A_1897] : memref<125000x8x64xf32, #tpu.memory_space<hbm>> -> memref<1x8x64xf32, #tpu.memory_space<hbm>>
        %dma_start3A_1899 = tpu.memref_squeeze %dma_start3A_1898 : memref<1x8x64xf32, #tpu.memory_space<hbm>> -> memref<8x64xf32, #tpu.memory_space<hbm>>
        tpu.enqueue_dma source(%dma_start3A_1899 : memref<8x64xf32, #tpu.memory_space<hbm>>) target(%dma_start3A_1895 : memref<8x64xf32, #tpu.memory_space<vmem>>) target_semaphore(%arg18 : memref<!tpu.dma_semaphore, #tpu.memory_space<semaphore_mem>>)
        %slice3A_1900 = vector.extract_strided_slice %get3A_1783 {offsets = [3], sizes = [1], strides = [1]} : vector<16xi32> to vector<1xi32>
        %squeeze3A_1901 = vector.extract %slice3A_1900[0] : i32 from vector<1xi32>
        %dma_start3A_1902 = arith.constant 3 : i32
        %dma_start3A_1903 = arith.constant 0 : i32
        %dma_start3A_1904 = arith.constant 0 : i32
        %dma_start3A_1905 = tpu.memref_slice %arg11[%dma_start3A_1902, %dma_start3A_1903, %dma_start3A_1904] : memref<16x8x64xf32, #tpu.memory_space<vmem>> -> memref<1x8x64xf32, #tpu.memory_space<vmem>>
        %dma_start3A_1906 = tpu.memref_squeeze %dma_start3A_1905 : memref<1x8x64xf32, #tpu.memory_space<vmem>> -> memref<8x64xf32, #tpu.memory_space<vmem>>
        %dma_start3A_1907 = arith.constant 0 : i32
        %dma_start3A_1908 = arith.constant 0 : i32
        %dma_start3A_1909 = tpu.memref_slice %arg4[%squeeze3A_1901, %dma_start3A_1907, %dma_start3A_1908] : memref<125000x8x64xf32, #tpu.memory_space<hbm>> -> memref<1x8x64xf32, #tpu.memory_space<hbm>>
        %dma_start3A_1910 = tpu.memref_squeeze %dma_start3A_1909 : memref<1x8x64xf32, #tpu.memory_space<hbm>> -> memref<8x64xf32, #tpu.memory_space<hbm>>
        %dma_start3A_1911 = arith.constant 0 : i32
        %dma_start3A_1912 = arith.constant 0 : i32
        %dma_start3A_1913 = tpu.memref_slice %arg11[%dma_start3A_1902, %dma_start3A_1911, %dma_start3A_1912] : memref<16x8x64xf32, #tpu.memory_space<vmem>> -> memref<1x8x64xf32, #tpu.memory_space<vmem>>
        %dma_start3A_1914 = tpu.memref_squeeze %dma_start3A_1913 : memref<1x8x64xf32, #tpu.memory_space<vmem>> -> memref<8x64xf32, #tpu.memory_space<vmem>>
        %dma_start3A_1915 = arith.constant 0 : i32
        %dma_start3A_1916 = arith.constant 0 : i32
        %dma_start3A_1917 = tpu.memref_slice %arg4[%squeeze3A_1901, %dma_start3A_1915, %dma_start3A_1916] : memref<125000x8x64xf32, #tpu.memory_space<hbm>> -> memref<1x8x64xf32, #tpu.memory_space<hbm>>
        %dma_start3A_1918 = tpu.memref_squeeze %dma_start3A_1917 : memref<1x8x64xf32, #tpu.memory_space<hbm>> -> memref<8x64xf32, #tpu.memory_space<hbm>>
        tpu.enqueue_dma source(%dma_start3A_1918 : memref<8x64xf32, #tpu.memory_space<hbm>>) target(%dma_start3A_1914 : memref<8x64xf32, #tpu.memory_space<vmem>>) target_semaphore(%arg16 : memref<!tpu.dma_semaphore, #tpu.memory_space<semaphore_mem>>)
        %slice3A_1919 = vector.extract_strided_slice %get3A_1785 {offsets = [3], sizes = [1], strides = [1]} : vector<16xi32> to vector<1xi32>
        %squeeze3A_1920 = vector.extract %slice3A_1919[0] : i32 from vector<1xi32>
        %dma_start3A_1921 = arith.constant 3 : i32
        %dma_start3A_1922 = arith.constant 0 : i32
        %dma_start3A_1923 = arith.constant 0 : i32
        %dma_start3A_1924 = tpu.memref_slice %arg13[%dma_start3A_1921, %dma_start3A_1922, %dma_start3A_1923] : memref<16x8x64xf32, #tpu.memory_space<vmem>> -> memref<1x8x64xf32, #tpu.memory_space<vmem>>
        %dma_start3A_1925 = tpu.memref_squeeze %dma_start3A_1924 : memref<1x8x64xf32, #tpu.memory_space<vmem>> -> memref<8x64xf32, #tpu.memory_space<vmem>>
        %dma_start3A_1926 = arith.constant 0 : i32
        %dma_start3A_1927 = arith.constant 0 : i32
        %dma_start3A_1928 = tpu.memref_slice %arg5[%squeeze3A_1920, %dma_start3A_1926, %dma_start3A_1927] : memref<125000x8x64xf32, #tpu.memory_space<hbm>> -> memref<1x8x64xf32, #tpu.memory_space<hbm>>
        %dma_start3A_1929 = tpu.memref_squeeze %dma_start3A_1928 : memref<1x8x64xf32, #tpu.memory_space<hbm>> -> memref<8x64xf32, #tpu.memory_space<hbm>>
        %dma_start3A_1930 = arith.constant 0 : i32
        %dma_start3A_1931 = arith.constant 0 : i32
        %dma_start3A_1932 = tpu.memref_slice %arg13[%dma_start3A_1921, %dma_start3A_1930, %dma_start3A_1931] : memref<16x8x64xf32, #tpu.memory_space<vmem>> -> memref<1x8x64xf32, #tpu.memory_space<vmem>>
        %dma_start3A_1933 = tpu.memref_squeeze %dma_start3A_1932 : memref<1x8x64xf32, #tpu.memory_space<vmem>> -> memref<8x64xf32, #tpu.memory_space<vmem>>
        %dma_start3A_1934 = arith.constant 0 : i32
        %dma_start3A_1935 = arith.constant 0 : i32
        %dma_start3A_1936 = tpu.memref_slice %arg5[%squeeze3A_1920, %dma_start3A_1934, %dma_start3A_1935] : memref<125000x8x64xf32, #tpu.memory_space<hbm>> -> memref<1x8x64xf32, #tpu.memory_space<hbm>>
        %dma_start3A_1937 = tpu.memref_squeeze %dma_start3A_1936 : memref<1x8x64xf32, #tpu.memory_space<hbm>> -> memref<8x64xf32, #tpu.memory_space<hbm>>
        tpu.enqueue_dma source(%dma_start3A_1937 : memref<8x64xf32, #tpu.memory_space<hbm>>) target(%dma_start3A_1933 : memref<8x64xf32, #tpu.memory_space<vmem>>) target_semaphore(%arg18 : memref<!tpu.dma_semaphore, #tpu.memory_space<semaphore_mem>>)
        %slice3A_1938 = vector.extract_strided_slice %get3A_1783 {offsets = [4], sizes = [1], strides = [1]} : vector<16xi32> to vector<1xi32>
        %squeeze3A_1939 = vector.extract %slice3A_1938[0] : i32 from vector<1xi32>
        %dma_start3A_1940 = arith.constant 4 : i32
        %dma_start3A_1941 = arith.constant 0 : i32
        %dma_start3A_1942 = arith.constant 0 : i32
        %dma_start3A_1943 = tpu.memref_slice %arg11[%dma_start3A_1940, %dma_start3A_1941, %dma_start3A_1942] : memref<16x8x64xf32, #tpu.memory_space<vmem>> -> memref<1x8x64xf32, #tpu.memory_space<vmem>>
        %dma_start3A_1944 = tpu.memref_squeeze %dma_start3A_1943 : memref<1x8x64xf32, #tpu.memory_space<vmem>> -> memref<8x64xf32, #tpu.memory_space<vmem>>
        %dma_start3A_1945 = arith.constant 0 : i32
        %dma_start3A_1946 = arith.constant 0 : i32
        %dma_start3A_1947 = tpu.memref_slice %arg4[%squeeze3A_1939, %dma_start3A_1945, %dma_start3A_1946] : memref<125000x8x64xf32, #tpu.memory_space<hbm>> -> memref<1x8x64xf32, #tpu.memory_space<hbm>>
        %dma_start3A_1948 = tpu.memref_squeeze %dma_start3A_1947 : memref<1x8x64xf32, #tpu.memory_space<hbm>> -> memref<8x64xf32, #tpu.memory_space<hbm>>
        %dma_start3A_1949 = arith.constant 0 : i32
        %dma_start3A_1950 = arith.constant 0 : i32
        %dma_start3A_1951 = tpu.memref_slice %arg11[%dma_start3A_1940, %dma_start3A_1949, %dma_start3A_1950] : memref<16x8x64xf32, #tpu.memory_space<vmem>> -> memref<1x8x64xf32, #tpu.memory_space<vmem>>
        %dma_start3A_1952 = tpu.memref_squeeze %dma_start3A_1951 : memref<1x8x64xf32, #tpu.memory_space<vmem>> -> memref<8x64xf32, #tpu.memory_space<vmem>>
        %dma_start3A_1953 = arith.constant 0 : i32
        %dma_start3A_1954 = arith.constant 0 : i32
        %dma_start3A_1955 = tpu.memref_slice %arg4[%squeeze3A_1939, %dma_start3A_1953, %dma_start3A_1954] : memref<125000x8x64xf32, #tpu.memory_space<hbm>> -> memref<1x8x64xf32, #tpu.memory_space<hbm>>
        %dma_start3A_1956 = tpu.memref_squeeze %dma_start3A_1955 : memref<1x8x64xf32, #tpu.memory_space<hbm>> -> memref<8x64xf32, #tpu.memory_space<hbm>>
        tpu.enqueue_dma source(%dma_start3A_1956 : memref<8x64xf32, #tpu.memory_space<hbm>>) target(%dma_start3A_1952 : memref<8x64xf32, #tpu.memory_space<vmem>>) target_semaphore(%arg16 : memref<!tpu.dma_semaphore, #tpu.memory_space<semaphore_mem>>)
        %slice3A_1957 = vector.extract_strided_slice %get3A_1785 {offsets = [4], sizes = [1], strides = [1]} : vector<16xi32> to vector<1xi32>
        %squeeze3A_1958 = vector.extract %slice3A_1957[0] : i32 from vector<1xi32>
        %dma_start3A_1959 = arith.constant 4 : i32
        %dma_start3A_1960 = arith.constant 0 : i32
        %dma_start3A_1961 = arith.constant 0 : i32
        %dma_start3A_1962 = tpu.memref_slice %arg13[%dma_start3A_1959, %dma_start3A_1960, %dma_start3A_1961] : memref<16x8x64xf32, #tpu.memory_space<vmem>> -> memref<1x8x64xf32, #tpu.memory_space<vmem>>
        %dma_start3A_1963 = tpu.memref_squeeze %dma_start3A_1962 : memref<1x8x64xf32, #tpu.memory_space<vmem>> -> memref<8x64xf32, #tpu.memory_space<vmem>>
        %dma_start3A_1964 = arith.constant 0 : i32
        %dma_start3A_1965 = arith.constant 0 : i32
        %dma_start3A_1966 = tpu.memref_slice %arg5[%squeeze3A_1958, %dma_start3A_1964, %dma_start3A_1965] : memref<125000x8x64xf32, #tpu.memory_space<hbm>> -> memref<1x8x64xf32, #tpu.memory_space<hbm>>
        %dma_start3A_1967 = tpu.memref_squeeze %dma_start3A_1966 : memref<1x8x64xf32, #tpu.memory_space<hbm>> -> memref<8x64xf32, #tpu.memory_space<hbm>>
        %dma_start3A_1968 = arith.constant 0 : i32
        %dma_start3A_1969 = arith.constant 0 : i32
        %dma_start3A_1970 = tpu.memref_slice %arg13[%dma_start3A_1959, %dma_start3A_1968, %dma_start3A_1969] : memref<16x8x64xf32, #tpu.memory_space<vmem>> -> memref<1x8x64xf32, #tpu.memory_space<vmem>>
        %dma_start3A_1971 = tpu.memref_squeeze %dma_start3A_1970 : memref<1x8x64xf32, #tpu.memory_space<vmem>> -> memref<8x64xf32, #tpu.memory_space<vmem>>
        %dma_start3A_1972 = arith.constant 0 : i32
        %dma_start3A_1973 = arith.constant 0 : i32
        %dma_start3A_1974 = tpu.memref_slice %arg5[%squeeze3A_1958, %dma_start3A_1972, %dma_start3A_1973] : memref<125000x8x64xf32, #tpu.memory_space<hbm>> -> memref<1x8x64xf32, #tpu.memory_space<hbm>>
        %dma_start3A_1975 = tpu.memref_squeeze %dma_start3A_1974 : memref<1x8x64xf32, #tpu.memory_space<hbm>> -> memref<8x64xf32, #tpu.memory_space<hbm>>
        tpu.enqueue_dma source(%dma_start3A_1975 : memref<8x64xf32, #tpu.memory_space<hbm>>) target(%dma_start3A_1971 : memref<8x64xf32, #tpu.memory_space<vmem>>) target_semaphore(%arg18 : memref<!tpu.dma_semaphore, #tpu.memory_space<semaphore_mem>>)
        %slice3A_1976 = vector.extract_strided_slice %get3A_1783 {offsets = [5], sizes = [1], strides = [1]} : vector<16xi32> to vector<1xi32>
        %squeeze3A_1977 = vector.extract %slice3A_1976[0] : i32 from vector<1xi32>
        %dma_start3A_1978 = arith.constant 5 : i32
        %dma_start3A_1979 = arith.constant 0 : i32
        %dma_start3A_1980 = arith.constant 0 : i32
        %dma_start3A_1981 = tpu.memref_slice %arg11[%dma_start3A_1978, %dma_start3A_1979, %dma_start3A_1980] : memref<16x8x64xf32, #tpu.memory_space<vmem>> -> memref<1x8x64xf32, #tpu.memory_space<vmem>>
        %dma_start3A_1982 = tpu.memref_squeeze %dma_start3A_1981 : memref<1x8x64xf32, #tpu.memory_space<vmem>> -> memref<8x64xf32, #tpu.memory_space<vmem>>
        %dma_start3A_1983 = arith.constant 0 : i32
        %dma_start3A_1984 = arith.constant 0 : i32
        %dma_start3A_1985 = tpu.memref_slice %arg4[%squeeze3A_1977, %dma_start3A_1983, %dma_start3A_1984] : memref<125000x8x64xf32, #tpu.memory_space<hbm>> -> memref<1x8x64xf32, #tpu.memory_space<hbm>>
        %dma_start3A_1986 = tpu.memref_squeeze %dma_start3A_1985 : memref<1x8x64xf32, #tpu.memory_space<hbm>> -> memref<8x64xf32, #tpu.memory_space<hbm>>
        %dma_start3A_1987 = arith.constant 0 : i32
        %dma_start3A_1988 = arith.constant 0 : i32
        %dma_start3A_1989 = tpu.memref_slice %arg11[%dma_start3A_1978, %dma_start3A_1987, %dma_start3A_1988] : memref<16x8x64xf32, #tpu.memory_space<vmem>> -> memref<1x8x64xf32, #tpu.memory_space<vmem>>
        %dma_start3A_1990 = tpu.memref_squeeze %dma_start3A_1989 : memref<1x8x64xf32, #tpu.memory_space<vmem>> -> memref<8x64xf32, #tpu.memory_space<vmem>>
        %dma_start3A_1991 = arith.constant 0 : i32
        %dma_start3A_1992 = arith.constant 0 : i32
        %dma_start3A_1993 = tpu.memref_slice %arg4[%squeeze3A_1977, %dma_start3A_1991, %dma_start3A_1992] : memref<125000x8x64xf32, #tpu.memory_space<hbm>> -> memref<1x8x64xf32, #tpu.memory_space<hbm>>
        %dma_start3A_1994 = tpu.memref_squeeze %dma_start3A_1993 : memref<1x8x64xf32, #tpu.memory_space<hbm>> -> memref<8x64xf32, #tpu.memory_space<hbm>>
        tpu.enqueue_dma source(%dma_start3A_1994 : memref<8x64xf32, #tpu.memory_space<hbm>>) target(%dma_start3A_1990 : memref<8x64xf32, #tpu.memory_space<vmem>>) target_semaphore(%arg16 : memref<!tpu.dma_semaphore, #tpu.memory_space<semaphore_mem>>)
        %slice3A_1995 = vector.extract_strided_slice %get3A_1785 {offsets = [5], sizes = [1], strides = [1]} : vector<16xi32> to vector<1xi32>
        %squeeze3A_1996 = vector.extract %slice3A_1995[0] : i32 from vector<1xi32>
        %dma_start3A_1997 = arith.constant 5 : i32
        %dma_start3A_1998 = arith.constant 0 : i32
        %dma_start3A_1999 = arith.constant 0 : i32
        %dma_start3A_2000 = tpu.memref_slice %arg13[%dma_start3A_1997, %dma_start3A_1998, %dma_start3A_1999] : memref<16x8x64xf32, #tpu.memory_space<vmem>> -> memref<1x8x64xf32, #tpu.memory_space<vmem>>
        %dma_start3A_2001 = tpu.memref_squeeze %dma_start3A_2000 : memref<1x8x64xf32, #tpu.memory_space<vmem>> -> memref<8x64xf32, #tpu.memory_space<vmem>>
        %dma_start3A_2002 = arith.constant 0 : i32
        %dma_start3A_2003 = arith.constant 0 : i32
        %dma_start3A_2004 = tpu.memref_slice %arg5[%squeeze3A_1996, %dma_start3A_2002, %dma_start3A_2003] : memref<125000x8x64xf32, #tpu.memory_space<hbm>> -> memref<1x8x64xf32, #tpu.memory_space<hbm>>
        %dma_start3A_2005 = tpu.memref_squeeze %dma_start3A_2004 : memref<1x8x64xf32, #tpu.memory_space<hbm>> -> memref<8x64xf32, #tpu.memory_space<hbm>>
        %dma_start3A_2006 = arith.constant 0 : i32
        %dma_start3A_2007 = arith.constant 0 : i32
        %dma_start3A_2008 = tpu.memref_slice %arg13[%dma_start3A_1997, %dma_start3A_2006, %dma_start3A_2007] : memref<16x8x64xf32, #tpu.memory_space<vmem>> -> memref<1x8x64xf32, #tpu.memory_space<vmem>>
        %dma_start3A_2009 = tpu.memref_squeeze %dma_start3A_2008 : memref<1x8x64xf32, #tpu.memory_space<vmem>> -> memref<8x64xf32, #tpu.memory_space<vmem>>
        %dma_start3A_2010 = arith.constant 0 : i32
        %dma_start3A_2011 = arith.constant 0 : i32
        %dma_start3A_2012 = tpu.memref_slice %arg5[%squeeze3A_1996, %dma_start3A_2010, %dma_start3A_2011] : memref<125000x8x64xf32, #tpu.memory_space<hbm>> -> memref<1x8x64xf32, #tpu.memory_space<hbm>>
        %dma_start3A_2013 = tpu.memref_squeeze %dma_start3A_2012 : memref<1x8x64xf32, #tpu.memory_space<hbm>> -> memref<8x64xf32, #tpu.memory_space<hbm>>
        tpu.enqueue_dma source(%dma_start3A_2013 : memref<8x64xf32, #tpu.memory_space<hbm>>) target(%dma_start3A_2009 : memref<8x64xf32, #tpu.memory_space<vmem>>) target_semaphore(%arg18 : memref<!tpu.dma_semaphore, #tpu.memory_space<semaphore_mem>>)
        %slice3A_2014 = vector.extract_strided_slice %get3A_1783 {offsets = [6], sizes = [1], strides = [1]} : vector<16xi32> to vector<1xi32>
        %squeeze3A_2015 = vector.extract %slice3A_2014[0] : i32 from vector<1xi32>
        %dma_start3A_2016 = arith.constant 6 : i32
        %dma_start3A_2017 = arith.constant 0 : i32
        %dma_start3A_2018 = arith.constant 0 : i32
        %dma_start3A_2019 = tpu.memref_slice %arg11[%dma_start3A_2016, %dma_start3A_2017, %dma_start3A_2018] : memref<16x8x64xf32, #tpu.memory_space<vmem>> -> memref<1x8x64xf32, #tpu.memory_space<vmem>>
        %dma_start3A_2020 = tpu.memref_squeeze %dma_start3A_2019 : memref<1x8x64xf32, #tpu.memory_space<vmem>> -> memref<8x64xf32, #tpu.memory_space<vmem>>
        %dma_start3A_2021 = arith.constant 0 : i32
        %dma_start3A_2022 = arith.constant 0 : i32
        %dma_start3A_2023 = tpu.memref_slice %arg4[%squeeze3A_2015, %dma_start3A_2021, %dma_start3A_2022] : memref<125000x8x64xf32, #tpu.memory_space<hbm>> -> memref<1x8x64xf32, #tpu.memory_space<hbm>>
        %dma_start3A_2024 = tpu.memref_squeeze %dma_start3A_2023 : memref<1x8x64xf32, #tpu.memory_space<hbm>> -> memref<8x64xf32, #tpu.memory_space<hbm>>
        %dma_start3A_2025 = arith.constant 0 : i32
        %dma_start3A_2026 = arith.constant 0 : i32
        %dma_start3A_2027 = tpu.memref_slice %arg11[%dma_start3A_2016, %dma_start3A_2025, %dma_start3A_2026] : memref<16x8x64xf32, #tpu.memory_space<vmem>> -> memref<1x8x64xf32, #tpu.memory_space<vmem>>
        %dma_start3A_2028 = tpu.memref_squeeze %dma_start3A_2027 : memref<1x8x64xf32, #tpu.memory_space<vmem>> -> memref<8x64xf32, #tpu.memory_space<vmem>>
        %dma_start3A_2029 = arith.constant 0 : i32
        %dma_start3A_2030 = arith.constant 0 : i32
        %dma_start3A_2031 = tpu.memref_slice %arg4[%squeeze3A_2015, %dma_start3A_2029, %dma_start3A_2030] : memref<125000x8x64xf32, #tpu.memory_space<hbm>> -> memref<1x8x64xf32, #tpu.memory_space<hbm>>
        %dma_start3A_2032 = tpu.memref_squeeze %dma_start3A_2031 : memref<1x8x64xf32, #tpu.memory_space<hbm>> -> memref<8x64xf32, #tpu.memory_space<hbm>>
        tpu.enqueue_dma source(%dma_start3A_2032 : memref<8x64xf32, #tpu.memory_space<hbm>>) target(%dma_start3A_2028 : memref<8x64xf32, #tpu.memory_space<vmem>>) target_semaphore(%arg16 : memref<!tpu.dma_semaphore, #tpu.memory_space<semaphore_mem>>)
        %slice3A_2033 = vector.extract_strided_slice %get3A_1785 {offsets = [6], sizes = [1], strides = [1]} : vector<16xi32> to vector<1xi32>
        %squeeze3A_2034 = vector.extract %slice3A_2033[0] : i32 from vector<1xi32>
        %dma_start3A_2035 = arith.constant 6 : i32
        %dma_start3A_2036 = arith.constant 0 : i32
        %dma_start3A_2037 = arith.constant 0 : i32
        %dma_start3A_2038 = tpu.memref_slice %arg13[%dma_start3A_2035, %dma_start3A_2036, %dma_start3A_2037] : memref<16x8x64xf32, #tpu.memory_space<vmem>> -> memref<1x8x64xf32, #tpu.memory_space<vmem>>
        %dma_start3A_2039 = tpu.memref_squeeze %dma_start3A_2038 : memref<1x8x64xf32, #tpu.memory_space<vmem>> -> memref<8x64xf32, #tpu.memory_space<vmem>>
        %dma_start3A_2040 = arith.constant 0 : i32
        %dma_start3A_2041 = arith.constant 0 : i32
        %dma_start3A_2042 = tpu.memref_slice %arg5[%squeeze3A_2034, %dma_start3A_2040, %dma_start3A_2041] : memref<125000x8x64xf32, #tpu.memory_space<hbm>> -> memref<1x8x64xf32, #tpu.memory_space<hbm>>
        %dma_start3A_2043 = tpu.memref_squeeze %dma_start3A_2042 : memref<1x8x64xf32, #tpu.memory_space<hbm>> -> memref<8x64xf32, #tpu.memory_space<hbm>>
        %dma_start3A_2044 = arith.constant 0 : i32
        %dma_start3A_2045 = arith.constant 0 : i32
        %dma_start3A_2046 = tpu.memref_slice %arg13[%dma_start3A_2035, %dma_start3A_2044, %dma_start3A_2045] : memref<16x8x64xf32, #tpu.memory_space<vmem>> -> memref<1x8x64xf32, #tpu.memory_space<vmem>>
        %dma_start3A_2047 = tpu.memref_squeeze %dma_start3A_2046 : memref<1x8x64xf32, #tpu.memory_space<vmem>> -> memref<8x64xf32, #tpu.memory_space<vmem>>
        %dma_start3A_2048 = arith.constant 0 : i32
        %dma_start3A_2049 = arith.constant 0 : i32
        %dma_start3A_2050 = tpu.memref_slice %arg5[%squeeze3A_2034, %dma_start3A_2048, %dma_start3A_2049] : memref<125000x8x64xf32, #tpu.memory_space<hbm>> -> memref<1x8x64xf32, #tpu.memory_space<hbm>>
        %dma_start3A_2051 = tpu.memref_squeeze %dma_start3A_2050 : memref<1x8x64xf32, #tpu.memory_space<hbm>> -> memref<8x64xf32, #tpu.memory_space<hbm>>
        tpu.enqueue_dma source(%dma_start3A_2051 : memref<8x64xf32, #tpu.memory_space<hbm>>) target(%dma_start3A_2047 : memref<8x64xf32, #tpu.memory_space<vmem>>) target_semaphore(%arg18 : memref<!tpu.dma_semaphore, #tpu.memory_space<semaphore_mem>>)
        %slice3A_2052 = vector.extract_strided_slice %get3A_1783 {offsets = [7], sizes = [1], strides = [1]} : vector<16xi32> to vector<1xi32>
        %squeeze3A_2053 = vector.extract %slice3A_2052[0] : i32 from vector<1xi32>
        %dma_start3A_2054 = arith.constant 7 : i32
        %dma_start3A_2055 = arith.constant 0 : i32
        %dma_start3A_2056 = arith.constant 0 : i32
        %dma_start3A_2057 = tpu.memref_slice %arg11[%dma_start3A_2054, %dma_start3A_2055, %dma_start3A_2056] : memref<16x8x64xf32, #tpu.memory_space<vmem>> -> memref<1x8x64xf32, #tpu.memory_space<vmem>>
        %dma_start3A_2058 = tpu.memref_squeeze %dma_start3A_2057 : memref<1x8x64xf32, #tpu.memory_space<vmem>> -> memref<8x64xf32, #tpu.memory_space<vmem>>
        %dma_start3A_2059 = arith.constant 0 : i32
        %dma_start3A_2060 = arith.constant 0 : i32
        %dma_start3A_2061 = tpu.memref_slice %arg4[%squeeze3A_2053, %dma_start3A_2059, %dma_start3A_2060] : memref<125000x8x64xf32, #tpu.memory_space<hbm>> -> memref<1x8x64xf32, #tpu.memory_space<hbm>>
        %dma_start3A_2062 = tpu.memref_squeeze %dma_start3A_2061 : memref<1x8x64xf32, #tpu.memory_space<hbm>> -> memref<8x64xf32, #tpu.memory_space<hbm>>
        %dma_start3A_2063 = arith.constant 0 : i32
        %dma_start3A_2064 = arith.constant 0 : i32
        %dma_start3A_2065 = tpu.memref_slice %arg11[%dma_start3A_2054, %dma_start3A_2063, %dma_start3A_2064] : memref<16x8x64xf32, #tpu.memory_space<vmem>> -> memref<1x8x64xf32, #tpu.memory_space<vmem>>
        %dma_start3A_2066 = tpu.memref_squeeze %dma_start3A_2065 : memref<1x8x64xf32, #tpu.memory_space<vmem>> -> memref<8x64xf32, #tpu.memory_space<vmem>>
        %dma_start3A_2067 = arith.constant 0 : i32
        %dma_start3A_2068 = arith.constant 0 : i32
        %dma_start3A_2069 = tpu.memref_slice %arg4[%squeeze3A_2053, %dma_start3A_2067, %dma_start3A_2068] : memref<125000x8x64xf32, #tpu.memory_space<hbm>> -> memref<1x8x64xf32, #tpu.memory_space<hbm>>
        %dma_start3A_2070 = tpu.memref_squeeze %dma_start3A_2069 : memref<1x8x64xf32, #tpu.memory_space<hbm>> -> memref<8x64xf32, #tpu.memory_space<hbm>>
        tpu.enqueue_dma source(%dma_start3A_2070 : memref<8x64xf32, #tpu.memory_space<hbm>>) target(%dma_start3A_2066 : memref<8x64xf32, #tpu.memory_space<vmem>>) target_semaphore(%arg16 : memref<!tpu.dma_semaphore, #tpu.memory_space<semaphore_mem>>)
        %slice3A_2071 = vector.extract_strided_slice %get3A_1785 {offsets = [7], sizes = [1], strides = [1]} : vector<16xi32> to vector<1xi32>
        %squeeze3A_2072 = vector.extract %slice3A_2071[0] : i32 from vector<1xi32>
        %dma_start3A_2073 = arith.constant 7 : i32
        %dma_start3A_2074 = arith.constant 0 : i32
        %dma_start3A_2075 = arith.constant 0 : i32
        %dma_start3A_2076 = tpu.memref_slice %arg13[%dma_start3A_2073, %dma_start3A_2074, %dma_start3A_2075] : memref<16x8x64xf32, #tpu.memory_space<vmem>> -> memref<1x8x64xf32, #tpu.memory_space<vmem>>
        %dma_start3A_2077 = tpu.memref_squeeze %dma_start3A_2076 : memref<1x8x64xf32, #tpu.memory_space<vmem>> -> memref<8x64xf32, #tpu.memory_space<vmem>>
        %dma_start3A_2078 = arith.constant 0 : i32
        %dma_start3A_2079 = arith.constant 0 : i32
        %dma_start3A_2080 = tpu.memref_slice %arg5[%squeeze3A_2072, %dma_start3A_2078, %dma_start3A_2079] : memref<125000x8x64xf32, #tpu.memory_space<hbm>> -> memref<1x8x64xf32, #tpu.memory_space<hbm>>
        %dma_start3A_2081 = tpu.memref_squeeze %dma_start3A_2080 : memref<1x8x64xf32, #tpu.memory_space<hbm>> -> memref<8x64xf32, #tpu.memory_space<hbm>>
        %dma_start3A_2082 = arith.constant 0 : i32
        %dma_start3A_2083 = arith.constant 0 : i32
        %dma_start3A_2084 = tpu.memref_slice %arg13[%dma_start3A_2073, %dma_start3A_2082, %dma_start3A_2083] : memref<16x8x64xf32, #tpu.memory_space<vmem>> -> memref<1x8x64xf32, #tpu.memory_space<vmem>>
        %dma_start3A_2085 = tpu.memref_squeeze %dma_start3A_2084 : memref<1x8x64xf32, #tpu.memory_space<vmem>> -> memref<8x64xf32, #tpu.memory_space<vmem>>
        %dma_start3A_2086 = arith.constant 0 : i32
        %dma_start3A_2087 = arith.constant 0 : i32
        %dma_start3A_2088 = tpu.memref_slice %arg5[%squeeze3A_2072, %dma_start3A_2086, %dma_start3A_2087] : memref<125000x8x64xf32, #tpu.memory_space<hbm>> -> memref<1x8x64xf32, #tpu.memory_space<hbm>>
        %dma_start3A_2089 = tpu.memref_squeeze %dma_start3A_2088 : memref<1x8x64xf32, #tpu.memory_space<hbm>> -> memref<8x64xf32, #tpu.memory_space<hbm>>
        tpu.enqueue_dma source(%dma_start3A_2089 : memref<8x64xf32, #tpu.memory_space<hbm>>) target(%dma_start3A_2085 : memref<8x64xf32, #tpu.memory_space<vmem>>) target_semaphore(%arg18 : memref<!tpu.dma_semaphore, #tpu.memory_space<semaphore_mem>>)
        %slice3A_2090 = vector.extract_strided_slice %get3A_1783 {offsets = [8], sizes = [1], strides = [1]} : vector<16xi32> to vector<1xi32>
        %squeeze3A_2091 = vector.extract %slice3A_2090[0] : i32 from vector<1xi32>
        %dma_start3A_2092 = arith.constant 8 : i32
        %dma_start3A_2093 = arith.constant 0 : i32
        %dma_start3A_2094 = arith.constant 0 : i32
        %dma_start3A_2095 = tpu.memref_slice %arg11[%dma_start3A_2092, %dma_start3A_2093, %dma_start3A_2094] : memref<16x8x64xf32, #tpu.memory_space<vmem>> -> memref<1x8x64xf32, #tpu.memory_space<vmem>>
        %dma_start3A_2096 = tpu.memref_squeeze %dma_start3A_2095 : memref<1x8x64xf32, #tpu.memory_space<vmem>> -> memref<8x64xf32, #tpu.memory_space<vmem>>
        %dma_start3A_2097 = arith.constant 0 : i32
        %dma_start3A_2098 = arith.constant 0 : i32
        %dma_start3A_2099 = tpu.memref_slice %arg4[%squeeze3A_2091, %dma_start3A_2097, %dma_start3A_2098] : memref<125000x8x64xf32, #tpu.memory_space<hbm>> -> memref<1x8x64xf32, #tpu.memory_space<hbm>>
        %dma_start3A_2100 = tpu.memref_squeeze %dma_start3A_2099 : memref<1x8x64xf32, #tpu.memory_space<hbm>> -> memref<8x64xf32, #tpu.memory_space<hbm>>
        %dma_start3A_2101 = arith.constant 0 : i32
        %dma_start3A_2102 = arith.constant 0 : i32
        %dma_start3A_2103 = tpu.memref_slice %arg11[%dma_start3A_2092, %dma_start3A_2101, %dma_start3A_2102] : memref<16x8x64xf32, #tpu.memory_space<vmem>> -> memref<1x8x64xf32, #tpu.memory_space<vmem>>
        %dma_start3A_2104 = tpu.memref_squeeze %dma_start3A_2103 : memref<1x8x64xf32, #tpu.memory_space<vmem>> -> memref<8x64xf32, #tpu.memory_space<vmem>>
        %dma_start3A_2105 = arith.constant 0 : i32
        %dma_start3A_2106 = arith.constant 0 : i32
        %dma_start3A_2107 = tpu.memref_slice %arg4[%squeeze3A_2091, %dma_start3A_2105, %dma_start3A_2106] : memref<125000x8x64xf32, #tpu.memory_space<hbm>> -> memref<1x8x64xf32, #tpu.memory_space<hbm>>
        %dma_start3A_2108 = tpu.memref_squeeze %dma_start3A_2107 : memref<1x8x64xf32, #tpu.memory_space<hbm>> -> memref<8x64xf32, #tpu.memory_space<hbm>>
        tpu.enqueue_dma source(%dma_start3A_2108 : memref<8x64xf32, #tpu.memory_space<hbm>>) target(%dma_start3A_2104 : memref<8x64xf32, #tpu.memory_space<vmem>>) target_semaphore(%arg16 : memref<!tpu.dma_semaphore, #tpu.memory_space<semaphore_mem>>)
        %slice3A_2109 = vector.extract_strided_slice %get3A_1785 {offsets = [8], sizes = [1], strides = [1]} : vector<16xi32> to vector<1xi32>
        %squeeze3A_2110 = vector.extract %slice3A_2109[0] : i32 from vector<1xi32>
        %dma_start3A_2111 = arith.constant 8 : i32
        %dma_start3A_2112 = arith.constant 0 : i32
        %dma_start3A_2113 = arith.constant 0 : i32
        %dma_start3A_2114 = tpu.memref_slice %arg13[%dma_start3A_2111, %dma_start3A_2112, %dma_start3A_2113] : memref<16x8x64xf32, #tpu.memory_space<vmem>> -> memref<1x8x64xf32, #tpu.memory_space<vmem>>
        %dma_start3A_2115 = tpu.memref_squeeze %dma_start3A_2114 : memref<1x8x64xf32, #tpu.memory_space<vmem>> -> memref<8x64xf32, #tpu.memory_space<vmem>>
        %dma_start3A_2116 = arith.constant 0 : i32
        %dma_start3A_2117 = arith.constant 0 : i32
        %dma_start3A_2118 = tpu.memref_slice %arg5[%squeeze3A_2110, %dma_start3A_2116, %dma_start3A_2117] : memref<125000x8x64xf32, #tpu.memory_space<hbm>> -> memref<1x8x64xf32, #tpu.memory_space<hbm>>
        %dma_start3A_2119 = tpu.memref_squeeze %dma_start3A_2118 : memref<1x8x64xf32, #tpu.memory_space<hbm>> -> memref<8x64xf32, #tpu.memory_space<hbm>>
        %dma_start3A_2120 = arith.constant 0 : i32
        %dma_start3A_2121 = arith.constant 0 : i32
        %dma_start3A_2122 = tpu.memref_slice %arg13[%dma_start3A_2111, %dma_start3A_2120, %dma_start3A_2121] : memref<16x8x64xf32, #tpu.memory_space<vmem>> -> memref<1x8x64xf32, #tpu.memory_space<vmem>>
        %dma_start3A_2123 = tpu.memref_squeeze %dma_start3A_2122 : memref<1x8x64xf32, #tpu.memory_space<vmem>> -> memref<8x64xf32, #tpu.memory_space<vmem>>
        %dma_start3A_2124 = arith.constant 0 : i32
        %dma_start3A_2125 = arith.constant 0 : i32
        %dma_start3A_2126 = tpu.memref_slice %arg5[%squeeze3A_2110, %dma_start3A_2124, %dma_start3A_2125] : memref<125000x8x64xf32, #tpu.memory_space<hbm>> -> memref<1x8x64xf32, #tpu.memory_space<hbm>>
        %dma_start3A_2127 = tpu.memref_squeeze %dma_start3A_2126 : memref<1x8x64xf32, #tpu.memory_space<hbm>> -> memref<8x64xf32, #tpu.memory_space<hbm>>
        tpu.enqueue_dma source(%dma_start3A_2127 : memref<8x64xf32, #tpu.memory_space<hbm>>) target(%dma_start3A_2123 : memref<8x64xf32, #tpu.memory_space<vmem>>) target_semaphore(%arg18 : memref<!tpu.dma_semaphore, #tpu.memory_space<semaphore_mem>>)
        %slice3A_2128 = vector.extract_strided_slice %get3A_1783 {offsets = [9], sizes = [1], strides = [1]} : vector<16xi32> to vector<1xi32>
        %squeeze3A_2129 = vector.extract %slice3A_2128[0] : i32 from vector<1xi32>
        %dma_start3A_2130 = arith.constant 9 : i32
        %dma_start3A_2131 = arith.constant 0 : i32
        %dma_start3A_2132 = arith.constant 0 : i32
        %dma_start3A_2133 = tpu.memref_slice %arg11[%dma_start3A_2130, %dma_start3A_2131, %dma_start3A_2132] : memref<16x8x64xf32, #tpu.memory_space<vmem>> -> memref<1x8x64xf32, #tpu.memory_space<vmem>>
        %dma_start3A_2134 = tpu.memref_squeeze %dma_start3A_2133 : memref<1x8x64xf32, #tpu.memory_space<vmem>> -> memref<8x64xf32, #tpu.memory_space<vmem>>
        %dma_start3A_2135 = arith.constant 0 : i32
        %dma_start3A_2136 = arith.constant 0 : i32
        %dma_start3A_2137 = tpu.memref_slice %arg4[%squeeze3A_2129, %dma_start3A_2135, %dma_start3A_2136] : memref<125000x8x64xf32, #tpu.memory_space<hbm>> -> memref<1x8x64xf32, #tpu.memory_space<hbm>>
        %dma_start3A_2138 = tpu.memref_squeeze %dma_start3A_2137 : memref<1x8x64xf32, #tpu.memory_space<hbm>> -> memref<8x64xf32, #tpu.memory_space<hbm>>
        %dma_start3A_2139 = arith.constant 0 : i32
        %dma_start3A_2140 = arith.constant 0 : i32
        %dma_start3A_2141 = tpu.memref_slice %arg11[%dma_start3A_2130, %dma_start3A_2139, %dma_start3A_2140] : memref<16x8x64xf32, #tpu.memory_space<vmem>> -> memref<1x8x64xf32, #tpu.memory_space<vmem>>
        %dma_start3A_2142 = tpu.memref_squeeze %dma_start3A_2141 : memref<1x8x64xf32, #tpu.memory_space<vmem>> -> memref<8x64xf32, #tpu.memory_space<vmem>>
        %dma_start3A_2143 = arith.constant 0 : i32
        %dma_start3A_2144 = arith.constant 0 : i32
        %dma_start3A_2145 = tpu.memref_slice %arg4[%squeeze3A_2129, %dma_start3A_2143, %dma_start3A_2144] : memref<125000x8x64xf32, #tpu.memory_space<hbm>> -> memref<1x8x64xf32, #tpu.memory_space<hbm>>
        %dma_start3A_2146 = tpu.memref_squeeze %dma_start3A_2145 : memref<1x8x64xf32, #tpu.memory_space<hbm>> -> memref<8x64xf32, #tpu.memory_space<hbm>>
        tpu.enqueue_dma source(%dma_start3A_2146 : memref<8x64xf32, #tpu.memory_space<hbm>>) target(%dma_start3A_2142 : memref<8x64xf32, #tpu.memory_space<vmem>>) target_semaphore(%arg16 : memref<!tpu.dma_semaphore, #tpu.memory_space<semaphore_mem>>)
        %slice3A_2147 = vector.extract_strided_slice %get3A_1785 {offsets = [9], sizes = [1], strides = [1]} : vector<16xi32> to vector<1xi32>
        %squeeze3A_2148 = vector.extract %slice3A_2147[0] : i32 from vector<1xi32>
        %dma_start3A_2149 = arith.constant 9 : i32
        %dma_start3A_2150 = arith.constant 0 : i32
        %dma_start3A_2151 = arith.constant 0 : i32
        %dma_start3A_2152 = tpu.memref_slice %arg13[%dma_start3A_2149, %dma_start3A_2150, %dma_start3A_2151] : memref<16x8x64xf32, #tpu.memory_space<vmem>> -> memref<1x8x64xf32, #tpu.memory_space<vmem>>
        %dma_start3A_2153 = tpu.memref_squeeze %dma_start3A_2152 : memref<1x8x64xf32, #tpu.memory_space<vmem>> -> memref<8x64xf32, #tpu.memory_space<vmem>>
        %dma_start3A_2154 = arith.constant 0 : i32
        %dma_start3A_2155 = arith.constant 0 : i32
        %dma_start3A_2156 = tpu.memref_slice %arg5[%squeeze3A_2148, %dma_start3A_2154, %dma_start3A_2155] : memref<125000x8x64xf32, #tpu.memory_space<hbm>> -> memref<1x8x64xf32, #tpu.memory_space<hbm>>
        %dma_start3A_2157 = tpu.memref_squeeze %dma_start3A_2156 : memref<1x8x64xf32, #tpu.memory_space<hbm>> -> memref<8x64xf32, #tpu.memory_space<hbm>>
        %dma_start3A_2158 = arith.constant 0 : i32
        %dma_start3A_2159 = arith.constant 0 : i32
        %dma_start3A_2160 = tpu.memref_slice %arg13[%dma_start3A_2149, %dma_start3A_2158, %dma_start3A_2159] : memref<16x8x64xf32, #tpu.memory_space<vmem>> -> memref<1x8x64xf32, #tpu.memory_space<vmem>>
        %dma_start3A_2161 = tpu.memref_squeeze %dma_start3A_2160 : memref<1x8x64xf32, #tpu.memory_space<vmem>> -> memref<8x64xf32, #tpu.memory_space<vmem>>
        %dma_start3A_2162 = arith.constant 0 : i32
        %dma_start3A_2163 = arith.constant 0 : i32
        %dma_start3A_2164 = tpu.memref_slice %arg5[%squeeze3A_2148, %dma_start3A_2162, %dma_start3A_2163] : memref<125000x8x64xf32, #tpu.memory_space<hbm>> -> memref<1x8x64xf32, #tpu.memory_space<hbm>>
        %dma_start3A_2165 = tpu.memref_squeeze %dma_start3A_2164 : memref<1x8x64xf32, #tpu.memory_space<hbm>> -> memref<8x64xf32, #tpu.memory_space<hbm>>
        tpu.enqueue_dma source(%dma_start3A_2165 : memref<8x64xf32, #tpu.memory_space<hbm>>) target(%dma_start3A_2161 : memref<8x64xf32, #tpu.memory_space<vmem>>) target_semaphore(%arg18 : memref<!tpu.dma_semaphore, #tpu.memory_space<semaphore_mem>>)
        %slice3A_2166 = vector.extract_strided_slice %get3A_1783 {offsets = [10], sizes = [1], strides = [1]} : vector<16xi32> to vector<1xi32>
        %squeeze3A_2167 = vector.extract %slice3A_2166[0] : i32 from vector<1xi32>
        %dma_start3A_2168 = arith.constant 10 : i32
        %dma_start3A_2169 = arith.constant 0 : i32
        %dma_start3A_2170 = arith.constant 0 : i32
        %dma_start3A_2171 = tpu.memref_slice %arg11[%dma_start3A_2168, %dma_start3A_2169, %dma_start3A_2170] : memref<16x8x64xf32, #tpu.memory_space<vmem>> -> memref<1x8x64xf32, #tpu.memory_space<vmem>>
        %dma_start3A_2172 = tpu.memref_squeeze %dma_start3A_2171 : memref<1x8x64xf32, #tpu.memory_space<vmem>> -> memref<8x64xf32, #tpu.memory_space<vmem>>
        %dma_start3A_2173 = arith.constant 0 : i32
        %dma_start3A_2174 = arith.constant 0 : i32
        %dma_start3A_2175 = tpu.memref_slice %arg4[%squeeze3A_2167, %dma_start3A_2173, %dma_start3A_2174] : memref<125000x8x64xf32, #tpu.memory_space<hbm>> -> memref<1x8x64xf32, #tpu.memory_space<hbm>>
        %dma_start3A_2176 = tpu.memref_squeeze %dma_start3A_2175 : memref<1x8x64xf32, #tpu.memory_space<hbm>> -> memref<8x64xf32, #tpu.memory_space<hbm>>
        %dma_start3A_2177 = arith.constant 0 : i32
        %dma_start3A_2178 = arith.constant 0 : i32
        %dma_start3A_2179 = tpu.memref_slice %arg11[%dma_start3A_2168, %dma_start3A_2177, %dma_start3A_2178] : memref<16x8x64xf32, #tpu.memory_space<vmem>> -> memref<1x8x64xf32, #tpu.memory_space<vmem>>
        %dma_start3A_2180 = tpu.memref_squeeze %dma_start3A_2179 : memref<1x8x64xf32, #tpu.memory_space<vmem>> -> memref<8x64xf32, #tpu.memory_space<vmem>>
        %dma_start3A_2181 = arith.constant 0 : i32
        %dma_start3A_2182 = arith.constant 0 : i32
        %dma_start3A_2183 = tpu.memref_slice %arg4[%squeeze3A_2167, %dma_start3A_2181, %dma_start3A_2182] : memref<125000x8x64xf32, #tpu.memory_space<hbm>> -> memref<1x8x64xf32, #tpu.memory_space<hbm>>
        %dma_start3A_2184 = tpu.memref_squeeze %dma_start3A_2183 : memref<1x8x64xf32, #tpu.memory_space<hbm>> -> memref<8x64xf32, #tpu.memory_space<hbm>>
        tpu.enqueue_dma source(%dma_start3A_2184 : memref<8x64xf32, #tpu.memory_space<hbm>>) target(%dma_start3A_2180 : memref<8x64xf32, #tpu.memory_space<vmem>>) target_semaphore(%arg16 : memref<!tpu.dma_semaphore, #tpu.memory_space<semaphore_mem>>)
        %slice3A_2185 = vector.extract_strided_slice %get3A_1785 {offsets = [10], sizes = [1], strides = [1]} : vector<16xi32> to vector<1xi32>
        %squeeze3A_2186 = vector.extract %slice3A_2185[0] : i32 from vector<1xi32>
        %dma_start3A_2187 = arith.constant 10 : i32
        %dma_start3A_2188 = arith.constant 0 : i32
        %dma_start3A_2189 = arith.constant 0 : i32
        %dma_start3A_2190 = tpu.memref_slice %arg13[%dma_start3A_2187, %dma_start3A_2188, %dma_start3A_2189] : memref<16x8x64xf32, #tpu.memory_space<vmem>> -> memref<1x8x64xf32, #tpu.memory_space<vmem>>
        %dma_start3A_2191 = tpu.memref_squeeze %dma_start3A_2190 : memref<1x8x64xf32, #tpu.memory_space<vmem>> -> memref<8x64xf32, #tpu.memory_space<vmem>>
        %dma_start3A_2192 = arith.constant 0 : i32
        %dma_start3A_2193 = arith.constant 0 : i32
        %dma_start3A_2194 = tpu.memref_slice %arg5[%squeeze3A_2186, %dma_start3A_2192, %dma_start3A_2193] : memref<125000x8x64xf32, #tpu.memory_space<hbm>> -> memref<1x8x64xf32, #tpu.memory_space<hbm>>
        %dma_start3A_2195 = tpu.memref_squeeze %dma_start3A_2194 : memref<1x8x64xf32, #tpu.memory_space<hbm>> -> memref<8x64xf32, #tpu.memory_space<hbm>>
        %dma_start3A_2196 = arith.constant 0 : i32
        %dma_start3A_2197 = arith.constant 0 : i32
        %dma_start3A_2198 = tpu.memref_slice %arg13[%dma_start3A_2187, %dma_start3A_2196, %dma_start3A_2197] : memref<16x8x64xf32, #tpu.memory_space<vmem>> -> memref<1x8x64xf32, #tpu.memory_space<vmem>>
        %dma_start3A_2199 = tpu.memref_squeeze %dma_start3A_2198 : memref<1x8x64xf32, #tpu.memory_space<vmem>> -> memref<8x64xf32, #tpu.memory_space<vmem>>
        %dma_start3A_2200 = arith.constant 0 : i32
        %dma_start3A_2201 = arith.constant 0 : i32
        %dma_start3A_2202 = tpu.memref_slice %arg5[%squeeze3A_2186, %dma_start3A_2200, %dma_start3A_2201] : memref<125000x8x64xf32, #tpu.memory_space<hbm>> -> memref<1x8x64xf32, #tpu.memory_space<hbm>>
        %dma_start3A_2203 = tpu.memref_squeeze %dma_start3A_2202 : memref<1x8x64xf32, #tpu.memory_space<hbm>> -> memref<8x64xf32, #tpu.memory_space<hbm>>
        tpu.enqueue_dma source(%dma_start3A_2203 : memref<8x64xf32, #tpu.memory_space<hbm>>) target(%dma_start3A_2199 : memref<8x64xf32, #tpu.memory_space<vmem>>) target_semaphore(%arg18 : memref<!tpu.dma_semaphore, #tpu.memory_space<semaphore_mem>>)
        %slice3A_2204 = vector.extract_strided_slice %get3A_1783 {offsets = [11], sizes = [1], strides = [1]} : vector<16xi32> to vector<1xi32>
        %squeeze3A_2205 = vector.extract %slice3A_2204[0] : i32 from vector<1xi32>
        %dma_start3A_2206 = arith.constant 11 : i32
        %dma_start3A_2207 = arith.constant 0 : i32
        %dma_start3A_2208 = arith.constant 0 : i32
        %dma_start3A_2209 = tpu.memref_slice %arg11[%dma_start3A_2206, %dma_start3A_2207, %dma_start3A_2208] : memref<16x8x64xf32, #tpu.memory_space<vmem>> -> memref<1x8x64xf32, #tpu.memory_space<vmem>>
        %dma_start3A_2210 = tpu.memref_squeeze %dma_start3A_2209 : memref<1x8x64xf32, #tpu.memory_space<vmem>> -> memref<8x64xf32, #tpu.memory_space<vmem>>
        %dma_start3A_2211 = arith.constant 0 : i32
        %dma_start3A_2212 = arith.constant 0 : i32
        %dma_start3A_2213 = tpu.memref_slice %arg4[%squeeze3A_2205, %dma_start3A_2211, %dma_start3A_2212] : memref<125000x8x64xf32, #tpu.memory_space<hbm>> -> memref<1x8x64xf32, #tpu.memory_space<hbm>>
        %dma_start3A_2214 = tpu.memref_squeeze %dma_start3A_2213 : memref<1x8x64xf32, #tpu.memory_space<hbm>> -> memref<8x64xf32, #tpu.memory_space<hbm>>
        %dma_start3A_2215 = arith.constant 0 : i32
        %dma_start3A_2216 = arith.constant 0 : i32
        %dma_start3A_2217 = tpu.memref_slice %arg11[%dma_start3A_2206, %dma_start3A_2215, %dma_start3A_2216] : memref<16x8x64xf32, #tpu.memory_space<vmem>> -> memref<1x8x64xf32, #tpu.memory_space<vmem>>
        %dma_start3A_2218 = tpu.memref_squeeze %dma_start3A_2217 : memref<1x8x64xf32, #tpu.memory_space<vmem>> -> memref<8x64xf32, #tpu.memory_space<vmem>>
        %dma_start3A_2219 = arith.constant 0 : i32
        %dma_start3A_2220 = arith.constant 0 : i32
        %dma_start3A_2221 = tpu.memref_slice %arg4[%squeeze3A_2205, %dma_start3A_2219, %dma_start3A_2220] : memref<125000x8x64xf32, #tpu.memory_space<hbm>> -> memref<1x8x64xf32, #tpu.memory_space<hbm>>
        %dma_start3A_2222 = tpu.memref_squeeze %dma_start3A_2221 : memref<1x8x64xf32, #tpu.memory_space<hbm>> -> memref<8x64xf32, #tpu.memory_space<hbm>>
        tpu.enqueue_dma source(%dma_start3A_2222 : memref<8x64xf32, #tpu.memory_space<hbm>>) target(%dma_start3A_2218 : memref<8x64xf32, #tpu.memory_space<vmem>>) target_semaphore(%arg16 : memref<!tpu.dma_semaphore, #tpu.memory_space<semaphore_mem>>)
        %slice3A_2223 = vector.extract_strided_slice %get3A_1785 {offsets = [11], sizes = [1], strides = [1]} : vector<16xi32> to vector<1xi32>
        %squeeze3A_2224 = vector.extract %slice3A_2223[0] : i32 from vector<1xi32>
        %dma_start3A_2225 = arith.constant 11 : i32
        %dma_start3A_2226 = arith.constant 0 : i32
        %dma_start3A_2227 = arith.constant 0 : i32
        %dma_start3A_2228 = tpu.memref_slice %arg13[%dma_start3A_2225, %dma_start3A_2226, %dma_start3A_2227] : memref<16x8x64xf32, #tpu.memory_space<vmem>> -> memref<1x8x64xf32, #tpu.memory_space<vmem>>
        %dma_start3A_2229 = tpu.memref_squeeze %dma_start3A_2228 : memref<1x8x64xf32, #tpu.memory_space<vmem>> -> memref<8x64xf32, #tpu.memory_space<vmem>>
        %dma_start3A_2230 = arith.constant 0 : i32
        %dma_start3A_2231 = arith.constant 0 : i32
        %dma_start3A_2232 = tpu.memref_slice %arg5[%squeeze3A_2224, %dma_start3A_2230, %dma_start3A_2231] : memref<125000x8x64xf32, #tpu.memory_space<hbm>> -> memref<1x8x64xf32, #tpu.memory_space<hbm>>
        %dma_start3A_2233 = tpu.memref_squeeze %dma_start3A_2232 : memref<1x8x64xf32, #tpu.memory_space<hbm>> -> memref<8x64xf32, #tpu.memory_space<hbm>>
        %dma_start3A_2234 = arith.constant 0 : i32
        %dma_start3A_2235 = arith.constant 0 : i32
        %dma_start3A_2236 = tpu.memref_slice %arg13[%dma_start3A_2225, %dma_start3A_2234, %dma_start3A_2235] : memref<16x8x64xf32, #tpu.memory_space<vmem>> -> memref<1x8x64xf32, #tpu.memory_space<vmem>>
        %dma_start3A_2237 = tpu.memref_squeeze %dma_start3A_2236 : memref<1x8x64xf32, #tpu.memory_space<vmem>> -> memref<8x64xf32, #tpu.memory_space<vmem>>
        %dma_start3A_2238 = arith.constant 0 : i32
        %dma_start3A_2239 = arith.constant 0 : i32
        %dma_start3A_2240 = tpu.memref_slice %arg5[%squeeze3A_2224, %dma_start3A_2238, %dma_start3A_2239] : memref<125000x8x64xf32, #tpu.memory_space<hbm>> -> memref<1x8x64xf32, #tpu.memory_space<hbm>>
        %dma_start3A_2241 = tpu.memref_squeeze %dma_start3A_2240 : memref<1x8x64xf32, #tpu.memory_space<hbm>> -> memref<8x64xf32, #tpu.memory_space<hbm>>
        tpu.enqueue_dma source(%dma_start3A_2241 : memref<8x64xf32, #tpu.memory_space<hbm>>) target(%dma_start3A_2237 : memref<8x64xf32, #tpu.memory_space<vmem>>) target_semaphore(%arg18 : memref<!tpu.dma_semaphore, #tpu.memory_space<semaphore_mem>>)
        %slice3A_2242 = vector.extract_strided_slice %get3A_1783 {offsets = [12], sizes = [1], strides = [1]} : vector<16xi32> to vector<1xi32>
        %squeeze3A_2243 = vector.extract %slice3A_2242[0] : i32 from vector<1xi32>
        %dma_start3A_2244 = arith.constant 12 : i32
        %dma_start3A_2245 = arith.constant 0 : i32
        %dma_start3A_2246 = arith.constant 0 : i32
        %dma_start3A_2247 = tpu.memref_slice %arg11[%dma_start3A_2244, %dma_start3A_2245, %dma_start3A_2246] : memref<16x8x64xf32, #tpu.memory_space<vmem>> -> memref<1x8x64xf32, #tpu.memory_space<vmem>>
        %dma_start3A_2248 = tpu.memref_squeeze %dma_start3A_2247 : memref<1x8x64xf32, #tpu.memory_space<vmem>> -> memref<8x64xf32, #tpu.memory_space<vmem>>
        %dma_start3A_2249 = arith.constant 0 : i32
        %dma_start3A_2250 = arith.constant 0 : i32
        %dma_start3A_2251 = tpu.memref_slice %arg4[%squeeze3A_2243, %dma_start3A_2249, %dma_start3A_2250] : memref<125000x8x64xf32, #tpu.memory_space<hbm>> -> memref<1x8x64xf32, #tpu.memory_space<hbm>>
        %dma_start3A_2252 = tpu.memref_squeeze %dma_start3A_2251 : memref<1x8x64xf32, #tpu.memory_space<hbm>> -> memref<8x64xf32, #tpu.memory_space<hbm>>
        %dma_start3A_2253 = arith.constant 0 : i32
        %dma_start3A_2254 = arith.constant 0 : i32
        %dma_start3A_2255 = tpu.memref_slice %arg11[%dma_start3A_2244, %dma_start3A_2253, %dma_start3A_2254] : memref<16x8x64xf32, #tpu.memory_space<vmem>> -> memref<1x8x64xf32, #tpu.memory_space<vmem>>
        %dma_start3A_2256 = tpu.memref_squeeze %dma_start3A_2255 : memref<1x8x64xf32, #tpu.memory_space<vmem>> -> memref<8x64xf32, #tpu.memory_space<vmem>>
        %dma_start3A_2257 = arith.constant 0 : i32
        %dma_start3A_2258 = arith.constant 0 : i32
        %dma_start3A_2259 = tpu.memref_slice %arg4[%squeeze3A_2243, %dma_start3A_2257, %dma_start3A_2258] : memref<125000x8x64xf32, #tpu.memory_space<hbm>> -> memref<1x8x64xf32, #tpu.memory_space<hbm>>
        %dma_start3A_2260 = tpu.memref_squeeze %dma_start3A_2259 : memref<1x8x64xf32, #tpu.memory_space<hbm>> -> memref<8x64xf32, #tpu.memory_space<hbm>>
        tpu.enqueue_dma source(%dma_start3A_2260 : memref<8x64xf32, #tpu.memory_space<hbm>>) target(%dma_start3A_2256 : memref<8x64xf32, #tpu.memory_space<vmem>>) target_semaphore(%arg16 : memref<!tpu.dma_semaphore, #tpu.memory_space<semaphore_mem>>)
        %slice3A_2261 = vector.extract_strided_slice %get3A_1785 {offsets = [12], sizes = [1], strides = [1]} : vector<16xi32> to vector<1xi32>
        %squeeze3A_2262 = vector.extract %slice3A_2261[0] : i32 from vector<1xi32>
        %dma_start3A_2263 = arith.constant 12 : i32
        %dma_start3A_2264 = arith.constant 0 : i32
        %dma_start3A_2265 = arith.constant 0 : i32
        %dma_start3A_2266 = tpu.memref_slice %arg13[%dma_start3A_2263, %dma_start3A_2264, %dma_start3A_2265] : memref<16x8x64xf32, #tpu.memory_space<vmem>> -> memref<1x8x64xf32, #tpu.memory_space<vmem>>
        %dma_start3A_2267 = tpu.memref_squeeze %dma_start3A_2266 : memref<1x8x64xf32, #tpu.memory_space<vmem>> -> memref<8x64xf32, #tpu.memory_space<vmem>>
        %dma_start3A_2268 = arith.constant 0 : i32
        %dma_start3A_2269 = arith.constant 0 : i32
        %dma_start3A_2270 = tpu.memref_slice %arg5[%squeeze3A_2262, %dma_start3A_2268, %dma_start3A_2269] : memref<125000x8x64xf32, #tpu.memory_space<hbm>> -> memref<1x8x64xf32, #tpu.memory_space<hbm>>
        %dma_start3A_2271 = tpu.memref_squeeze %dma_start3A_2270 : memref<1x8x64xf32, #tpu.memory_space<hbm>> -> memref<8x64xf32, #tpu.memory_space<hbm>>
        %dma_start3A_2272 = arith.constant 0 : i32
        %dma_start3A_2273 = arith.constant 0 : i32
        %dma_start3A_2274 = tpu.memref_slice %arg13[%dma_start3A_2263, %dma_start3A_2272, %dma_start3A_2273] : memref<16x8x64xf32, #tpu.memory_space<vmem>> -> memref<1x8x64xf32, #tpu.memory_space<vmem>>
        %dma_start3A_2275 = tpu.memref_squeeze %dma_start3A_2274 : memref<1x8x64xf32, #tpu.memory_space<vmem>> -> memref<8x64xf32, #tpu.memory_space<vmem>>
        %dma_start3A_2276 = arith.constant 0 : i32
        %dma_start3A_2277 = arith.constant 0 : i32
        %dma_start3A_2278 = tpu.memref_slice %arg5[%squeeze3A_2262, %dma_start3A_2276, %dma_start3A_2277] : memref<125000x8x64xf32, #tpu.memory_space<hbm>> -> memref<1x8x64xf32, #tpu.memory_space<hbm>>
        %dma_start3A_2279 = tpu.memref_squeeze %dma_start3A_2278 : memref<1x8x64xf32, #tpu.memory_space<hbm>> -> memref<8x64xf32, #tpu.memory_space<hbm>>
        tpu.enqueue_dma source(%dma_start3A_2279 : memref<8x64xf32, #tpu.memory_space<hbm>>) target(%dma_start3A_2275 : memref<8x64xf32, #tpu.memory_space<vmem>>) target_semaphore(%arg18 : memref<!tpu.dma_semaphore, #tpu.memory_space<semaphore_mem>>)
        %slice3A_2280 = vector.extract_strided_slice %get3A_1783 {offsets = [13], sizes = [1], strides = [1]} : vector<16xi32> to vector<1xi32>
        %squeeze3A_2281 = vector.extract %slice3A_2280[0] : i32 from vector<1xi32>
        %dma_start3A_2282 = arith.constant 13 : i32
        %dma_start3A_2283 = arith.constant 0 : i32
        %dma_start3A_2284 = arith.constant 0 : i32
        %dma_start3A_2285 = tpu.memref_slice %arg11[%dma_start3A_2282, %dma_start3A_2283, %dma_start3A_2284] : memref<16x8x64xf32, #tpu.memory_space<vmem>> -> memref<1x8x64xf32, #tpu.memory_space<vmem>>
        %dma_start3A_2286 = tpu.memref_squeeze %dma_start3A_2285 : memref<1x8x64xf32, #tpu.memory_space<vmem>> -> memref<8x64xf32, #tpu.memory_space<vmem>>
        %dma_start3A_2287 = arith.constant 0 : i32
        %dma_start3A_2288 = arith.constant 0 : i32
        %dma_start3A_2289 = tpu.memref_slice %arg4[%squeeze3A_2281, %dma_start3A_2287, %dma_start3A_2288] : memref<125000x8x64xf32, #tpu.memory_space<hbm>> -> memref<1x8x64xf32, #tpu.memory_space<hbm>>
        %dma_start3A_2290 = tpu.memref_squeeze %dma_start3A_2289 : memref<1x8x64xf32, #tpu.memory_space<hbm>> -> memref<8x64xf32, #tpu.memory_space<hbm>>
        %dma_start3A_2291 = arith.constant 0 : i32
        %dma_start3A_2292 = arith.constant 0 : i32
        %dma_start3A_2293 = tpu.memref_slice %arg11[%dma_start3A_2282, %dma_start3A_2291, %dma_start3A_2292] : memref<16x8x64xf32, #tpu.memory_space<vmem>> -> memref<1x8x64xf32, #tpu.memory_space<vmem>>
        %dma_start3A_2294 = tpu.memref_squeeze %dma_start3A_2293 : memref<1x8x64xf32, #tpu.memory_space<vmem>> -> memref<8x64xf32, #tpu.memory_space<vmem>>
        %dma_start3A_2295 = arith.constant 0 : i32
        %dma_start3A_2296 = arith.constant 0 : i32
        %dma_start3A_2297 = tpu.memref_slice %arg4[%squeeze3A_2281, %dma_start3A_2295, %dma_start3A_2296] : memref<125000x8x64xf32, #tpu.memory_space<hbm>> -> memref<1x8x64xf32, #tpu.memory_space<hbm>>
        %dma_start3A_2298 = tpu.memref_squeeze %dma_start3A_2297 : memref<1x8x64xf32, #tpu.memory_space<hbm>> -> memref<8x64xf32, #tpu.memory_space<hbm>>
        tpu.enqueue_dma source(%dma_start3A_2298 : memref<8x64xf32, #tpu.memory_space<hbm>>) target(%dma_start3A_2294 : memref<8x64xf32, #tpu.memory_space<vmem>>) target_semaphore(%arg16 : memref<!tpu.dma_semaphore, #tpu.memory_space<semaphore_mem>>)
        %slice3A_2299 = vector.extract_strided_slice %get3A_1785 {offsets = [13], sizes = [1], strides = [1]} : vector<16xi32> to vector<1xi32>
        %squeeze3A_2300 = vector.extract %slice3A_2299[0] : i32 from vector<1xi32>
        %dma_start3A_2301 = arith.constant 13 : i32
        %dma_start3A_2302 = arith.constant 0 : i32
        %dma_start3A_2303 = arith.constant 0 : i32
        %dma_start3A_2304 = tpu.memref_slice %arg13[%dma_start3A_2301, %dma_start3A_2302, %dma_start3A_2303] : memref<16x8x64xf32, #tpu.memory_space<vmem>> -> memref<1x8x64xf32, #tpu.memory_space<vmem>>
        %dma_start3A_2305 = tpu.memref_squeeze %dma_start3A_2304 : memref<1x8x64xf32, #tpu.memory_space<vmem>> -> memref<8x64xf32, #tpu.memory_space<vmem>>
        %dma_start3A_2306 = arith.constant 0 : i32
        %dma_start3A_2307 = arith.constant 0 : i32
        %dma_start3A_2308 = tpu.memref_slice %arg5[%squeeze3A_2300, %dma_start3A_2306, %dma_start3A_2307] : memref<125000x8x64xf32, #tpu.memory_space<hbm>> -> memref<1x8x64xf32, #tpu.memory_space<hbm>>
        %dma_start3A_2309 = tpu.memref_squeeze %dma_start3A_2308 : memref<1x8x64xf32, #tpu.memory_space<hbm>> -> memref<8x64xf32, #tpu.memory_space<hbm>>
        %dma_start3A_2310 = arith.constant 0 : i32
        %dma_start3A_2311 = arith.constant 0 : i32
        %dma_start3A_2312 = tpu.memref_slice %arg13[%dma_start3A_2301, %dma_start3A_2310, %dma_start3A_2311] : memref<16x8x64xf32, #tpu.memory_space<vmem>> -> memref<1x8x64xf32, #tpu.memory_space<vmem>>
        %dma_start3A_2313 = tpu.memref_squeeze %dma_start3A_2312 : memref<1x8x64xf32, #tpu.memory_space<vmem>> -> memref<8x64xf32, #tpu.memory_space<vmem>>
        %dma_start3A_2314 = arith.constant 0 : i32
        %dma_start3A_2315 = arith.constant 0 : i32
        %dma_start3A_2316 = tpu.memref_slice %arg5[%squeeze3A_2300, %dma_start3A_2314, %dma_start3A_2315] : memref<125000x8x64xf32, #tpu.memory_space<hbm>> -> memref<1x8x64xf32, #tpu.memory_space<hbm>>
        %dma_start3A_2317 = tpu.memref_squeeze %dma_start3A_2316 : memref<1x8x64xf32, #tpu.memory_space<hbm>> -> memref<8x64xf32, #tpu.memory_space<hbm>>
        tpu.enqueue_dma source(%dma_start3A_2317 : memref<8x64xf32, #tpu.memory_space<hbm>>) target(%dma_start3A_2313 : memref<8x64xf32, #tpu.memory_space<vmem>>) target_semaphore(%arg18 : memref<!tpu.dma_semaphore, #tpu.memory_space<semaphore_mem>>)
        %slice3A_2318 = vector.extract_strided_slice %get3A_1783 {offsets = [14], sizes = [1], strides = [1]} : vector<16xi32> to vector<1xi32>
        %squeeze3A_2319 = vector.extract %slice3A_2318[0] : i32 from vector<1xi32>
        %dma_start3A_2320 = arith.constant 14 : i32
        %dma_start3A_2321 = arith.constant 0 : i32
        %dma_start3A_2322 = arith.constant 0 : i32
        %dma_start3A_2323 = tpu.memref_slice %arg11[%dma_start3A_2320, %dma_start3A_2321, %dma_start3A_2322] : memref<16x8x64xf32, #tpu.memory_space<vmem>> -> memref<1x8x64xf32, #tpu.memory_space<vmem>>
        %dma_start3A_2324 = tpu.memref_squeeze %dma_start3A_2323 : memref<1x8x64xf32, #tpu.memory_space<vmem>> -> memref<8x64xf32, #tpu.memory_space<vmem>>
        %dma_start3A_2325 = arith.constant 0 : i32
        %dma_start3A_2326 = arith.constant 0 : i32
        %dma_start3A_2327 = tpu.memref_slice %arg4[%squeeze3A_2319, %dma_start3A_2325, %dma_start3A_2326] : memref<125000x8x64xf32, #tpu.memory_space<hbm>> -> memref<1x8x64xf32, #tpu.memory_space<hbm>>
        %dma_start3A_2328 = tpu.memref_squeeze %dma_start3A_2327 : memref<1x8x64xf32, #tpu.memory_space<hbm>> -> memref<8x64xf32, #tpu.memory_space<hbm>>
        %dma_start3A_2329 = arith.constant 0 : i32
        %dma_start3A_2330 = arith.constant 0 : i32
        %dma_start3A_2331 = tpu.memref_slice %arg11[%dma_start3A_2320, %dma_start3A_2329, %dma_start3A_2330] : memref<16x8x64xf32, #tpu.memory_space<vmem>> -> memref<1x8x64xf32, #tpu.memory_space<vmem>>
        %dma_start3A_2332 = tpu.memref_squeeze %dma_start3A_2331 : memref<1x8x64xf32, #tpu.memory_space<vmem>> -> memref<8x64xf32, #tpu.memory_space<vmem>>
        %dma_start3A_2333 = arith.constant 0 : i32
        %dma_start3A_2334 = arith.constant 0 : i32
        %dma_start3A_2335 = tpu.memref_slice %arg4[%squeeze3A_2319, %dma_start3A_2333, %dma_start3A_2334] : memref<125000x8x64xf32, #tpu.memory_space<hbm>> -> memref<1x8x64xf32, #tpu.memory_space<hbm>>
        %dma_start3A_2336 = tpu.memref_squeeze %dma_start3A_2335 : memref<1x8x64xf32, #tpu.memory_space<hbm>> -> memref<8x64xf32, #tpu.memory_space<hbm>>
        tpu.enqueue_dma source(%dma_start3A_2336 : memref<8x64xf32, #tpu.memory_space<hbm>>) target(%dma_start3A_2332 : memref<8x64xf32, #tpu.memory_space<vmem>>) target_semaphore(%arg16 : memref<!tpu.dma_semaphore, #tpu.memory_space<semaphore_mem>>)
        %slice3A_2337 = vector.extract_strided_slice %get3A_1785 {offsets = [14], sizes = [1], strides = [1]} : vector<16xi32> to vector<1xi32>
        %squeeze3A_2338 = vector.extract %slice3A_2337[0] : i32 from vector<1xi32>
        %dma_start3A_2339 = arith.constant 14 : i32
        %dma_start3A_2340 = arith.constant 0 : i32
        %dma_start3A_2341 = arith.constant 0 : i32
        %dma_start3A_2342 = tpu.memref_slice %arg13[%dma_start3A_2339, %dma_start3A_2340, %dma_start3A_2341] : memref<16x8x64xf32, #tpu.memory_space<vmem>> -> memref<1x8x64xf32, #tpu.memory_space<vmem>>
        %dma_start3A_2343 = tpu.memref_squeeze %dma_start3A_2342 : memref<1x8x64xf32, #tpu.memory_space<vmem>> -> memref<8x64xf32, #tpu.memory_space<vmem>>
        %dma_start3A_2344 = arith.constant 0 : i32
        %dma_start3A_2345 = arith.constant 0 : i32
        %dma_start3A_2346 = tpu.memref_slice %arg5[%squeeze3A_2338, %dma_start3A_2344, %dma_start3A_2345] : memref<125000x8x64xf32, #tpu.memory_space<hbm>> -> memref<1x8x64xf32, #tpu.memory_space<hbm>>
        %dma_start3A_2347 = tpu.memref_squeeze %dma_start3A_2346 : memref<1x8x64xf32, #tpu.memory_space<hbm>> -> memref<8x64xf32, #tpu.memory_space<hbm>>
        %dma_start3A_2348 = arith.constant 0 : i32
        %dma_start3A_2349 = arith.constant 0 : i32
        %dma_start3A_2350 = tpu.memref_slice %arg13[%dma_start3A_2339, %dma_start3A_2348, %dma_start3A_2349] : memref<16x8x64xf32, #tpu.memory_space<vmem>> -> memref<1x8x64xf32, #tpu.memory_space<vmem>>
        %dma_start3A_2351 = tpu.memref_squeeze %dma_start3A_2350 : memref<1x8x64xf32, #tpu.memory_space<vmem>> -> memref<8x64xf32, #tpu.memory_space<vmem>>
        %dma_start3A_2352 = arith.constant 0 : i32
        %dma_start3A_2353 = arith.constant 0 : i32
        %dma_start3A_2354 = tpu.memref_slice %arg5[%squeeze3A_2338, %dma_start3A_2352, %dma_start3A_2353] : memref<125000x8x64xf32, #tpu.memory_space<hbm>> -> memref<1x8x64xf32, #tpu.memory_space<hbm>>
        %dma_start3A_2355 = tpu.memref_squeeze %dma_start3A_2354 : memref<1x8x64xf32, #tpu.memory_space<hbm>> -> memref<8x64xf32, #tpu.memory_space<hbm>>
        tpu.enqueue_dma source(%dma_start3A_2355 : memref<8x64xf32, #tpu.memory_space<hbm>>) target(%dma_start3A_2351 : memref<8x64xf32, #tpu.memory_space<vmem>>) target_semaphore(%arg18 : memref<!tpu.dma_semaphore, #tpu.memory_space<semaphore_mem>>)
        %slice3A_2356 = vector.extract_strided_slice %get3A_1783 {offsets = [15], sizes = [1], strides = [1]} : vector<16xi32> to vector<1xi32>
        %squeeze3A_2357 = vector.extract %slice3A_2356[0] : i32 from vector<1xi32>
        %dma_start3A_2358 = arith.constant 15 : i32
        %dma_start3A_2359 = arith.constant 0 : i32
        %dma_start3A_2360 = arith.constant 0 : i32
        %dma_start3A_2361 = tpu.memref_slice %arg11[%dma_start3A_2358, %dma_start3A_2359, %dma_start3A_2360] : memref<16x8x64xf32, #tpu.memory_space<vmem>> -> memref<1x8x64xf32, #tpu.memory_space<vmem>>
        %dma_start3A_2362 = tpu.memref_squeeze %dma_start3A_2361 : memref<1x8x64xf32, #tpu.memory_space<vmem>> -> memref<8x64xf32, #tpu.memory_space<vmem>>
        %dma_start3A_2363 = arith.constant 0 : i32
        %dma_start3A_2364 = arith.constant 0 : i32
        %dma_start3A_2365 = tpu.memref_slice %arg4[%squeeze3A_2357, %dma_start3A_2363, %dma_start3A_2364] : memref<125000x8x64xf32, #tpu.memory_space<hbm>> -> memref<1x8x64xf32, #tpu.memory_space<hbm>>
        %dma_start3A_2366 = tpu.memref_squeeze %dma_start3A_2365 : memref<1x8x64xf32, #tpu.memory_space<hbm>> -> memref<8x64xf32, #tpu.memory_space<hbm>>
        %dma_start3A_2367 = arith.constant 0 : i32
        %dma_start3A_2368 = arith.constant 0 : i32
        %dma_start3A_2369 = tpu.memref_slice %arg11[%dma_start3A_2358, %dma_start3A_2367, %dma_start3A_2368] : memref<16x8x64xf32, #tpu.memory_space<vmem>> -> memref<1x8x64xf32, #tpu.memory_space<vmem>>
        %dma_start3A_2370 = tpu.memref_squeeze %dma_start3A_2369 : memref<1x8x64xf32, #tpu.memory_space<vmem>> -> memref<8x64xf32, #tpu.memory_space<vmem>>
        %dma_start3A_2371 = arith.constant 0 : i32
        %dma_start3A_2372 = arith.constant 0 : i32
        %dma_start3A_2373 = tpu.memref_slice %arg4[%squeeze3A_2357, %dma_start3A_2371, %dma_start3A_2372] : memref<125000x8x64xf32, #tpu.memory_space<hbm>> -> memref<1x8x64xf32, #tpu.memory_space<hbm>>
        %dma_start3A_2374 = tpu.memref_squeeze %dma_start3A_2373 : memref<1x8x64xf32, #tpu.memory_space<hbm>> -> memref<8x64xf32, #tpu.memory_space<hbm>>
        tpu.enqueue_dma source(%dma_start3A_2374 : memref<8x64xf32, #tpu.memory_space<hbm>>) target(%dma_start3A_2370 : memref<8x64xf32, #tpu.memory_space<vmem>>) target_semaphore(%arg16 : memref<!tpu.dma_semaphore, #tpu.memory_space<semaphore_mem>>)
        %slice3A_2375 = vector.extract_strided_slice %get3A_1785 {offsets = [15], sizes = [1], strides = [1]} : vector<16xi32> to vector<1xi32>
        %squeeze3A_2376 = vector.extract %slice3A_2375[0] : i32 from vector<1xi32>
        %dma_start3A_2377 = arith.constant 15 : i32
        %dma_start3A_2378 = arith.constant 0 : i32
        %dma_start3A_2379 = arith.constant 0 : i32
        %dma_start3A_2380 = tpu.memref_slice %arg13[%dma_start3A_2377, %dma_start3A_2378, %dma_start3A_2379] : memref<16x8x64xf32, #tpu.memory_space<vmem>> -> memref<1x8x64xf32, #tpu.memory_space<vmem>>
        %dma_start3A_2381 = tpu.memref_squeeze %dma_start3A_2380 : memref<1x8x64xf32, #tpu.memory_space<vmem>> -> memref<8x64xf32, #tpu.memory_space<vmem>>
        %dma_start3A_2382 = arith.constant 0 : i32
        %dma_start3A_2383 = arith.constant 0 : i32
        %dma_start3A_2384 = tpu.memref_slice %arg5[%squeeze3A_2376, %dma_start3A_2382, %dma_start3A_2383] : memref<125000x8x64xf32, #tpu.memory_space<hbm>> -> memref<1x8x64xf32, #tpu.memory_space<hbm>>
        %dma_start3A_2385 = tpu.memref_squeeze %dma_start3A_2384 : memref<1x8x64xf32, #tpu.memory_space<hbm>> -> memref<8x64xf32, #tpu.memory_space<hbm>>
        %dma_start3A_2386 = arith.constant 0 : i32
        %dma_start3A_2387 = arith.constant 0 : i32
        %dma_start3A_2388 = tpu.memref_slice %arg13[%dma_start3A_2377, %dma_start3A_2386, %dma_start3A_2387] : memref<16x8x64xf32, #tpu.memory_space<vmem>> -> memref<1x8x64xf32, #tpu.memory_space<vmem>>
        %dma_start3A_2389 = tpu.memref_squeeze %dma_start3A_2388 : memref<1x8x64xf32, #tpu.memory_space<vmem>> -> memref<8x64xf32, #tpu.memory_space<vmem>>
        %dma_start3A_2390 = arith.constant 0 : i32
        %dma_start3A_2391 = arith.constant 0 : i32
        %dma_start3A_2392 = tpu.memref_slice %arg5[%squeeze3A_2376, %dma_start3A_2390, %dma_start3A_2391] : memref<125000x8x64xf32, #tpu.memory_space<hbm>> -> memref<1x8x64xf32, #tpu.memory_space<hbm>>
        %dma_start3A_2393 = tpu.memref_squeeze %dma_start3A_2392 : memref<1x8x64xf32, #tpu.memory_space<hbm>> -> memref<8x64xf32, #tpu.memory_space<hbm>>
        tpu.enqueue_dma source(%dma_start3A_2393 : memref<8x64xf32, #tpu.memory_space<hbm>>) target(%dma_start3A_2389 : memref<8x64xf32, #tpu.memory_space<vmem>>) target_semaphore(%arg18 : memref<!tpu.dma_semaphore, #tpu.memory_space<semaphore_mem>>)
      } else {
      }
      %dma_wait3A_1727 = arith.constant 0 : i32
      %dma_wait3A_1728 = arith.constant 0 : i32
      %dma_wait3A_1729 = arith.constant 0 : i32
      %dma_wait3A_1730 = tpu.memref_slice %arg4[%dma_wait3A_1727, %dma_wait3A_1728, %dma_wait3A_1729] : memref<125000x8x64xf32, #tpu.memory_space<hbm>> -> memref<16x8x64xf32, #tpu.memory_space<hbm>>
      %dma_wait3A_1731 = arith.constant 0 : i32
      %dma_wait3A_1732 = arith.constant 0 : i32
      %dma_wait3A_1733 = arith.constant 0 : i32
      %dma_wait3A_1734 = tpu.memref_slice %arg4[%dma_wait3A_1731, %dma_wait3A_1732, %dma_wait3A_1733] : memref<125000x8x64xf32, #tpu.memory_space<hbm>> -> memref<16x8x64xf32, #tpu.memory_space<hbm>>
      tpu.wait_dma2 semaphore(%arg17 : memref<!tpu.dma_semaphore, #tpu.memory_space<semaphore_mem>>) src(%dma_wait3A_1734 : memref<16x8x64xf32, #tpu.memory_space<hbm>>) dst(%arg12 : memref<16x8x64xf32, #tpu.memory_space<vmem>>)
      %dma_wait3A_1735 = arith.constant 0 : i32
      %dma_wait3A_1736 = arith.constant 0 : i32
      %dma_wait3A_1737 = arith.constant 0 : i32
      %dma_wait3A_1738 = tpu.memref_slice %arg5[%dma_wait3A_1735, %dma_wait3A_1736, %dma_wait3A_1737] : memref<125000x8x64xf32, #tpu.memory_space<hbm>> -> memref<16x8x64xf32, #tpu.memory_space<hbm>>
      %dma_wait3A_1739 = arith.constant 0 : i32
      %dma_wait3A_1740 = arith.constant 0 : i32
      %dma_wait3A_1741 = arith.constant 0 : i32
      %dma_wait3A_1742 = tpu.memref_slice %arg5[%dma_wait3A_1739, %dma_wait3A_1740, %dma_wait3A_1741] : memref<125000x8x64xf32, #tpu.memory_space<hbm>> -> memref<16x8x64xf32, #tpu.memory_space<hbm>>
      tpu.wait_dma2 semaphore(%arg19 : memref<!tpu.dma_semaphore, #tpu.memory_space<semaphore_mem>>) src(%dma_wait3A_1742 : memref<16x8x64xf32, #tpu.memory_space<hbm>>) dst(%arg14 : memref<16x8x64xf32, #tpu.memory_space<vmem>>)
      %add3A_1743 = arith.constant 1 : i32
      %add3A_1744 = arith.addi %mul3A_1066, %add3A_1743 : i32
      %mul3A_1745 = arith.constant 16 : i32
      %mul3A_1746 = arith.muli %add3A_1744, %mul3A_1745 : i32
      %get3A_1747 = arith.index_cast %mul3A_1746 : i32 to index
      %get3A_1748 = tpu.vector_load %arg7[%get3A_1747] {strides = array<i32>} : memref<512xi32, #tpu.memory_space<vmem>>, vector<16xi32>,
      %and3A_1749 = arith.constant 7 : i32
      %and3A_1750 = vector.broadcast %and3A_1749 : i32 to vector<16xi32>
      %and3A_1751 = arith.andi %get3A_1748, %and3A_1750 : vector<16xi32>
      %get3A_1752 = arith.index_cast %mul3A_1746 : i32 to index
      %get3A_1753 = tpu.vector_load %arg8[%get3A_1752] {strides = array<i32>} : memref<512xi32, #tpu.memory_space<vmem>>, vector<16xi32>,
      %and3A_1754 = arith.constant 7 : i32
      %and3A_1755 = vector.broadcast %and3A_1754 : i32 to vector<16xi32>
      %and3A_1756 = arith.andi %get3A_1753, %and3A_1755 : vector<16xi32>
      %broadcast_in_dim3A_1757 = arith.constant 0.000000e+00 : f32
      %broadcast_in_dim3A_1758 = vector.broadcast %broadcast_in_dim3A_1757 : f32 to vector<16xf32>
      %scan3A_1759 = arith.constant 0 : i32
      %scan3A_1760 = arith.constant 8 : i32
      %scan3A_1761 = arith.addi %scan3A_1759, %scan3A_1760 : i32
      %scan3A_1762 = arith.constant 1 : i32
      %scan3A_1763 = scf.for %scan3A_1778 = %scan3A_1759 to %scan3A_1761 step %scan3A_1762 iter_args(%scan3A_1779 = %broadcast_in_dim3A_1758) -> (vector<16xf32>)  : i32 {
        %mul3A_1780 = arith.constant 8 : i32
        %mul3A_1781 = arith.muli %scan3A_1778, %mul3A_1780 : i32
        %add3A_1782 = arith.constant 0 : i32
        %add3A_1783 = arith.addi %mul3A_1781, %add3A_1782 : i32
        %broadcast_in_dim3A_1784 = vector.broadcast %add3A_1783 : i32 to vector<16xi32>
        %gather3A = tpu.vector_load_idx %arg12[%iota3A, %and3A_1751, %broadcast_in_dim3A_1784] : memref<16x8x64xf32, #tpu.memory_space<vmem>>[vector<16xi32>, vector<16xi32>, vector<16xi32>], vector<16xf32>,
        %gather3A_1785 = tpu.vector_load_idx %arg14[%iota3A, %and3A_1756, %broadcast_in_dim3A_1784] : memref<16x8x64xf32, #tpu.memory_space<vmem>>[vector<16xi32>, vector<16xi32>, vector<16xi32>], vector<16xf32>,
        %mul3A_1786 = arith.mulf %gather3A, %gather3A_1785 : vector<16xf32>
        %add3A_1787 = arith.addf %scan3A_1779, %mul3A_1786 : vector<16xf32>
        %add3A_1788 = arith.constant 1 : i32
        %add3A_1789 = arith.addi %mul3A_1781, %add3A_1788 : i32
        %broadcast_in_dim3A_1790 = vector.broadcast %add3A_1789 : i32 to vector<16xi32>
        %gather3A_1791 = tpu.vector_load_idx %arg12[%iota3A, %and3A_1751, %broadcast_in_dim3A_1790] : memref<16x8x64xf32, #tpu.memory_space<vmem>>[vector<16xi32>, vector<16xi32>, vector<16xi32>], vector<16xf32>,
        %gather3A_1792 = tpu.vector_load_idx %arg14[%iota3A, %and3A_1756, %broadcast_in_dim3A_1790] : memref<16x8x64xf32, #tpu.memory_space<vmem>>[vector<16xi32>, vector<16xi32>, vector<16xi32>], vector<16xf32>,
        %mul3A_1793 = arith.mulf %gather3A_1791, %gather3A_1792 : vector<16xf32>
        %add3A_1794 = arith.addf %add3A_1787, %mul3A_1793 : vector<16xf32>
        %add3A_1795 = arith.constant 2 : i32
        %add3A_1796 = arith.addi %mul3A_1781, %add3A_1795 : i32
        %broadcast_in_dim3A_1797 = vector.broadcast %add3A_1796 : i32 to vector<16xi32>
        %gather3A_1798 = tpu.vector_load_idx %arg12[%iota3A, %and3A_1751, %broadcast_in_dim3A_1797] : memref<16x8x64xf32, #tpu.memory_space<vmem>>[vector<16xi32>, vector<16xi32>, vector<16xi32>], vector<16xf32>,
        %gather3A_1799 = tpu.vector_load_idx %arg14[%iota3A, %and3A_1756, %broadcast_in_dim3A_1797] : memref<16x8x64xf32, #tpu.memory_space<vmem>>[vector<16xi32>, vector<16xi32>, vector<16xi32>], vector<16xf32>,
        %mul3A_1800 = arith.mulf %gather3A_1798, %gather3A_1799 : vector<16xf32>
        %add3A_1801 = arith.addf %add3A_1794, %mul3A_1800 : vector<16xf32>
        %add3A_1802 = arith.constant 3 : i32
        %add3A_1803 = arith.addi %mul3A_1781, %add3A_1802 : i32
        %broadcast_in_dim3A_1804 = vector.broadcast %add3A_1803 : i32 to vector<16xi32>
        %gather3A_1805 = tpu.vector_load_idx %arg12[%iota3A, %and3A_1751, %broadcast_in_dim3A_1804] : memref<16x8x64xf32, #tpu.memory_space<vmem>>[vector<16xi32>, vector<16xi32>, vector<16xi32>], vector<16xf32>,
        %gather3A_1806 = tpu.vector_load_idx %arg14[%iota3A, %and3A_1756, %broadcast_in_dim3A_1804] : memref<16x8x64xf32, #tpu.memory_space<vmem>>[vector<16xi32>, vector<16xi32>, vector<16xi32>], vector<16xf32>,
        %mul3A_1807 = arith.mulf %gather3A_1805, %gather3A_1806 : vector<16xf32>
        %add3A_1808 = arith.addf %add3A_1801, %mul3A_1807 : vector<16xf32>
        %add3A_1809 = arith.constant 4 : i32
        %add3A_1810 = arith.addi %mul3A_1781, %add3A_1809 : i32
        %broadcast_in_dim3A_1811 = vector.broadcast %add3A_1810 : i32 to vector<16xi32>
        %gather3A_1812 = tpu.vector_load_idx %arg12[%iota3A, %and3A_1751, %broadcast_in_dim3A_1811] : memref<16x8x64xf32, #tpu.memory_space<vmem>>[vector<16xi32>, vector<16xi32>, vector<16xi32>], vector<16xf32>,
        %gather3A_1813 = tpu.vector_load_idx %arg14[%iota3A, %and3A_1756, %broadcast_in_dim3A_1811] : memref<16x8x64xf32, #tpu.memory_space<vmem>>[vector<16xi32>, vector<16xi32>, vector<16xi32>], vector<16xf32>,
        %mul3A_1814 = arith.mulf %gather3A_1812, %gather3A_1813 : vector<16xf32>
        %add3A_1815 = arith.addf %add3A_1808, %mul3A_1814 : vector<16xf32>
        %add3A_1816 = arith.constant 5 : i32
        %add3A_1817 = arith.addi %mul3A_1781, %add3A_1816 : i32
        %broadcast_in_dim3A_1818 = vector.broadcast %add3A_1817 : i32 to vector<16xi32>
        %gather3A_1819 = tpu.vector_load_idx %arg12[%iota3A, %and3A_1751, %broadcast_in_dim3A_1818] : memref<16x8x64xf32, #tpu.memory_space<vmem>>[vector<16xi32>, vector<16xi32>, vector<16xi32>], vector<16xf32>,
        %gather3A_1820 = tpu.vector_load_idx %arg14[%iota3A, %and3A_1756, %broadcast_in_dim3A_1818] : memref<16x8x64xf32, #tpu.memory_space<vmem>>[vector<16xi32>, vector<16xi32>, vector<16xi32>], vector<16xf32>,
        %mul3A_1821 = arith.mulf %gather3A_1819, %gather3A_1820 : vector<16xf32>
        %add3A_1822 = arith.addf %add3A_1815, %mul3A_1821 : vector<16xf32>
        %add3A_1823 = arith.constant 6 : i32
        %add3A_1824 = arith.addi %mul3A_1781, %add3A_1823 : i32
        %broadcast_in_dim3A_1825 = vector.broadcast %add3A_1824 : i32 to vector<16xi32>
        %gather3A_1826 = tpu.vector_load_idx %arg12[%iota3A, %and3A_1751, %broadcast_in_dim3A_1825] : memref<16x8x64xf32, #tpu.memory_space<vmem>>[vector<16xi32>, vector<16xi32>, vector<16xi32>], vector<16xf32>,
        %gather3A_1827 = tpu.vector_load_idx %arg14[%iota3A, %and3A_1756, %broadcast_in_dim3A_1825] : memref<16x8x64xf32, #tpu.memory_space<vmem>>[vector<16xi32>, vector<16xi32>, vector<16xi32>], vector<16xf32>,
        %mul3A_1828 = arith.mulf %gather3A_1826, %gather3A_1827 : vector<16xf32>
        %add3A_1829 = arith.addf %add3A_1822, %mul3A_1828 : vector<16xf32>
        %add3A_1830 = arith.constant 7 : i32
        %add3A_1831 = arith.addi %mul3A_1781, %add3A_1830 : i32
        %broadcast_in_dim3A_1832 = vector.broadcast %add3A_1831 : i32 to vector<16xi32>
        %gather3A_1833 = tpu.vector_load_idx %arg12[%iota3A, %and3A_1751, %broadcast_in_dim3A_1832] : memref<16x8x64xf32, #tpu.memory_space<vmem>>[vector<16xi32>, vector<16xi32>, vector<16xi32>], vector<16xf32>,
        %gather3A_1834 = tpu.vector_load_idx %arg14[%iota3A, %and3A_1756, %broadcast_in_dim3A_1832] : memref<16x8x64xf32, #tpu.memory_space<vmem>>[vector<16xi32>, vector<16xi32>, vector<16xi32>], vector<16xf32>,
        %mul3A_1835 = arith.mulf %gather3A_1833, %gather3A_1834 : vector<16xf32>
        %add3A_1836 = arith.addf %add3A_1829, %mul3A_1835 : vector<16xf32>
        scf.yield %add3A_1836 : vector<16xf32>
      }
      %scan3A_1764 = arith.constant 8 : i32
      %neg3A_1765 = arith.constant 0.000000e+00 : f32
      %neg3A_1766 = vector.broadcast %neg3A_1765 : f32 to vector<16xf32>
      %neg3A_1767 = arith.subf %neg3A_1766, %scan3A_1763 : vector<16xf32>
      %exp3A_1768 = math.exp %neg3A_1767 : vector<16xf32>
      %add3A_1769 = arith.constant 1.000000e+00 : f32
      %add3A_1770 = vector.broadcast %add3A_1769 : f32 to vector<16xf32>
      %add3A_1771 = arith.addf %add3A_1770, %exp3A_1768 : vector<16xf32>
      %div3A_1772 = arith.constant 1.000000e+00 : f32
      %div3A_1773 = vector.broadcast %div3A_1772 : f32 to vector<16xf32>
      %div3A_1774 = arith.divf %div3A_1773, %add3A_1771 : vector<16xf32>
      %swap3A_1775 = arith.index_cast %mul3A_1746 : i32 to index
      %swap3A_1776 = tpu.vector_load %arg15[%swap3A_1775] {strides = array<i32>} : memref<512xf32, #tpu.memory_space<vmem>>, vector<16xf32>,
      tpu.vector_store %arg15[%swap3A_1775], %div3A_1774 {strides = array<i32>} : memref<512xf32, #tpu.memory_space<vmem>>, vector<16xf32>,
      %scan3A_1777 = arith.constant 0 : i32
      scf.yield %scan3A_1777 : i32
    }
    %scan3A_1062 = arith.constant 16 : i32
    "tpu.region"() ({
      %run_scoped3A = tpu.sem_alloc : memref<!tpu.dma_semaphore, #tpu.memory_space<semaphore_mem>>
      %dma_start3A_1063 = tpu.memref_slice %arg6[%mul3A_2] : memref<16384xf32, #tpu.memory_space<hbm>> -> memref<512xf32, #tpu.memory_space<hbm>>
      %dma_start3A_1064 = tpu.memref_slice %arg6[%mul3A_2] : memref<16384xf32, #tpu.memory_space<hbm>> -> memref<512xf32, #tpu.memory_space<hbm>>
      tpu.enqueue_dma source(%arg15 : memref<512xf32, #tpu.memory_space<vmem>>) target(%dma_start3A_1064 : memref<512xf32, #tpu.memory_space<hbm>>) target_semaphore(%run_scoped3A : memref<!tpu.dma_semaphore, #tpu.memory_space<semaphore_mem>>)
      %dma_wait3A = tpu.memref_slice %arg6[%mul3A_2] : memref<16384xf32, #tpu.memory_space<hbm>> -> memref<512xf32, #tpu.memory_space<hbm>>
      %dma_wait3A_1065 = tpu.memref_slice %arg6[%mul3A_2] : memref<16384xf32, #tpu.memory_space<hbm>> -> memref<512xf32, #tpu.memory_space<hbm>>
      tpu.wait_dma2 semaphore(%run_scoped3A : memref<!tpu.dma_semaphore, #tpu.memory_space<semaphore_mem>>) src(%arg15 : memref<512xf32, #tpu.memory_space<vmem>>) dst(%dma_wait3A_1065 : memref<512xf32, #tpu.memory_space<hbm>>)
      tpu.yield
    }) : () -> ()
    return
  }
}

</mosaic_0001>

<sc_bundles>
// kernel: kernel.3.cloned.1.call-start
scs
__scs_entry_jumppad:
0x0: {  	(pc) =	sbr.rel $0x88, $3  }
0x1: {  	(tag) =	ssettag $0x0;
	lr =	simm.s32 $0x1  }
0x2: {  	[smem:$0x3F9D] =	sst lr;
	_ =	strace $0xD0000000  }
0x3: {  	_ = 	snop  }
0x4: {  	_ = 	snop  }
0x5: {  	_ = 	snop  }
0x6: {  	_ = 	snop  }
0x7: {  	_ = 	snop  }
__scs_overlays_trampoline_lowered:
0x8: {  	[smem:$0x3FAC] =	sst s0  }
0x9: {  	[smem:$0x3FAD] =	sst s1  }
0xa: {  	[smem:$0x3FAE] =	sst s2  }
0xb: {  	[smem:$0x3FAF] =	sst s3  }
0xc: {  	[smem:$0x3FB0] =	sst s4  }
0xd: {  	[smem:$0x3FB1] =	sst s5  }
0xe: {  	[smem:$0x3FB2] =	sst s6  }
0xf: {  	[smem:$0x3FB3] =	sst s7  }
0x10: {  	[smem:$0x3FB4] =	sst s8  }
0x11: {  	[smem:$0x3FB5] =	sst s9;
	s0 =	simm.s32 @!p0 $0x0  }
0x12: {  	s1 =	sld [smem:$0x3F9B];
	s0 =	simm.s32 @p0 $0x1  }
0x13: {  	[smem:$0x3FB6] =	sst s0;
	s0 =	simm.s32 @!p1 $0x0  }
0x14: {  	s2 =	sld [smem:$0x3F9A];
	s0 =	simm.s32 @p1 $0x1  }
0x15: {  	[smem:$0x3FB7] =	sst s0;
	s0 =	simm.s32 @!p2 $0x0  }
0x16: {  	s3 =	sld [smem:$0x3FDB];
	s0 =	simm.s32 @p2 $0x1  }
0x17: {  	s4 =	simm.s32 $0x1BF5;
	[smem:$0x3FB9] =	sst s0  }
0x18: {  	s0 =	sld [smem:$0x3F9C];
	_ =	swait.ge [sflag:s4], $0x0  }
0x19: {  	s7 =	sld [smem:$0x3F9D]  }
0x1a: {  	s8 =	sadd.s32 $0xFFFFE003, lr  }
0x1b: {  	s9 =	sadd.s32 $0xFFFFFEF7, lr;
	s5 =	simm.s32 $0xFFFFFFFF;
	p2 =	slt.u32 s8, $0xFFFFF086  }
0x1c: {  	p1 =	slt.u32 s9, $0xF7A;
	s5 =	simm.s32 @!p2 $0x0  }
0x1d: {  	s5 =	simm.s32 @p1 $0x1;
	p0 =	seq.s32 s7, s2  }
0x1e: {  	s7 =	smul.u32 @!p0 $0xF7A, s2;
	p2 =	seq.s32 @!p0 s5, $0x0  }
0x1f: {  	s9 =	smul.u32 $0xF7A, s1;
	s8 =	simm.s32 @!p0 $0x1BF5;
	p2 =	por !p2, p0  }
0x20: {  	[sflag:s8] =	ssyncset.s32 @!p0 $0xFFFFF086;
	s6 =	sadd.s32 @!p0 s3, s7;
	s7 =	simm.s32 @!p0 $0x108  }
0x21: {  	s3 =	sadd.s32 s3, s9;
	s6 =	sadd.s32 @!p0 $0x88, s6;
	s7 =	simm.s32 @p2 $0x1082  }
0x22: {  	[simem:s7], [sflag:s8] =	dma.local @!p0 [hbm:s6], $0xF7A  }
0x23: {  	s9 =	sor.u32 $0xD0000000, s2;
	s6 =	simm.s32 $0x108;
	_ =	swait.ge @!p0 [sflag:s8], $0x0  }
0x24: {  	s3 =	sadd.s32 $0x88, s3;
	s6 =	simm.s32 @!p1 $0x1082;
	[sflag:s4] =	ssyncset.s32 $0xFFFFF086  }
0x25: {  	[simem:s6], [sflag:s4] =	dma.local [hbm:s3], $0xF7A  }
0x26: {  	[smem:$0x3F9D] =	sst s1;
	(tag) =	ssettag s2;
	_ =	strace s9  }
0x27: {  	s1 =	sld [smem:$0x3FAD]  }
0x28: {  	s2 =	sld [smem:$0x3FAE]  }
0x29: {  	s4 =	sld [smem:$0x3FB0]  }
0x2a: {  	p0 =	seq.s32 s5, $0x0;
	s5 =	sld [smem:$0x3FB1]  }
0x2b: {  	s6 =	sld [smem:$0x3FB2]  }
0x2c: {  	s7 =	sld [smem:$0x3FB3]  }
0x2d: {  	s3 =	simm.s32 $0x108;
	s8 =	sld [smem:$0x3FB4]  }
0x2e: {  	s3 =	simm.s32 @!p0 $0x1082;
	s9 =	sld [smem:$0x3FB5]  }
0x2f: {  	lr =	sadd.s32 s0, s3;
	s0 =	sld [smem:$0x3FAC]  }
0x30: {  	s3 =	sld [smem:$0x3FAF]  }
0x31: {  	[smem:$0x3FB8] =	sst s10  }
0x32: {  	s10 =	sld [smem:$0x3FB6];
	_ =	sdelay $0x3  }
0x33: {  	p0 =	seq.s32 s10, $0x1;
	s10 =	sld [smem:$0x3FB8];
	_ =	sdelay $0x3  }
0x34: {  	[smem:$0x3FB8] =	sst s10  }
0x35: {  	s10 =	sld [smem:$0x3FB7];
	_ =	sdelay $0x3  }
0x36: {  	p1 =	seq.s32 s10, $0x1;
	s10 =	sld [smem:$0x3FB8];
	_ =	sdelay $0x3  }
0x37: {  	[smem:$0x3FB8] =	sst s10  }
0x38: {  	s10 =	sld [smem:$0x3FB9]  }
0x39: {  	_ = 	snop;
	(pc) =	sbr.ind lr, $3  }
0x3a: {  	_ = 	snop  }
0x3b: {  	_ = 	snop  }
0x3c: {  	p2 =	seq.s32 s10, $0x1;
	s10 =	sld [smem:$0x3FB8]  }
0x3d: {  	_ =	shalt  }
0x3e: {  	_ =	shalt  }
0x3f: {  	_ =	shalt  }
0x40: {  	_ =	shalt  }
0x41: {  	_ =	shalt  }
0x42: {  	_ =	shalt  }
0x43: {  	_ =	shalt  }
0x44: {  	_ =	shalt  }
0x45: {  	_ =	shalt  }
0x46: {  	_ =	shalt  }
0x47: {  	_ =	shalt  }
0x48: {  	_ =	shalt  }
0x49: {  	_ =	shalt  }
0x4a: {  	_ =	shalt  }
0x4b: {  	_ =	shalt  }
0x4c: {  	_ =	shalt  }
0x4d: {  	_ =	shalt  }
0x4e: {  	_ =	shalt  }
0x4f: {  	_ =	shalt  }
0x50: {  	_ =	shalt  }
0x51: {  	_ =	shalt  }
0x52: {  	_ =	shalt  }
0x53: {  	_ =	shalt  }
0x54: {  	_ =	shalt  }
0x55: {  	_ =	shalt  }
0x56: {  	_ =	shalt  }
0x57: {  	_ =	shalt  }
0x58: {  	_ =	shalt  }
0x59: {  	_ =	shalt  }
0x5a: {  	_ =	shalt  }
0x5b: {  	_ =	shalt  }
0x5c: {  	_ =	shalt  }
0x5d: {  	_ =	shalt  }
0x5e: {  	_ =	shalt  }
0x5f: {  	_ =	shalt  }
0x60: {  	_ =	shalt  }
0x61: {  	_ =	shalt  }
0x62: {  	_ =	shalt  }
0x63: {  	_ =	shalt  }
0x64: {  	_ =	shalt  }
0x65: {  	_ =	shalt  }
0x66: {  	_ =	shalt  }
0x67: {  	_ =	shalt  }
0x68: {  	_ =	shalt  }
0x69: {  	_ =	shalt  }
0x6a: {  	_ =	shalt  }
0x6b: {  	_ =	shalt  }
0x6c: {  	_ =	shalt  }
0x6d: {  	_ =	shalt  }
0x6e: {  	_ =	shalt  }
0x6f: {  	_ =	shalt  }
0x70: {  	_ =	shalt  }
0x71: {  	_ =	shalt  }
0x72: {  	_ =	shalt  }
0x73: {  	_ =	shalt  }
0x74: {  	_ =	shalt  }
0x75: {  	_ =	shalt  }
0x76: {  	_ =	shalt  }
0x77: {  	_ =	shalt  }
0x78: {  	_ =	shalt  }
0x79: {  	_ =	shalt  }
0x7a: {  	_ =	shalt  }
0x7b: {  	_ =	shalt  }
0x7c: {  	_ =	shalt  }
0x7d: {  	_ =	shalt  }
0x7e: {  	_ =	shalt  }
0x7f: {  	_ =	shalt  }
0x80: {  	_ =	shalt  }
0x81: {  	_ =	shalt  }
0x82: {  	_ =	shalt  }
0x83: {  	_ =	shalt  }
0x84: {  	_ =	shalt  }
0x85: {  	_ =	shalt  }
0x86: {  	_ =	shalt  }
0x87: {  	_ =	shalt  }
.Lfunc_end0:
.L_simem_size_0:
called_computation_lowered:
.L_overlay_start_0:
0x88: {  	s2 =	sld [smem:$0x3FD9]  }
0x89: {  	s3 =	sld [smem:$0x3FFE];
	_ =	sdelay $0x1  }
0x8a: {  	s1 =	srdreg.scid  }
0x8b: {  	s0 =	sand.u32 $0x1, s1  }
0x8c: {  	s17 =	sshll.u32 s0, $0xA;
	s2 =	sadd.s32 s3, s2  }
0x8d: {  	s2 =	sadd.s32 s2, s17  }
0x8e: {  	[smem:$0x3FC4] =	sst s2  }
0x8f: {  	_ = 	snop  }
0x90: {  	s2 =	sld [smem:$0x3FC9]  }
0x91: {  	s18 =	sld [smem:$0x3FC8]  }
0x92: {  	s4 =	sld [smem:$0x3FD0];
	(tm) =	ssettm $0x1  }
0x93: {  	s5 =	sld [smem:$0x3FFB];
	_ =	sdelay $0x3  }
0x94: {  	_ =	strace s5  }
0x95: {  	s5 =	sld [smem:$0x3FFC];
	_ =	sdelay $0x3  }
0x96: {  	_ =	strace s5  }
0x97: {  	s5 =	sld [smem:$0x3FFD];
	_ =	sdelay $0x3  }
0x98: {  	_ =	strace s5  }
0x99: {  	_ =	strace $0x8FFFFFFF  }
0x9a: {  	s19 =	sld [smem:$0x3FDB];
	_ =	sdelay $0x1  }
0x9b: {  	s6 =	simm.s32 $_scs_section_size  }
0x9c: {  	s7 =	simm.s32 $_size__tile_overlayer_lowered;
	s8 =	simm.s32 $_tile_overlayer_lowered  }
0x9d: {  	s22 =	simm.s32 $0x1BFF;
	s21 =	sshll.u32 s8, $0x1;
	s5 =	sadd.s32 s6, s19  }
0x9e: {  	s9 =	simm.s32 $0x0;
	s20 =	sshll.u32 s7, $0x1;
	s7 =	sadd.s32 s21, s5  }
0x9f: {  	[timem:s9], [sflag:s22] =	dma.local [hbm:s7], s20  }
0xa0: {  	_ =	swait.ge [sflag:s22], s20  }
0xa1: {  	s6 =	ssub.s32 $0x0, s20;
	[sflag:s22] =	ssyncset.done $0x0  }
0xa2: {  	[sflag:s22] =	ssyncadd.s32 s6;
	_ =	sdelay $0x1  }
0xa3: {  	s23 =	simm.s32 $0x1B8B  }
0xa4: {  	_ =	swait.ge [sflag:s23], $0x1  }
0xa5: {  	[sflag:s23] =	ssyncset.done $0x0  }
0xa6: {  	s25 =	simm.s32 $0x1B8E;
	s24 =	sld [smem:$0x3FFE];
	[sflag:s23] =	ssyncadd.s32 $0xFFFFFFFF  }
0xa7: {  	s26 =	simm.s32 $execute0_lowered;
	[smem:$0x3FD2] =	sst s25  }
0xa8: {  	s7 =	sshll.u32 s26, $0x1;
	_ =	strace $0x80000046;
	[dreg:$0x1] =	wrdreg $0xFFFFFFFF  }
0xa9: {  	s28 =	simm.s32 $_size_execute0_lowered;
	s5 =	sadd.s32 s5, s7;
	[dreg:$0x0] =	wrdreg $0x0  }
0xaa: {  	s7 =	sshll.u32 s28, $0x1;
	[dreg:$0x2] =	wrdreg s5  }
0xab: {  	[dreg:$0x3] =	wrdreg s7  }
0xac: {  	[dreg:$0x4] =	wrdreg $0xC0  }
0xad: {  	_ =	task [dreg:s9], $0x5FFFF  }
0xae: {  	[dreg:$0x1] =	wrdreg $0xFFFFFFFF  }
0xaf: {  	[dreg:$0x0] =	wrdreg $0x60  }
0xb0: {  	[dreg:$0x2] =	wrdreg s2  }
0xb1: {  	[dreg:$0x3] =	wrdreg s18  }
0xb2: {  	[dreg:$0x4] =	wrdreg s24  }
0xb3: {  	[dreg:$0x5] =	wrdreg s4  }
0xb4: {  	[dreg:$0x6] =	wrdreg $0x9  }
0xb5: {  	_ =	task.clear_ibuf [dreg:s9], $0x7FFFF;
	_ =	strace $0x90000046  }
0xb6: {  	s29 =	simm.s32 $0x9;
	_ =	strace $0x80000048  }
0xb7: {  	_ =	swait.ge [sflag:s29], $0x1  }
0xb8: {  	[sflag:s29] =	ssyncadd.s32 $0xFFFFFFFF  }
0xb9: {  	_ =	strace $0x90000048  }
0xba: {  	_ =	sfence  }
0xbb: {  	s30 =	sld [smem:$0x0];
	_ =	sdelay $0x2  }
0xbc: {  	s31 =	sshll.u32 s1, $0xD;
	s1 =	sshrl.u32 s1, $0x2  }
0xbd: {  	s3 =	sand.u32 $0x4000, s31;
	s1 =	sadd.s32 s1, s30  }
0xbe: {  	s0 =	sor.u32 s3, s0;
	s1 =	sshll.u32 s1, $0x11  }
0xbf: {  	s0 =	sor.u32 s1, s0  }
0xc0: {  	s0 =	sadd.s32 $0x8F2B, s0  }
0xc1: {  	[sflag:s0] =	ssyncadd.remote.s32 $0x1  }
0xc2: {  	_ =	sfence.sel $0xFFFF  }
0xc3: {  	[dreg:$0x0] =	wrdreg $0xFFFFFFFF;
	(pc) =	sbr.abs _section_cstart, $3  }
0xc4: {  	[dreg:$0x1] =	wrdreg $0xFFFFFFFF  }
0xc5: {  	_ =	task.clear_ibuf [dreg:s9], $0x2FFFF;
	_ =	strace $0x9FFFFFFF  }
0xc6: {  	(tm) =	ssettm $0x7FFFFFFF  }
0xc7: {  	_ =	shalt  }
tec
execute0_lowered:
.L_overlay_start_1:
0x0: {  	(tag) =	ssettag $0x1  }
0x1: {  	s0 =	rddreg [dreg:$0x0]  }
0x2: {  	s1 =	rddreg [dreg:$0x1]  }
0x3: {  	s4 =	rddreg [dreg:$0x2]  }
0x4: {  	s5 =	rddreg [dreg:$0x3]  }
0x5: {  	s2 =	simm.s32 $0x0;
	s3 =	srdreg.scid;
	s7 =	stileid.u32  }
0x6: {  	s11 =	simm.s32 $0x800;
	s12 =	simm.s32 $0x8800;
	s17 =	simm.s32 $0x4800  }
0x7: {  	s18 =	simm.s32 $0xC800;
	s13 =	simm.s32 $0x7400;
	s14 =	simm.s32 $0xF400  }
0x8: {  	s15 =	simm.s32 $0x7800;
	s16 =	simm.s32 $0xF800;
	s19 =	simm.s32 $0x7C00  }
0x9: {  	s20 =	simm.s32 $0xFC00;
	s21 =	simm.s32 $0x8000;
	s22 =	simm.s32 $0x10000  }
0xa: {  	s23 =	simm.s32 $0x8400;
	s24 =	simm.s32 $0x10400;
	s25 =	simm.s32 $0x1  }
0xb: {  	s28 =	simm.s32 $0x2;
	s29 =	simm.s32 $0x4;
	[smem:$0x7FF] =	sst s2  }
0xc: {  	s3 =	sand.u32 $0x1, s3;
	s7 =	sshll.u32 s7, $0x7;
	_ =	strace $0x80000047  }
0xd: {  	s6 =	ssub.s32 $0x2, s3;
	s8 =	sshll.u32 s3, $0x6;
	s3 =	sadd.s32 $0x400, s4  }
0xe: {  	s4 =	sadd.s32 $0xF42800, s4;
	s9 =	sshrl.u32 s6, $0x1;
	s7 =	sor.u32 s8, s7  }
0xf: {  	s8 =	simm.s32 $0x7000;
	s6 =	ssub.s32 s6, s9;
	s0 =	sadd.s32 s0, s7  }
0x10: {  	s26 =	sadd.s32 s1, s7;
	s30 =	sadd.s32 s5, s7;
	[dreg:$0x5] =	wrdreg s0  }
0x11: {  	s1 =	simm.s32 $0x5;
	s7 =	simm.s32 $0xEC00;
	[dreg:$0x6] =	wrdreg s26  }
0x12: {  	v0 =	vlaneseq.u32;
	s9 =	simm.s32 $0xF000;
	[dreg:$0x7] =	wrdreg s30;
	s31 =	smax.u32 s6, $0x1  }
0x13: {  	v0 =	vmul.u32 $0x400, v0;
	s5 =	simm.s32 $0x0;
	s26 =	simm.s32 $0x3;
	[dreg:$0x8] =	wrdreg s31  }
.LBB2_1:
0x14: {  	[dreg:$0x9] =	wrdreg s5  }
0x15: {  	s0 =	rddreg [dreg:$0x5]  }
0x16: {  	[tilespmem:s2], [sflag:$0x5] =	stream.linear.gather [hbm4b:s0+s2], $0x200, $0x38;
	[tilespmem:$0x10A00] =	vst v63  }
0x17: {  	_ =	swait.ge [sflag:s1], $0x200  }
0x18: {  	[sflag:s1] =	ssyncset.done $0x0  }
0x19: {  	s10 =	simm.s32 $0x200;
	s6 =	rddreg [dreg:$0x6];
	[sflag:s1] =	ssyncadd.s32 $0xFFFFFE00  }
0x1a: {  	[tilespmem:s10], [sflag:$0x5] =	stream.linear.gather [hbm4b:s6+s2], $0x200, $0x38;
	[tilespmem:$0x10A00] =	vst v63  }
0x1b: {  	_ =	swait.ge [sflag:s1], $0x200  }
0x1c: {  	[sflag:s1] =	ssyncset.done $0x0  }
0x1d: {  	[sflag:s1] =	ssyncadd.s32 $0xFFFFFE00  }
0x1e: {  	v1 =	vld [tilespmem:$0x0]  }
0x1f: {  	v2 =	vld [tilespmem:$0x200]  }
0x20: {  	v3 =	vld [tilespmem:$0x10]  }
0x21: {  	v4 =	vld [tilespmem:$0x210]  }
0x22: {  	v5 =	vld [tilespmem:$0x20]  }
0x23: {  	v6 =	vld [tilespmem:$0x220];
	v1 =	vshrl.u32 v1, $0x3  }
0x24: {  	v7 =	vld [tilespmem:$0x30];
	[tilespmem:$0x400] =	vst v1;
	v1 =	vshrl.u32 v2, $0x3  }
0x25: {  	v8 =	vld [tilespmem:$0x230];
	[tilespmem:$0x600] =	vst v1;
	v1 =	vshrl.u32 v3, $0x3  }
0x26: {  	v2 =	vld [tilespmem:$0x40];
	[tilespmem:$0x410] =	vst v1;
	v1 =	vshrl.u32 v4, $0x3  }
0x27: {  	v3 =	vld [tilespmem:$0x240];
	[tilespmem:$0x610] =	vst v1;
	v1 =	vshrl.u32 v5, $0x3  }
0x28: {  	v19 =	vld [tilespmem:$0x50];
	[tilespmem:$0x420] =	vst v1;
	v1 =	vshrl.u32 v6, $0x3  }
0x29: {  	v20 =	vld [tilespmem:$0x250];
	[tilespmem:$0x620] =	vst v1;
	v1 =	vshrl.u32 v7, $0x3  }
0x2a: {  	v21 =	vld [tilespmem:$0x60];
	[tilespmem:$0x430] =	vst v1;
	v1 =	vshrl.u32 v8, $0x3  }
0x2b: {  	v22 =	vld [tilespmem:$0x260];
	[tilespmem:$0x630] =	vst v1;
	v1 =	vshrl.u32 v2, $0x3  }
0x2c: {  	v23 =	vld [tilespmem:$0x70];
	[tilespmem:$0x440] =	vst v1;
	v1 =	vshrl.u32 v3, $0x3  }
0x2d: {  	v2 =	vld [tilespmem:$0x270];
	[tilespmem:$0x640] =	vst v1;
	v1 =	vshrl.u32 v19, $0x3  }
0x2e: {  	v3 =	vld [tilespmem:$0x80];
	[tilespmem:$0x450] =	vst v1;
	v1 =	vshrl.u32 v20, $0x3  }
0x2f: {  	v24 =	vld [tilespmem:$0x280];
	[tilespmem:$0x650] =	vst v1;
	v1 =	vshrl.u32 v21, $0x3  }
0x30: {  	v25 =	vld [tilespmem:$0x90];
	[tilespmem:$0x460] =	vst v1;
	v1 =	vshrl.u32 v22, $0x3  }
0x31: {  	v26 =	vld [tilespmem:$0x290];
	[tilespmem:$0x660] =	vst v1;
	v1 =	vshrl.u32 v23, $0x3  }
0x32: {  	v27 =	vld [tilespmem:$0xA0];
	[tilespmem:$0x470] =	vst v1;
	v1 =	vshrl.u32 v2, $0x3  }
0x33: {  	v28 =	vld [tilespmem:$0x2A0];
	[tilespmem:$0x670] =	vst v1;
	v1 =	vshrl.u32 v3, $0x3  }
0x34: {  	v2 =	vld [tilespmem:$0xB0];
	[tilespmem:$0x480] =	vst v1;
	v1 =	vshrl.u32 v24, $0x3  }
0x35: {  	v3 =	vld [tilespmem:$0x2B0];
	[tilespmem:$0x680] =	vst v1;
	v1 =	vshrl.u32 v25, $0x3  }
0x36: {  	v29 =	vld [tilespmem:$0xC0];
	[tilespmem:$0x490] =	vst v1;
	v1 =	vshrl.u32 v26, $0x3  }
0x37: {  	v30 =	vld [tilespmem:$0x2C0];
	[tilespmem:$0x690] =	vst v1;
	v1 =	vshrl.u32 v27, $0x3  }
0x38: {  	v31 =	vld [tilespmem:$0xD0];
	[tilespmem:$0x4A0] =	vst v1;
	v1 =	vshrl.u32 v28, $0x3  }
0x39: {  	v32 =	vld [tilespmem:$0x2D0];
	[tilespmem:$0x6A0] =	vst v1;
	v1 =	vshrl.u32 v2, $0x3  }
0x3a: {  	v33 =	vld [tilespmem:$0xE0];
	[tilespmem:$0x4B0] =	vst v1;
	v1 =	vshrl.u32 v3, $0x3  }
0x3b: {  	v2 =	vld [tilespmem:$0x2E0];
	[tilespmem:$0x6B0] =	vst v1;
	v1 =	vshrl.u32 v29, $0x3  }
0x3c: {  	v3 =	vld [tilespmem:$0xF0];
	[tilespmem:$0x4C0] =	vst v1;
	v1 =	vshrl.u32 v30, $0x3  }
0x3d: {  	v34 =	vld [tilespmem:$0x2F0];
	[tilespmem:$0x6C0] =	vst v1;
	v1 =	vshrl.u32 v31, $0x3  }
0x3e: {  	v35 =	vld [tilespmem:$0x100];
	[tilespmem:$0x4D0] =	vst v1;
	v1 =	vshrl.u32 v32, $0x3  }
0x3f: {  	v36 =	vld [tilespmem:$0x300];
	[tilespmem:$0x6D0] =	vst v1;
	v1 =	vshrl.u32 v33, $0x3  }
0x40: {  	v37 =	vld [tilespmem:$0x110];
	[tilespmem:$0x4E0] =	vst v1;
	v1 =	vshrl.u32 v2, $0x3  }
0x41: {  	v38 =	vld [tilespmem:$0x310];
	[tilespmem:$0x6E0] =	vst v1;
	v1 =	vshrl.u32 v3, $0x3  }
0x42: {  	v2 =	vld [tilespmem:$0x120];
	[tilespmem:$0x4F0] =	vst v1;
	v1 =	vshrl.u32 v34, $0x3  }
0x43: {  	v3 =	vld [tilespmem:$0x320];
	[tilespmem:$0x6F0] =	vst v1;
	v1 =	vshrl.u32 v35, $0x3  }
0x44: {  	v39 =	vld [tilespmem:$0x130];
	[tilespmem:$0x500] =	vst v1;
	v1 =	vshrl.u32 v36, $0x3  }
0x45: {  	v40 =	vld [tilespmem:$0x330];
	[tilespmem:$0x700] =	vst v1;
	v1 =	vshrl.u32 v37, $0x3  }
0x46: {  	v41 =	vld [tilespmem:$0x140];
	[tilespmem:$0x510] =	vst v1;
	v1 =	vshrl.u32 v38, $0x3  }
0x47: {  	v42 =	vld [tilespmem:$0x340];
	[tilespmem:$0x710] =	vst v1;
	v1 =	vshrl.u32 v2, $0x3  }
0x48: {  	v43 =	vld [tilespmem:$0x150];
	[tilespmem:$0x520] =	vst v1;
	v1 =	vshrl.u32 v3, $0x3  }
0x49: {  	v2 =	vld [tilespmem:$0x350];
	[tilespmem:$0x720] =	vst v1;
	v1 =	vshrl.u32 v39, $0x3  }
0x4a: {  	v3 =	vld [tilespmem:$0x160];
	[tilespmem:$0x530] =	vst v1;
	v1 =	vshrl.u32 v40, $0x3  }
0x4b: {  	v44 =	vld [tilespmem:$0x360];
	[tilespmem:$0x730] =	vst v1;
	v1 =	vshrl.u32 v41, $0x3  }
0x4c: {  	v47 =	vld [tilespmem:$0x400];
	[tilespmem:$0x540] =	vst v1;
	v1 =	vshrl.u32 v42, $0x3  }
0x4d: {  	[tilespmem:$0x740] =	vst v1;
	v1 =	vshrl.u32 v43, $0x3  }
0x4e: {  	[tilespmem:$0x550] =	vst v1;
	v1 =	vshrl.u32 v2, $0x3  }
0x4f: {  	v2 =	vld [tilespmem:$0x380];
	[tilespmem:$0x750] =	vst v1;
	v1 =	vshrl.u32 v3, $0x3  }
0x50: {  	v49 =	vld [tilespmem:$0x600];
	[tilespmem:$0x560] =	vst v1;
	v1 =	vshrl.u32 v44, $0x3  }
0x51: {  	[tilespmem:$0x760] =	vst v1;
	v1 =	vshll.u32 v47, $0x7  }
0x52: {  	(v2sf) =	vpush v1, $0x0;
	_ =	sdelay $0x1  }
0x53: {  	v2 =	vshrl.u32 v2, $0x3  }
0x54: {  	v46 =	vld [tilespmem:$0x370];
	[tilespmem:$0x780] =	vst v2;
	v2 =	vshll.u32 v49, $0x7  }
0x55: {  	v48 =	vld [tilespmem:$0x180];
	(v2sf) =	vpush v2, $0x0  }
0x56: {  	v45 =	vld [tilespmem:$0x170]  }
0x57: {  	v3 =	vld [tilespmem:$0x190];
	(v2sf) =	vpush v1, $0x1  }
0x58: {  	v9 =	vld [tilespmem:$0x390]  }
0x59: {  	v51 =	vld [tilespmem:$0x1A0];
	v50 =	vshrl.u32 v46, $0x3  }
0x5a: {  	v53 =	vld [tilespmem:$0x3A0];
	v52 =	vshrl.u32 v48, $0x3;
	[tilespmem:$0x770] =	vst v50;
	(v2sf) =	vpush v2, $0x1  }
0x5b: {  	v54 =	vld [tilespmem:$0x1B0];
	[tilespmem:$0x580] =	vst v52;
	v5 =	vshrl.u32 v45, $0x3  }
0x5c: {  	v55 =	vld [tilespmem:$0x3B0];
	[tilespmem:$0x570] =	vst v5;
	v3 =	vshrl.u32 v3, $0x3  }
0x5d: {  	v56 =	vld [tilespmem:$0x1C0];
	[tilespmem:$0x590] =	vst v3;
	v3 =	vshrl.u32 v9, $0x3  }
0x5e: {  	v57 =	vld [tilespmem:$0x3C0];
	[tilespmem:$0x790] =	vst v3;
	v3 =	vshrl.u32 v51, $0x3  }
0x5f: {  	v58 =	vld [tilespmem:$0x1D0];
	[tilespmem:$0x5A0] =	vst v3;
	v3 =	vshrl.u32 v53, $0x3  }
0x60: {  	v59 =	vld [tilespmem:$0x3D0];
	[tilespmem:$0x7A0] =	vst v3;
	v3 =	vshrl.u32 v54, $0x3;
	s31 =	spop (v2sf);
	(v2sf) =	vpush v1, $0x2  }
0x61: {  	v60 =	vld [tilespmem:$0x1E0];
	[tilespmem:$0x5B0] =	vst v3;
	v3 =	vshrl.u32 v55, $0x3  }
0x62: {  	v61 =	vld [tilespmem:$0x3E0];
	[tilespmem:$0x7B0] =	vst v3;
	v3 =	vshrl.u32 v56, $0x3  }
0x63: {  	v62 =	vld [tilespmem:$0x1F0];
	[tilespmem:$0x5C0] =	vst v3;
	v3 =	vshrl.u32 v57, $0x3  }
0x64: {  	v63 =	vld [tilespmem:$0x3F0];
	[tilespmem:$0x7C0] =	vst v3;
	v3 =	vshrl.u32 v58, $0x3;
	s1 =	spop (v2sf);
	(v2sf) =	vpush v2, $0x2  }
0x65: {  	[tilespmem:$0x5D0] =	vst v3;
	v3 =	vshrl.u32 v59, $0x3  }
0x66: {  	[tilespmem:$0x7D0] =	vst v3;
	v3 =	vshrl.u32 v60, $0x3;
	s5 =	spop (v2sf);
	(v2sf) =	vpush v1, $0x3  }
0x67: {  	[tilespmem:$0x5E0] =	vst v3;
	v3 =	vshrl.u32 v61, $0x3  }
0x68: {  	[tilespmem:$0x7E0] =	vst v3;
	v3 =	vshrl.u32 v62, $0x3  }
0x69: {  	[tilespmem:$0x5F0] =	vst v3;
	v3 =	vshrl.u32 v63, $0x3;
	s0 =	sand.u32 $0x1FFFFF80, s31;
	s10 =	spop (v2sf);
	(v2sf) =	vpush v2, $0x3  }
0x6a: {  	[tilespmem:$0x7F0] =	vst v3;
	s0 =	sadd.s32 s3, s0  }
0x6b: {  	[tilespmem:s11], [sflag:$0x1] =	stream.linear.gather [hbm4b:s0+s2], $0x400, $0x38;
	[tilespmem:$0x10A00] =	vst v63  }
0x6c: {  	s0 =	sand.u32 $0x1FFFFF80, s1  }
0x6d: {  	s0 =	sadd.s32 s4, s0  }
0x6e: {  	[tilespmem:s12], [sflag:$0x3] =	stream.linear.gather [hbm4b:s0+s2], $0x400, $0x38;
	[tilespmem:$0x10A00] =	vst v63  }
0x6f: {  	s0 =	sand.u32 $0x1FFFFF80, s5;
	s5 =	spop (v2sf);
	(v2sf) =	vpush v1, $0x4  }
0x70: {  	s6 =	simm.s32 $0xC00;
	s0 =	sadd.s32 s3, s0  }
0x71: {  	[tilespmem:s6], [sflag:$0x1] =	stream.linear.gather [hbm4b:s0+s2], $0x400, $0x38;
	[tilespmem:$0x10A00] =	vst v63  }
0x72: {  	s0 =	sand.u32 $0x1FFFFF80, s10  }
0x73: {  	s31 =	simm.s32 $0x8C00;
	s0 =	sadd.s32 s4, s0;
	s10 =	spop (v2sf);
	(v2sf) =	vpush v2, $0x4  }
0x74: {  	[tilespmem:s31], [sflag:$0x3] =	stream.linear.gather [hbm4b:s0+s2], $0x400, $0x38;
	[tilespmem:$0x10A00] =	vst v63  }
0x75: {  	s0 =	sand.u32 $0x1FFFFF80, s5;
	s5 =	spop (v2sf);
	(v2sf) =	vpush v1, $0x5  }
0x76: {  	s6 =	simm.s32 $0x1000;
	s0 =	sadd.s32 s3, s0  }
0x77: {  	[tilespmem:s6], [sflag:$0x1] =	stream.linear.gather [hbm4b:s0+s2], $0x400, $0x38;
	[tilespmem:$0x10A00] =	vst v63  }
0x78: {  	s0 =	sand.u32 $0x1FFFFF80, s10;
	s10 =	spop (v2sf);
	(v2sf) =	vpush v2, $0x5;
	_ =	sdelay $0x3  }
0x79: {  	s31 =	simm.s32 $0x9000;
	s0 =	sadd.s32 s4, s0  }
0x7a: {  	[tilespmem:s31], [sflag:$0x3] =	stream.linear.gather [hbm4b:s0+s2], $0x400, $0x38;
	[tilespmem:$0x10A00] =	vst v63  }
0x7b: {  	s0 =	sand.u32 $0x1FFFFF80, s5;
	s5 =	spop (v2sf);
	(v2sf) =	vpush v1, $0x6  }
0x7c: {  	s6 =	simm.s32 $0x1400;
	s0 =	sadd.s32 s3, s0  }
0x7d: {  	[tilespmem:s6], [sflag:$0x1] =	stream.linear.gather [hbm4b:s0+s2], $0x400, $0x38;
	[tilespmem:$0x10A00] =	vst v63  }
0x7e: {  	s0 =	sand.u32 $0x1FFFFF80, s10  }
0x7f: {  	s31 =	simm.s32 $0x9400;
	s0 =	sadd.s32 s4, s0;
	s10 =	spop (v2sf);
	(v2sf) =	vpush v2, $0x6  }
0x80: {  	[tilespmem:s31], [sflag:$0x3] =	stream.linear.gather [hbm4b:s0+s2], $0x400, $0x38;
	[tilespmem:$0x10A00] =	vst v63  }
0x81: {  	s0 =	sand.u32 $0x1FFFFF80, s5;
	s5 =	spop (v2sf);
	(v2sf) =	vpush v1, $0x7  }
0x82: {  	s6 =	simm.s32 $0x1800;
	s0 =	sadd.s32 s3, s0  }
0x83: {  	[tilespmem:s6], [sflag:$0x1] =	stream.linear.gather [hbm4b:s0+s2], $0x400, $0x38;
	[tilespmem:$0x10A00] =	vst v63  }
0x84: {  	s0 =	sand.u32 $0x1FFFFF80, s10;
	s10 =	spop (v2sf);
	(v2sf) =	vpush v2, $0x7;
	_ =	sdelay $0x3  }
0x85: {  	s31 =	simm.s32 $0x9800;
	s0 =	sadd.s32 s4, s0  }
0x86: {  	[tilespmem:s31], [sflag:$0x3] =	stream.linear.gather [hbm4b:s0+s2], $0x400, $0x38;
	[tilespmem:$0x10A00] =	vst v63  }
0x87: {  	s0 =	sand.u32 $0x1FFFFF80, s5;
	s5 =	spop (v2sf);
	(v2sf) =	vpush v1, $0x8  }
0x88: {  	s6 =	simm.s32 $0x1C00;
	s0 =	sadd.s32 s3, s0  }
0x89: {  	[tilespmem:s6], [sflag:$0x1] =	stream.linear.gather [hbm4b:s0+s2], $0x400, $0x38;
	[tilespmem:$0x10A00] =	vst v63  }
0x8a: {  	s0 =	sand.u32 $0x1FFFFF80, s10  }
0x8b: {  	s31 =	simm.s32 $0x9C00;
	s0 =	sadd.s32 s4, s0;
	s10 =	spop (v2sf);
	(v2sf) =	vpush v2, $0x8  }
0x8c: {  	[tilespmem:s31], [sflag:$0x3] =	stream.linear.gather [hbm4b:s0+s2], $0x400, $0x38;
	[tilespmem:$0x10A00] =	vst v63  }
0x8d: {  	s0 =	sand.u32 $0x1FFFFF80, s5;
	s5 =	spop (v2sf);
	(v2sf) =	vpush v1, $0x9  }
0x8e: {  	s6 =	simm.s32 $0x2000;
	s0 =	sadd.s32 s3, s0  }
0x8f: {  	[tilespmem:s6], [sflag:$0x1] =	stream.linear.gather [hbm4b:s0+s2], $0x400, $0x38;
	[tilespmem:$0x10A00] =	vst v63  }
0x90: {  	s0 =	sand.u32 $0x1FFFFF80, s10;
	s10 =	spop (v2sf);
	(v2sf) =	vpush v2, $0x9;
	_ =	sdelay $0x3  }
0x91: {  	s31 =	simm.s32 $0xA000;
	s0 =	sadd.s32 s4, s0  }
0x92: {  	[tilespmem:s31], [sflag:$0x3] =	stream.linear.gather [hbm4b:s0+s2], $0x400, $0x38;
	[tilespmem:$0x10A00] =	vst v63  }
0x93: {  	s0 =	sand.u32 $0x1FFFFF80, s5;
	s5 =	spop (v2sf);
	(v2sf) =	vpush v1, $0xA  }
0x94: {  	s6 =	simm.s32 $0x2400;
	s0 =	sadd.s32 s3, s0  }
0x95: {  	[tilespmem:s6], [sflag:$0x1] =	stream.linear.gather [hbm4b:s0+s2], $0x400, $0x38;
	[tilespmem:$0x10A00] =	vst v63  }
0x96: {  	s0 =	sand.u32 $0x1FFFFF80, s10  }
0x97: {  	s31 =	simm.s32 $0xA400;
	s0 =	sadd.s32 s4, s0;
	s10 =	spop (v2sf);
	(v2sf) =	vpush v2, $0xA  }
0x98: {  	[tilespmem:s31], [sflag:$0x3] =	stream.linear.gather [hbm4b:s0+s2], $0x400, $0x38;
	[tilespmem:$0x10A00] =	vst v63  }
0x99: {  	s0 =	sand.u32 $0x1FFFFF80, s5;
	s5 =	spop (v2sf);
	(v2sf) =	vpush v1, $0xB  }
0x9a: {  	s6 =	simm.s32 $0x2800;
	s0 =	sadd.s32 s3, s0  }
0x9b: {  	[tilespmem:s6], [sflag:$0x1] =	stream.linear.gather [hbm4b:s0+s2], $0x400, $0x38;
	[tilespmem:$0x10A00] =	vst v63  }
0x9c: {  	s0 =	sand.u32 $0x1FFFFF80, s10;
	s10 =	spop (v2sf);
	(v2sf) =	vpush v2, $0xB;
	_ =	sdelay $0x3  }
0x9d: {  	s31 =	simm.s32 $0xA800;
	s0 =	sadd.s32 s4, s0  }
0x9e: {  	[tilespmem:s31], [sflag:$0x3] =	stream.linear.gather [hbm4b:s0+s2], $0x400, $0x38;
	[tilespmem:$0x10A00] =	vst v63  }
0x9f: {  	s0 =	sand.u32 $0x1FFFFF80, s5;
	s5 =	spop (v2sf);
	(v2sf) =	vpush v1, $0xC  }
0xa0: {  	s6 =	simm.s32 $0x2C00;
	s0 =	sadd.s32 s3, s0  }
0xa1: {  	[tilespmem:s6], [sflag:$0x1] =	stream.linear.gather [hbm4b:s0+s2], $0x400, $0x38;
	[tilespmem:$0x10A00] =	vst v63  }
0xa2: {  	s0 =	sand.u32 $0x1FFFFF80, s10  }
0xa3: {  	s31 =	simm.s32 $0xAC00;
	s0 =	sadd.s32 s4, s0;
	s10 =	spop (v2sf);
	(v2sf) =	vpush v2, $0xC  }
0xa4: {  	[tilespmem:s31], [sflag:$0x3] =	stream.linear.gather [hbm4b:s0+s2], $0x400, $0x38;
	[tilespmem:$0x10A00] =	vst v63  }
0xa5: {  	s0 =	sand.u32 $0x1FFFFF80, s5;
	s5 =	spop (v2sf);
	(v2sf) =	vpush v1, $0xD  }
0xa6: {  	s6 =	simm.s32 $0x3000;
	s0 =	sadd.s32 s3, s0  }
0xa7: {  	[tilespmem:s6], [sflag:$0x1] =	stream.linear.gather [hbm4b:s0+s2], $0x400, $0x38;
	[tilespmem:$0x10A00] =	vst v63  }
0xa8: {  	s0 =	sand.u32 $0x1FFFFF80, s10;
	s10 =	spop (v2sf);
	(v2sf) =	vpush v2, $0xD  }
0xa9: {  	s31 =	simm.s32 $0xB000;
	s0 =	sadd.s32 s4, s0  }
0xaa: {  	[tilespmem:s31], [sflag:$0x3] =	stream.linear.gather [hbm4b:s0+s2], $0x400, $0x38;
	[tilespmem:$0x10A00] =	vst v63  }
0xab: {  	s0 =	sand.u32 $0x1FFFFF80, s5  }
0xac: {  	s6 =	simm.s32 $0x3400;
	s0 =	sadd.s32 s3, s0  }
0xad: {  	[tilespmem:s6], [sflag:$0x1] =	stream.linear.gather [hbm4b:s0+s2], $0x400, $0x38;
	[tilespmem:$0x10A00] =	vst v63  }
0xae: {  	s0 =	sand.u32 $0x1FFFFF80, s10;
	s5 =	spop (v2sf);
	(v2sf) =	vpush v1, $0xE  }
0xaf: {  	s31 =	simm.s32 $0xB400;
	s0 =	sadd.s32 s4, s0  }
0xb0: {  	[tilespmem:s31], [sflag:$0x3] =	stream.linear.gather [hbm4b:s0+s2], $0x400, $0x38;
	[tilespmem:$0x10A00] =	vst v63  }
0xb1: {  	s0 =	sand.u32 $0x1FFFFF80, s5  }
0xb2: {  	s6 =	simm.s32 $0x3800;
	s0 =	sadd.s32 s3, s0;
	s10 =	spop (v2sf);
	(v2sf) =	vpush v2, $0xE  }
0xb3: {  	[tilespmem:s6], [sflag:$0x1] =	stream.linear.gather [hbm4b:s0+s2], $0x400, $0x38;
	[tilespmem:$0x10A00] =	vst v63  }
0xb4: {  	s0 =	sand.u32 $0x1FFFFF80, s10;
	s5 =	spop (v2sf);
	(v2sf) =	vpush v1, $0xF  }
0xb5: {  	s31 =	simm.s32 $0xB800;
	s0 =	sadd.s32 s4, s0  }
0xb6: {  	[tilespmem:s31], [sflag:$0x3] =	stream.linear.gather [hbm4b:s0+s2], $0x400, $0x38;
	[tilespmem:$0x10A00] =	vst v63  }
0xb7: {  	s10 =	spop (v2sf);
	(v2sf) =	vpush v2, $0xF;
	s0 =	sand.u32 $0x1FFFFF80, s5  }
0xb8: {  	s6 =	simm.s32 $0x3C00;
	s0 =	sadd.s32 s3, s0  }
0xb9: {  	[tilespmem:s6], [sflag:$0x1] =	stream.linear.gather [hbm4b:s0+s2], $0x400, $0x38;
	[tilespmem:$0x10A00] =	vst v63  }
0xba: {  	s0 =	sand.u32 $0x1FFFFF80, s10  }
0xbb: {  	s31 =	simm.s32 $0xBC00;
	s0 =	sadd.s32 s4, s0  }
0xbc: {  	[tilespmem:s31], [sflag:$0x3] =	stream.linear.gather [hbm4b:s0+s2], $0x400, $0x38;
	[tilespmem:$0x10A00] =	vst v63  }
0xbd: {  	s5 =	spop (v2sf)  }
0xbe: {  	s0 =	sand.u32 $0x1FFFFF80, s5  }
0xbf: {  	s6 =	simm.s32 $0x4000;
	s0 =	sadd.s32 s3, s0  }
0xc0: {  	[tilespmem:s6], [sflag:$0x1] =	stream.linear.gather [hbm4b:s0+s2], $0x400, $0x38;
	[tilespmem:$0x10A00] =	vst v63  }
0xc1: {  	s10 =	spop (v2sf)  }
0xc2: {  	s0 =	sand.u32 $0x1FFFFF80, s10  }
0xc3: {  	s31 =	simm.s32 $0xC000;
	s5 =	spop (v2sf);
	s0 =	sadd.s32 s4, s0  }
0xc4: {  	[tilespmem:s31], [sflag:$0x3] =	stream.linear.gather [hbm4b:s0+s2], $0x400, $0x38;
	[tilespmem:$0x10A00] =	vst v63  }
0xc5: {  	s0 =	sand.u32 $0x1FFFFF80, s5  }
0xc6: {  	s6 =	simm.s32 $0x4400;
	s10 =	spop (v2sf);
	s0 =	sadd.s32 s3, s0  }
0xc7: {  	[tilespmem:s6], [sflag:$0x1] =	stream.linear.gather [hbm4b:s0+s2], $0x400, $0x38;
	[tilespmem:$0x10A00] =	vst v63  }
0xc8: {  	s0 =	sand.u32 $0x1FFFFF80, s10  }
0xc9: {  	s30 =	simm.s32 $0x0;
	s31 =	simm.s32 $0xC400;
	s0 =	sadd.s32 s4, s0  }
0xca: {  	[tilespmem:s31], [sflag:$0x3] =	stream.linear.gather [hbm4b:s0+s2], $0x400, $0x38;
	[tilespmem:$0x10A00] =	vst v63  }
.LBB2_2:
0xcb: {  	s0 =	sshll.u32 s30, $0x5  }
0xcc: {  	v1 =	vld [tilespmem:s0+$0x410]  }
0xcd: {  	v3 =	vld [tilespmem:s0+$0x610];
	_ =	sdelay $0x3  }
0xce: {  	v2 =	vshll.u32 v1, $0x7  }
0xcf: {  	v1 =	vshll.u32 v3, $0x7;
	(v2sf) =	vpush v2, $0x0  }
0xd0: {  	(v2sf) =	vpush v1, $0x0;
	_ =	sdelay $0x5  }
0xd1: {  	(v2sf) =	vpush v2, $0x1;
	_ =	sdelay $0x1  }
0xd2: {  	(v2sf) =	vpush v1, $0x1;
	_ =	sdelay $0x5  }
0xd3: {  	s1 =	spop (v2sf);
	(v2sf) =	vpush v2, $0x2  }
0xd4: {  	s10 =	spop (v2sf);
	(v2sf) =	vpush v1, $0x2;
	_ =	sdelay $0x1  }
0xd5: {  	s1 =	sand.u32 $0x1FFFFF80, s1  }
0xd6: {  	s1 =	sadd.s32 s3, s1  }
0xd7: {  	[tilespmem:s17], [sflag:$0x2] =	stream.linear.gather [hbm4b:s1+s2], $0x400, $0x38;
	[tilespmem:$0x10A00] =	vst v63  }
0xd8: {  	s1 =	sand.u32 $0x1FFFFF80, s10  }
0xd9: {  	s5 =	spop (v2sf);
	(v2sf) =	vpush v2, $0x3;
	s1 =	sadd.s32 s4, s1  }
0xda: {  	[tilespmem:s18], [sflag:$0x4] =	stream.linear.gather [hbm4b:s1+s2], $0x400, $0x38;
	[tilespmem:$0x10A00] =	vst v63  }
0xdb: {  	s6 =	spop (v2sf);
	(v2sf) =	vpush v1, $0x3;
	s1 =	sand.u32 $0x1FFFFF80, s5  }
0xdc: {  	s5 =	simm.s32 $0x4C00;
	s1 =	sadd.s32 s3, s1  }
0xdd: {  	[tilespmem:s5], [sflag:$0x2] =	stream.linear.gather [hbm4b:s1+s2], $0x400, $0x38;
	[tilespmem:$0x10A00] =	vst v63  }
0xde: {  	s1 =	sand.u32 $0x1FFFFF80, s6  }
0xdf: {  	s10 =	simm.s32 $0xCC00;
	s1 =	sadd.s32 s4, s1  }
0xe0: {  	[tilespmem:s10], [sflag:$0x4] =	stream.linear.gather [hbm4b:s1+s2], $0x400, $0x38;
	[tilespmem:$0x10A00] =	vst v63  }
0xe1: {  	s6 =	spop (v2sf);
	(v2sf) =	vpush v2, $0x4  }
0xe2: {  	s1 =	sand.u32 $0x1FFFFF80, s6;
	s6 =	spop (v2sf);
	(v2sf) =	vpush v1, $0x4;
	_ =	sdelay $0x2  }
0xe3: {  	s10 =	simm.s32 $0x5000;
	s1 =	sadd.s32 s3, s1  }
0xe4: {  	[tilespmem:s10], [sflag:$0x2] =	stream.linear.gather [hbm4b:s1+s2], $0x400, $0x38;
	[tilespmem:$0x10A00] =	vst v63  }
0xe5: {  	s1 =	sand.u32 $0x1FFFFF80, s6  }
0xe6: {  	s10 =	simm.s32 $0xD000;
	s6 =	spop (v2sf);
	(v2sf) =	vpush v2, $0x5;
	s1 =	sadd.s32 s4, s1  }
0xe7: {  	[tilespmem:s10], [sflag:$0x4] =	stream.linear.gather [hbm4b:s1+s2], $0x400, $0x38;
	[tilespmem:$0x10A00] =	vst v63  }
0xe8: {  	s1 =	sand.u32 $0x1FFFFF80, s6;
	s6 =	spop (v2sf);
	(v2sf) =	vpush v1, $0x5  }
0xe9: {  	s10 =	simm.s32 $0x5400;
	s1 =	sadd.s32 s3, s1  }
0xea: {  	[tilespmem:s10], [sflag:$0x2] =	stream.linear.gather [hbm4b:s1+s2], $0x400, $0x38;
	[tilespmem:$0x10A00] =	vst v63  }
0xeb: {  	s1 =	sand.u32 $0x1FFFFF80, s6  }
0xec: {  	s10 =	simm.s32 $0xD400;
	s1 =	sadd.s32 s4, s1  }
0xed: {  	[tilespmem:s10], [sflag:$0x4] =	stream.linear.gather [hbm4b:s1+s2], $0x400, $0x38;
	[tilespmem:$0x10A00] =	vst v63  }
0xee: {  	s6 =	spop (v2sf);
	(v2sf) =	vpush v2, $0x6  }
0xef: {  	s1 =	sand.u32 $0x1FFFFF80, s6;
	s6 =	spop (v2sf);
	(v2sf) =	vpush v1, $0x6;
	_ =	sdelay $0x2  }
0xf0: {  	s10 =	simm.s32 $0x5800;
	s1 =	sadd.s32 s3, s1  }
0xf1: {  	[tilespmem:s10], [sflag:$0x2] =	stream.linear.gather [hbm4b:s1+s2], $0x400, $0x38;
	[tilespmem:$0x10A00] =	vst v63  }
0xf2: {  	s1 =	sand.u32 $0x1FFFFF80, s6  }
0xf3: {  	s10 =	simm.s32 $0xD800;
	s6 =	spop (v2sf);
	(v2sf) =	vpush v2, $0x7;
	s1 =	sadd.s32 s4, s1  }
0xf4: {  	[tilespmem:s10], [sflag:$0x4] =	stream.linear.gather [hbm4b:s1+s2], $0x400, $0x38;
	[tilespmem:$0x10A00] =	vst v63  }
0xf5: {  	s1 =	sand.u32 $0x1FFFFF80, s6;
	s6 =	spop (v2sf);
	(v2sf) =	vpush v1, $0x7  }
0xf6: {  	s10 =	simm.s32 $0x5C00;
	s1 =	sadd.s32 s3, s1  }
0xf7: {  	[tilespmem:s10], [sflag:$0x2] =	stream.linear.gather [hbm4b:s1+s2], $0x400, $0x38;
	[tilespmem:$0x10A00] =	vst v63  }
0xf8: {  	s1 =	sand.u32 $0x1FFFFF80, s6  }
0xf9: {  	s10 =	simm.s32 $0xDC00;
	s1 =	sadd.s32 s4, s1  }
0xfa: {  	[tilespmem:s10], [sflag:$0x4] =	stream.linear.gather [hbm4b:s1+s2], $0x400, $0x38;
	[tilespmem:$0x10A00] =	vst v63  }
0xfb: {  	s6 =	spop (v2sf);
	(v2sf) =	vpush v2, $0x8  }
0xfc: {  	s1 =	sand.u32 $0x1FFFFF80, s6;
	s6 =	spop (v2sf);
	(v2sf) =	vpush v1, $0x8;
	_ =	sdelay $0x2  }
0xfd: {  	s10 =	simm.s32 $0x6000;
	s1 =	sadd.s32 s3, s1  }
0xfe: {  	[tilespmem:s10], [sflag:$0x2] =	stream.linear.gather [hbm4b:s1+s2], $0x400, $0x38;
	[tilespmem:$0x10A00] =	vst v63  }
0xff: {  	s1 =	sand.u32 $0x1FFFFF80, s6  }
0x100: {  	s10 =	simm.s32 $0xE000;
	s6 =	spop (v2sf);
	(v2sf) =	vpush v2, $0x9;
	s1 =	sadd.s32 s4, s1  }
0x101: {  	[tilespmem:s10], [sflag:$0x4] =	stream.linear.gather [hbm4b:s1+s2], $0x400, $0x38;
	[tilespmem:$0x10A00] =	vst v63  }
0x102: {  	s1 =	sand.u32 $0x1FFFFF80, s6;
	s6 =	spop (v2sf);
	(v2sf) =	vpush v1, $0x9  }
0x103: {  	s10 =	simm.s32 $0x6400;
	s1 =	sadd.s32 s3, s1  }
0x104: {  	[tilespmem:s10], [sflag:$0x2] =	stream.linear.gather [hbm4b:s1+s2], $0x400, $0x38;
	[tilespmem:$0x10A00] =	vst v63  }
0x105: {  	s1 =	sand.u32 $0x1FFFFF80, s6  }
0x106: {  	s10 =	simm.s32 $0xE400;
	s1 =	sadd.s32 s4, s1  }
0x107: {  	[tilespmem:s10], [sflag:$0x4] =	stream.linear.gather [hbm4b:s1+s2], $0x400, $0x38;
	[tilespmem:$0x10A00] =	vst v63  }
0x108: {  	s6 =	spop (v2sf);
	(v2sf) =	vpush v2, $0xA  }
0x109: {  	s1 =	sand.u32 $0x1FFFFF80, s6;
	s6 =	spop (v2sf);
	(v2sf) =	vpush v1, $0xA;
	_ =	sdelay $0x2  }
0x10a: {  	s10 =	simm.s32 $0x6800;
	s1 =	sadd.s32 s3, s1  }
0x10b: {  	[tilespmem:s10], [sflag:$0x2] =	stream.linear.gather [hbm4b:s1+s2], $0x400, $0x38;
	[tilespmem:$0x10A00] =	vst v63  }
0x10c: {  	s1 =	sand.u32 $0x1FFFFF80, s6  }
0x10d: {  	s10 =	simm.s32 $0xE800;
	s6 =	spop (v2sf);
	(v2sf) =	vpush v2, $0xB;
	s1 =	sadd.s32 s4, s1  }
0x10e: {  	[tilespmem:s10], [sflag:$0x4] =	stream.linear.gather [hbm4b:s1+s2], $0x400, $0x38;
	[tilespmem:$0x10A00] =	vst v63  }
0x10f: {  	s1 =	sand.u32 $0x1FFFFF80, s6;
	s6 =	spop (v2sf);
	(v2sf) =	vpush v1, $0xB;
	_ =	sdelay $0x3  }
0x110: {  	s10 =	simm.s32 $0x6C00;
	s1 =	sadd.s32 s3, s1  }
0x111: {  	[tilespmem:s10], [sflag:$0x2] =	stream.linear.gather [hbm4b:s1+s2], $0x400, $0x38;
	[tilespmem:$0x10A00] =	vst v63  }
0x112: {  	s1 =	sand.u32 $0x1FFFFF80, s6;
	s10 =	spop (v2sf);
	(v2sf) =	vpush v2, $0xC  }
0x113: {  	s1 =	sadd.s32 s4, s1;
	s5 =	spop (v2sf);
	(v2sf) =	vpush v1, $0xC  }
0x114: {  	[tilespmem:s7], [sflag:$0x4] =	stream.linear.gather [hbm4b:s1+s2], $0x400, $0x38;
	[tilespmem:$0x10A00] =	vst v63  }
0x115: {  	s1 =	sand.u32 $0x1FFFFF80, s10;
	(v2sf) =	vpush v2, $0xD  }
0x116: {  	s1 =	sadd.s32 s3, s1  }
0x117: {  	[tilespmem:s8], [sflag:$0x2] =	stream.linear.gather [hbm4b:s1+s2], $0x400, $0x38;
	[tilespmem:$0x10A00] =	vst v63  }
0x118: {  	s1 =	sand.u32 $0x1FFFFF80, s5  }
0x119: {  	s6 =	spop (v2sf);
	s1 =	sadd.s32 s4, s1  }
0x11a: {  	(v2sf) =	vpush v1, $0xD;
	[tilespmem:s9], [sflag:$0x4] =	stream.linear.gather [hbm4b:s1+s2], $0x400, $0x38;
	[tilespmem:$0x10A00] =	vst v63  }
0x11b: {  	s1 =	sand.u32 $0x1FFFFF80, s6;
	s10 =	spop (v2sf);
	(v2sf) =	vpush v2, $0xE  }
0x11c: {  	s1 =	sadd.s32 s3, s1  }
0x11d: {  	[tilespmem:s13], [sflag:$0x2] =	stream.linear.gather [hbm4b:s1+s2], $0x400, $0x38;
	[tilespmem:$0x10A00] =	vst v63  }
0x11e: {  	s1 =	sand.u32 $0x1FFFFF80, s10  }
0x11f: {  	s1 =	sadd.s32 s4, s1  }
0x120: {  	[tilespmem:s14], [sflag:$0x4] =	stream.linear.gather [hbm4b:s1+s2], $0x400, $0x38;
	[tilespmem:$0x10A00] =	vst v63  }
0x121: {  	s5 =	spop (v2sf);
	(v2sf) =	vpush v1, $0xE  }
0x122: {  	s6 =	spop (v2sf);
	(v2sf) =	vpush v2, $0xF  }
0x123: {  	s1 =	sand.u32 $0x1FFFFF80, s5  }
0x124: {  	s1 =	sadd.s32 s3, s1;
	s10 =	spop (v2sf)  }
0x125: {  	(v2sf) =	vpush v1, $0xF;
	[tilespmem:s15], [sflag:$0x2] =	stream.linear.gather [hbm4b:s1+s2], $0x400, $0x38;
	[tilespmem:$0x10A00] =	vst v63  }
0x126: {  	s1 =	sand.u32 $0x1FFFFF80, s6  }
0x127: {  	s1 =	sadd.s32 s4, s1  }
0x128: {  	[tilespmem:s16], [sflag:$0x4] =	stream.linear.gather [hbm4b:s1+s2], $0x400, $0x38;
	[tilespmem:$0x10A00] =	vst v63  }
0x129: {  	s1 =	sand.u32 $0x1FFFFF80, s10;
	s10 =	spop (v2sf)  }
0x12a: {  	s1 =	sadd.s32 s3, s1;
	s5 =	sand.u32 $0x1FFFFF80, s10;
	s6 =	spop (v2sf)  }
0x12b: {  	[tilespmem:s19], [sflag:$0x2] =	stream.linear.gather [hbm4b:s1+s2], $0x400, $0x38;
	[tilespmem:$0x10A00] =	vst v63  }
0x12c: {  	s1 =	sadd.s32 s4, s5;
	s5 =	sand.u32 $0x1FFFFF80, s6  }
0x12d: {  	[tilespmem:s20], [sflag:$0x4] =	stream.linear.gather [hbm4b:s1+s2], $0x400, $0x38;
	[tilespmem:$0x10A00] =	vst v63  }
0x12e: {  	s1 =	sadd.s32 s3, s5  }
0x12f: {  	[tilespmem:s21], [sflag:$0x2] =	stream.linear.gather [hbm4b:s1+s2], $0x400, $0x38;
	[tilespmem:$0x10A00] =	vst v63  }
0x130: {  	s6 =	spop (v2sf)  }
0x131: {  	s5 =	sand.u32 $0x1FFFFF80, s6;
	s6 =	spop (v2sf)  }
0x132: {  	s1 =	sadd.s32 s4, s5;
	s10 =	sand.u32 $0x1FFFFF80, s6  }
0x133: {  	[tilespmem:s22], [sflag:$0x4] =	stream.linear.gather [hbm4b:s1+s2], $0x400, $0x38;
	[tilespmem:$0x10A00] =	vst v63  }
0x134: {  	s5 =	spop (v2sf);
	s1 =	sadd.s32 s3, s10  }
0x135: {  	[tilespmem:s23], [sflag:$0x2] =	stream.linear.gather [hbm4b:s1+s2], $0x400, $0x38;
	[tilespmem:$0x10A00] =	vst v63  }
0x136: {  	s1 =	sand.u32 $0x1FFFFF80, s5  }
0x137: {  	s1 =	sadd.s32 s4, s1  }
0x138: {  	[tilespmem:s24], [sflag:$0x4] =	stream.linear.gather [hbm4b:s1+s2], $0x400, $0x38;
	[tilespmem:$0x10A00] =	vst v63  }
0x139: {  	_ =	swait.ge [sflag:s25], $0x4000  }
0x13a: {  	[sflag:s25] =	ssyncset.done $0x0  }
0x13b: {  	[sflag:s25] =	ssyncadd.s32 $0xFFFFC000  }
0x13c: {  	_ =	swait.ge [sflag:s26], $0x4000  }
0x13d: {  	[sflag:s26] =	ssyncset.done $0x0  }
0x13e: {  	[sflag:s26] =	ssyncadd.s32 $0xFFFFC000  }
0x13f: {  	v1 =	vld [tilespmem:s0+$0x0]  }
0x140: {  	v2 =	vld [tilespmem:s0+$0x200];
	_ =	sdelay $0x1  }
0x141: {  	s6 =	simm.s32 $0x0  }
0x142: {  	v3 =	vmov s6  }
0x143: {  	s10 =	simm.s32 $0x1;
	v3 =	vand.u32 $0x78, v3  }
0x144: {  	v5 =	vmov s10;
	v1 =	vshll.u32 v1, $0x7;
	v2 =	vshll.u32 v2, $0x7  }
0x145: {  	v3 =	vbroadcast v3, $0x0;
	v1 =	vand.u32 $0x380, v1;
	v4 =	vand.u32 $0x380, v2  }
0x146: {  	s5 =	simm.s32 $0x2;
	v2 =	vor.u32 v0, v1;
	v1 =	vor.u32 v0, v4;
	v4 =	vand.u32 $0x79, v5  }
0x147: {  	v5 =	vmov s5;
	v6 =	vor.u32 v2, v3;
	v4 =	vbroadcast v4, $0x0  }
0x148: {  	s6 =	simm.s32 $0x3;
	v5 =	vand.u32 $0x7A, v5;
	v3 =	vor.u32 v1, v3  }
0x149: {  	v7 =	vmov s6;
	v5 =	vbroadcast v5, $0x0;
	v8 =	vor.u32 v2, v4  }
0x14a: {  	s10 =	simm.s32 $0x4;
	v7 =	vand.u32 $0x7B, v7;
	v4 =	vor.u32 v1, v4  }
0x14b: {  	v9 =	vmov s10;
	v7 =	vbroadcast v7, $0x0;
	v10 =	vor.u32 v2, v5  }
0x14c: {  	v9 =	vand.u32 $0x7C, v9;
	s5 =	simm.s32 $0x5;
	v12 =	vld.idx.msk [tilespmem:v6+s11+$0x0], $0xffff;
	v6 =	vor.u32 v1, v5  }
0x14d: {  	v9 =	vbroadcast v9, $0x0;
	v11 =	vor.u32 v2, v7;
	v5 =	vmov s5;
	v3 =	vld.idx.msk [tilespmem:v3+s12+$0x0], $0xffff  }
0x14e: {  	s6 =	simm.s32 $0x6;
	v7 =	vor.u32 v1, v7;
	v5 =	vand.u32 $0x7D, v5;
	v13 =	vld.idx.msk [tilespmem:v8+s11+$0x0], $0xffff  }
0x14f: {  	v15 =	vor.u32 v2, v9;
	v16 =	vld.idx.msk [tilespmem:v4+s12+$0x0], $0xffff;
	v4 =	vbroadcast v5, $0x0;
	v8 =	vmov s6  }
0x150: {  	s10 =	simm.s32 $0x7;
	v5 =	vld.idx.msk [tilespmem:v10+s11+$0x0], $0xffff;
	v10 =	vor.u32 v1, v9;
	v9 =	vand.u32 $0x7E, v8  }
0x151: {  	v17 =	vor.u32 v2, v4;
	v18 =	vbroadcast v9, $0x0;
	v9 =	vmov s10;
	v8 =	vld.idx.msk [tilespmem:v6+s12+$0x0], $0xffff  }
0x152: {  	v19 =	vimm.f32 $0.0e+00;
	v6 =	vld.idx.msk [tilespmem:v11+s11+$0x0], $0xffff;
	v11 =	vor.u32 v1, v4;
	v4 =	vand.u32 $0x7F, v9  }
0x153: {  	s5 =	simm.s32 $0xC;
	s6 =	simm.s32 $0xD;
	v12 =	vmul.f32 v3, v12;
	v9 =	vld.idx.msk [tilespmem:v7+s12+$0x0], $0xffff;
	v14 =	vor.u32 v2, v18;
	v21 =	vbroadcast v4, $0x0  }
0x154: {  	v3 =	vmov s6;
	v7 =	vld.idx.msk [tilespmem:v15+s11+$0x0], $0xffff;
	v4 =	vmov s5;
	v15 =	vor.u32 v1, v18  }
0x155: {  	s6 =	simm.s32 $0xB;
	s5 =	simm.s32 $0x8;
	v18 =	vadd.f32 v12, v19;
	v19 =	vmul.f32 v16, v13;
	v12 =	vld.idx.msk [tilespmem:v10+s12+$0x0], $0xffff;
	v16 =	vor.u32 v2, v21  }
0x156: {  	s31 =	sor.u32 $0x10, s0;
	s1 =	simm.s32 $0xF;
	s10 =	simm.s32 $0x17;
	v20 =	vmov s5;
	v13 =	vmov s6;
	v10 =	vld.idx.msk [tilespmem:v17+s11+$0x0], $0xffff;
	v17 =	vor.u32 v1, v21  }
.LBB2_3:
0x157: {  	p0 =	sne.s32 s10, $0x3F;
	v20 =	vand.u32 $0x78, v20;
	s5 =	sadd.s32 $0xFFFFFFFA, s1;
	s6 =	sadd.s32 $0xFFFFFFFB, s1;
	v18 =	vadd.f32 v19, v18;
	v5 =	vmul.f32 v8, v5;
	v8 =	vld.idx.msk [tilespmem:v11+s12+$0x0], $0xffff  }
0x158: {  	v11 =	vbroadcast v20, $0x0;
	v19 =	vmov s5;
	v20 =	vmov s6;
	v14 =	vld.idx.msk [tilespmem:v14+s11+$0x0], $0xffff  }
0x159: {  	v6 =	vmul.f32 v9, v6;
	v19 =	vand.u32 $0x79, v19;
	v5 =	vadd.f32 v5, v18;
	v9 =	vld.idx.msk [tilespmem:v15+s12+$0x0], $0xffff  }
0x15a: {  	v15 =	vor.u32 v2, v11;
	v18 =	vbroadcast v19, $0x0;
	v19 =	vand.u32 $0x7A, v20;
	v16 =	vld.idx.msk [tilespmem:v16+s11+$0x0], $0xffff  }
0x15b: {  	v11 =	vor.u32 v1, v11;
	v5 =	vadd.f32 v6, v5;
	v6 =	vmul.f32 v12, v7;
	v7 =	vld.idx.msk [tilespmem:v17+s12+$0x0], $0xffff  }
0x15c: {  	v13 =	vand.u32 $0x7B, v13;
	v17 =	vbroadcast v19, $0x0;
	v12 =	vor.u32 v2, v18  }
0x15d: {  	v18 =	vor.u32 v1, v18;
	v5 =	vadd.f32 v6, v5;
	v6 =	vmul.f32 v8, v10  }
0x15e: {  	v4 =	vand.u32 $0x7C, v4;
	v8 =	vor.u32 v2, v17;
	v10 =	vbroadcast v13, $0x0  }
0x15f: {  	v13 =	vld.idx.msk [tilespmem:v15+s11+$0x0], $0xffff;
	v15 =	vor.u32 v1, v17;
	v5 =	vadd.f32 v6, v5;
	v6 =	vmul.f32 v9, v14  }
0x160: {  	v3 =	vand.u32 $0x7D, v3;
	v4 =	vbroadcast v4, $0x0;
	v9 =	vld.idx.msk [tilespmem:v11+s12+$0x0], $0xffff;
	v11 =	vor.u32 v2, v10  }
0x161: {  	s5 =	sadd.s32 $0xFFFFFFFF, s1;
	v10 =	vor.u32 v1, v10;
	v7 =	vmul.f32 v7, v16;
	v12 =	vld.idx.msk [tilespmem:v12+s11+$0x0], $0xffff;
	v6 =	vadd.f32 v6, v5  }
0x162: {  	v3 =	vbroadcast v3, $0x0;
	v17 =	vor.u32 v2, v4;
	v14 =	vmov s5;
	v16 =	vld.idx.msk [tilespmem:v18+s12+$0x0], $0xffff  }
0x163: {  	v20 =	vor.u32 v1, v4;
	v4 =	vand.u32 $0x7E, v14;
	v5 =	vld.idx.msk [tilespmem:v8+s11+$0x0], $0xffff;
	v18 =	vadd.f32 v7, v6  }
0x164: {  	v21 =	vor.u32 v2, v3;
	v8 =	vld.idx.msk [tilespmem:v15+s12+$0x0], $0xffff;
	v15 =	vbroadcast v4, $0x0;
	v4 =	vmov s1;
	s1 =	smov.u32 s10  }
.Ltmp0:
0x165: {  	v6 =	vld.idx.msk [tilespmem:v11+s11+$0x0], $0xffff;
	v11 =	vor.u32 v1, v3;
	v3 =	vand.u32 $0x7F, v4;
	(pc) =	sbr.rel @p0 .LBB2_3-.Ltmp0, $4  }
0x166: {  	s6 =	sadd.s32 $0xFFFFFFFE, s10;
	s5 =	sadd.s32 $0xFFFFFFFD, s10;
	v13 =	vmul.f32 v9, v13;
	v9 =	vld.idx.msk [tilespmem:v10+s12+$0x0], $0xffff;
	v14 =	vor.u32 v2, v15;
	v22 =	vbroadcast v3, $0x0  }
0x167: {  	v4 =	vmov s5;
	v3 =	vmov s6;
	v15 =	vor.u32 v1, v15;
	v7 =	vld.idx.msk [tilespmem:v17+s11+$0x0], $0xffff  }
0x168: {  	s5 =	sadd.s32 $0xFFFFFFF9, s10;
	s6 =	sadd.s32 $0xFFFFFFFC, s10;
	v18 =	vadd.f32 v13, v18;
	v19 =	vmul.f32 v16, v12;
	v12 =	vld.idx.msk [tilespmem:v20+s12+$0x0], $0xffff;
	v16 =	vor.u32 v2, v22  }
0x169: {  	s10 =	sadd.s32 $0x8, s10;
	v13 =	vmov s6;
	v20 =	vmov s5;
	v17 =	vor.u32 v1, v22;
	v10 =	vld.idx.msk [tilespmem:v21+s11+$0x0], $0xffff  }
0x16a: {  	_ = 	snop  }
0x16b: {  	v20 =	vand.u32 $0x78, v20;
	s5 =	sadd.s32 $0xFFFFFFFA, s1;
	v18 =	vadd.f32 v19, v18;
	v5 =	vmul.f32 v8, v5  }
0x16c: {  	s6 =	sadd.s32 $0xFFFFFFFB, s1;
	v13 =	vand.u32 $0x7B, v13;
	v32 =	vbroadcast v20, $0x0;
	v33 =	vmov s5  }
0x16d: {  	v4 =	vand.u32 $0x7C, v4;
	v34 =	vmov s6;
	v19 =	vand.u32 $0x79, v33  }
0x16e: {  	v31 =	vld.idx.msk [tilespmem:v11+s12+$0x0], $0xffff;
	v6 =	vmul.f32 v9, v6;
	v36 =	vor.u32 v2, v32;
	v37 =	vbroadcast v19, $0x0  }
0x16f: {  	v14 =	vld.idx.msk [tilespmem:v14+s11+$0x0], $0xffff;
	v5 =	vadd.f32 v5, v18;
	v38 =	vand.u32 $0x7A, v34;
	v11 =	vor.u32 v1, v32  }
0x170: {  	v35 =	vld.idx.msk [tilespmem:v15+s12+$0x0], $0xffff;
	v3 =	vand.u32 $0x7D, v3;
	v42 =	vbroadcast v38, $0x0;
	v41 =	vor.u32 v2, v37  }
0x171: {  	v16 =	vld.idx.msk [tilespmem:v16+s11+$0x0], $0xffff;
	v39 =	vmul.f32 v12, v7;
	v5 =	vadd.f32 v6, v5;
	v18 =	vor.u32 v1, v37  }
0x172: {  	v40 =	vld.idx.msk [tilespmem:v17+s12+$0x0], $0xffff;
	v57 =	vmov s1;
	v45 =	vbroadcast v13, $0x0;
	v44 =	vor.u32 v2, v42  }
0x173: {  	v43 =	vmul.f32 v31, v10;
	v47 =	vor.u32 v1, v42;
	v5 =	vadd.f32 v39, v5;
	v46 =	vld.idx.msk [tilespmem:v36+s11+$0x0], $0xffff  }
0x174: {  	v4 =	vbroadcast v4, $0x0;
	v3 =	vbroadcast v3, $0x0;
	v50 =	vor.u32 v2, v45;
	v49 =	vld.idx.msk [tilespmem:v11+s12+$0x0], $0xffff  }
0x175: {  	s10 =	sadd.s32 $0xFFFFFFFF, s1;
	v48 =	vmul.f32 v35, v14;
	v10 =	vor.u32 v1, v45;
	v5 =	vadd.f32 v43, v5;
	v12 =	vld.idx.msk [tilespmem:v41+s11+$0x0], $0xffff  }
0x176: {  	v54 =	vmov s10;
	v53 =	vor.u32 v2, v4;
	v4 =	vor.u32 v1, v4;
	v52 =	vld.idx.msk [tilespmem:v18+s12+$0x0], $0xffff  }
0x177: {  	v51 =	vmul.f32 v40, v16;
	v16 =	vand.u32 $0x7E, v54;
	v5 =	vadd.f32 v48, v5;
	v8 =	vld.idx.msk [tilespmem:v44+s11+$0x0], $0xffff  }
0x178: {  	v17 =	vand.u32 $0x7F, v57;
	v56 =	vor.u32 v2, v3;
	v16 =	vbroadcast v16, $0x0;
	v55 =	vld.idx.msk [tilespmem:v47+s12+$0x0], $0xffff  }
0x179: {  	v3 =	vor.u32 v1, v3;
	v11 =	vld.idx.msk [tilespmem:v50+s11+$0x0], $0xffff;
	v5 =	vadd.f32 v51, v5;
	v9 =	vmul.f32 v49, v46  }
0x17a: {  	v17 =	vbroadcast v17, $0x0;
	v58 =	vor.u32 v2, v16;
	v10 =	vld.idx.msk [tilespmem:v10+s12+$0x0], $0xffff  }
0x17b: {  	v14 =	vld.idx.msk [tilespmem:v53+s11+$0x0], $0xffff;
	v16 =	vor.u32 v1, v16;
	v5 =	vadd.f32 v9, v5;
	v7 =	vmul.f32 v52, v12  }
0x17c: {  	v4 =	vld.idx.msk [tilespmem:v4+s12+$0x0], $0xffff;
	v2 =	vor.u32 v2, v17  }
0x17d: {  	v59 =	vld.idx.msk [tilespmem:v56+s11+$0x0], $0xffff;
	v1 =	vor.u32 v1, v17;
	v6 =	vmul.f32 v55, v8;
	v5 =	vadd.f32 v7, v5  }
0x17e: {  	v3 =	vld.idx.msk [tilespmem:v3+s12+$0x0], $0xffff  }
0x17f: {  	v60 =	vld.idx.msk [tilespmem:v58+s11+$0x0], $0xffff;
	v61 =	vmul.f32 v10, v11;
	v5 =	vadd.f32 v6, v5  }
0x180: {  	v62 =	vld.idx.msk [tilespmem:v16+s12+$0x0], $0xffff  }
0x181: {  	v2 =	vld.idx.msk [tilespmem:v2+s11+$0x0], $0xffff;
	v4 =	vmul.f32 v4, v14;
	v5 =	vadd.f32 v61, v5  }
0x182: {  	v1 =	vld.idx.msk [tilespmem:v1+s12+$0x0], $0xffff  }
0x183: {  	v3 =	vmul.f32 v3, v59;
	v4 =	vadd.f32 v4, v5;
	_ =	sdelay $0x1  }
0x184: {  	v63 =	vmul.f32 v62, v60;
	v3 =	vadd.f32 v3, v4;
	_ =	sdelay $0x1  }
0x185: {  	v1 =	vmul.f32 v1, v2;
	v3 =	vadd.f32 v63, v3;
	_ =	sdelay $0x1  }
0x186: {  	v1 =	vadd.f32 v1, v3;
	_ =	sdelay $0x1  }
0x187: {  	v1 =	vsub.f32 $0.0e+00, v1;
	_ =	sdelay $0x1  }
0x188: {  	v1 =	vmul.f32 $1.442695020e+00, v1;
	_ =	sdelay $0x1  }
0x189: {  	(erf) = vpow2.f32 v1;
	_ =	sdelay $0x8  }
0x18a: {  	v1 =	vpop (erf)  }
0x18b: {  	v1 =	vadd.f32 $1.000000000e+00, v1;
	_ =	sdelay $0x1  }
0x18c: {  	(erf) = vrcp.f32 v1;
	_ =	sdelay $0x4  }
0x18d: {  	p0 =	seq.s32 s30, $0xF  }
.Ltmp1:
0x18e: {  	_ = 	snop;
	(pc) =	sbr.rel @p0 .LBB2_6-.Ltmp1, $3  }
0x18f: {  	_ =	sdelay $0x1  }
0x190: {  	v1 =	vpop (erf)  }
0x191: {  	[tilespmem:s0+$0x10800] =	vst v1  }
0x192: {  	v1 =	vld [tilespmem:s0+$0x420];
	_ =	sdelay $0x1  }
0x193: {  	v3 =	vld [tilespmem:s0+$0x620];
	_ =	sdelay $0x2  }
0x194: {  	v2 =	vshll.u32 v1, $0x7  }
0x195: {  	(v2sf) =	vpush v2, $0x0  }
0x196: {  	v1 =	vshll.u32 v3, $0x7  }
0x197: {  	(v2sf) =	vpush v1, $0x0;
	_ =	sdelay $0x1  }
0x198: {  	(v2sf) =	vpush v2, $0x1;
	_ =	sdelay $0x2  }
0x199: {  	(v2sf) =	vpush v1, $0x1;
	_ =	sdelay $0x7  }
0x19a: {  	s10 =	spop (v2sf);
	(v2sf) =	vpush v2, $0x2;
	_ =	sdelay $0x1  }
0x19b: {  	s1 =	spop (v2sf);
	(v2sf) =	vpush v1, $0x2;
	_ =	sdelay $0x1  }
0x19c: {  	s5 =	spop (v2sf);
	(v2sf) =	vpush v2, $0x3;
	_ =	sdelay $0x1  }
0x19d: {  	s0 =	sand.u32 $0x1FFFFF80, s10  }
0x19e: {  	s0 =	sadd.s32 s3, s0;
	s6 =	spop (v2sf);
	(v2sf) =	vpush v1, $0x3  }
0x19f: {  	[tilespmem:s11], [sflag:$0x1] =	stream.linear.gather [hbm4b:s0+s2], $0x400, $0x38;
	[tilespmem:$0x10A00] =	vst v63  }
0x1a0: {  	s0 =	sand.u32 $0x1FFFFF80, s1  }
0x1a1: {  	s0 =	sadd.s32 s4, s0  }
0x1a2: {  	[tilespmem:s12], [sflag:$0x3] =	stream.linear.gather [hbm4b:s0+s2], $0x400, $0x38;
	[tilespmem:$0x10A00] =	vst v63  }
0x1a3: {  	s0 =	sand.u32 $0x1FFFFF80, s5  }
0x1a4: {  	s1 =	simm.s32 $0xC00;
	s0 =	sadd.s32 s3, s0  }
0x1a5: {  	[tilespmem:s1], [sflag:$0x1] =	stream.linear.gather [hbm4b:s0+s2], $0x400, $0x38;
	[tilespmem:$0x10A00] =	vst v63  }
0x1a6: {  	s1 =	spop (v2sf);
	(v2sf) =	vpush v2, $0x4  }
0x1a7: {  	s0 =	sand.u32 $0x1FFFFF80, s6  }
0x1a8: {  	s10 =	simm.s32 $0x8C00;
	s0 =	sadd.s32 s4, s0;
	s6 =	spop (v2sf);
	(v2sf) =	vpush v1, $0x4  }
0x1a9: {  	[tilespmem:s10], [sflag:$0x3] =	stream.linear.gather [hbm4b:s0+s2], $0x400, $0x38;
	[tilespmem:$0x10A00] =	vst v63  }
0x1aa: {  	s0 =	sand.u32 $0x1FFFFF80, s1;
	s1 =	spop (v2sf);
	(v2sf) =	vpush v2, $0x5  }
0x1ab: {  	s5 =	simm.s32 $0x1000;
	s0 =	sadd.s32 s3, s0  }
0x1ac: {  	[tilespmem:s5], [sflag:$0x1] =	stream.linear.gather [hbm4b:s0+s2], $0x400, $0x38;
	[tilespmem:$0x10A00] =	vst v63  }
0x1ad: {  	s0 =	sand.u32 $0x1FFFFF80, s6;
	s6 =	spop (v2sf);
	(v2sf) =	vpush v1, $0x5;
	_ =	sdelay $0x2  }
0x1ae: {  	s10 =	simm.s32 $0x9000;
	s0 =	sadd.s32 s4, s0  }
0x1af: {  	[tilespmem:s10], [sflag:$0x3] =	stream.linear.gather [hbm4b:s0+s2], $0x400, $0x38;
	[tilespmem:$0x10A00] =	vst v63  }
0x1b0: {  	s0 =	sand.u32 $0x1FFFFF80, s1  }
0x1b1: {  	s5 =	simm.s32 $0x1400;
	s0 =	sadd.s32 s3, s0  }
0x1b2: {  	[tilespmem:s5], [sflag:$0x1] =	stream.linear.gather [hbm4b:s0+s2], $0x400, $0x38;
	[tilespmem:$0x10A00] =	vst v63  }
0x1b3: {  	s1 =	spop (v2sf);
	(v2sf) =	vpush v2, $0x6  }
0x1b4: {  	s0 =	sand.u32 $0x1FFFFF80, s6  }
0x1b5: {  	s10 =	simm.s32 $0x9400;
	s0 =	sadd.s32 s4, s0;
	s6 =	spop (v2sf);
	(v2sf) =	vpush v1, $0x6  }
0x1b6: {  	[tilespmem:s10], [sflag:$0x3] =	stream.linear.gather [hbm4b:s0+s2], $0x400, $0x38;
	[tilespmem:$0x10A00] =	vst v63  }
0x1b7: {  	s0 =	sand.u32 $0x1FFFFF80, s1;
	s1 =	spop (v2sf);
	(v2sf) =	vpush v2, $0x7  }
0x1b8: {  	s5 =	simm.s32 $0x1800;
	s0 =	sadd.s32 s3, s0  }
0x1b9: {  	[tilespmem:s5], [sflag:$0x1] =	stream.linear.gather [hbm4b:s0+s2], $0x400, $0x38;
	[tilespmem:$0x10A00] =	vst v63  }
0x1ba: {  	s0 =	sand.u32 $0x1FFFFF80, s6;
	s6 =	spop (v2sf);
	(v2sf) =	vpush v1, $0x7;
	_ =	sdelay $0x2  }
0x1bb: {  	s10 =	simm.s32 $0x9800;
	s0 =	sadd.s32 s4, s0  }
0x1bc: {  	[tilespmem:s10], [sflag:$0x3] =	stream.linear.gather [hbm4b:s0+s2], $0x400, $0x38;
	[tilespmem:$0x10A00] =	vst v63  }
0x1bd: {  	s0 =	sand.u32 $0x1FFFFF80, s1  }
0x1be: {  	s5 =	simm.s32 $0x1C00;
	s0 =	sadd.s32 s3, s0  }
0x1bf: {  	[tilespmem:s5], [sflag:$0x1] =	stream.linear.gather [hbm4b:s0+s2], $0x400, $0x38;
	[tilespmem:$0x10A00] =	vst v63  }
0x1c0: {  	s1 =	spop (v2sf);
	(v2sf) =	vpush v2, $0x8  }
0x1c1: {  	s0 =	sand.u32 $0x1FFFFF80, s6  }
0x1c2: {  	s10 =	simm.s32 $0x9C00;
	s0 =	sadd.s32 s4, s0;
	s6 =	spop (v2sf);
	(v2sf) =	vpush v1, $0x8  }
0x1c3: {  	[tilespmem:s10], [sflag:$0x3] =	stream.linear.gather [hbm4b:s0+s2], $0x400, $0x38;
	[tilespmem:$0x10A00] =	vst v63  }
0x1c4: {  	s0 =	sand.u32 $0x1FFFFF80, s1;
	s1 =	spop (v2sf);
	(v2sf) =	vpush v2, $0x9  }
0x1c5: {  	s5 =	simm.s32 $0x2000;
	s0 =	sadd.s32 s3, s0  }
0x1c6: {  	[tilespmem:s5], [sflag:$0x1] =	stream.linear.gather [hbm4b:s0+s2], $0x400, $0x38;
	[tilespmem:$0x10A00] =	vst v63  }
0x1c7: {  	s0 =	sand.u32 $0x1FFFFF80, s6;
	s6 =	spop (v2sf);
	(v2sf) =	vpush v1, $0x9;
	_ =	sdelay $0x2  }
0x1c8: {  	s10 =	simm.s32 $0xA000;
	s0 =	sadd.s32 s4, s0  }
0x1c9: {  	[tilespmem:s10], [sflag:$0x3] =	stream.linear.gather [hbm4b:s0+s2], $0x400, $0x38;
	[tilespmem:$0x10A00] =	vst v63  }
0x1ca: {  	s0 =	sand.u32 $0x1FFFFF80, s1  }
0x1cb: {  	s5 =	simm.s32 $0x2400;
	s0 =	sadd.s32 s3, s0  }
0x1cc: {  	[tilespmem:s5], [sflag:$0x1] =	stream.linear.gather [hbm4b:s0+s2], $0x400, $0x38;
	[tilespmem:$0x10A00] =	vst v63  }
0x1cd: {  	s1 =	spop (v2sf);
	(v2sf) =	vpush v2, $0xA  }
0x1ce: {  	s0 =	sand.u32 $0x1FFFFF80, s6  }
0x1cf: {  	s10 =	simm.s32 $0xA400;
	s0 =	sadd.s32 s4, s0;
	s6 =	spop (v2sf);
	(v2sf) =	vpush v1, $0xA  }
0x1d0: {  	[tilespmem:s10], [sflag:$0x3] =	stream.linear.gather [hbm4b:s0+s2], $0x400, $0x38;
	[tilespmem:$0x10A00] =	vst v63  }
0x1d1: {  	s0 =	sand.u32 $0x1FFFFF80, s1;
	s1 =	spop (v2sf);
	(v2sf) =	vpush v2, $0xB  }
0x1d2: {  	s5 =	simm.s32 $0x2800;
	s0 =	sadd.s32 s3, s0  }
0x1d3: {  	[tilespmem:s5], [sflag:$0x1] =	stream.linear.gather [hbm4b:s0+s2], $0x400, $0x38;
	[tilespmem:$0x10A00] =	vst v63  }
0x1d4: {  	s0 =	sand.u32 $0x1FFFFF80, s6;
	s6 =	spop (v2sf);
	(v2sf) =	vpush v1, $0xB;
	_ =	sdelay $0x2  }
0x1d5: {  	s10 =	simm.s32 $0xA800;
	s0 =	sadd.s32 s4, s0  }
0x1d6: {  	[tilespmem:s10], [sflag:$0x3] =	stream.linear.gather [hbm4b:s0+s2], $0x400, $0x38;
	[tilespmem:$0x10A00] =	vst v63  }
0x1d7: {  	s0 =	sand.u32 $0x1FFFFF80, s1  }
0x1d8: {  	s5 =	simm.s32 $0x2C00;
	s0 =	sadd.s32 s3, s0  }
0x1d9: {  	[tilespmem:s5], [sflag:$0x1] =	stream.linear.gather [hbm4b:s0+s2], $0x400, $0x38;
	[tilespmem:$0x10A00] =	vst v63  }
0x1da: {  	s1 =	spop (v2sf);
	(v2sf) =	vpush v2, $0xC  }
0x1db: {  	s0 =	sand.u32 $0x1FFFFF80, s6  }
0x1dc: {  	s10 =	simm.s32 $0xAC00;
	s0 =	sadd.s32 s4, s0;
	s6 =	spop (v2sf);
	(v2sf) =	vpush v1, $0xC  }
0x1dd: {  	[tilespmem:s10], [sflag:$0x3] =	stream.linear.gather [hbm4b:s0+s2], $0x400, $0x38;
	[tilespmem:$0x10A00] =	vst v63  }
0x1de: {  	s0 =	sand.u32 $0x1FFFFF80, s1;
	s1 =	spop (v2sf);
	(v2sf) =	vpush v2, $0xD  }
0x1df: {  	s5 =	simm.s32 $0x3000;
	s0 =	sadd.s32 s3, s0  }
0x1e0: {  	[tilespmem:s5], [sflag:$0x1] =	stream.linear.gather [hbm4b:s0+s2], $0x400, $0x38;
	[tilespmem:$0x10A00] =	vst v63  }
0x1e1: {  	s0 =	sand.u32 $0x1FFFFF80, s6;
	s6 =	spop (v2sf);
	(v2sf) =	vpush v1, $0xD;
	_ =	sdelay $0x1  }
0x1e2: {  	s10 =	simm.s32 $0xB000;
	s0 =	sadd.s32 s4, s0  }
0x1e3: {  	[tilespmem:s10], [sflag:$0x3] =	stream.linear.gather [hbm4b:s0+s2], $0x400, $0x38;
	[tilespmem:$0x10A00] =	vst v63  }
0x1e4: {  	s0 =	sand.u32 $0x1FFFFF80, s1  }
0x1e5: {  	s5 =	simm.s32 $0x3400;
	s0 =	sadd.s32 s3, s0  }
0x1e6: {  	[tilespmem:s5], [sflag:$0x1] =	stream.linear.gather [hbm4b:s0+s2], $0x400, $0x38;
	[tilespmem:$0x10A00] =	vst v63  }
0x1e7: {  	s0 =	sand.u32 $0x1FFFFF80, s6  }
0x1e8: {  	s10 =	simm.s32 $0xB400;
	s0 =	sadd.s32 s4, s0;
	s1 =	spop (v2sf);
	(v2sf) =	vpush v2, $0xE  }
0x1e9: {  	[tilespmem:s10], [sflag:$0x3] =	stream.linear.gather [hbm4b:s0+s2], $0x400, $0x38;
	[tilespmem:$0x10A00] =	vst v63  }
0x1ea: {  	s6 =	spop (v2sf);
	(v2sf) =	vpush v1, $0xE  }
0x1eb: {  	s0 =	sand.u32 $0x1FFFFF80, s1  }
0x1ec: {  	s5 =	simm.s32 $0x3800;
	s0 =	sadd.s32 s3, s0;
	s1 =	spop (v2sf)  }
0x1ed: {  	(v2sf) =	vpush v2, $0xF;
	[tilespmem:s5], [sflag:$0x1] =	stream.linear.gather [hbm4b:s0+s2], $0x400, $0x38;
	[tilespmem:$0x10A00] =	vst v63  }
0x1ee: {  	s0 =	sand.u32 $0x1FFFFF80, s6  }
0x1ef: {  	s10 =	simm.s32 $0xB800;
	s6 =	spop (v2sf);
	s0 =	sadd.s32 s4, s0  }
0x1f0: {  	(v2sf) =	vpush v1, $0xF;
	[tilespmem:s10], [sflag:$0x3] =	stream.linear.gather [hbm4b:s0+s2], $0x400, $0x38;
	[tilespmem:$0x10A00] =	vst v63  }
0x1f1: {  	s0 =	sand.u32 $0x1FFFFF80, s1  }
0x1f2: {  	s5 =	simm.s32 $0x3C00;
	s0 =	sadd.s32 s3, s0  }
0x1f3: {  	[tilespmem:s5], [sflag:$0x1] =	stream.linear.gather [hbm4b:s0+s2], $0x400, $0x38;
	[tilespmem:$0x10A00] =	vst v63  }
0x1f4: {  	s0 =	sand.u32 $0x1FFFFF80, s6  }
0x1f5: {  	s10 =	simm.s32 $0xBC00;
	s0 =	sadd.s32 s4, s0  }
0x1f6: {  	[tilespmem:s10], [sflag:$0x3] =	stream.linear.gather [hbm4b:s0+s2], $0x400, $0x38;
	[tilespmem:$0x10A00] =	vst v63  }
0x1f7: {  	s1 =	spop (v2sf)  }
0x1f8: {  	s0 =	sand.u32 $0x1FFFFF80, s1  }
0x1f9: {  	s5 =	simm.s32 $0x4000;
	s6 =	spop (v2sf);
	s0 =	sadd.s32 s3, s0  }
0x1fa: {  	[tilespmem:s5], [sflag:$0x1] =	stream.linear.gather [hbm4b:s0+s2], $0x400, $0x38;
	[tilespmem:$0x10A00] =	vst v63  }
0x1fb: {  	s0 =	sand.u32 $0x1FFFFF80, s6  }
0x1fc: {  	s10 =	simm.s32 $0xC000;
	s1 =	spop (v2sf);
	s0 =	sadd.s32 s4, s0  }
0x1fd: {  	[tilespmem:s10], [sflag:$0x3] =	stream.linear.gather [hbm4b:s0+s2], $0x400, $0x38;
	[tilespmem:$0x10A00] =	vst v63  }
0x1fe: {  	s0 =	sand.u32 $0x1FFFFF80, s1  }
0x1ff: {  	s5 =	simm.s32 $0x4400;
	s6 =	spop (v2sf);
	s0 =	sadd.s32 s3, s0  }
0x200: {  	[tilespmem:s5], [sflag:$0x1] =	stream.linear.gather [hbm4b:s0+s2], $0x400, $0x38;
	[tilespmem:$0x10A00] =	vst v63  }
0x201: {  	s0 =	sand.u32 $0x1FFFFF80, s6  }
0x202: {  	s10 =	simm.s32 $0xC400;
	s0 =	sadd.s32 s4, s0  }
0x203: {  	[tilespmem:s10], [sflag:$0x3] =	stream.linear.gather [hbm4b:s0+s2], $0x400, $0x38;
	[tilespmem:$0x10A00] =	vst v63  }
.LBB2_6:
0x204: {  	_ =	swait.ge [sflag:s28], $0x4000  }
0x205: {  	[sflag:s28] =	ssyncset.done $0x0  }
0x206: {  	[sflag:s28] =	ssyncadd.s32 $0xFFFFC000  }
0x207: {  	_ =	swait.ge [sflag:s29], $0x4000  }
0x208: {  	[sflag:s29] =	ssyncset.done $0x0  }
0x209: {  	[sflag:s29] =	ssyncadd.s32 $0xFFFFC000  }
0x20a: {  	v1 =	vld [tilespmem:s31+$0x0]  }
0x20b: {  	v2 =	vld [tilespmem:s31+$0x200];
	_ =	sdelay $0x2  }
0x20c: {  	s0 =	simm.s32 $0x0;
	s10 =	simm.s32 $0x1  }
0x20d: {  	v3 =	vmov s0;
	v5 =	vmov s10  }
0x20e: {  	v3 =	vand.u32 $0x78, v3;
	v1 =	vshll.u32 v1, $0x7;
	v2 =	vshll.u32 v2, $0x7  }
0x20f: {  	v3 =	vbroadcast v3, $0x0;
	v1 =	vand.u32 $0x380, v1;
	v4 =	vand.u32 $0x380, v2  }
0x210: {  	s1 =	simm.s32 $0x2;
	v2 =	vor.u32 v0, v1;
	v1 =	vor.u32 v0, v4;
	v4 =	vand.u32 $0x79, v5  }
0x211: {  	v5 =	vmov s1;
	v6 =	vor.u32 v2, v3;
	v4 =	vbroadcast v4, $0x0  }
0x212: {  	s5 =	simm.s32 $0x3;
	v5 =	vand.u32 $0x7A, v5;
	v3 =	vor.u32 v1, v3  }
0x213: {  	v7 =	vmov s5;
	v5 =	vbroadcast v5, $0x0;
	v8 =	vor.u32 v2, v4  }
0x214: {  	s6 =	simm.s32 $0x4;
	v7 =	vand.u32 $0x7B, v7;
	v4 =	vor.u32 v1, v4  }
0x215: {  	v9 =	vmov s6;
	v7 =	vbroadcast v7, $0x0;
	v10 =	vor.u32 v2, v5  }
0x216: {  	s10 =	simm.s32 $0x5;
	v9 =	vand.u32 $0x7C, v9;
	v12 =	vld.idx.msk [tilespmem:v6+s17+$0x0], $0xffff;
	v6 =	vor.u32 v1, v5  }
0x217: {  	v9 =	vbroadcast v9, $0x0;
	v11 =	vor.u32 v2, v7;
	v5 =	vmov s10;
	v3 =	vld.idx.msk [tilespmem:v3+s18+$0x0], $0xffff  }
0x218: {  	s1 =	simm.s32 $0x6;
	v7 =	vor.u32 v1, v7;
	v5 =	vand.u32 $0x7D, v5;
	v13 =	vld.idx.msk [tilespmem:v8+s17+$0x0], $0xffff  }
0x219: {  	v15 =	vor.u32 v2, v9;
	v16 =	vld.idx.msk [tilespmem:v4+s18+$0x0], $0xffff;
	v4 =	vbroadcast v5, $0x0;
	v8 =	vmov s1  }
0x21a: {  	s5 =	simm.s32 $0x7;
	v5 =	vld.idx.msk [tilespmem:v10+s17+$0x0], $0xffff;
	v10 =	vor.u32 v1, v9;
	v9 =	vand.u32 $0x7E, v8  }
0x21b: {  	v17 =	vor.u32 v2, v4;
	v18 =	vbroadcast v9, $0x0;
	v9 =	vmov s5;
	v8 =	vld.idx.msk [tilespmem:v6+s18+$0x0], $0xffff  }
0x21c: {  	v19 =	vimm.f32 $0.0e+00;
	v6 =	vld.idx.msk [tilespmem:v11+s17+$0x0], $0xffff;
	v11 =	vor.u32 v1, v4;
	v4 =	vand.u32 $0x7F, v9  }
0x21d: {  	s10 =	simm.s32 $0x8;
	s1 =	simm.s32 $0xD;
	v12 =	vmul.f32 v3, v12;
	v9 =	vld.idx.msk [tilespmem:v7+s18+$0x0], $0xffff;
	v14 =	vor.u32 v2, v18;
	v21 =	vbroadcast v4, $0x0  }
0x21e: {  	v20 =	vmov s10;
	v3 =	vmov s1;
	v7 =	vld.idx.msk [tilespmem:v15+s17+$0x0], $0xffff;
	v15 =	vor.u32 v1, v18  }
0x21f: {  	s6 =	simm.s32 $0xC;
	s5 =	simm.s32 $0xB;
	v18 =	vadd.f32 v12, v19;
	v19 =	vmul.f32 v16, v13;
	v13 =	vld.idx.msk [tilespmem:v10+s18+$0x0], $0xffff;
	v16 =	vor.u32 v2, v21  }
0x220: {  	s0 =	simm.s32 $0xF;
	s1 =	simm.s32 $0x17;
	v4 =	vmov s6;
	v12 =	vmov s5;
	v10 =	vld.idx.msk [tilespmem:v17+s17+$0x0], $0xffff;
	v17 =	vor.u32 v1, v21  }
.LBB2_7:
0x221: {  	p0 =	sne.s32 s1, $0x3F;
	v20 =	vand.u32 $0x78, v20;
	s5 =	sadd.s32 $0xFFFFFFFA, s0;
	s6 =	sadd.s32 $0xFFFFFFFB, s0;
	v18 =	vadd.f32 v19, v18;
	v5 =	vmul.f32 v8, v5;
	v8 =	vld.idx.msk [tilespmem:v11+s18+$0x0], $0xffff  }
0x222: {  	v11 =	vbroadcast v20, $0x0;
	v19 =	vmov s5;
	v20 =	vmov s6;
	v14 =	vld.idx.msk [tilespmem:v14+s17+$0x0], $0xffff  }
0x223: {  	v6 =	vmul.f32 v9, v6;
	v19 =	vand.u32 $0x79, v19;
	v5 =	vadd.f32 v5, v18;
	v9 =	vld.idx.msk [tilespmem:v15+s18+$0x0], $0xffff  }
0x224: {  	v15 =	vor.u32 v2, v11;
	v18 =	vbroadcast v19, $0x0;
	v19 =	vand.u32 $0x7A, v20;
	v16 =	vld.idx.msk [tilespmem:v16+s17+$0x0], $0xffff  }
0x225: {  	v11 =	vor.u32 v1, v11;
	v5 =	vadd.f32 v6, v5;
	v6 =	vmul.f32 v13, v7;
	v7 =	vld.idx.msk [tilespmem:v17+s18+$0x0], $0xffff  }
0x226: {  	v12 =	vand.u32 $0x7B, v12;
	v17 =	vbroadcast v19, $0x0;
	v13 =	vor.u32 v2, v18  }
0x227: {  	v18 =	vor.u32 v1, v18;
	v5 =	vadd.f32 v6, v5;
	v6 =	vmul.f32 v8, v10  }
0x228: {  	v4 =	vand.u32 $0x7C, v4;
	v8 =	vor.u32 v2, v17;
	v10 =	vbroadcast v12, $0x0  }
0x229: {  	v12 =	vld.idx.msk [tilespmem:v15+s17+$0x0], $0xffff;
	v15 =	vor.u32 v1, v17;
	v5 =	vadd.f32 v6, v5;
	v6 =	vmul.f32 v9, v14  }
0x22a: {  	v3 =	vand.u32 $0x7D, v3;
	v4 =	vbroadcast v4, $0x0;
	v9 =	vld.idx.msk [tilespmem:v11+s18+$0x0], $0xffff;
	v11 =	vor.u32 v2, v10  }
0x22b: {  	s5 =	sadd.s32 $0xFFFFFFFF, s0;
	v10 =	vor.u32 v1, v10;
	v7 =	vmul.f32 v7, v16;
	v13 =	vld.idx.msk [tilespmem:v13+s17+$0x0], $0xffff;
	v6 =	vadd.f32 v6, v5  }
0x22c: {  	v3 =	vbroadcast v3, $0x0;
	v17 =	vor.u32 v2, v4;
	v14 =	vmov s5;
	v16 =	vld.idx.msk [tilespmem:v18+s18+$0x0], $0xffff  }
0x22d: {  	v20 =	vor.u32 v1, v4;
	v4 =	vand.u32 $0x7E, v14;
	v5 =	vld.idx.msk [tilespmem:v8+s17+$0x0], $0xffff;
	v18 =	vadd.f32 v7, v6  }
0x22e: {  	v21 =	vor.u32 v2, v3;
	v8 =	vld.idx.msk [tilespmem:v15+s18+$0x0], $0xffff;
	v15 =	vbroadcast v4, $0x0;
	v4 =	vmov s0;
	s0 =	smov.u32 s1  }
.Ltmp2:
0x22f: {  	v6 =	vld.idx.msk [tilespmem:v11+s17+$0x0], $0xffff;
	v11 =	vor.u32 v1, v3;
	v3 =	vand.u32 $0x7F, v4;
	(pc) =	sbr.rel @p0 .LBB2_7-.Ltmp2, $4  }
0x230: {  	s6 =	sadd.s32 $0xFFFFFFFE, s1;
	s5 =	sadd.s32 $0xFFFFFFFD, s1;
	v12 =	vmul.f32 v9, v12;
	v9 =	vld.idx.msk [tilespmem:v10+s18+$0x0], $0xffff;
	v14 =	vor.u32 v2, v15;
	v22 =	vbroadcast v3, $0x0  }
0x231: {  	v4 =	vmov s5;
	v3 =	vmov s6;
	v15 =	vor.u32 v1, v15;
	v7 =	vld.idx.msk [tilespmem:v17+s17+$0x0], $0xffff  }
0x232: {  	s5 =	sadd.s32 $0xFFFFFFF9, s1;
	s6 =	sadd.s32 $0xFFFFFFFC, s1;
	v18 =	vadd.f32 v12, v18;
	v19 =	vmul.f32 v16, v13;
	v13 =	vld.idx.msk [tilespmem:v20+s18+$0x0], $0xffff;
	v16 =	vor.u32 v2, v22  }
0x233: {  	s1 =	sadd.s32 $0x8, s1;
	v12 =	vmov s6;
	v20 =	vmov s5;
	v17 =	vor.u32 v1, v22;
	v10 =	vld.idx.msk [tilespmem:v21+s17+$0x0], $0xffff  }
0x234: {  	_ = 	snop  }
0x235: {  	v20 =	vand.u32 $0x78, v20;
	s1 =	sadd.s32 $0xFFFFFFFA, s0;
	v18 =	vadd.f32 v19, v18;
	v5 =	vmul.f32 v8, v5  }
0x236: {  	s5 =	sadd.s32 $0xFFFFFFFB, s0;
	v12 =	vand.u32 $0x7B, v12;
	v32 =	vbroadcast v20, $0x0;
	v33 =	vmov s1  }
0x237: {  	v4 =	vand.u32 $0x7C, v4;
	v34 =	vmov s5;
	v19 =	vand.u32 $0x79, v33  }
0x238: {  	v31 =	vld.idx.msk [tilespmem:v11+s18+$0x0], $0xffff;
	v6 =	vmul.f32 v9, v6;
	v36 =	vor.u32 v2, v32;
	v37 =	vbroadcast v19, $0x0  }
0x239: {  	v14 =	vld.idx.msk [tilespmem:v14+s17+$0x0], $0xffff;
	v5 =	vadd.f32 v5, v18;
	v38 =	vand.u32 $0x7A, v34;
	v11 =	vor.u32 v1, v32  }
0x23a: {  	v35 =	vld.idx.msk [tilespmem:v15+s18+$0x0], $0xffff;
	v3 =	vand.u32 $0x7D, v3;
	v42 =	vbroadcast v38, $0x0;
	v41 =	vor.u32 v2, v37  }
0x23b: {  	v16 =	vld.idx.msk [tilespmem:v16+s17+$0x0], $0xffff;
	v39 =	vmul.f32 v13, v7;
	v5 =	vadd.f32 v6, v5;
	v18 =	vor.u32 v1, v37  }
0x23c: {  	v40 =	vld.idx.msk [tilespmem:v17+s18+$0x0], $0xffff;
	v57 =	vmov s0;
	v45 =	vbroadcast v12, $0x0;
	v44 =	vor.u32 v2, v42  }
0x23d: {  	v43 =	vmul.f32 v31, v10;
	v47 =	vor.u32 v1, v42;
	v5 =	vadd.f32 v39, v5;
	v46 =	vld.idx.msk [tilespmem:v36+s17+$0x0], $0xffff  }
0x23e: {  	v4 =	vbroadcast v4, $0x0;
	v3 =	vbroadcast v3, $0x0;
	v50 =	vor.u32 v2, v45;
	v49 =	vld.idx.msk [tilespmem:v11+s18+$0x0], $0xffff  }
0x23f: {  	s10 =	sadd.s32 $0xFFFFFFFF, s0;
	v48 =	vmul.f32 v35, v14;
	v10 =	vor.u32 v1, v45;
	v5 =	vadd.f32 v43, v5;
	v13 =	vld.idx.msk [tilespmem:v41+s17+$0x0], $0xffff  }
0x240: {  	v54 =	vmov s10;
	v53 =	vor.u32 v2, v4;
	v4 =	vor.u32 v1, v4;
	v52 =	vld.idx.msk [tilespmem:v18+s18+$0x0], $0xffff  }
0x241: {  	v51 =	vmul.f32 v40, v16;
	v16 =	vand.u32 $0x7E, v54;
	v5 =	vadd.f32 v48, v5;
	v8 =	vld.idx.msk [tilespmem:v44+s17+$0x0], $0xffff  }
0x242: {  	v17 =	vand.u32 $0x7F, v57;
	v56 =	vor.u32 v2, v3;
	v16 =	vbroadcast v16, $0x0;
	v55 =	vld.idx.msk [tilespmem:v47+s18+$0x0], $0xffff  }
0x243: {  	v3 =	vor.u32 v1, v3;
	v11 =	vld.idx.msk [tilespmem:v50+s17+$0x0], $0xffff;
	v5 =	vadd.f32 v51, v5;
	v9 =	vmul.f32 v49, v46  }
0x244: {  	v17 =	vbroadcast v17, $0x0;
	v58 =	vor.u32 v2, v16;
	v10 =	vld.idx.msk [tilespmem:v10+s18+$0x0], $0xffff  }
0x245: {  	v14 =	vld.idx.msk [tilespmem:v53+s17+$0x0], $0xffff;
	v16 =	vor.u32 v1, v16;
	v5 =	vadd.f32 v9, v5;
	v7 =	vmul.f32 v52, v13  }
0x246: {  	v4 =	vld.idx.msk [tilespmem:v4+s18+$0x0], $0xffff;
	v2 =	vor.u32 v2, v17  }
0x247: {  	v59 =	vld.idx.msk [tilespmem:v56+s17+$0x0], $0xffff;
	v1 =	vor.u32 v1, v17;
	v6 =	vmul.f32 v55, v8;
	v5 =	vadd.f32 v7, v5  }
0x248: {  	v3 =	vld.idx.msk [tilespmem:v3+s18+$0x0], $0xffff  }
0x249: {  	v60 =	vld.idx.msk [tilespmem:v58+s17+$0x0], $0xffff;
	v61 =	vmul.f32 v10, v11;
	v5 =	vadd.f32 v6, v5  }
0x24a: {  	v62 =	vld.idx.msk [tilespmem:v16+s18+$0x0], $0xffff  }
0x24b: {  	v2 =	vld.idx.msk [tilespmem:v2+s17+$0x0], $0xffff;
	v4 =	vmul.f32 v4, v14;
	v5 =	vadd.f32 v61, v5  }
0x24c: {  	v1 =	vld.idx.msk [tilespmem:v1+s18+$0x0], $0xffff  }
0x24d: {  	v3 =	vmul.f32 v3, v59;
	v4 =	vadd.f32 v4, v5;
	_ =	sdelay $0x1  }
0x24e: {  	v63 =	vmul.f32 v62, v60;
	v3 =	vadd.f32 v3, v4;
	_ =	sdelay $0x1  }
0x24f: {  	v1 =	vmul.f32 v1, v2;
	v3 =	vadd.f32 v63, v3;
	_ =	sdelay $0x1  }
0x250: {  	v1 =	vadd.f32 v1, v3;
	_ =	sdelay $0x1  }
0x251: {  	v1 =	vsub.f32 $0.0e+00, v1;
	_ =	sdelay $0x1  }
0x252: {  	v1 =	vmul.f32 $1.442695020e+00, v1;
	_ =	sdelay $0x1  }
0x253: {  	(erf) = vpow2.f32 v1;
	_ =	sdelay $0x8  }
0x254: {  	v1 =	vpop (erf)  }
0x255: {  	v1 =	vadd.f32 $1.000000000e+00, v1;
	_ =	sdelay $0x1  }
0x256: {  	(erf) = vrcp.f32 v1;
	_ =	sdelay $0x3  }
0x257: {  	s30 =	sadd.s32 $0x1, s30  }
0x258: {  	p0 =	sne.s32 s30, $0x10  }
.Ltmp3:
0x259: {  	_ = 	snop;
	(pc) =	sbr.rel @p0 .LBB2_2-.Ltmp3, $3  }
0x25a: {  	_ =	sdelay $0x1  }
0x25b: {  	v1 =	vpop (erf)  }
0x25c: {  	[tilespmem:s31+$0x10800] =	vst v1  }
0x25d: {  	s0 =	rddreg [dreg:$0x7];
	s1 =	simm.s32 $0x10800  }
0x25e: {  	[hbm4b:s0+s2] =	stream.linear.scatter [tilespmem:s1], [sflag:$0x5], $0x200, $0x38;
	[tilespmem:$0x10A00] =	vst v63  }
0x25f: {  	s1 =	simm.s32 $0x5  }
0x260: {  	_ =	swait.ge [sflag:s1], $0x200  }
0x261: {  	s5 =	rddreg [dreg:$0x9]  }
0x262: {  	s31 =	rddreg [dreg:$0x8];
	s5 =	sadd.s32 $0x1, s5  }
0x263: {  	p0 =	sne.s32 s5, s31  }
.Ltmp4:
0x264: {  	_ = 	snop;
	(pc) =	sbr.rel @p0 .LBB2_1-.Ltmp4, $3  }
0x265: {  	_ =	sdelay $0x1  }
0x266: {  	[sflag:s1] =	ssyncset.done $0x0  }
0x267: {  	[sflag:s1] =	ssyncadd.s32 $0xFFFFFE00  }
0x268: {  	_ =	sfence.sel $0x180000  }
0x269: {  	[bflag:$0x0] =	sbarrier.arrive $0xFFFF  }
0x26a: {  	_ =	strace $0x90000047  }
0x26b: {  	s0 =	stileid.u32;
	[bflag:$0x2] =	sbarrier.arrive $0xFFFF  }
0x26c: {  	p0 =	sne.s32 s0, $0x0;
	s0 =	rddreg [dreg:$0x4]  }
0x26d: {  	s0 =	sadd.s32 @!p0 $0x100000, s0  }
0x26e: {  	[sflag:s0] =	ssyncadd.tile.s32 @!p0 $0x1;
	_ =	shalt  }
.Lfunc_end2:
_tile_overlayer_lowered:
.L_overlay_start_2:
0x26f: {  	(tag) =	ssettag $0x2  }
0x270: {  	s0 =	rddreg [dreg:$0x0];
	s2 =	stileid.u32  }
0x271: {  	s1 =	rddreg [dreg:$0x1];
	p0 =	sne.s32 s2, $0x0  }
0x272: {  	s3 =	rddreg [dreg:$0x2];
	[bflag:$0x3] =	sbarrier.arrive $0xFFFF;
	s2 =	simm.s32 @!p0 $0x1C05  }
0x273: {  	[timem:s3], [sflag:s2] =	dma.local @!p0 [hbm:s0], s1  }
0x274: {  	s0 =	simm.s32 @!p0 $0x5  }
0x275: {  	_ =	swait.ge @!p0 [sflag:s0], s1  }
0x276: {  	s1 =	ssub.s32 @!p0 $0x0, s1;
	[sflag:s0] =	ssyncset.done @!p0 $0x0  }
0x277: {  	[sflag:s0] =	ssyncadd.s32 @!p0 s1  }
0x278: {  	[bflag:$0x3] =	sbarrier.arrive $0xFFFF  }
0x279: {  	_ =	shalt  }

</sc_bundles>
